<compile_context>
chip_gen: v7x
topology: tpu7x:2x2x1
jax: 0.10.2.dev20260603
libtpu: 0.0.44.dev20260713+nightly
codegen_flags: <defaults>
</compile_context>

<pallas_src>
import functools

import jax
import jax.numpy as jnp
from jax import lax
from jax.experimental import pallas as pl
from jax.experimental.pallas import tpu as pltpu
from jax.experimental.pallas import tpu_sc as plsc

N = 10000
ROWS = 640
N_UP = 16 * ROWS
LANE = 125
NB = 80
WIN = 40
NCHUNK = 32
DH = 128

_mesh = plsc.VectorSubcoreMesh(core_axis_name="c", subcore_axis_name="s")


def _fill(ref, n16, val):
    for i in range(n16):
        ref[pl.ds(16 * i, 16)] = jnp.zeros((16,), jnp.float32) + val


@functools.partial(
    pl.kernel,
    mesh=_mesh,
    out_type=[jax.ShapeDtypeStruct((N_UP,), jnp.float32),
              jax.ShapeDtypeStruct((N_UP,), jnp.float32)],
    scratch_types=[
        pltpu.VMEM((NB, LANE), jnp.int32),
        pltpu.VMEM((ROWS,), jnp.float32),
        pltpu.VMEM((ROWS,), jnp.float32),
        pltpu.VMEM_SHARED((N_UP,), jnp.float32),
    ],
)
def _deg(dst_hbm, deg0_out, deg1_out, idx_d, ones_v, init_v, deg_sh):
    cid = lax.axis_index("c")
    tid = lax.axis_index("s")
    _fill(ones_v, ROWS // 16, 1.0)
    _fill(init_v, ROWS // 16, jnp.where(cid == 0, 1.0, 0.0).astype(jnp.float32))
    pltpu.sync_copy(dst_hbm.at[cid * 16 + tid], idx_d)
    pltpu.sync_copy(init_v, deg_sh.at[pl.ds(tid * ROWS, ROWS)])
    plsc.subcore_barrier()

    def body(b, carry):
        pltpu.sync_copy(ones_v.at[pl.ds(0, LANE)],
                        deg_sh.at[idx_d.at[b]], add=True)
        return carry

    lax.fori_loop(0, NB, body, 0)
    plsc.subcore_barrier()

    @pl.when(cid == 0)
    def _():
        pltpu.sync_copy(deg_sh.at[pl.ds(tid * ROWS, ROWS)],
                        deg0_out.at[pl.ds(tid * ROWS, ROWS)])

    @pl.when(cid == 1)
    def _():
        pltpu.sync_copy(deg_sh.at[pl.ds(tid * ROWS, ROWS)],
                        deg1_out.at[pl.ds(tid * ROWS, ROWS)])


@functools.partial(
    pl.kernel,
    mesh=_mesh,
    out_type=[jax.ShapeDtypeStruct((N_UP, DH), jnp.float32),
              jax.ShapeDtypeStruct((N_UP, DH), jnp.float32)],
    scratch_types=[
        pltpu.VMEM((NB, LANE), jnp.int32),
        pltpu.VMEM((WIN, LANE), jnp.int32),
        pltpu.VMEM((2, LANE, DH), jnp.float32),
        pltpu.VMEM_SHARED((N_UP, DH), jnp.float32),
        pltpu.SemaphoreType.DMA((2,)),
    ],
)
def _prop_esplit(tbl, src_hbm, dst_hbm, out0, out1, idx_s, idx_d, rowbuf,
                 acc, gsem):
    cid = lax.axis_index("c")
    tid = lax.axis_index("s")
    w = cid * 16 + tid
    pltpu.sync_copy(src_hbm.at[w], idx_s)
    pltpu.sync_copy(dst_hbm.at[w, pl.ds(0, WIN)], idx_d)
    pltpu.sync_copy(tbl.at[pl.ds(tid * ROWS, ROWS)],
                    acc.at[pl.ds(tid * ROWS, ROWS)])
    plsc.subcore_barrier()

    def gather(t, slot):
        return pltpu.async_copy(tbl.at[idx_s.at[t]],
                                rowbuf.at[slot], gsem.at[slot])

    def wait_scatter(t, slot):
        pltpu.make_async_copy(tbl.at[idx_s.at[t]],
                              rowbuf.at[slot], gsem.at[slot]).wait()
        pltpu.sync_copy(rowbuf.at[slot], acc.at[idx_d.at[lax.rem(t, WIN)]],
                        add=True)

    gather(0, 0)

    def body(t, carry):
        slot = lax.rem(t, 2)
        gather(t + 1, 1 - slot)

        @pl.when(jnp.logical_and(lax.rem(t, WIN) == 0, t > 0))
        def _():
            pltpu.sync_copy(dst_hbm.at[w, pl.ds(pl.multiple_of(t, WIN), WIN)],
                            idx_d)

        wait_scatter(t, slot)
        return carry

    lax.fori_loop(0, NB - 1, body, 0)
    wait_scatter(NB - 1, lax.rem(NB - 1, 2))
    plsc.subcore_barrier()

    @pl.when(cid == 0)
    def _():
        pltpu.sync_copy(acc.at[pl.ds(tid * ROWS, ROWS)],
                        out0.at[pl.ds(tid * ROWS, ROWS), :])

    @pl.when(cid == 1)
    def _():
        pltpu.sync_copy(acc.at[pl.ds(tid * ROWS, ROWS)],
                        out1.at[pl.ds(tid * ROWS, ROWS), :])




@functools.partial(
    pl.kernel,
    mesh=_mesh,
    out_type=[jax.ShapeDtypeStruct((N_UP, DH), jnp.float32),
              jax.ShapeDtypeStruct((N_UP, DH), jnp.float32)],
    scratch_types=[
        pltpu.VMEM((NB, LANE), jnp.int32),
        pltpu.VMEM((WIN, LANE), jnp.int32),
        pltpu.VMEM((2, LANE, DH), jnp.float32),
        pltpu.VMEM_SHARED((N_UP, DH), jnp.float32),
        pltpu.SemaphoreType.DMA((2,)),
    ],
)
def _prop_fsplit(tbl0, tbl1, src_hbm, dst_hbm, out0, out1, idx_s, idx_d,
                 rowbuf, acc, gsem):
    cid = lax.axis_index("c")
    tid = lax.axis_index("s")

    def run(tbl, out):
        pltpu.sync_copy(tbl.at[pl.ds(tid * ROWS, ROWS)],
                        acc.at[pl.ds(tid * ROWS, ROWS)])
        plsc.subcore_barrier()

        def gather(t, slot):
            return pltpu.async_copy(tbl.at[idx_s.at[t]],
                                    rowbuf.at[slot], gsem.at[slot])

        def wait_scatter(t, slot):
            pltpu.make_async_copy(tbl.at[idx_s.at[t]],
                                  rowbuf.at[slot], gsem.at[slot]).wait()
            pltpu.sync_copy(rowbuf.at[slot],
                            acc.at[idx_d.at[lax.rem(t, WIN)]], add=True)

        for j in range(2):
            c = j * 16 + tid
            pltpu.sync_copy(src_hbm.at[c], idx_s)
            pltpu.sync_copy(dst_hbm.at[c, pl.ds(0, WIN)], idx_d)
            gather(0, 0)

            def body(t, carry):
                slot = lax.rem(t, 2)
                gather(t + 1, 1 - slot)

                @pl.when(jnp.logical_and(lax.rem(t, WIN) == 0, t > 0))
                def _():
                    pltpu.sync_copy(
                        dst_hbm.at[c, pl.ds(pl.multiple_of(t, WIN), WIN)],
                        idx_d)

                wait_scatter(t, slot)
                return carry

            lax.fori_loop(0, NB - 1, body, 0)
            wait_scatter(NB - 1, lax.rem(NB - 1, 2))

        plsc.subcore_barrier()
        pltpu.sync_copy(acc.at[pl.ds(tid * ROWS, ROWS)],
                        out.at[pl.ds(tid * ROWS, ROWS), :])

    @pl.when(cid == 0)
    def _():
        run(tbl0, out0)

    @pl.when(cid == 1)
    def _():
        run(tbl1, out1)


DH3 = 16

@functools.partial(
    pl.kernel,
    mesh=_mesh,
    out_type=[jax.ShapeDtypeStruct((N_UP, DH3), jnp.float32),
              jax.ShapeDtypeStruct((N_UP, DH3), jnp.float32)],
    scratch_types=[
        pltpu.VMEM((NB, LANE), jnp.int32),
        pltpu.VMEM((NB, LANE), jnp.int32),
        pltpu.VMEM((3, LANE, DH3), jnp.float32),
        pltpu.VMEM_SHARED((N_UP, DH3), jnp.float32),
        pltpu.SemaphoreType.DMA((3,)),
        pltpu.SemaphoreType.DMA((3,)),
    ],
    compiler_params=pltpu.CompilerParams(use_tc_tiling_on_sc=False),
)
def _prop16(tbl, src_hbm, dst_hbm, out0, out1, idx_s, idx_d, rowbuf,
            acc, gsem, ssem):
    cid = lax.axis_index("c")
    tid = lax.axis_index("s")
    w = cid * 16 + tid
    pltpu.sync_copy(src_hbm.at[w], idx_s)
    pltpu.sync_copy(dst_hbm.at[w], idx_d)
    pltpu.sync_copy(tbl.at[pl.ds(tid * ROWS, ROWS)],
                    acc.at[pl.ds(tid * ROWS, ROWS)])
    plsc.subcore_barrier()

    def gather(t, slot):
        return pltpu.async_copy(tbl.at[idx_s.at[t]],
                                rowbuf.at[slot], gsem.at[slot])

    def scat_wait(t, slot):
        pltpu.make_async_copy(rowbuf.at[slot], acc.at[idx_d.at[t]],
                              ssem.at[slot]).wait()

    def step(t, slot):
        pltpu.make_async_copy(tbl.at[idx_s.at[t]], rowbuf.at[slot],
                              gsem.at[slot]).wait()
        pltpu.async_copy(rowbuf.at[slot], acc.at[idx_d.at[t]],
                         ssem.at[slot], add=True)

    gather(0, 0)
    gather(1, 1)
    step(0, 0)

    def body(t, carry):
        slot = lax.rem(t, 3)
        nxt = lax.rem(t + 1, 3)

        @pl.when(t >= 2)
        def _():
            scat_wait(t - 2, nxt)

        gather(t + 1, nxt)
        step(t, slot)
        return carry

    lax.fori_loop(1, NB - 1, body, 0)
    step(NB - 1, lax.rem(NB - 1, 3))
    scat_wait(NB - 3, lax.rem(NB - 3, 3))
    scat_wait(NB - 2, lax.rem(NB - 2, 3))
    scat_wait(NB - 1, lax.rem(NB - 1, 3))
    plsc.subcore_barrier()

    @pl.when(cid == 0)
    def _():
        pltpu.sync_copy(acc.at[pl.ds(tid * ROWS, ROWS)],
                        out0.at[pl.ds(tid * ROWS, ROWS), :])

    @pl.when(cid == 1)
    def _():
        pltpu.sync_copy(acc.at[pl.ds(tid * ROWS, ROWS)],
                        out1.at[pl.ds(tid * ROWS, ROWS), :])


R = 2048
GRID = N_UP // R


def _row_spec(w):
    return pl.BlockSpec((R, w), lambda i: (i, 0))


def _full_spec(shape):
    nd = len(shape)
    return pl.BlockSpec(shape, lambda i: (0,) * nd)


def _s1_body(deg0_ref, deg1_ref, x_ref, dinv_ref, xs_ref):
    d = deg0_ref[...] + deg1_ref[...]
    dinv = lax.rsqrt(d)
    dinv_ref[...] = dinv
    xs_ref[...] = x_ref[...] * dinv


def _s1(deg0, deg1, x):
    return pl.pallas_call(
        _s1_body,
        grid=(GRID,),
        in_specs=[_row_spec(1), _row_spec(1), _row_spec(128)],
        out_specs=[_row_spec(1), _row_spec(128)],
        out_shape=[
            jax.ShapeDtypeStruct((N_UP, 1), jnp.float32),
            jax.ShapeDtypeStruct((N_UP, 128), jnp.float32),
        ],
    )(deg0, deg1, x)


def _stats_update(zb, st_ref):
    row = pl.program_id(0) * R + lax.broadcasted_iota(jnp.int32, zb.shape, 0)
    zm = jnp.where(row < N, zb, 0.0)
    st = jnp.concatenate(
        [jnp.sum(zm, 0, keepdims=True), jnp.sum(zm * zm, 0, keepdims=True)], 0)

    @pl.when(pl.program_id(0) == 0)
    def _():
        st_ref[...] = st

    @pl.when(pl.program_id(0) > 0)
    def _():
        st_ref[...] += st


def _t1a_body(a0_ref, a1_ref, xs_ref, dinv_ref, w_ref, b_ref, z_ref, st_ref):
    a = a0_ref[...] + a1_ref[...] - xs_ref[...]
    zb = jnp.dot(a * dinv_ref[...], w_ref[...],
                 preferred_element_type=jnp.float32) + b_ref[...]
    z_ref[...] = zb
    _stats_update(zb, st_ref)


def _t1a(a0, a1, xs, dinv, w, b):
    din, dout = w.shape
    return pl.pallas_call(
        _t1a_body,
        grid=(GRID,),
        in_specs=[_row_spec(din), _row_spec(din), _row_spec(din),
                  _row_spec(1), _full_spec((din, dout)), _full_spec((1, dout))],
        out_specs=[_row_spec(dout), _full_spec((2, dout))],
        out_shape=[
            jax.ShapeDtypeStruct((N_UP, dout), jnp.float32),
            jax.ShapeDtypeStruct((2, dout), jnp.float32),
        ],
    )(a0, a1, xs, dinv, w, b)


def _t1b_body(a0_ref, a1_ref, dinv_ref, w_ref, b_ref, z_ref, st_ref):
    a = jnp.concatenate([a0_ref[...], a1_ref[...]], axis=1)
    zb = jnp.dot(a * dinv_ref[...], w_ref[...],
                 preferred_element_type=jnp.float32) + b_ref[...]
    z_ref[...] = zb
    _stats_update(zb, st_ref)


def _t1b(parts, dinv, w, b):
    din, dout = w.shape
    return pl.pallas_call(
        _t1b_body,
        grid=(GRID,),
        in_specs=[_row_spec(din // 2)] * 2 + [_row_spec(1),
                  _full_spec((din, dout)), _full_spec((1, dout))],
        out_specs=[_row_spec(dout), _full_spec((2, dout))],
        out_shape=[
            jax.ShapeDtypeStruct((N_UP, dout), jnp.float32),
            jax.ShapeDtypeStruct((2, dout), jnp.float32),
        ],
    )(*parts, dinv, w, b)


def _bn_relu(z, st_ref, g_ref, be_ref):
    mu = st_ref[0:1, :] * (1.0 / N)
    var = st_ref[1:2, :] * (1.0 / N) - mu * mu
    inv = lax.rsqrt(var + 1e-5)
    return jnp.maximum((z - mu) * (inv * g_ref[...]) + be_ref[...], 0.0)


def _t2a_body(z_ref, st_ref, g_ref, be_ref, dinv_ref, h_ref, hs0_ref, hs1_ref):
    hb = _bn_relu(z_ref[...], st_ref, g_ref, be_ref)
    h_ref[...] = hb
    hs = hb * dinv_ref[...]
    hs0_ref[...] = hs[:, :128]
    hs1_ref[...] = hs[:, 128:]


def _t2a(z, st, g, be, dinv):
    return pl.pallas_call(
        _t2a_body,
        grid=(GRID,),
        in_specs=[_row_spec(256), _full_spec((2, 256)),
                  _full_spec((1, 256)), _full_spec((1, 256)), _row_spec(1)],
        out_specs=[_row_spec(256), _row_spec(128), _row_spec(128)],
        out_shape=[
            jax.ShapeDtypeStruct((N_UP, 256), jnp.float32),
            jax.ShapeDtypeStruct((N_UP, 128), jnp.float32),
            jax.ShapeDtypeStruct((N_UP, 128), jnp.float32),
        ],
    )(z, st, g, be, dinv)


def _t2b_body(z_ref, st_ref, g_ref, be_ref, dinv_ref, h1_ref, w3_ref, y3_ref):
    h2 = _bn_relu(z_ref[...], st_ref, g_ref, be_ref) + h1_ref[...]
    y3_ref[...] = jnp.dot(h2 * dinv_ref[...], w3_ref[...],
                          preferred_element_type=jnp.float32)


def _t2b(z, st, g, be, dinv, h1, w3p):
    return pl.pallas_call(
        _t2b_body,
        grid=(GRID,),
        in_specs=[_row_spec(256), _full_spec((2, 256)),
                  _full_spec((1, 256)), _full_spec((1, 256)), _row_spec(1),
                  _row_spec(256), _full_spec((256, DH3))],
        out_specs=_row_spec(DH3),
        out_shape=jax.ShapeDtypeStruct((N_UP, DH3), jnp.float32),
    )(z, st, g, be, dinv, h1, w3p)


def _s7_body(p0_ref, p1_ref, y3_ref, dinv_ref, b3_ref, o_ref):
    o_ref[...] = ((p0_ref[...] + p1_ref[...] - y3_ref[...]) * dinv_ref[...]
                  + b3_ref[...])


def _s7(p0, p1, y3, dinv, b3p):
    return pl.pallas_call(
        _s7_body,
        grid=(GRID,),
        in_specs=[_row_spec(DH3), _row_spec(DH3),
                  _row_spec(DH3), _row_spec(1), _full_spec((1, DH3))],
        out_specs=_row_spec(DH3),
        out_shape=jax.ShapeDtypeStruct((N_UP, DH3), jnp.float32),
    )(p0, p1, y3, dinv, b3p)


def kernel(x, edge_index, W1, b1, g1, be1, W2, b2, g2, be2, W3, b3):
    src_r = edge_index[0].astype(jnp.int32).reshape(NCHUNK, NB, LANE)
    dst_r = edge_index[1].astype(jnp.int32).reshape(NCHUNK, NB, LANE)
    xp = jnp.pad(x, ((0, N_UP - N), (0, 0)))

    deg0, deg1 = _deg(dst_r)
    dinv, xs = _s1(deg0.reshape(N_UP, 1), deg1.reshape(N_UP, 1), xp)
    a10, a11 = _prop_esplit(xs, src_r, dst_r)
    z1, st1 = _t1a(a10, a11, xs, dinv, W1, b1.reshape(1, -1))
    h, hs0, hs1 = _t2a(z1, st1, g1.reshape(1, -1), be1.reshape(1, -1), dinv)
    a20, a21 = _prop_fsplit(hs0, hs1, src_r, dst_r)
    z2, st2 = _t1b((a20, a21), dinv, W2, b2.reshape(1, -1))
    w3p = jnp.pad(W3, ((0, 0), (0, DH3 - W3.shape[1])))
    y3 = _t2b(z2, st2, g2.reshape(1, -1), be2.reshape(1, -1), dinv, h, w3p)
    p0, p1 = _prop16(y3, src_r, dst_r)
    b3p = jnp.pad(b3, (0, DH3 - b3.shape[0])).reshape(1, DH3)
    o16 = _s7(p0, p1, y3, dinv, b3p)
    return o16[:N, :2]

# --- scband reference (transcript-rebuilt; emitter-appended) ---
"""Pipeline reference for scband-gcnmodel-46342697123986 (READ-ONLY COPY).

The authoritative reference and input builder live on the scoring server;
editing this copy changes nothing except your own understanding.
"""

import jax, jax.numpy as jnp
import numpy as np

N = 10000
E = 320000
IN_DIM = 128
HID = 256
OUT = 2


def _glorot(key, shape):
    limit = float(np.sqrt(6.0 / (shape[0] + shape[1])))
    return jax.random.uniform(key, shape, jnp.float32, -limit, limit)


def setup_inputs(seed: int = 0) -> dict:
    key = jax.random.key(seed)
    ks = jax.random.split(key, 8)
    x = jax.random.normal(ks[0], (N, IN_DIM), dtype=jnp.float32)
    edge_index = jax.random.randint(ks[1], (2, E), 0, N)
    W1 = _glorot(ks[2], (IN_DIM, HID))
    b1 = jnp.zeros((HID,), jnp.float32)
    g1 = jnp.ones((HID,), jnp.float32)
    be1 = jnp.zeros((HID,), jnp.float32)
    W2 = _glorot(ks[3], (HID, HID))
    b2 = jnp.zeros((HID,), jnp.float32)
    g2 = jnp.ones((HID,), jnp.float32)
    be2 = jnp.zeros((HID,), jnp.float32)
    W3 = _glorot(ks[4], (HID, OUT))
    b3 = jnp.zeros((OUT,), jnp.float32)
    return {"x": x, "edge_index": edge_index, "W1": W1, "b1": b1, "g1": g1, "be1": be1, "W2": W2, "b2": b2, "g2": g2, "be2": be2, "W3": W3, "b3": b3}


def reference(x, edge_index, W1, b1, g1, be1, W2, b2, g2, be2, W3, b3):
    n = x.shape[0]
    loop = jnp.arange(n)
    src = jnp.concatenate([edge_index[0], loop])
    dst = jnp.concatenate([edge_index[1], loop])
    # GCN symmetric normalization with self-loops (edge_weight=None -> all ones)
    deg = jnp.zeros((n,), x.dtype).at[dst].add(1.0)
    dinv = jnp.where(deg > 0, deg ** -0.5, 0.0)
    norm = dinv[src] * dinv[dst]

    def conv(h, W, b):
        h = h @ W
        msg = h[src] * norm[:, None]
        out = jnp.zeros((n, W.shape[1]), h.dtype).at[dst].add(msg)
        return out + b

    def bn(h, g, be, eps=1e-5):
        mu = h.mean(axis=0)
        var = h.var(axis=0)
        return (h - mu) / jnp.sqrt(var + eps) * g + be

    # layer 1: 128 -> 256 (no residual: shape mismatch); dropout is identity in eval
    h = jax.nn.relu(bn(conv(x, W1, b1), g1, be1))
    # layer 2: 256 -> 256 with residual skip
    h2 = jax.nn.relu(bn(conv(h, W2, b2), g2, be2))
    h2 = h2 + h
    # output layer: 256 -> 2
    return conv(h2, W3, b3)

if __name__ == "__main__":
    import jax
    _d = setup_inputs()
    print(jax.jit(kernel)(*tuple(_d.values())))

</pallas_src>

<mosaic_0001>
#map = affine_map<(d0, d1) -> (0, 0)>
#map1 = affine_map<(d0, d1) -> (0, 0, 0)>
module attributes {stable_mosaic.version = 14 : i64} {
  func.func @_prop16(%arg0: i32, %arg1: i32, %arg2: memref<10240x16xf32, #tpu.memory_space<hbm>>, %arg3: memref<32x80x125xi32, #tpu.memory_space<hbm>>, %arg4: memref<32x80x125xi32, #tpu.memory_space<hbm>>, %arg5: memref<10240x16xf32, #tpu.memory_space<hbm>>, %arg6: memref<10240x16xf32, #tpu.memory_space<hbm>>, %arg7: memref<80x125xi32, #tpu.memory_space<vmem>>, %arg8: memref<80x125xi32, #tpu.memory_space<vmem>>, %arg9: memref<3x125x16xf32, #tpu.memory_space<vmem>>, %arg10: memref<10240x16xf32, #tpu.memory_space<vmem_shared>>, %arg11: memref<3x!tpu.dma_semaphore, #tpu.memory_space<semaphore_mem>>, %arg12: memref<3x!tpu.dma_semaphore, #tpu.memory_space<semaphore_mem>>) attributes {dimension_semantics = [#tpu.dimension_semantics<core_parallel>, #tpu.dimension_semantics<subcore_parallel>], iteration_bounds = array<i64: 2, 16>, scalar_prefetch = 0 : i64, scratch_operands = 6 : i64, tpu.core_type = #tpu.core_type<sc_vector_subcore>, window_params = [{transform_indices = #map}, {transform_indices = #map1}, {transform_indices = #map1}, {transform_indices = #map}, {transform_indices = #map}]} {
    %mul3A = arith.constant 16 : i32
    %mul3A_0 = arith.muli %arg0, %mul3A : i32
    %add3A = arith.addi %mul3A_0, %arg1 : i32
    "tpu.region"() ({
      %run_scoped3A = tpu.sem_alloc : memref<!tpu.dma_semaphore, #tpu.memory_space<semaphore_mem>>
      %dma_start3A_152 = arith.constant 0 : i32
      %dma_start3A_153 = arith.constant 0 : i32
      %dma_start3A_154 = tpu.memref_slice %arg3[%add3A, %dma_start3A_152, %dma_start3A_153] : memref<32x80x125xi32, #tpu.memory_space<hbm>> -> memref<1x80x125xi32, #tpu.memory_space<hbm>>
      %dma_start3A_155 = tpu.memref_squeeze %dma_start3A_154 : memref<1x80x125xi32, #tpu.memory_space<hbm>> -> memref<80x125xi32, #tpu.memory_space<hbm>>
      %dma_start3A_156 = arith.constant 0 : i32
      %dma_start3A_157 = arith.constant 0 : i32
      %dma_start3A_158 = tpu.memref_slice %arg3[%add3A, %dma_start3A_156, %dma_start3A_157] : memref<32x80x125xi32, #tpu.memory_space<hbm>> -> memref<1x80x125xi32, #tpu.memory_space<hbm>>
      %dma_start3A_159 = tpu.memref_squeeze %dma_start3A_158 : memref<1x80x125xi32, #tpu.memory_space<hbm>> -> memref<80x125xi32, #tpu.memory_space<hbm>>
      tpu.enqueue_dma source(%dma_start3A_159 : memref<80x125xi32, #tpu.memory_space<hbm>>) target(%arg7 : memref<80x125xi32, #tpu.memory_space<vmem>>) target_semaphore(%run_scoped3A : memref<!tpu.dma_semaphore, #tpu.memory_space<semaphore_mem>>)
      %dma_wait3A_160 = arith.constant 0 : i32
      %dma_wait3A_161 = arith.constant 0 : i32
      %dma_wait3A_162 = tpu.memref_slice %arg3[%add3A, %dma_wait3A_160, %dma_wait3A_161] : memref<32x80x125xi32, #tpu.memory_space<hbm>> -> memref<1x80x125xi32, #tpu.memory_space<hbm>>
      %dma_wait3A_163 = tpu.memref_squeeze %dma_wait3A_162 : memref<1x80x125xi32, #tpu.memory_space<hbm>> -> memref<80x125xi32, #tpu.memory_space<hbm>>
      %dma_wait3A_164 = arith.constant 0 : i32
      %dma_wait3A_165 = arith.constant 0 : i32
      %dma_wait3A_166 = tpu.memref_slice %arg3[%add3A, %dma_wait3A_164, %dma_wait3A_165] : memref<32x80x125xi32, #tpu.memory_space<hbm>> -> memref<1x80x125xi32, #tpu.memory_space<hbm>>
      %dma_wait3A_167 = tpu.memref_squeeze %dma_wait3A_166 : memref<1x80x125xi32, #tpu.memory_space<hbm>> -> memref<80x125xi32, #tpu.memory_space<hbm>>
      tpu.wait_dma2 semaphore(%run_scoped3A : memref<!tpu.dma_semaphore, #tpu.memory_space<semaphore_mem>>) src(%dma_wait3A_167 : memref<80x125xi32, #tpu.memory_space<hbm>>) dst(%arg7 : memref<80x125xi32, #tpu.memory_space<vmem>>)
      tpu.yield
    }) : () -> ()
    "tpu.region"() ({
      %run_scoped3A = tpu.sem_alloc : memref<!tpu.dma_semaphore, #tpu.memory_space<semaphore_mem>>
      %dma_start3A_152 = arith.constant 0 : i32
      %dma_start3A_153 = arith.constant 0 : i32
      %dma_start3A_154 = tpu.memref_slice %arg4[%add3A, %dma_start3A_152, %dma_start3A_153] : memref<32x80x125xi32, #tpu.memory_space<hbm>> -> memref<1x80x125xi32, #tpu.memory_space<hbm>>
      %dma_start3A_155 = tpu.memref_squeeze %dma_start3A_154 : memref<1x80x125xi32, #tpu.memory_space<hbm>> -> memref<80x125xi32, #tpu.memory_space<hbm>>
      %dma_start3A_156 = arith.constant 0 : i32
      %dma_start3A_157 = arith.constant 0 : i32
      %dma_start3A_158 = tpu.memref_slice %arg4[%add3A, %dma_start3A_156, %dma_start3A_157] : memref<32x80x125xi32, #tpu.memory_space<hbm>> -> memref<1x80x125xi32, #tpu.memory_space<hbm>>
      %dma_start3A_159 = tpu.memref_squeeze %dma_start3A_158 : memref<1x80x125xi32, #tpu.memory_space<hbm>> -> memref<80x125xi32, #tpu.memory_space<hbm>>
      tpu.enqueue_dma source(%dma_start3A_159 : memref<80x125xi32, #tpu.memory_space<hbm>>) target(%arg8 : memref<80x125xi32, #tpu.memory_space<vmem>>) target_semaphore(%run_scoped3A : memref<!tpu.dma_semaphore, #tpu.memory_space<semaphore_mem>>)
      %dma_wait3A_160 = arith.constant 0 : i32
      %dma_wait3A_161 = arith.constant 0 : i32
      %dma_wait3A_162 = tpu.memref_slice %arg4[%add3A, %dma_wait3A_160, %dma_wait3A_161] : memref<32x80x125xi32, #tpu.memory_space<hbm>> -> memref<1x80x125xi32, #tpu.memory_space<hbm>>
      %dma_wait3A_163 = tpu.memref_squeeze %dma_wait3A_162 : memref<1x80x125xi32, #tpu.memory_space<hbm>> -> memref<80x125xi32, #tpu.memory_space<hbm>>
      %dma_wait3A_164 = arith.constant 0 : i32
      %dma_wait3A_165 = arith.constant 0 : i32
      %dma_wait3A_166 = tpu.memref_slice %arg4[%add3A, %dma_wait3A_164, %dma_wait3A_165] : memref<32x80x125xi32, #tpu.memory_space<hbm>> -> memref<1x80x125xi32, #tpu.memory_space<hbm>>
      %dma_wait3A_167 = tpu.memref_squeeze %dma_wait3A_166 : memref<1x80x125xi32, #tpu.memory_space<hbm>> -> memref<80x125xi32, #tpu.memory_space<hbm>>
      tpu.wait_dma2 semaphore(%run_scoped3A : memref<!tpu.dma_semaphore, #tpu.memory_space<semaphore_mem>>) src(%dma_wait3A_167 : memref<80x125xi32, #tpu.memory_space<hbm>>) dst(%arg8 : memref<80x125xi32, #tpu.memory_space<vmem>>)
      tpu.yield
    }) : () -> ()
    %mul3A_1 = arith.constant 640 : i32
    %mul3A_2 = arith.muli %arg1, %mul3A_1 : i32
    %mul3A_3 = arith.constant 640 : i32
    %mul3A_4 = arith.muli %arg1, %mul3A_3 : i32
    "tpu.region"() ({
      %run_scoped3A = tpu.sem_alloc : memref<!tpu.dma_semaphore, #tpu.memory_space<semaphore_mem>>
      %dma_start3A_152 = arith.constant 0 : i32
      %dma_start3A_153 = tpu.memref_slice %arg10[%mul3A_4, %dma_start3A_152] : memref<10240x16xf32, #tpu.memory_space<vmem_shared>> -> memref<640x16xf32, #tpu.memory_space<vmem_shared>>
      %dma_start3A_154 = arith.constant 0 : i32
      %dma_start3A_155 = tpu.memref_slice %arg2[%mul3A_2, %dma_start3A_154] : memref<10240x16xf32, #tpu.memory_space<hbm>> -> memref<640x16xf32, #tpu.memory_space<hbm>>
      tpu.enqueue_dma source(%dma_start3A_155 : memref<640x16xf32, #tpu.memory_space<hbm>>) target(%dma_start3A_153 : memref<640x16xf32, #tpu.memory_space<vmem_shared>>) target_semaphore(%run_scoped3A : memref<!tpu.dma_semaphore, #tpu.memory_space<semaphore_mem>>)
      %dma_wait3A_156 = arith.constant 0 : i32
      %dma_wait3A_157 = tpu.memref_slice %arg10[%mul3A_4, %dma_wait3A_156] : memref<10240x16xf32, #tpu.memory_space<vmem_shared>> -> memref<640x16xf32, #tpu.memory_space<vmem_shared>>
      %dma_wait3A_158 = arith.constant 0 : i32
      %dma_wait3A_159 = tpu.memref_slice %arg2[%mul3A_2, %dma_wait3A_158] : memref<10240x16xf32, #tpu.memory_space<hbm>> -> memref<640x16xf32, #tpu.memory_space<hbm>>
      tpu.wait_dma2 semaphore(%run_scoped3A : memref<!tpu.dma_semaphore, #tpu.memory_space<semaphore_mem>>) src(%dma_wait3A_159 : memref<640x16xf32, #tpu.memory_space<hbm>>) dst(%dma_wait3A_157 : memref<640x16xf32, #tpu.memory_space<vmem_shared>>)
      tpu.yield
    }) : () -> ()
    %barrier3A = arith.constant 0 : index
    tpu.barrier barrier_id(%barrier3A)
    %dma_start3A = arith.constant 0 : i32
    %dma_start3A_5 = arith.constant 0 : i32
    %dma_start3A_6 = arith.constant 0 : i32
    %dma_start3A_7 = arith.constant 0 : i32
    %dma_start3A_8 = arith.constant 0 : i32
    %dma_start3A_9 = tpu.memref_slice %arg9[%dma_start3A_5, %dma_start3A_7, %dma_start3A_8] : memref<3x125x16xf32, #tpu.memory_space<vmem>> -> memref<1x125x16xf32, #tpu.memory_space<vmem>>
    %dma_start3A_10 = tpu.memref_squeeze %dma_start3A_9 : memref<1x125x16xf32, #tpu.memory_space<vmem>> -> memref<125x16xf32, #tpu.memory_space<vmem>>
    %dma_start3A_11 = arith.constant 0 : i32
    %dma_start3A_12 = tpu.memref_slice %arg7[%dma_start3A, %dma_start3A_11] : memref<80x125xi32, #tpu.memory_space<vmem>> -> memref<1x125xi32, #tpu.memory_space<vmem>>
    %dma_start3A_13 = tpu.memref_squeeze %dma_start3A_12 : memref<1x125xi32, #tpu.memory_space<vmem>> -> memref<125xi32, #tpu.memory_space<vmem>>
    %dma_start3A_14 = arith.constant 0 : i32
    %dma_start3A_15 = arith.constant 0 : i32
    %dma_start3A_16 = tpu.memref_slice %arg2[%dma_start3A_14, %dma_start3A_15] : memref<10240x16xf32, #tpu.memory_space<hbm>> -> memref<10240x16xf32, #tpu.memory_space<hbm>>
    %dma_start3A_17 = tpu.memref_slice %arg11[%dma_start3A_6] : memref<3x!tpu.dma_semaphore, #tpu.memory_space<semaphore_mem>> -> memref<1x!tpu.dma_semaphore, #tpu.memory_space<semaphore_mem>>
    %dma_start3A_18 = tpu.memref_squeeze %dma_start3A_17 : memref<1x!tpu.dma_semaphore, #tpu.memory_space<semaphore_mem>> -> memref<!tpu.dma_semaphore, #tpu.memory_space<semaphore_mem>>
    tpu.enqueue_indirect_dma source(%dma_start3A_16 : memref<10240x16xf32, #tpu.memory_space<hbm>>) target(%dma_start3A_10 : memref<125x16xf32, #tpu.memory_space<vmem>>) offsets(%dma_start3A_13 : memref<125xi32, #tpu.memory_space<vmem>>) semaphore(%dma_start3A_18 : memref<!tpu.dma_semaphore, #tpu.memory_space<semaphore_mem>>)
    %dma_start3A_19 = arith.constant 1 : i32
    %dma_start3A_20 = arith.constant 1 : i32
    %dma_start3A_21 = arith.constant 1 : i32
    %dma_start3A_22 = arith.constant 0 : i32
    %dma_start3A_23 = arith.constant 0 : i32
    %dma_start3A_24 = tpu.memref_slice %arg9[%dma_start3A_20, %dma_start3A_22, %dma_start3A_23] : memref<3x125x16xf32, #tpu.memory_space<vmem>> -> memref<1x125x16xf32, #tpu.memory_space<vmem>>
    %dma_start3A_25 = tpu.memref_squeeze %dma_start3A_24 : memref<1x125x16xf32, #tpu.memory_space<vmem>> -> memref<125x16xf32, #tpu.memory_space<vmem>>
    %dma_start3A_26 = arith.constant 0 : i32
    %dma_start3A_27 = tpu.memref_slice %arg7[%dma_start3A_19, %dma_start3A_26] : memref<80x125xi32, #tpu.memory_space<vmem>> -> memref<1x125xi32, #tpu.memory_space<vmem>>
    %dma_start3A_28 = tpu.memref_squeeze %dma_start3A_27 : memref<1x125xi32, #tpu.memory_space<vmem>> -> memref<125xi32, #tpu.memory_space<vmem>>
    %dma_start3A_29 = arith.constant 0 : i32
    %dma_start3A_30 = arith.constant 0 : i32
    %dma_start3A_31 = tpu.memref_slice %arg2[%dma_start3A_29, %dma_start3A_30] : memref<10240x16xf32, #tpu.memory_space<hbm>> -> memref<10240x16xf32, #tpu.memory_space<hbm>>
    %dma_start3A_32 = tpu.memref_slice %arg11[%dma_start3A_21] : memref<3x!tpu.dma_semaphore, #tpu.memory_space<semaphore_mem>> -> memref<1x!tpu.dma_semaphore, #tpu.memory_space<semaphore_mem>>
    %dma_start3A_33 = tpu.memref_squeeze %dma_start3A_32 : memref<1x!tpu.dma_semaphore, #tpu.memory_space<semaphore_mem>> -> memref<!tpu.dma_semaphore, #tpu.memory_space<semaphore_mem>>
    tpu.enqueue_indirect_dma source(%dma_start3A_31 : memref<10240x16xf32, #tpu.memory_space<hbm>>) target(%dma_start3A_25 : memref<125x16xf32, #tpu.memory_space<vmem>>) offsets(%dma_start3A_28 : memref<125xi32, #tpu.memory_space<vmem>>) semaphore(%dma_start3A_33 : memref<!tpu.dma_semaphore, #tpu.memory_space<semaphore_mem>>)
    %dma_wait3A = arith.constant 0 : i32
    %dma_wait3A_34 = arith.constant 0 : i32
    %dma_wait3A_35 = arith.constant 0 : i32
    %dma_wait3A_36 = arith.constant 0 : i32
    %dma_wait3A_37 = arith.constant 0 : i32
    %dma_wait3A_38 = tpu.memref_slice %arg9[%dma_wait3A_34, %dma_wait3A_36, %dma_wait3A_37] : memref<3x125x16xf32, #tpu.memory_space<vmem>> -> memref<1x125x16xf32, #tpu.memory_space<vmem>>
    %dma_wait3A_39 = tpu.memref_squeeze %dma_wait3A_38 : memref<1x125x16xf32, #tpu.memory_space<vmem>> -> memref<125x16xf32, #tpu.memory_space<vmem>>
    %dma_wait3A_40 = arith.constant 0 : i32
    %dma_wait3A_41 = tpu.memref_slice %arg7[%dma_wait3A, %dma_wait3A_40] : memref<80x125xi32, #tpu.memory_space<vmem>> -> memref<1x125xi32, #tpu.memory_space<vmem>>
    %dma_wait3A_42 = tpu.memref_squeeze %dma_wait3A_41 : memref<1x125xi32, #tpu.memory_space<vmem>> -> memref<125xi32, #tpu.memory_space<vmem>>
    %dma_wait3A_43 = arith.constant 0 : i32
    %dma_wait3A_44 = arith.constant 0 : i32
    %dma_wait3A_45 = tpu.memref_slice %arg2[%dma_wait3A_43, %dma_wait3A_44] : memref<10240x16xf32, #tpu.memory_space<hbm>> -> memref<10240x16xf32, #tpu.memory_space<hbm>>
    %dma_wait3A_46 = tpu.memref_slice %arg11[%dma_wait3A_35] : memref<3x!tpu.dma_semaphore, #tpu.memory_space<semaphore_mem>> -> memref<1x!tpu.dma_semaphore, #tpu.memory_space<semaphore_mem>>
    %dma_wait3A_47 = tpu.memref_squeeze %dma_wait3A_46 : memref<1x!tpu.dma_semaphore, #tpu.memory_space<semaphore_mem>> -> memref<!tpu.dma_semaphore, #tpu.memory_space<semaphore_mem>>
    tpu.wait_indirect_dma semaphore(%dma_wait3A_47 : memref<!tpu.dma_semaphore, #tpu.memory_space<semaphore_mem>>) src(%dma_wait3A_45 : memref<10240x16xf32, #tpu.memory_space<hbm>>) dst(%dma_wait3A_39 : memref<125x16xf32, #tpu.memory_space<vmem>>)
    %dma_start3A_48 = arith.constant 0 : i32
    %dma_start3A_49 = arith.constant 0 : i32
    %dma_start3A_50 = arith.constant 0 : i32
    %dma_start3A_51 = arith.constant 0 : i32
    %dma_start3A_52 = arith.constant 0 : i32
    %dma_start3A_53 = tpu.memref_slice %arg9[%dma_start3A_48, %dma_start3A_51, %dma_start3A_52] : memref<3x125x16xf32, #tpu.memory_space<vmem>> -> memref<1x125x16xf32, #tpu.memory_space<vmem>>
    %dma_start3A_54 = tpu.memref_squeeze %dma_start3A_53 : memref<1x125x16xf32, #tpu.memory_space<vmem>> -> memref<125x16xf32, #tpu.memory_space<vmem>>
    %dma_start3A_55 = arith.constant 0 : i32
    %dma_start3A_56 = tpu.memref_slice %arg8[%dma_start3A_49, %dma_start3A_55] : memref<80x125xi32, #tpu.memory_space<vmem>> -> memref<1x125xi32, #tpu.memory_space<vmem>>
    %dma_start3A_57 = tpu.memref_squeeze %dma_start3A_56 : memref<1x125xi32, #tpu.memory_space<vmem>> -> memref<125xi32, #tpu.memory_space<vmem>>
    %dma_start3A_58 = arith.constant 0 : i32
    %dma_start3A_59 = arith.constant 0 : i32
    %dma_start3A_60 = tpu.memref_slice %arg10[%dma_start3A_58, %dma_start3A_59] : memref<10240x16xf32, #tpu.memory_space<vmem_shared>> -> memref<10240x16xf32, #tpu.memory_space<vmem_shared>>
    %dma_start3A_61 = tpu.memref_slice %arg12[%dma_start3A_50] : memref<3x!tpu.dma_semaphore, #tpu.memory_space<semaphore_mem>> -> memref<1x!tpu.dma_semaphore, #tpu.memory_space<semaphore_mem>>
    %dma_start3A_62 = tpu.memref_squeeze %dma_start3A_61 : memref<1x!tpu.dma_semaphore, #tpu.memory_space<semaphore_mem>> -> memref<!tpu.dma_semaphore, #tpu.memory_space<semaphore_mem>>
    tpu.enqueue_indirect_dma source(%dma_start3A_54 : memref<125x16xf32, #tpu.memory_space<vmem>>) target(%dma_start3A_60 : memref<10240x16xf32, #tpu.memory_space<vmem_shared>>) offsets(%dma_start3A_57 : memref<125xi32, #tpu.memory_space<vmem>>) semaphore(%dma_start3A_62 : memref<!tpu.dma_semaphore, #tpu.memory_space<semaphore_mem>>) {add = true}
    %scan3A = arith.constant 0 : i32
    %scan3A_63 = arith.constant 1 : i32
    %scan3A_64 = arith.constant 78 : i32
    %scan3A_65 = arith.addi %scan3A_63, %scan3A_64 : i32
    %scan3A_66 = arith.constant 1 : i32
    scf.for %scan3A_152 = %scan3A_63 to %scan3A_65 step %scan3A_66  : i32 {
      %rem3A_153 = arith.constant 3 : i32
      %rem3A_154 = arith.remsi %scan3A_152, %rem3A_153 : i32
      %add3A_155 = arith.constant 1 : i32
      %add3A_156 = arith.addi %scan3A_152, %add3A_155 : i32
      %rem3A_157 = arith.constant 3 : i32
      %rem3A_158 = arith.remsi %add3A_156, %rem3A_157 : i32
      %ge3A = arith.constant 2 : i32
      %ge3A_159 = arith.cmpi sge, %scan3A_152, %ge3A : i32
      %convert_element_type3A_160 = arith.extui %ge3A_159 : i1 to i32
      %cond3A_161 = arith.constant 0 : i32
      %cond3A_162 = arith.cmpi ne, %convert_element_type3A_160, %cond3A_161 : i32
      scf.if %cond3A_162 {
        %sub3A = arith.constant 2 : i32
        %sub3A_201 = arith.subi %scan3A_152, %sub3A : i32
        %dma_wait3A_202 = arith.constant 0 : i32
        %dma_wait3A_203 = arith.constant 0 : i32
        %dma_wait3A_204 = tpu.memref_slice %arg9[%rem3A_158, %dma_wait3A_202, %dma_wait3A_203] : memref<3x125x16xf32, #tpu.memory_space<vmem>> -> memref<1x125x16xf32, #tpu.memory_space<vmem>>
        %dma_wait3A_205 = tpu.memref_squeeze %dma_wait3A_204 : memref<1x125x16xf32, #tpu.memory_space<vmem>> -> memref<125x16xf32, #tpu.memory_space<vmem>>
        %dma_wait3A_206 = arith.constant 0 : i32
        %dma_wait3A_207 = tpu.memref_slice %arg8[%sub3A_201, %dma_wait3A_206] : memref<80x125xi32, #tpu.memory_space<vmem>> -> memref<1x125xi32, #tpu.memory_space<vmem>>
        %dma_wait3A_208 = tpu.memref_squeeze %dma_wait3A_207 : memref<1x125xi32, #tpu.memory_space<vmem>> -> memref<125xi32, #tpu.memory_space<vmem>>
        %dma_wait3A_209 = arith.constant 0 : i32
        %dma_wait3A_210 = arith.constant 0 : i32
        %dma_wait3A_211 = tpu.memref_slice %arg10[%dma_wait3A_209, %dma_wait3A_210] : memref<10240x16xf32, #tpu.memory_space<vmem_shared>> -> memref<10240x16xf32, #tpu.memory_space<vmem_shared>>
        %dma_wait3A_212 = tpu.memref_slice %arg12[%rem3A_158] : memref<3x!tpu.dma_semaphore, #tpu.memory_space<semaphore_mem>> -> memref<1x!tpu.dma_semaphore, #tpu.memory_space<semaphore_mem>>
        %dma_wait3A_213 = tpu.memref_squeeze %dma_wait3A_212 : memref<1x!tpu.dma_semaphore, #tpu.memory_space<semaphore_mem>> -> memref<!tpu.dma_semaphore, #tpu.memory_space<semaphore_mem>>
        tpu.wait_indirect_dma semaphore(%dma_wait3A_213 : memref<!tpu.dma_semaphore, #tpu.memory_space<semaphore_mem>>) src(%dma_wait3A_205 : memref<125x16xf32, #tpu.memory_space<vmem>>) dst(%dma_wait3A_211 : memref<10240x16xf32, #tpu.memory_space<vmem_shared>>)
      } else {
      }
      %add3A_163 = arith.constant 1 : i32
      %add3A_164 = arith.addi %scan3A_152, %add3A_163 : i32
      %dma_start3A_165 = arith.constant 0 : i32
      %dma_start3A_166 = arith.constant 0 : i32
      %dma_start3A_167 = tpu.memref_slice %arg9[%rem3A_158, %dma_start3A_165, %dma_start3A_166] : memref<3x125x16xf32, #tpu.memory_space<vmem>> -> memref<1x125x16xf32, #tpu.memory_space<vmem>>
      %dma_start3A_168 = tpu.memref_squeeze %dma_start3A_167 : memref<1x125x16xf32, #tpu.memory_space<vmem>> -> memref<125x16xf32, #tpu.memory_space<vmem>>
      %dma_start3A_169 = arith.constant 0 : i32
      %dma_start3A_170 = tpu.memref_slice %arg7[%add3A_164, %dma_start3A_169] : memref<80x125xi32, #tpu.memory_space<vmem>> -> memref<1x125xi32, #tpu.memory_space<vmem>>
      %dma_start3A_171 = tpu.memref_squeeze %dma_start3A_170 : memref<1x125xi32, #tpu.memory_space<vmem>> -> memref<125xi32, #tpu.memory_space<vmem>>
      %dma_start3A_172 = arith.constant 0 : i32
      %dma_start3A_173 = arith.constant 0 : i32
      %dma_start3A_174 = tpu.memref_slice %arg2[%dma_start3A_172, %dma_start3A_173] : memref<10240x16xf32, #tpu.memory_space<hbm>> -> memref<10240x16xf32, #tpu.memory_space<hbm>>
      %dma_start3A_175 = tpu.memref_slice %arg11[%rem3A_158] : memref<3x!tpu.dma_semaphore, #tpu.memory_space<semaphore_mem>> -> memref<1x!tpu.dma_semaphore, #tpu.memory_space<semaphore_mem>>
      %dma_start3A_176 = tpu.memref_squeeze %dma_start3A_175 : memref<1x!tpu.dma_semaphore, #tpu.memory_space<semaphore_mem>> -> memref<!tpu.dma_semaphore, #tpu.memory_space<semaphore_mem>>
      tpu.enqueue_indirect_dma source(%dma_start3A_174 : memref<10240x16xf32, #tpu.memory_space<hbm>>) target(%dma_start3A_168 : memref<125x16xf32, #tpu.memory_space<vmem>>) offsets(%dma_start3A_171 : memref<125xi32, #tpu.memory_space<vmem>>) semaphore(%dma_start3A_176 : memref<!tpu.dma_semaphore, #tpu.memory_space<semaphore_mem>>)
      %dma_wait3A_177 = arith.constant 0 : i32
      %dma_wait3A_178 = arith.constant 0 : i32
      %dma_wait3A_179 = tpu.memref_slice %arg9[%rem3A_154, %dma_wait3A_177, %dma_wait3A_178] : memref<3x125x16xf32, #tpu.memory_space<vmem>> -> memref<1x125x16xf32, #tpu.memory_space<vmem>>
      %dma_wait3A_180 = tpu.memref_squeeze %dma_wait3A_179 : memref<1x125x16xf32, #tpu.memory_space<vmem>> -> memref<125x16xf32, #tpu.memory_space<vmem>>
      %dma_wait3A_181 = arith.constant 0 : i32
      %dma_wait3A_182 = tpu.memref_slice %arg7[%scan3A_152, %dma_wait3A_181] : memref<80x125xi32, #tpu.memory_space<vmem>> -> memref<1x125xi32, #tpu.memory_space<vmem>>
      %dma_wait3A_183 = tpu.memref_squeeze %dma_wait3A_182 : memref<1x125xi32, #tpu.memory_space<vmem>> -> memref<125xi32, #tpu.memory_space<vmem>>
      %dma_wait3A_184 = arith.constant 0 : i32
      %dma_wait3A_185 = arith.constant 0 : i32
      %dma_wait3A_186 = tpu.memref_slice %arg2[%dma_wait3A_184, %dma_wait3A_185] : memref<10240x16xf32, #tpu.memory_space<hbm>> -> memref<10240x16xf32, #tpu.memory_space<hbm>>
      %dma_wait3A_187 = tpu.memref_slice %arg11[%rem3A_154] : memref<3x!tpu.dma_semaphore, #tpu.memory_space<semaphore_mem>> -> memref<1x!tpu.dma_semaphore, #tpu.memory_space<semaphore_mem>>
      %dma_wait3A_188 = tpu.memref_squeeze %dma_wait3A_187 : memref<1x!tpu.dma_semaphore, #tpu.memory_space<semaphore_mem>> -> memref<!tpu.dma_semaphore, #tpu.memory_space<semaphore_mem>>
      tpu.wait_indirect_dma semaphore(%dma_wait3A_188 : memref<!tpu.dma_semaphore, #tpu.memory_space<semaphore_mem>>) src(%dma_wait3A_186 : memref<10240x16xf32, #tpu.memory_space<hbm>>) dst(%dma_wait3A_180 : memref<125x16xf32, #tpu.memory_space<vmem>>)
      %dma_start3A_189 = arith.constant 0 : i32
      %dma_start3A_190 = arith.constant 0 : i32
      %dma_start3A_191 = tpu.memref_slice %arg9[%rem3A_154, %dma_start3A_189, %dma_start3A_190] : memref<3x125x16xf32, #tpu.memory_space<vmem>> -> memref<1x125x16xf32, #tpu.memory_space<vmem>>
      %dma_start3A_192 = tpu.memref_squeeze %dma_start3A_191 : memref<1x125x16xf32, #tpu.memory_space<vmem>> -> memref<125x16xf32, #tpu.memory_space<vmem>>
      %dma_start3A_193 = arith.constant 0 : i32
      %dma_start3A_194 = tpu.memref_slice %arg8[%scan3A_152, %dma_start3A_193] : memref<80x125xi32, #tpu.memory_space<vmem>> -> memref<1x125xi32, #tpu.memory_space<vmem>>
      %dma_start3A_195 = tpu.memref_squeeze %dma_start3A_194 : memref<1x125xi32, #tpu.memory_space<vmem>> -> memref<125xi32, #tpu.memory_space<vmem>>
      %dma_start3A_196 = arith.constant 0 : i32
      %dma_start3A_197 = arith.constant 0 : i32
      %dma_start3A_198 = tpu.memref_slice %arg10[%dma_start3A_196, %dma_start3A_197] : memref<10240x16xf32, #tpu.memory_space<vmem_shared>> -> memref<10240x16xf32, #tpu.memory_space<vmem_shared>>
      %dma_start3A_199 = tpu.memref_slice %arg12[%rem3A_154] : memref<3x!tpu.dma_semaphore, #tpu.memory_space<semaphore_mem>> -> memref<1x!tpu.dma_semaphore, #tpu.memory_space<semaphore_mem>>
      %dma_start3A_200 = tpu.memref_squeeze %dma_start3A_199 : memref<1x!tpu.dma_semaphore, #tpu.memory_space<semaphore_mem>> -> memref<!tpu.dma_semaphore, #tpu.memory_space<semaphore_mem>>
      tpu.enqueue_indirect_dma source(%dma_start3A_192 : memref<125x16xf32, #tpu.memory_space<vmem>>) target(%dma_start3A_198 : memref<10240x16xf32, #tpu.memory_space<vmem_shared>>) offsets(%dma_start3A_195 : memref<125xi32, #tpu.memory_space<vmem>>) semaphore(%dma_start3A_200 : memref<!tpu.dma_semaphore, #tpu.memory_space<semaphore_mem>>) {add = true}
    }
    %scan3A_67 = arith.constant 78 : i32
    %rem3A = arith.constant 79 : i32
    %rem3A_68 = arith.constant 3 : i32
    %rem3A_69 = arith.remsi %rem3A, %rem3A_68 : i32
    %dma_wait3A_70 = arith.constant 79 : i32
    %dma_wait3A_71 = arith.constant 0 : i32
    %dma_wait3A_72 = arith.constant 0 : i32
    %dma_wait3A_73 = tpu.memref_slice %arg9[%rem3A_69, %dma_wait3A_71, %dma_wait3A_72] : memref<3x125x16xf32, #tpu.memory_space<vmem>> -> memref<1x125x16xf32, #tpu.memory_space<vmem>>
    %dma_wait3A_74 = tpu.memref_squeeze %dma_wait3A_73 : memref<1x125x16xf32, #tpu.memory_space<vmem>> -> memref<125x16xf32, #tpu.memory_space<vmem>>
    %dma_wait3A_75 = arith.constant 0 : i32
    %dma_wait3A_76 = tpu.memref_slice %arg7[%dma_wait3A_70, %dma_wait3A_75] : memref<80x125xi32, #tpu.memory_space<vmem>> -> memref<1x125xi32, #tpu.memory_space<vmem>>
    %dma_wait3A_77 = tpu.memref_squeeze %dma_wait3A_76 : memref<1x125xi32, #tpu.memory_space<vmem>> -> memref<125xi32, #tpu.memory_space<vmem>>
    %dma_wait3A_78 = arith.constant 0 : i32
    %dma_wait3A_79 = arith.constant 0 : i32
    %dma_wait3A_80 = tpu.memref_slice %arg2[%dma_wait3A_78, %dma_wait3A_79] : memref<10240x16xf32, #tpu.memory_space<hbm>> -> memref<10240x16xf32, #tpu.memory_space<hbm>>
    %dma_wait3A_81 = tpu.memref_slice %arg11[%rem3A_69] : memref<3x!tpu.dma_semaphore, #tpu.memory_space<semaphore_mem>> -> memref<1x!tpu.dma_semaphore, #tpu.memory_space<semaphore_mem>>
    %dma_wait3A_82 = tpu.memref_squeeze %dma_wait3A_81 : memref<1x!tpu.dma_semaphore, #tpu.memory_space<semaphore_mem>> -> memref<!tpu.dma_semaphore, #tpu.memory_space<semaphore_mem>>
    tpu.wait_indirect_dma semaphore(%dma_wait3A_82 : memref<!tpu.dma_semaphore, #tpu.memory_space<semaphore_mem>>) src(%dma_wait3A_80 : memref<10240x16xf32, #tpu.memory_space<hbm>>) dst(%dma_wait3A_74 : memref<125x16xf32, #tpu.memory_space<vmem>>)
    %dma_start3A_83 = arith.constant 79 : i32
    %dma_start3A_84 = arith.constant 0 : i32
    %dma_start3A_85 = arith.constant 0 : i32
    %dma_start3A_86 = tpu.memref_slice %arg9[%rem3A_69, %dma_start3A_84, %dma_start3A_85] : memref<3x125x16xf32, #tpu.memory_space<vmem>> -> memref<1x125x16xf32, #tpu.memory_space<vmem>>
    %dma_start3A_87 = tpu.memref_squeeze %dma_start3A_86 : memref<1x125x16xf32, #tpu.memory_space<vmem>> -> memref<125x16xf32, #tpu.memory_space<vmem>>
    %dma_start3A_88 = arith.constant 0 : i32
    %dma_start3A_89 = tpu.memref_slice %arg8[%dma_start3A_83, %dma_start3A_88] : memref<80x125xi32, #tpu.memory_space<vmem>> -> memref<1x125xi32, #tpu.memory_space<vmem>>
    %dma_start3A_90 = tpu.memref_squeeze %dma_start3A_89 : memref<1x125xi32, #tpu.memory_space<vmem>> -> memref<125xi32, #tpu.memory_space<vmem>>
    %dma_start3A_91 = arith.constant 0 : i32
    %dma_start3A_92 = arith.constant 0 : i32
    %dma_start3A_93 = tpu.memref_slice %arg10[%dma_start3A_91, %dma_start3A_92] : memref<10240x16xf32, #tpu.memory_space<vmem_shared>> -> memref<10240x16xf32, #tpu.memory_space<vmem_shared>>
    %dma_start3A_94 = tpu.memref_slice %arg12[%rem3A_69] : memref<3x!tpu.dma_semaphore, #tpu.memory_space<semaphore_mem>> -> memref<1x!tpu.dma_semaphore, #tpu.memory_space<semaphore_mem>>
    %dma_start3A_95 = tpu.memref_squeeze %dma_start3A_94 : memref<1x!tpu.dma_semaphore, #tpu.memory_space<semaphore_mem>> -> memref<!tpu.dma_semaphore, #tpu.memory_space<semaphore_mem>>
    tpu.enqueue_indirect_dma source(%dma_start3A_87 : memref<125x16xf32, #tpu.memory_space<vmem>>) target(%dma_start3A_93 : memref<10240x16xf32, #tpu.memory_space<vmem_shared>>) offsets(%dma_start3A_90 : memref<125xi32, #tpu.memory_space<vmem>>) semaphore(%dma_start3A_95 : memref<!tpu.dma_semaphore, #tpu.memory_space<semaphore_mem>>) {add = true}
    %rem3A_96 = arith.constant 77 : i32
    %rem3A_97 = arith.constant 3 : i32
    %rem3A_98 = arith.remsi %rem3A_96, %rem3A_97 : i32
    %dma_wait3A_99 = arith.constant 77 : i32
    %dma_wait3A_100 = arith.constant 0 : i32
    %dma_wait3A_101 = arith.constant 0 : i32
    %dma_wait3A_102 = tpu.memref_slice %arg9[%rem3A_98, %dma_wait3A_100, %dma_wait3A_101] : memref<3x125x16xf32, #tpu.memory_space<vmem>> -> memref<1x125x16xf32, #tpu.memory_space<vmem>>
    %dma_wait3A_103 = tpu.memref_squeeze %dma_wait3A_102 : memref<1x125x16xf32, #tpu.memory_space<vmem>> -> memref<125x16xf32, #tpu.memory_space<vmem>>
    %dma_wait3A_104 = arith.constant 0 : i32
    %dma_wait3A_105 = tpu.memref_slice %arg8[%dma_wait3A_99, %dma_wait3A_104] : memref<80x125xi32, #tpu.memory_space<vmem>> -> memref<1x125xi32, #tpu.memory_space<vmem>>
    %dma_wait3A_106 = tpu.memref_squeeze %dma_wait3A_105 : memref<1x125xi32, #tpu.memory_space<vmem>> -> memref<125xi32, #tpu.memory_space<vmem>>
    %dma_wait3A_107 = arith.constant 0 : i32
    %dma_wait3A_108 = arith.constant 0 : i32
    %dma_wait3A_109 = tpu.memref_slice %arg10[%dma_wait3A_107, %dma_wait3A_108] : memref<10240x16xf32, #tpu.memory_space<vmem_shared>> -> memref<10240x16xf32, #tpu.memory_space<vmem_shared>>
    %dma_wait3A_110 = tpu.memref_slice %arg12[%rem3A_98] : memref<3x!tpu.dma_semaphore, #tpu.memory_space<semaphore_mem>> -> memref<1x!tpu.dma_semaphore, #tpu.memory_space<semaphore_mem>>
    %dma_wait3A_111 = tpu.memref_squeeze %dma_wait3A_110 : memref<1x!tpu.dma_semaphore, #tpu.memory_space<semaphore_mem>> -> memref<!tpu.dma_semaphore, #tpu.memory_space<semaphore_mem>>
    tpu.wait_indirect_dma semaphore(%dma_wait3A_111 : memref<!tpu.dma_semaphore, #tpu.memory_space<semaphore_mem>>) src(%dma_wait3A_103 : memref<125x16xf32, #tpu.memory_space<vmem>>) dst(%dma_wait3A_109 : memref<10240x16xf32, #tpu.memory_space<vmem_shared>>)
    %rem3A_112 = arith.constant 78 : i32
    %rem3A_113 = arith.constant 3 : i32
    %rem3A_114 = arith.remsi %rem3A_112, %rem3A_113 : i32
    %dma_wait3A_115 = arith.constant 78 : i32
    %dma_wait3A_116 = arith.constant 0 : i32
    %dma_wait3A_117 = arith.constant 0 : i32
    %dma_wait3A_118 = tpu.memref_slice %arg9[%rem3A_114, %dma_wait3A_116, %dma_wait3A_117] : memref<3x125x16xf32, #tpu.memory_space<vmem>> -> memref<1x125x16xf32, #tpu.memory_space<vmem>>
    %dma_wait3A_119 = tpu.memref_squeeze %dma_wait3A_118 : memref<1x125x16xf32, #tpu.memory_space<vmem>> -> memref<125x16xf32, #tpu.memory_space<vmem>>
    %dma_wait3A_120 = arith.constant 0 : i32
    %dma_wait3A_121 = tpu.memref_slice %arg8[%dma_wait3A_115, %dma_wait3A_120] : memref<80x125xi32, #tpu.memory_space<vmem>> -> memref<1x125xi32, #tpu.memory_space<vmem>>
    %dma_wait3A_122 = tpu.memref_squeeze %dma_wait3A_121 : memref<1x125xi32, #tpu.memory_space<vmem>> -> memref<125xi32, #tpu.memory_space<vmem>>
    %dma_wait3A_123 = arith.constant 0 : i32
    %dma_wait3A_124 = arith.constant 0 : i32
    %dma_wait3A_125 = tpu.memref_slice %arg10[%dma_wait3A_123, %dma_wait3A_124] : memref<10240x16xf32, #tpu.memory_space<vmem_shared>> -> memref<10240x16xf32, #tpu.memory_space<vmem_shared>>
    %dma_wait3A_126 = tpu.memref_slice %arg12[%rem3A_114] : memref<3x!tpu.dma_semaphore, #tpu.memory_space<semaphore_mem>> -> memref<1x!tpu.dma_semaphore, #tpu.memory_space<semaphore_mem>>
    %dma_wait3A_127 = tpu.memref_squeeze %dma_wait3A_126 : memref<1x!tpu.dma_semaphore, #tpu.memory_space<semaphore_mem>> -> memref<!tpu.dma_semaphore, #tpu.memory_space<semaphore_mem>>
    tpu.wait_indirect_dma semaphore(%dma_wait3A_127 : memref<!tpu.dma_semaphore, #tpu.memory_space<semaphore_mem>>) src(%dma_wait3A_119 : memref<125x16xf32, #tpu.memory_space<vmem>>) dst(%dma_wait3A_125 : memref<10240x16xf32, #tpu.memory_space<vmem_shared>>)
    %rem3A_128 = arith.constant 79 : i32
    %rem3A_129 = arith.constant 3 : i32
    %rem3A_130 = arith.remsi %rem3A_128, %rem3A_129 : i32
    %dma_wait3A_131 = arith.constant 79 : i32
    %dma_wait3A_132 = arith.constant 0 : i32
    %dma_wait3A_133 = arith.constant 0 : i32
    %dma_wait3A_134 = tpu.memref_slice %arg9[%rem3A_130, %dma_wait3A_132, %dma_wait3A_133] : memref<3x125x16xf32, #tpu.memory_space<vmem>> -> memref<1x125x16xf32, #tpu.memory_space<vmem>>
    %dma_wait3A_135 = tpu.memref_squeeze %dma_wait3A_134 : memref<1x125x16xf32, #tpu.memory_space<vmem>> -> memref<125x16xf32, #tpu.memory_space<vmem>>
    %dma_wait3A_136 = arith.constant 0 : i32
    %dma_wait3A_137 = tpu.memref_slice %arg8[%dma_wait3A_131, %dma_wait3A_136] : memref<80x125xi32, #tpu.memory_space<vmem>> -> memref<1x125xi32, #tpu.memory_space<vmem>>
    %dma_wait3A_138 = tpu.memref_squeeze %dma_wait3A_137 : memref<1x125xi32, #tpu.memory_space<vmem>> -> memref<125xi32, #tpu.memory_space<vmem>>
    %dma_wait3A_139 = arith.constant 0 : i32
    %dma_wait3A_140 = arith.constant 0 : i32
    %dma_wait3A_141 = tpu.memref_slice %arg10[%dma_wait3A_139, %dma_wait3A_140] : memref<10240x16xf32, #tpu.memory_space<vmem_shared>> -> memref<10240x16xf32, #tpu.memory_space<vmem_shared>>
    %dma_wait3A_142 = tpu.memref_slice %arg12[%rem3A_130] : memref<3x!tpu.dma_semaphore, #tpu.memory_space<semaphore_mem>> -> memref<1x!tpu.dma_semaphore, #tpu.memory_space<semaphore_mem>>
    %dma_wait3A_143 = tpu.memref_squeeze %dma_wait3A_142 : memref<1x!tpu.dma_semaphore, #tpu.memory_space<semaphore_mem>> -> memref<!tpu.dma_semaphore, #tpu.memory_space<semaphore_mem>>
    tpu.wait_indirect_dma semaphore(%dma_wait3A_143 : memref<!tpu.dma_semaphore, #tpu.memory_space<semaphore_mem>>) src(%dma_wait3A_135 : memref<125x16xf32, #tpu.memory_space<vmem>>) dst(%dma_wait3A_141 : memref<10240x16xf32, #tpu.memory_space<vmem_shared>>)
    %barrier3A_144 = arith.constant 0 : index
    tpu.barrier barrier_id(%barrier3A_144)
    %eq3A = arith.constant 0 : i32
    %eq3A_145 = arith.cmpi eq, %arg0, %eq3A : i32
    %convert_element_type3A = arith.extui %eq3A_145 : i1 to i32
    %cond3A = arith.constant 0 : i32
    %cond3A_146 = arith.cmpi ne, %convert_element_type3A, %cond3A : i32
    scf.if %cond3A_146 {
      %mul3A_152 = arith.constant 640 : i32
      %mul3A_153 = arith.muli %arg1, %mul3A_152 : i32
      %mul3A_154 = arith.constant 640 : i32
      %mul3A_155 = arith.muli %arg1, %mul3A_154 : i32
      "tpu.region"() ({
        %run_scoped3A = tpu.sem_alloc : memref<!tpu.dma_semaphore, #tpu.memory_space<semaphore_mem>>
        %dma_start3A_156 = arith.constant 0 : i32
        %dma_start3A_157 = tpu.memref_slice %arg5[%mul3A_155, %dma_start3A_156] : memref<10240x16xf32, #tpu.memory_space<hbm>> -> memref<640x16xf32, #tpu.memory_space<hbm>>
        %dma_start3A_158 = arith.constant 0 : i32
        %dma_start3A_159 = tpu.memref_slice %arg10[%mul3A_153, %dma_start3A_158] : memref<10240x16xf32, #tpu.memory_space<vmem_shared>> -> memref<640x16xf32, #tpu.memory_space<vmem_shared>>
        tpu.enqueue_dma source(%dma_start3A_159 : memref<640x16xf32, #tpu.memory_space<vmem_shared>>) target(%dma_start3A_157 : memref<640x16xf32, #tpu.memory_space<hbm>>) target_semaphore(%run_scoped3A : memref<!tpu.dma_semaphore, #tpu.memory_space<semaphore_mem>>)
        %dma_wait3A_160 = arith.constant 0 : i32
        %dma_wait3A_161 = tpu.memref_slice %arg5[%mul3A_155, %dma_wait3A_160] : memref<10240x16xf32, #tpu.memory_space<hbm>> -> memref<640x16xf32, #tpu.memory_space<hbm>>
        %dma_wait3A_162 = arith.constant 0 : i32
        %dma_wait3A_163 = tpu.memref_slice %arg10[%mul3A_153, %dma_wait3A_162] : memref<10240x16xf32, #tpu.memory_space<vmem_shared>> -> memref<640x16xf32, #tpu.memory_space<vmem_shared>>
        tpu.wait_dma2 semaphore(%run_scoped3A : memref<!tpu.dma_semaphore, #tpu.memory_space<semaphore_mem>>) src(%dma_wait3A_163 : memref<640x16xf32, #tpu.memory_space<vmem_shared>>) dst(%dma_wait3A_161 : memref<640x16xf32, #tpu.memory_space<hbm>>)
        tpu.yield
      }) : () -> ()
    } else {
    }
    %eq3A_147 = arith.constant 1 : i32
    %eq3A_148 = arith.cmpi eq, %arg0, %eq3A_147 : i32
    %convert_element_type3A_149 = arith.extui %eq3A_148 : i1 to i32
    %cond3A_150 = arith.constant 0 : i32
    %cond3A_151 = arith.cmpi ne, %convert_element_type3A_149, %cond3A_150 : i32
    scf.if %cond3A_151 {
      %mul3A_152 = arith.constant 640 : i32
      %mul3A_153 = arith.muli %arg1, %mul3A_152 : i32
      %mul3A_154 = arith.constant 640 : i32
      %mul3A_155 = arith.muli %arg1, %mul3A_154 : i32
      "tpu.region"() ({
        %run_scoped3A = tpu.sem_alloc : memref<!tpu.dma_semaphore, #tpu.memory_space<semaphore_mem>>
        %dma_start3A_156 = arith.constant 0 : i32
        %dma_start3A_157 = tpu.memref_slice %arg6[%mul3A_155, %dma_start3A_156] : memref<10240x16xf32, #tpu.memory_space<hbm>> -> memref<640x16xf32, #tpu.memory_space<hbm>>
        %dma_start3A_158 = arith.constant 0 : i32
        %dma_start3A_159 = tpu.memref_slice %arg10[%mul3A_153, %dma_start3A_158] : memref<10240x16xf32, #tpu.memory_space<vmem_shared>> -> memref<640x16xf32, #tpu.memory_space<vmem_shared>>
        tpu.enqueue_dma source(%dma_start3A_159 : memref<640x16xf32, #tpu.memory_space<vmem_shared>>) target(%dma_start3A_157 : memref<640x16xf32, #tpu.memory_space<hbm>>) target_semaphore(%run_scoped3A : memref<!tpu.dma_semaphore, #tpu.memory_space<semaphore_mem>>)
        %dma_wait3A_160 = arith.constant 0 : i32
        %dma_wait3A_161 = tpu.memref_slice %arg6[%mul3A_155, %dma_wait3A_160] : memref<10240x16xf32, #tpu.memory_space<hbm>> -> memref<640x16xf32, #tpu.memory_space<hbm>>
        %dma_wait3A_162 = arith.constant 0 : i32
        %dma_wait3A_163 = tpu.memref_slice %arg10[%mul3A_153, %dma_wait3A_162] : memref<10240x16xf32, #tpu.memory_space<vmem_shared>> -> memref<640x16xf32, #tpu.memory_space<vmem_shared>>
        tpu.wait_dma2 semaphore(%run_scoped3A : memref<!tpu.dma_semaphore, #tpu.memory_space<semaphore_mem>>) src(%dma_wait3A_163 : memref<640x16xf32, #tpu.memory_space<vmem_shared>>) dst(%dma_wait3A_161 : memref<640x16xf32, #tpu.memory_space<hbm>>)
        tpu.yield
      }) : () -> ()
    } else {
    }
    return
  }
}

#map = affine_map<(d0, d1) -> (0, 0, 0)>
#map1 = affine_map<(d0, d1) -> (0)>
module attributes {stable_mosaic.version = 14 : i64} {
  func.func @_deg(%arg0: i32, %arg1: i32, %arg2: memref<32x80x125xi32, #tpu.memory_space<hbm>>, %arg3: memref<10240xf32, #tpu.memory_space<hbm>>, %arg4: memref<10240xf32, #tpu.memory_space<hbm>>, %arg5: memref<80x125xi32, #tpu.memory_space<vmem>>, %arg6: memref<640xf32, #tpu.memory_space<vmem>>, %arg7: memref<640xf32, #tpu.memory_space<vmem>>, %arg8: memref<10240xf32, #tpu.memory_space<vmem_shared>>) attributes {dimension_semantics = [#tpu.dimension_semantics<core_parallel>, #tpu.dimension_semantics<subcore_parallel>], iteration_bounds = array<i64: 2, 16>, scalar_prefetch = 0 : i64, scratch_operands = 4 : i64, tpu.core_type = #tpu.core_type<sc_vector_subcore>, window_params = [{transform_indices = #map}, {transform_indices = #map1}, {transform_indices = #map1}]} {
    %broadcast_in_dim3A = arith.constant 0.000000e+00 : f32
    %broadcast_in_dim3A_0 = vector.broadcast %broadcast_in_dim3A : f32 to vector<16xf32>
    %add3A = arith.constant 1.000000e+00 : f32
    %add3A_1 = vector.broadcast %add3A : f32 to vector<16xf32>
    %add3A_2 = arith.addf %broadcast_in_dim3A_0, %add3A_1 : vector<16xf32>
    %swap3A = arith.constant 0 : index
    %swap3A_3 = tpu.vector_load %arg6[%swap3A] {strides = array<i32>} : memref<640xf32, #tpu.memory_space<vmem>>, vector<16xf32>,
    %swap3A_4 = vector.shape_cast %swap3A_3 : vector<16xf32> to vector<16xf32>
    %swap3A_5 = vector.shape_cast %add3A_2 : vector<16xf32> to vector<16xf32>
    tpu.vector_store %arg6[%swap3A], %swap3A_5 {strides = array<i32>} : memref<640xf32, #tpu.memory_space<vmem>>, vector<16xf32>,
    %broadcast_in_dim3A_6 = arith.constant 0.000000e+00 : f32
    %broadcast_in_dim3A_7 = vector.broadcast %broadcast_in_dim3A_6 : f32 to vector<16xf32>
    %add3A_8 = arith.constant 1.000000e+00 : f32
    %add3A_9 = vector.broadcast %add3A_8 : f32 to vector<16xf32>
    %add3A_10 = arith.addf %broadcast_in_dim3A_7, %add3A_9 : vector<16xf32>
    %swap3A_11 = arith.constant 16 : index
    %swap3A_12 = tpu.vector_load %arg6[%swap3A_11] {strides = array<i32>} : memref<640xf32, #tpu.memory_space<vmem>>, vector<16xf32>,
    %swap3A_13 = vector.shape_cast %swap3A_12 : vector<16xf32> to vector<16xf32>
    %swap3A_14 = vector.shape_cast %add3A_10 : vector<16xf32> to vector<16xf32>
    tpu.vector_store %arg6[%swap3A_11], %swap3A_14 {strides = array<i32>} : memref<640xf32, #tpu.memory_space<vmem>>, vector<16xf32>,
    %broadcast_in_dim3A_15 = arith.constant 0.000000e+00 : f32
    %broadcast_in_dim3A_16 = vector.broadcast %broadcast_in_dim3A_15 : f32 to vector<16xf32>
    %add3A_17 = arith.constant 1.000000e+00 : f32
    %add3A_18 = vector.broadcast %add3A_17 : f32 to vector<16xf32>
    %add3A_19 = arith.addf %broadcast_in_dim3A_16, %add3A_18 : vector<16xf32>
    %swap3A_20 = arith.constant 32 : index
    %swap3A_21 = tpu.vector_load %arg6[%swap3A_20] {strides = array<i32>} : memref<640xf32, #tpu.memory_space<vmem>>, vector<16xf32>,
    %swap3A_22 = vector.shape_cast %swap3A_21 : vector<16xf32> to vector<16xf32>
    %swap3A_23 = vector.shape_cast %add3A_19 : vector<16xf32> to vector<16xf32>
    tpu.vector_store %arg6[%swap3A_20], %swap3A_23 {strides = array<i32>} : memref<640xf32, #tpu.memory_space<vmem>>, vector<16xf32>,
    %broadcast_in_dim3A_24 = arith.constant 0.000000e+00 : f32
    %broadcast_in_dim3A_25 = vector.broadcast %broadcast_in_dim3A_24 : f32 to vector<16xf32>
    %add3A_26 = arith.constant 1.000000e+00 : f32
    %add3A_27 = vector.broadcast %add3A_26 : f32 to vector<16xf32>
    %add3A_28 = arith.addf %broadcast_in_dim3A_25, %add3A_27 : vector<16xf32>
    %swap3A_29 = arith.constant 48 : index
    %swap3A_30 = tpu.vector_load %arg6[%swap3A_29] {strides = array<i32>} : memref<640xf32, #tpu.memory_space<vmem>>, vector<16xf32>,
    %swap3A_31 = vector.shape_cast %swap3A_30 : vector<16xf32> to vector<16xf32>
    %swap3A_32 = vector.shape_cast %add3A_28 : vector<16xf32> to vector<16xf32>
    tpu.vector_store %arg6[%swap3A_29], %swap3A_32 {strides = array<i32>} : memref<640xf32, #tpu.memory_space<vmem>>, vector<16xf32>,
    %broadcast_in_dim3A_33 = arith.constant 0.000000e+00 : f32
    %broadcast_in_dim3A_34 = vector.broadcast %broadcast_in_dim3A_33 : f32 to vector<16xf32>
    %add3A_35 = arith.constant 1.000000e+00 : f32
    %add3A_36 = vector.broadcast %add3A_35 : f32 to vector<16xf32>
    %add3A_37 = arith.addf %broadcast_in_dim3A_34, %add3A_36 : vector<16xf32>
    %swap3A_38 = arith.constant 64 : index
    %swap3A_39 = tpu.vector_load %arg6[%swap3A_38] {strides = array<i32>} : memref<640xf32, #tpu.memory_space<vmem>>, vector<16xf32>,
    %swap3A_40 = vector.shape_cast %swap3A_39 : vector<16xf32> to vector<16xf32>
    %swap3A_41 = vector.shape_cast %add3A_37 : vector<16xf32> to vector<16xf32>
    tpu.vector_store %arg6[%swap3A_38], %swap3A_41 {strides = array<i32>} : memref<640xf32, #tpu.memory_space<vmem>>, vector<16xf32>,
    %broadcast_in_dim3A_42 = arith.constant 0.000000e+00 : f32
    %broadcast_in_dim3A_43 = vector.broadcast %broadcast_in_dim3A_42 : f32 to vector<16xf32>
    %add3A_44 = arith.constant 1.000000e+00 : f32
    %add3A_45 = vector.broadcast %add3A_44 : f32 to vector<16xf32>
    %add3A_46 = arith.addf %broadcast_in_dim3A_43, %add3A_45 : vector<16xf32>
    %swap3A_47 = arith.constant 80 : index
    %swap3A_48 = tpu.vector_load %arg6[%swap3A_47] {strides = array<i32>} : memref<640xf32, #tpu.memory_space<vmem>>, vector<16xf32>,
    %swap3A_49 = vector.shape_cast %swap3A_48 : vector<16xf32> to vector<16xf32>
    %swap3A_50 = vector.shape_cast %add3A_46 : vector<16xf32> to vector<16xf32>
    tpu.vector_store %arg6[%swap3A_47], %swap3A_50 {strides = array<i32>} : memref<640xf32, #tpu.memory_space<vmem>>, vector<16xf32>,
    %broadcast_in_dim3A_51 = arith.constant 0.000000e+00 : f32
    %broadcast_in_dim3A_52 = vector.broadcast %broadcast_in_dim3A_51 : f32 to vector<16xf32>
    %add3A_53 = arith.constant 1.000000e+00 : f32
    %add3A_54 = vector.broadcast %add3A_53 : f32 to vector<16xf32>
    %add3A_55 = arith.addf %broadcast_in_dim3A_52, %add3A_54 : vector<16xf32>
    %swap3A_56 = arith.constant 96 : index
    %swap3A_57 = tpu.vector_load %arg6[%swap3A_56] {strides = array<i32>} : memref<640xf32, #tpu.memory_space<vmem>>, vector<16xf32>,
    %swap3A_58 = vector.shape_cast %swap3A_57 : vector<16xf32> to vector<16xf32>
    %swap3A_59 = vector.shape_cast %add3A_55 : vector<16xf32> to vector<16xf32>
    tpu.vector_store %arg6[%swap3A_56], %swap3A_59 {strides = array<i32>} : memref<640xf32, #tpu.memory_space<vmem>>, vector<16xf32>,
    %broadcast_in_dim3A_60 = arith.constant 0.000000e+00 : f32
    %broadcast_in_dim3A_61 = vector.broadcast %broadcast_in_dim3A_60 : f32 to vector<16xf32>
    %add3A_62 = arith.constant 1.000000e+00 : f32
    %add3A_63 = vector.broadcast %add3A_62 : f32 to vector<16xf32>
    %add3A_64 = arith.addf %broadcast_in_dim3A_61, %add3A_63 : vector<16xf32>
    %swap3A_65 = arith.constant 112 : index
    %swap3A_66 = tpu.vector_load %arg6[%swap3A_65] {strides = array<i32>} : memref<640xf32, #tpu.memory_space<vmem>>, vector<16xf32>,
    %swap3A_67 = vector.shape_cast %swap3A_66 : vector<16xf32> to vector<16xf32>
    %swap3A_68 = vector.shape_cast %add3A_64 : vector<16xf32> to vector<16xf32>
    tpu.vector_store %arg6[%swap3A_65], %swap3A_68 {strides = array<i32>} : memref<640xf32, #tpu.memory_space<vmem>>, vector<16xf32>,
    %broadcast_in_dim3A_69 = arith.constant 0.000000e+00 : f32
    %broadcast_in_dim3A_70 = vector.broadcast %broadcast_in_dim3A_69 : f32 to vector<16xf32>
    %add3A_71 = arith.constant 1.000000e+00 : f32
    %add3A_72 = vector.broadcast %add3A_71 : f32 to vector<16xf32>
    %add3A_73 = arith.addf %broadcast_in_dim3A_70, %add3A_72 : vector<16xf32>
    %swap3A_74 = arith.constant 128 : index
    %swap3A_75 = tpu.vector_load %arg6[%swap3A_74] {strides = array<i32>} : memref<640xf32, #tpu.memory_space<vmem>>, vector<16xf32>,
    %swap3A_76 = vector.shape_cast %swap3A_75 : vector<16xf32> to vector<16xf32>
    %swap3A_77 = vector.shape_cast %add3A_73 : vector<16xf32> to vector<16xf32>
    tpu.vector_store %arg6[%swap3A_74], %swap3A_77 {strides = array<i32>} : memref<640xf32, #tpu.memory_space<vmem>>, vector<16xf32>,
    %broadcast_in_dim3A_78 = arith.constant 0.000000e+00 : f32
    %broadcast_in_dim3A_79 = vector.broadcast %broadcast_in_dim3A_78 : f32 to vector<16xf32>
    %add3A_80 = arith.constant 1.000000e+00 : f32
    %add3A_81 = vector.broadcast %add3A_80 : f32 to vector<16xf32>
    %add3A_82 = arith.addf %broadcast_in_dim3A_79, %add3A_81 : vector<16xf32>
    %swap3A_83 = arith.constant 144 : index
    %swap3A_84 = tpu.vector_load %arg6[%swap3A_83] {strides = array<i32>} : memref<640xf32, #tpu.memory_space<vmem>>, vector<16xf32>,
    %swap3A_85 = vector.shape_cast %swap3A_84 : vector<16xf32> to vector<16xf32>
    %swap3A_86 = vector.shape_cast %add3A_82 : vector<16xf32> to vector<16xf32>
    tpu.vector_store %arg6[%swap3A_83], %swap3A_86 {strides = array<i32>} : memref<640xf32, #tpu.memory_space<vmem>>, vector<16xf32>,
    %broadcast_in_dim3A_87 = arith.constant 0.000000e+00 : f32
    %broadcast_in_dim3A_88 = vector.broadcast %broadcast_in_dim3A_87 : f32 to vector<16xf32>
    %add3A_89 = arith.constant 1.000000e+00 : f32
    %add3A_90 = vector.broadcast %add3A_89 : f32 to vector<16xf32>
    %add3A_91 = arith.addf %broadcast_in_dim3A_88, %add3A_90 : vector<16xf32>
    %swap3A_92 = arith.constant 160 : index
    %swap3A_93 = tpu.vector_load %arg6[%swap3A_92] {strides = array<i32>} : memref<640xf32, #tpu.memory_space<vmem>>, vector<16xf32>,
    %swap3A_94 = vector.shape_cast %swap3A_93 : vector<16xf32> to vector<16xf32>
    %swap3A_95 = vector.shape_cast %add3A_91 : vector<16xf32> to vector<16xf32>
    tpu.vector_store %arg6[%swap3A_92], %swap3A_95 {strides = array<i32>} : memref<640xf32, #tpu.memory_space<vmem>>, vector<16xf32>,
    %broadcast_in_dim3A_96 = arith.constant 0.000000e+00 : f32
    %broadcast_in_dim3A_97 = vector.broadcast %broadcast_in_dim3A_96 : f32 to vector<16xf32>
    %add3A_98 = arith.constant 1.000000e+00 : f32
    %add3A_99 = vector.broadcast %add3A_98 : f32 to vector<16xf32>
    %add3A_100 = arith.addf %broadcast_in_dim3A_97, %add3A_99 : vector<16xf32>
    %swap3A_101 = arith.constant 176 : index
    %swap3A_102 = tpu.vector_load %arg6[%swap3A_101] {strides = array<i32>} : memref<640xf32, #tpu.memory_space<vmem>>, vector<16xf32>,
    %swap3A_103 = vector.shape_cast %swap3A_102 : vector<16xf32> to vector<16xf32>
    %swap3A_104 = vector.shape_cast %add3A_100 : vector<16xf32> to vector<16xf32>
    tpu.vector_store %arg6[%swap3A_101], %swap3A_104 {strides = array<i32>} : memref<640xf32, #tpu.memory_space<vmem>>, vector<16xf32>,
    %broadcast_in_dim3A_105 = arith.constant 0.000000e+00 : f32
    %broadcast_in_dim3A_106 = vector.broadcast %broadcast_in_dim3A_105 : f32 to vector<16xf32>
    %add3A_107 = arith.constant 1.000000e+00 : f32
    %add3A_108 = vector.broadcast %add3A_107 : f32 to vector<16xf32>
    %add3A_109 = arith.addf %broadcast_in_dim3A_106, %add3A_108 : vector<16xf32>
    %swap3A_110 = arith.constant 192 : index
    %swap3A_111 = tpu.vector_load %arg6[%swap3A_110] {strides = array<i32>} : memref<640xf32, #tpu.memory_space<vmem>>, vector<16xf32>,
    %swap3A_112 = vector.shape_cast %swap3A_111 : vector<16xf32> to vector<16xf32>
    %swap3A_113 = vector.shape_cast %add3A_109 : vector<16xf32> to vector<16xf32>
    tpu.vector_store %arg6[%swap3A_110], %swap3A_113 {strides = array<i32>} : memref<640xf32, #tpu.memory_space<vmem>>, vector<16xf32>,
    %broadcast_in_dim3A_114 = arith.constant 0.000000e+00 : f32
    %broadcast_in_dim3A_115 = vector.broadcast %broadcast_in_dim3A_114 : f32 to vector<16xf32>
    %add3A_116 = arith.constant 1.000000e+00 : f32
    %add3A_117 = vector.broadcast %add3A_116 : f32 to vector<16xf32>
    %add3A_118 = arith.addf %broadcast_in_dim3A_115, %add3A_117 : vector<16xf32>
    %swap3A_119 = arith.constant 208 : index
    %swap3A_120 = tpu.vector_load %arg6[%swap3A_119] {strides = array<i32>} : memref<640xf32, #tpu.memory_space<vmem>>, vector<16xf32>,
    %swap3A_121 = vector.shape_cast %swap3A_120 : vector<16xf32> to vector<16xf32>
    %swap3A_122 = vector.shape_cast %add3A_118 : vector<16xf32> to vector<16xf32>
    tpu.vector_store %arg6[%swap3A_119], %swap3A_122 {strides = array<i32>} : memref<640xf32, #tpu.memory_space<vmem>>, vector<16xf32>,
    %broadcast_in_dim3A_123 = arith.constant 0.000000e+00 : f32
    %broadcast_in_dim3A_124 = vector.broadcast %broadcast_in_dim3A_123 : f32 to vector<16xf32>
    %add3A_125 = arith.constant 1.000000e+00 : f32
    %add3A_126 = vector.broadcast %add3A_125 : f32 to vector<16xf32>
    %add3A_127 = arith.addf %broadcast_in_dim3A_124, %add3A_126 : vector<16xf32>
    %swap3A_128 = arith.constant 224 : index
    %swap3A_129 = tpu.vector_load %arg6[%swap3A_128] {strides = array<i32>} : memref<640xf32, #tpu.memory_space<vmem>>, vector<16xf32>,
    %swap3A_130 = vector.shape_cast %swap3A_129 : vector<16xf32> to vector<16xf32>
    %swap3A_131 = vector.shape_cast %add3A_127 : vector<16xf32> to vector<16xf32>
    tpu.vector_store %arg6[%swap3A_128], %swap3A_131 {strides = array<i32>} : memref<640xf32, #tpu.memory_space<vmem>>, vector<16xf32>,
    %broadcast_in_dim3A_132 = arith.constant 0.000000e+00 : f32
    %broadcast_in_dim3A_133 = vector.broadcast %broadcast_in_dim3A_132 : f32 to vector<16xf32>
    %add3A_134 = arith.constant 1.000000e+00 : f32
    %add3A_135 = vector.broadcast %add3A_134 : f32 to vector<16xf32>
    %add3A_136 = arith.addf %broadcast_in_dim3A_133, %add3A_135 : vector<16xf32>
    %swap3A_137 = arith.constant 240 : index
    %swap3A_138 = tpu.vector_load %arg6[%swap3A_137] {strides = array<i32>} : memref<640xf32, #tpu.memory_space<vmem>>, vector<16xf32>,
    %swap3A_139 = vector.shape_cast %swap3A_138 : vector<16xf32> to vector<16xf32>
    %swap3A_140 = vector.shape_cast %add3A_136 : vector<16xf32> to vector<16xf32>
    tpu.vector_store %arg6[%swap3A_137], %swap3A_140 {strides = array<i32>} : memref<640xf32, #tpu.memory_space<vmem>>, vector<16xf32>,
    %broadcast_in_dim3A_141 = arith.constant 0.000000e+00 : f32
    %broadcast_in_dim3A_142 = vector.broadcast %broadcast_in_dim3A_141 : f32 to vector<16xf32>
    %add3A_143 = arith.constant 1.000000e+00 : f32
    %add3A_144 = vector.broadcast %add3A_143 : f32 to vector<16xf32>
    %add3A_145 = arith.addf %broadcast_in_dim3A_142, %add3A_144 : vector<16xf32>
    %swap3A_146 = arith.constant 256 : index
    %swap3A_147 = tpu.vector_load %arg6[%swap3A_146] {strides = array<i32>} : memref<640xf32, #tpu.memory_space<vmem>>, vector<16xf32>,
    %swap3A_148 = vector.shape_cast %swap3A_147 : vector<16xf32> to vector<16xf32>
    %swap3A_149 = vector.shape_cast %add3A_145 : vector<16xf32> to vector<16xf32>
    tpu.vector_store %arg6[%swap3A_146], %swap3A_149 {strides = array<i32>} : memref<640xf32, #tpu.memory_space<vmem>>, vector<16xf32>,
    %broadcast_in_dim3A_150 = arith.constant 0.000000e+00 : f32
    %broadcast_in_dim3A_151 = vector.broadcast %broadcast_in_dim3A_150 : f32 to vector<16xf32>
    %add3A_152 = arith.constant 1.000000e+00 : f32
    %add3A_153 = vector.broadcast %add3A_152 : f32 to vector<16xf32>
    %add3A_154 = arith.addf %broadcast_in_dim3A_151, %add3A_153 : vector<16xf32>
    %swap3A_155 = arith.constant 272 : index
    %swap3A_156 = tpu.vector_load %arg6[%swap3A_155] {strides = array<i32>} : memref<640xf32, #tpu.memory_space<vmem>>, vector<16xf32>,
    %swap3A_157 = vector.shape_cast %swap3A_156 : vector<16xf32> to vector<16xf32>
    %swap3A_158 = vector.shape_cast %add3A_154 : vector<16xf32> to vector<16xf32>
    tpu.vector_store %arg6[%swap3A_155], %swap3A_158 {strides = array<i32>} : memref<640xf32, #tpu.memory_space<vmem>>, vector<16xf32>,
    %broadcast_in_dim3A_159 = arith.constant 0.000000e+00 : f32
    %broadcast_in_dim3A_160 = vector.broadcast %broadcast_in_dim3A_159 : f32 to vector<16xf32>
    %add3A_161 = arith.constant 1.000000e+00 : f32
    %add3A_162 = vector.broadcast %add3A_161 : f32 to vector<16xf32>
    %add3A_163 = arith.addf %broadcast_in_dim3A_160, %add3A_162 : vector<16xf32>
    %swap3A_164 = arith.constant 288 : index
    %swap3A_165 = tpu.vector_load %arg6[%swap3A_164] {strides = array<i32>} : memref<640xf32, #tpu.memory_space<vmem>>, vector<16xf32>,
    %swap3A_166 = vector.shape_cast %swap3A_165 : vector<16xf32> to vector<16xf32>
    %swap3A_167 = vector.shape_cast %add3A_163 : vector<16xf32> to vector<16xf32>
    tpu.vector_store %arg6[%swap3A_164], %swap3A_167 {strides = array<i32>} : memref<640xf32, #tpu.memory_space<vmem>>, vector<16xf32>,
    %broadcast_in_dim3A_168 = arith.constant 0.000000e+00 : f32
    %broadcast_in_dim3A_169 = vector.broadcast %broadcast_in_dim3A_168 : f32 to vector<16xf32>
    %add3A_170 = arith.constant 1.000000e+00 : f32
    %add3A_171 = vector.broadcast %add3A_170 : f32 to vector<16xf32>
    %add3A_172 = arith.addf %broadcast_in_dim3A_169, %add3A_171 : vector<16xf32>
    %swap3A_173 = arith.constant 304 : index
    %swap3A_174 = tpu.vector_load %arg6[%swap3A_173] {strides = array<i32>} : memref<640xf32, #tpu.memory_space<vmem>>, vector<16xf32>,
    %swap3A_175 = vector.shape_cast %swap3A_174 : vector<16xf32> to vector<16xf32>
    %swap3A_176 = vector.shape_cast %add3A_172 : vector<16xf32> to vector<16xf32>
    tpu.vector_store %arg6[%swap3A_173], %swap3A_176 {strides = array<i32>} : memref<640xf32, #tpu.memory_space<vmem>>, vector<16xf32>,
    %broadcast_in_dim3A_177 = arith.constant 0.000000e+00 : f32
    %broadcast_in_dim3A_178 = vector.broadcast %broadcast_in_dim3A_177 : f32 to vector<16xf32>
    %add3A_179 = arith.constant 1.000000e+00 : f32
    %add3A_180 = vector.broadcast %add3A_179 : f32 to vector<16xf32>
    %add3A_181 = arith.addf %broadcast_in_dim3A_178, %add3A_180 : vector<16xf32>
    %swap3A_182 = arith.constant 320 : index
    %swap3A_183 = tpu.vector_load %arg6[%swap3A_182] {strides = array<i32>} : memref<640xf32, #tpu.memory_space<vmem>>, vector<16xf32>,
    %swap3A_184 = vector.shape_cast %swap3A_183 : vector<16xf32> to vector<16xf32>
    %swap3A_185 = vector.shape_cast %add3A_181 : vector<16xf32> to vector<16xf32>
    tpu.vector_store %arg6[%swap3A_182], %swap3A_185 {strides = array<i32>} : memref<640xf32, #tpu.memory_space<vmem>>, vector<16xf32>,
    %broadcast_in_dim3A_186 = arith.constant 0.000000e+00 : f32
    %broadcast_in_dim3A_187 = vector.broadcast %broadcast_in_dim3A_186 : f32 to vector<16xf32>
    %add3A_188 = arith.constant 1.000000e+00 : f32
    %add3A_189 = vector.broadcast %add3A_188 : f32 to vector<16xf32>
    %add3A_190 = arith.addf %broadcast_in_dim3A_187, %add3A_189 : vector<16xf32>
    %swap3A_191 = arith.constant 336 : index
    %swap3A_192 = tpu.vector_load %arg6[%swap3A_191] {strides = array<i32>} : memref<640xf32, #tpu.memory_space<vmem>>, vector<16xf32>,
    %swap3A_193 = vector.shape_cast %swap3A_192 : vector<16xf32> to vector<16xf32>
    %swap3A_194 = vector.shape_cast %add3A_190 : vector<16xf32> to vector<16xf32>
    tpu.vector_store %arg6[%swap3A_191], %swap3A_194 {strides = array<i32>} : memref<640xf32, #tpu.memory_space<vmem>>, vector<16xf32>,
    %broadcast_in_dim3A_195 = arith.constant 0.000000e+00 : f32
    %broadcast_in_dim3A_196 = vector.broadcast %broadcast_in_dim3A_195 : f32 to vector<16xf32>
    %add3A_197 = arith.constant 1.000000e+00 : f32
    %add3A_198 = vector.broadcast %add3A_197 : f32 to vector<16xf32>
    %add3A_199 = arith.addf %broadcast_in_dim3A_196, %add3A_198 : vector<16xf32>
    %swap3A_200 = arith.constant 352 : index
    %swap3A_201 = tpu.vector_load %arg6[%swap3A_200] {strides = array<i32>} : memref<640xf32, #tpu.memory_space<vmem>>, vector<16xf32>,
    %swap3A_202 = vector.shape_cast %swap3A_201 : vector<16xf32> to vector<16xf32>
    %swap3A_203 = vector.shape_cast %add3A_199 : vector<16xf32> to vector<16xf32>
    tpu.vector_store %arg6[%swap3A_200], %swap3A_203 {strides = array<i32>} : memref<640xf32, #tpu.memory_space<vmem>>, vector<16xf32>,
    %broadcast_in_dim3A_204 = arith.constant 0.000000e+00 : f32
    %broadcast_in_dim3A_205 = vector.broadcast %broadcast_in_dim3A_204 : f32 to vector<16xf32>
    %add3A_206 = arith.constant 1.000000e+00 : f32
    %add3A_207 = vector.broadcast %add3A_206 : f32 to vector<16xf32>
    %add3A_208 = arith.addf %broadcast_in_dim3A_205, %add3A_207 : vector<16xf32>
    %swap3A_209 = arith.constant 368 : index
    %swap3A_210 = tpu.vector_load %arg6[%swap3A_209] {strides = array<i32>} : memref<640xf32, #tpu.memory_space<vmem>>, vector<16xf32>,
    %swap3A_211 = vector.shape_cast %swap3A_210 : vector<16xf32> to vector<16xf32>
    %swap3A_212 = vector.shape_cast %add3A_208 : vector<16xf32> to vector<16xf32>
    tpu.vector_store %arg6[%swap3A_209], %swap3A_212 {strides = array<i32>} : memref<640xf32, #tpu.memory_space<vmem>>, vector<16xf32>,
    %broadcast_in_dim3A_213 = arith.constant 0.000000e+00 : f32
    %broadcast_in_dim3A_214 = vector.broadcast %broadcast_in_dim3A_213 : f32 to vector<16xf32>
    %add3A_215 = arith.constant 1.000000e+00 : f32
    %add3A_216 = vector.broadcast %add3A_215 : f32 to vector<16xf32>
    %add3A_217 = arith.addf %broadcast_in_dim3A_214, %add3A_216 : vector<16xf32>
    %swap3A_218 = arith.constant 384 : index
    %swap3A_219 = tpu.vector_load %arg6[%swap3A_218] {strides = array<i32>} : memref<640xf32, #tpu.memory_space<vmem>>, vector<16xf32>,
    %swap3A_220 = vector.shape_cast %swap3A_219 : vector<16xf32> to vector<16xf32>
    %swap3A_221 = vector.shape_cast %add3A_217 : vector<16xf32> to vector<16xf32>
    tpu.vector_store %arg6[%swap3A_218], %swap3A_221 {strides = array<i32>} : memref<640xf32, #tpu.memory_space<vmem>>, vector<16xf32>,
    %broadcast_in_dim3A_222 = arith.constant 0.000000e+00 : f32
    %broadcast_in_dim3A_223 = vector.broadcast %broadcast_in_dim3A_222 : f32 to vector<16xf32>
    %add3A_224 = arith.constant 1.000000e+00 : f32
    %add3A_225 = vector.broadcast %add3A_224 : f32 to vector<16xf32>
    %add3A_226 = arith.addf %broadcast_in_dim3A_223, %add3A_225 : vector<16xf32>
    %swap3A_227 = arith.constant 400 : index
    %swap3A_228 = tpu.vector_load %arg6[%swap3A_227] {strides = array<i32>} : memref<640xf32, #tpu.memory_space<vmem>>, vector<16xf32>,
    %swap3A_229 = vector.shape_cast %swap3A_228 : vector<16xf32> to vector<16xf32>
    %swap3A_230 = vector.shape_cast %add3A_226 : vector<16xf32> to vector<16xf32>
    tpu.vector_store %arg6[%swap3A_227], %swap3A_230 {strides = array<i32>} : memref<640xf32, #tpu.memory_space<vmem>>, vector<16xf32>,
    %broadcast_in_dim3A_231 = arith.constant 0.000000e+00 : f32
    %broadcast_in_dim3A_232 = vector.broadcast %broadcast_in_dim3A_231 : f32 to vector<16xf32>
    %add3A_233 = arith.constant 1.000000e+00 : f32
    %add3A_234 = vector.broadcast %add3A_233 : f32 to vector<16xf32>
    %add3A_235 = arith.addf %broadcast_in_dim3A_232, %add3A_234 : vector<16xf32>
    %swap3A_236 = arith.constant 416 : index
    %swap3A_237 = tpu.vector_load %arg6[%swap3A_236] {strides = array<i32>} : memref<640xf32, #tpu.memory_space<vmem>>, vector<16xf32>,
    %swap3A_238 = vector.shape_cast %swap3A_237 : vector<16xf32> to vector<16xf32>
    %swap3A_239 = vector.shape_cast %add3A_235 : vector<16xf32> to vector<16xf32>
    tpu.vector_store %arg6[%swap3A_236], %swap3A_239 {strides = array<i32>} : memref<640xf32, #tpu.memory_space<vmem>>, vector<16xf32>,
    %broadcast_in_dim3A_240 = arith.constant 0.000000e+00 : f32
    %broadcast_in_dim3A_241 = vector.broadcast %broadcast_in_dim3A_240 : f32 to vector<16xf32>
    %add3A_242 = arith.constant 1.000000e+00 : f32
    %add3A_243 = vector.broadcast %add3A_242 : f32 to vector<16xf32>
    %add3A_244 = arith.addf %broadcast_in_dim3A_241, %add3A_243 : vector<16xf32>
    %swap3A_245 = arith.constant 432 : index
    %swap3A_246 = tpu.vector_load %arg6[%swap3A_245] {strides = array<i32>} : memref<640xf32, #tpu.memory_space<vmem>>, vector<16xf32>,
    %swap3A_247 = vector.shape_cast %swap3A_246 : vector<16xf32> to vector<16xf32>
    %swap3A_248 = vector.shape_cast %add3A_244 : vector<16xf32> to vector<16xf32>
    tpu.vector_store %arg6[%swap3A_245], %swap3A_248 {strides = array<i32>} : memref<640xf32, #tpu.memory_space<vmem>>, vector<16xf32>,
    %broadcast_in_dim3A_249 = arith.constant 0.000000e+00 : f32
    %broadcast_in_dim3A_250 = vector.broadcast %broadcast_in_dim3A_249 : f32 to vector<16xf32>
    %add3A_251 = arith.constant 1.000000e+00 : f32
    %add3A_252 = vector.broadcast %add3A_251 : f32 to vector<16xf32>
    %add3A_253 = arith.addf %broadcast_in_dim3A_250, %add3A_252 : vector<16xf32>
    %swap3A_254 = arith.constant 448 : index
    %swap3A_255 = tpu.vector_load %arg6[%swap3A_254] {strides = array<i32>} : memref<640xf32, #tpu.memory_space<vmem>>, vector<16xf32>,
    %swap3A_256 = vector.shape_cast %swap3A_255 : vector<16xf32> to vector<16xf32>
    %swap3A_257 = vector.shape_cast %add3A_253 : vector<16xf32> to vector<16xf32>
    tpu.vector_store %arg6[%swap3A_254], %swap3A_257 {strides = array<i32>} : memref<640xf32, #tpu.memory_space<vmem>>, vector<16xf32>,
    %broadcast_in_dim3A_258 = arith.constant 0.000000e+00 : f32
    %broadcast_in_dim3A_259 = vector.broadcast %broadcast_in_dim3A_258 : f32 to vector<16xf32>
    %add3A_260 = arith.constant 1.000000e+00 : f32
    %add3A_261 = vector.broadcast %add3A_260 : f32 to vector<16xf32>
    %add3A_262 = arith.addf %broadcast_in_dim3A_259, %add3A_261 : vector<16xf32>
    %swap3A_263 = arith.constant 464 : index
    %swap3A_264 = tpu.vector_load %arg6[%swap3A_263] {strides = array<i32>} : memref<640xf32, #tpu.memory_space<vmem>>, vector<16xf32>,
    %swap3A_265 = vector.shape_cast %swap3A_264 : vector<16xf32> to vector<16xf32>
    %swap3A_266 = vector.shape_cast %add3A_262 : vector<16xf32> to vector<16xf32>
    tpu.vector_store %arg6[%swap3A_263], %swap3A_266 {strides = array<i32>} : memref<640xf32, #tpu.memory_space<vmem>>, vector<16xf32>,
    %broadcast_in_dim3A_267 = arith.constant 0.000000e+00 : f32
    %broadcast_in_dim3A_268 = vector.broadcast %broadcast_in_dim3A_267 : f32 to vector<16xf32>
    %add3A_269 = arith.constant 1.000000e+00 : f32
    %add3A_270 = vector.broadcast %add3A_269 : f32 to vector<16xf32>
    %add3A_271 = arith.addf %broadcast_in_dim3A_268, %add3A_270 : vector<16xf32>
    %swap3A_272 = arith.constant 480 : index
    %swap3A_273 = tpu.vector_load %arg6[%swap3A_272] {strides = array<i32>} : memref<640xf32, #tpu.memory_space<vmem>>, vector<16xf32>,
    %swap3A_274 = vector.shape_cast %swap3A_273 : vector<16xf32> to vector<16xf32>
    %swap3A_275 = vector.shape_cast %add3A_271 : vector<16xf32> to vector<16xf32>
    tpu.vector_store %arg6[%swap3A_272], %swap3A_275 {strides = array<i32>} : memref<640xf32, #tpu.memory_space<vmem>>, vector<16xf32>,
    %broadcast_in_dim3A_276 = arith.constant 0.000000e+00 : f32
    %broadcast_in_dim3A_277 = vector.broadcast %broadcast_in_dim3A_276 : f32 to vector<16xf32>
    %add3A_278 = arith.constant 1.000000e+00 : f32
    %add3A_279 = vector.broadcast %add3A_278 : f32 to vector<16xf32>
    %add3A_280 = arith.addf %broadcast_in_dim3A_277, %add3A_279 : vector<16xf32>
    %swap3A_281 = arith.constant 496 : index
    %swap3A_282 = tpu.vector_load %arg6[%swap3A_281] {strides = array<i32>} : memref<640xf32, #tpu.memory_space<vmem>>, vector<16xf32>,
    %swap3A_283 = vector.shape_cast %swap3A_282 : vector<16xf32> to vector<16xf32>
    %swap3A_284 = vector.shape_cast %add3A_280 : vector<16xf32> to vector<16xf32>
    tpu.vector_store %arg6[%swap3A_281], %swap3A_284 {strides = array<i32>} : memref<640xf32, #tpu.memory_space<vmem>>, vector<16xf32>,
    %broadcast_in_dim3A_285 = arith.constant 0.000000e+00 : f32
    %broadcast_in_dim3A_286 = vector.broadcast %broadcast_in_dim3A_285 : f32 to vector<16xf32>
    %add3A_287 = arith.constant 1.000000e+00 : f32
    %add3A_288 = vector.broadcast %add3A_287 : f32 to vector<16xf32>
    %add3A_289 = arith.addf %broadcast_in_dim3A_286, %add3A_288 : vector<16xf32>
    %swap3A_290 = arith.constant 512 : index
    %swap3A_291 = tpu.vector_load %arg6[%swap3A_290] {strides = array<i32>} : memref<640xf32, #tpu.memory_space<vmem>>, vector<16xf32>,
    %swap3A_292 = vector.shape_cast %swap3A_291 : vector<16xf32> to vector<16xf32>
    %swap3A_293 = vector.shape_cast %add3A_289 : vector<16xf32> to vector<16xf32>
    tpu.vector_store %arg6[%swap3A_290], %swap3A_293 {strides = array<i32>} : memref<640xf32, #tpu.memory_space<vmem>>, vector<16xf32>,
    %broadcast_in_dim3A_294 = arith.constant 0.000000e+00 : f32
    %broadcast_in_dim3A_295 = vector.broadcast %broadcast_in_dim3A_294 : f32 to vector<16xf32>
    %add3A_296 = arith.constant 1.000000e+00 : f32
    %add3A_297 = vector.broadcast %add3A_296 : f32 to vector<16xf32>
    %add3A_298 = arith.addf %broadcast_in_dim3A_295, %add3A_297 : vector<16xf32>
    %swap3A_299 = arith.constant 528 : index
    %swap3A_300 = tpu.vector_load %arg6[%swap3A_299] {strides = array<i32>} : memref<640xf32, #tpu.memory_space<vmem>>, vector<16xf32>,
    %swap3A_301 = vector.shape_cast %swap3A_300 : vector<16xf32> to vector<16xf32>
    %swap3A_302 = vector.shape_cast %add3A_298 : vector<16xf32> to vector<16xf32>
    tpu.vector_store %arg6[%swap3A_299], %swap3A_302 {strides = array<i32>} : memref<640xf32, #tpu.memory_space<vmem>>, vector<16xf32>,
    %broadcast_in_dim3A_303 = arith.constant 0.000000e+00 : f32
    %broadcast_in_dim3A_304 = vector.broadcast %broadcast_in_dim3A_303 : f32 to vector<16xf32>
    %add3A_305 = arith.constant 1.000000e+00 : f32
    %add3A_306 = vector.broadcast %add3A_305 : f32 to vector<16xf32>
    %add3A_307 = arith.addf %broadcast_in_dim3A_304, %add3A_306 : vector<16xf32>
    %swap3A_308 = arith.constant 544 : index
    %swap3A_309 = tpu.vector_load %arg6[%swap3A_308] {strides = array<i32>} : memref<640xf32, #tpu.memory_space<vmem>>, vector<16xf32>,
    %swap3A_310 = vector.shape_cast %swap3A_309 : vector<16xf32> to vector<16xf32>
    %swap3A_311 = vector.shape_cast %add3A_307 : vector<16xf32> to vector<16xf32>
    tpu.vector_store %arg6[%swap3A_308], %swap3A_311 {strides = array<i32>} : memref<640xf32, #tpu.memory_space<vmem>>, vector<16xf32>,
    %broadcast_in_dim3A_312 = arith.constant 0.000000e+00 : f32
    %broadcast_in_dim3A_313 = vector.broadcast %broadcast_in_dim3A_312 : f32 to vector<16xf32>
    %add3A_314 = arith.constant 1.000000e+00 : f32
    %add3A_315 = vector.broadcast %add3A_314 : f32 to vector<16xf32>
    %add3A_316 = arith.addf %broadcast_in_dim3A_313, %add3A_315 : vector<16xf32>
    %swap3A_317 = arith.constant 560 : index
    %swap3A_318 = tpu.vector_load %arg6[%swap3A_317] {strides = array<i32>} : memref<640xf32, #tpu.memory_space<vmem>>, vector<16xf32>,
    %swap3A_319 = vector.shape_cast %swap3A_318 : vector<16xf32> to vector<16xf32>
    %swap3A_320 = vector.shape_cast %add3A_316 : vector<16xf32> to vector<16xf32>
    tpu.vector_store %arg6[%swap3A_317], %swap3A_320 {strides = array<i32>} : memref<640xf32, #tpu.memory_space<vmem>>, vector<16xf32>,
    %broadcast_in_dim3A_321 = arith.constant 0.000000e+00 : f32
    %broadcast_in_dim3A_322 = vector.broadcast %broadcast_in_dim3A_321 : f32 to vector<16xf32>
    %add3A_323 = arith.constant 1.000000e+00 : f32
    %add3A_324 = vector.broadcast %add3A_323 : f32 to vector<16xf32>
    %add3A_325 = arith.addf %broadcast_in_dim3A_322, %add3A_324 : vector<16xf32>
    %swap3A_326 = arith.constant 576 : index
    %swap3A_327 = tpu.vector_load %arg6[%swap3A_326] {strides = array<i32>} : memref<640xf32, #tpu.memory_space<vmem>>, vector<16xf32>,
    %swap3A_328 = vector.shape_cast %swap3A_327 : vector<16xf32> to vector<16xf32>
    %swap3A_329 = vector.shape_cast %add3A_325 : vector<16xf32> to vector<16xf32>
    tpu.vector_store %arg6[%swap3A_326], %swap3A_329 {strides = array<i32>} : memref<640xf32, #tpu.memory_space<vmem>>, vector<16xf32>,
    %broadcast_in_dim3A_330 = arith.constant 0.000000e+00 : f32
    %broadcast_in_dim3A_331 = vector.broadcast %broadcast_in_dim3A_330 : f32 to vector<16xf32>
    %add3A_332 = arith.constant 1.000000e+00 : f32
    %add3A_333 = vector.broadcast %add3A_332 : f32 to vector<16xf32>
    %add3A_334 = arith.addf %broadcast_in_dim3A_331, %add3A_333 : vector<16xf32>
    %swap3A_335 = arith.constant 592 : index
    %swap3A_336 = tpu.vector_load %arg6[%swap3A_335] {strides = array<i32>} : memref<640xf32, #tpu.memory_space<vmem>>, vector<16xf32>,
    %swap3A_337 = vector.shape_cast %swap3A_336 : vector<16xf32> to vector<16xf32>
    %swap3A_338 = vector.shape_cast %add3A_334 : vector<16xf32> to vector<16xf32>
    tpu.vector_store %arg6[%swap3A_335], %swap3A_338 {strides = array<i32>} : memref<640xf32, #tpu.memory_space<vmem>>, vector<16xf32>,
    %broadcast_in_dim3A_339 = arith.constant 0.000000e+00 : f32
    %broadcast_in_dim3A_340 = vector.broadcast %broadcast_in_dim3A_339 : f32 to vector<16xf32>
    %add3A_341 = arith.constant 1.000000e+00 : f32
    %add3A_342 = vector.broadcast %add3A_341 : f32 to vector<16xf32>
    %add3A_343 = arith.addf %broadcast_in_dim3A_340, %add3A_342 : vector<16xf32>
    %swap3A_344 = arith.constant 608 : index
    %swap3A_345 = tpu.vector_load %arg6[%swap3A_344] {strides = array<i32>} : memref<640xf32, #tpu.memory_space<vmem>>, vector<16xf32>,
    %swap3A_346 = vector.shape_cast %swap3A_345 : vector<16xf32> to vector<16xf32>
    %swap3A_347 = vector.shape_cast %add3A_343 : vector<16xf32> to vector<16xf32>
    tpu.vector_store %arg6[%swap3A_344], %swap3A_347 {strides = array<i32>} : memref<640xf32, #tpu.memory_space<vmem>>, vector<16xf32>,
    %broadcast_in_dim3A_348 = arith.constant 0.000000e+00 : f32
    %broadcast_in_dim3A_349 = vector.broadcast %broadcast_in_dim3A_348 : f32 to vector<16xf32>
    %add3A_350 = arith.constant 1.000000e+00 : f32
    %add3A_351 = vector.broadcast %add3A_350 : f32 to vector<16xf32>
    %add3A_352 = arith.addf %broadcast_in_dim3A_349, %add3A_351 : vector<16xf32>
    %swap3A_353 = arith.constant 624 : index
    %swap3A_354 = tpu.vector_load %arg6[%swap3A_353] {strides = array<i32>} : memref<640xf32, #tpu.memory_space<vmem>>, vector<16xf32>,
    %swap3A_355 = vector.shape_cast %swap3A_354 : vector<16xf32> to vector<16xf32>
    %swap3A_356 = vector.shape_cast %add3A_352 : vector<16xf32> to vector<16xf32>
    tpu.vector_store %arg6[%swap3A_353], %swap3A_356 {strides = array<i32>} : memref<640xf32, #tpu.memory_space<vmem>>, vector<16xf32>,
    %eq3A = arith.constant 0 : i32
    %eq3A_357 = arith.cmpi eq, %arg0, %eq3A : i32
    %jit3A = arith.constant 1.000000e+00 : f32
    %jit3A_358 = arith.constant 0.000000e+00 : f32
    %select_n3A = arith.select %eq3A_357, %jit3A, %jit3A_358 : f32
    %broadcast_in_dim3A_359 = arith.constant 0.000000e+00 : f32
    %broadcast_in_dim3A_360 = vector.broadcast %broadcast_in_dim3A_359 : f32 to vector<16xf32>
    %add3A_361 = vector.broadcast %select_n3A : f32 to vector<16xf32>
    %add3A_362 = arith.addf %broadcast_in_dim3A_360, %add3A_361 : vector<16xf32>
    %swap3A_363 = arith.constant 0 : index
    %swap3A_364 = tpu.vector_load %arg7[%swap3A_363] {strides = array<i32>} : memref<640xf32, #tpu.memory_space<vmem>>, vector<16xf32>,
    %swap3A_365 = vector.shape_cast %swap3A_364 : vector<16xf32> to vector<16xf32>
    %swap3A_366 = vector.shape_cast %add3A_362 : vector<16xf32> to vector<16xf32>
    tpu.vector_store %arg7[%swap3A_363], %swap3A_366 {strides = array<i32>} : memref<640xf32, #tpu.memory_space<vmem>>, vector<16xf32>,
    %broadcast_in_dim3A_367 = arith.constant 0.000000e+00 : f32
    %broadcast_in_dim3A_368 = vector.broadcast %broadcast_in_dim3A_367 : f32 to vector<16xf32>
    %add3A_369 = vector.broadcast %select_n3A : f32 to vector<16xf32>
    %add3A_370 = arith.addf %broadcast_in_dim3A_368, %add3A_369 : vector<16xf32>
    %swap3A_371 = arith.constant 16 : index
    %swap3A_372 = tpu.vector_load %arg7[%swap3A_371] {strides = array<i32>} : memref<640xf32, #tpu.memory_space<vmem>>, vector<16xf32>,
    %swap3A_373 = vector.shape_cast %swap3A_372 : vector<16xf32> to vector<16xf32>
    %swap3A_374 = vector.shape_cast %add3A_370 : vector<16xf32> to vector<16xf32>
    tpu.vector_store %arg7[%swap3A_371], %swap3A_374 {strides = array<i32>} : memref<640xf32, #tpu.memory_space<vmem>>, vector<16xf32>,
    %broadcast_in_dim3A_375 = arith.constant 0.000000e+00 : f32
    %broadcast_in_dim3A_376 = vector.broadcast %broadcast_in_dim3A_375 : f32 to vector<16xf32>
    %add3A_377 = vector.broadcast %select_n3A : f32 to vector<16xf32>
    %add3A_378 = arith.addf %broadcast_in_dim3A_376, %add3A_377 : vector<16xf32>
    %swap3A_379 = arith.constant 32 : index
    %swap3A_380 = tpu.vector_load %arg7[%swap3A_379] {strides = array<i32>} : memref<640xf32, #tpu.memory_space<vmem>>, vector<16xf32>,
    %swap3A_381 = vector.shape_cast %swap3A_380 : vector<16xf32> to vector<16xf32>
    %swap3A_382 = vector.shape_cast %add3A_378 : vector<16xf32> to vector<16xf32>
    tpu.vector_store %arg7[%swap3A_379], %swap3A_382 {strides = array<i32>} : memref<640xf32, #tpu.memory_space<vmem>>, vector<16xf32>,
    %broadcast_in_dim3A_383 = arith.constant 0.000000e+00 : f32
    %broadcast_in_dim3A_384 = vector.broadcast %broadcast_in_dim3A_383 : f32 to vector<16xf32>
    %add3A_385 = vector.broadcast %select_n3A : f32 to vector<16xf32>
    %add3A_386 = arith.addf %broadcast_in_dim3A_384, %add3A_385 : vector<16xf32>
    %swap3A_387 = arith.constant 48 : index
    %swap3A_388 = tpu.vector_load %arg7[%swap3A_387] {strides = array<i32>} : memref<640xf32, #tpu.memory_space<vmem>>, vector<16xf32>,
    %swap3A_389 = vector.shape_cast %swap3A_388 : vector<16xf32> to vector<16xf32>
    %swap3A_390 = vector.shape_cast %add3A_386 : vector<16xf32> to vector<16xf32>
    tpu.vector_store %arg7[%swap3A_387], %swap3A_390 {strides = array<i32>} : memref<640xf32, #tpu.memory_space<vmem>>, vector<16xf32>,
    %broadcast_in_dim3A_391 = arith.constant 0.000000e+00 : f32
    %broadcast_in_dim3A_392 = vector.broadcast %broadcast_in_dim3A_391 : f32 to vector<16xf32>
    %add3A_393 = vector.broadcast %select_n3A : f32 to vector<16xf32>
    %add3A_394 = arith.addf %broadcast_in_dim3A_392, %add3A_393 : vector<16xf32>
    %swap3A_395 = arith.constant 64 : index
    %swap3A_396 = tpu.vector_load %arg7[%swap3A_395] {strides = array<i32>} : memref<640xf32, #tpu.memory_space<vmem>>, vector<16xf32>,
    %swap3A_397 = vector.shape_cast %swap3A_396 : vector<16xf32> to vector<16xf32>
    %swap3A_398 = vector.shape_cast %add3A_394 : vector<16xf32> to vector<16xf32>
    tpu.vector_store %arg7[%swap3A_395], %swap3A_398 {strides = array<i32>} : memref<640xf32, #tpu.memory_space<vmem>>, vector<16xf32>,
    %broadcast_in_dim3A_399 = arith.constant 0.000000e+00 : f32
    %broadcast_in_dim3A_400 = vector.broadcast %broadcast_in_dim3A_399 : f32 to vector<16xf32>
    %add3A_401 = vector.broadcast %select_n3A : f32 to vector<16xf32>
    %add3A_402 = arith.addf %broadcast_in_dim3A_400, %add3A_401 : vector<16xf32>
    %swap3A_403 = arith.constant 80 : index
    %swap3A_404 = tpu.vector_load %arg7[%swap3A_403] {strides = array<i32>} : memref<640xf32, #tpu.memory_space<vmem>>, vector<16xf32>,
    %swap3A_405 = vector.shape_cast %swap3A_404 : vector<16xf32> to vector<16xf32>
    %swap3A_406 = vector.shape_cast %add3A_402 : vector<16xf32> to vector<16xf32>
    tpu.vector_store %arg7[%swap3A_403], %swap3A_406 {strides = array<i32>} : memref<640xf32, #tpu.memory_space<vmem>>, vector<16xf32>,
    %broadcast_in_dim3A_407 = arith.constant 0.000000e+00 : f32
    %broadcast_in_dim3A_408 = vector.broadcast %broadcast_in_dim3A_407 : f32 to vector<16xf32>
    %add3A_409 = vector.broadcast %select_n3A : f32 to vector<16xf32>
    %add3A_410 = arith.addf %broadcast_in_dim3A_408, %add3A_409 : vector<16xf32>
    %swap3A_411 = arith.constant 96 : index
    %swap3A_412 = tpu.vector_load %arg7[%swap3A_411] {strides = array<i32>} : memref<640xf32, #tpu.memory_space<vmem>>, vector<16xf32>,
    %swap3A_413 = vector.shape_cast %swap3A_412 : vector<16xf32> to vector<16xf32>
    %swap3A_414 = vector.shape_cast %add3A_410 : vector<16xf32> to vector<16xf32>
    tpu.vector_store %arg7[%swap3A_411], %swap3A_414 {strides = array<i32>} : memref<640xf32, #tpu.memory_space<vmem>>, vector<16xf32>,
    %broadcast_in_dim3A_415 = arith.constant 0.000000e+00 : f32
    %broadcast_in_dim3A_416 = vector.broadcast %broadcast_in_dim3A_415 : f32 to vector<16xf32>
    %add3A_417 = vector.broadcast %select_n3A : f32 to vector<16xf32>
    %add3A_418 = arith.addf %broadcast_in_dim3A_416, %add3A_417 : vector<16xf32>
    %swap3A_419 = arith.constant 112 : index
    %swap3A_420 = tpu.vector_load %arg7[%swap3A_419] {strides = array<i32>} : memref<640xf32, #tpu.memory_space<vmem>>, vector<16xf32>,
    %swap3A_421 = vector.shape_cast %swap3A_420 : vector<16xf32> to vector<16xf32>
    %swap3A_422 = vector.shape_cast %add3A_418 : vector<16xf32> to vector<16xf32>
    tpu.vector_store %arg7[%swap3A_419], %swap3A_422 {strides = array<i32>} : memref<640xf32, #tpu.memory_space<vmem>>, vector<16xf32>,
    %broadcast_in_dim3A_423 = arith.constant 0.000000e+00 : f32
    %broadcast_in_dim3A_424 = vector.broadcast %broadcast_in_dim3A_423 : f32 to vector<16xf32>
    %add3A_425 = vector.broadcast %select_n3A : f32 to vector<16xf32>
    %add3A_426 = arith.addf %broadcast_in_dim3A_424, %add3A_425 : vector<16xf32>
    %swap3A_427 = arith.constant 128 : index
    %swap3A_428 = tpu.vector_load %arg7[%swap3A_427] {strides = array<i32>} : memref<640xf32, #tpu.memory_space<vmem>>, vector<16xf32>,
    %swap3A_429 = vector.shape_cast %swap3A_428 : vector<16xf32> to vector<16xf32>
    %swap3A_430 = vector.shape_cast %add3A_426 : vector<16xf32> to vector<16xf32>
    tpu.vector_store %arg7[%swap3A_427], %swap3A_430 {strides = array<i32>} : memref<640xf32, #tpu.memory_space<vmem>>, vector<16xf32>,
    %broadcast_in_dim3A_431 = arith.constant 0.000000e+00 : f32
    %broadcast_in_dim3A_432 = vector.broadcast %broadcast_in_dim3A_431 : f32 to vector<16xf32>
    %add3A_433 = vector.broadcast %select_n3A : f32 to vector<16xf32>
    %add3A_434 = arith.addf %broadcast_in_dim3A_432, %add3A_433 : vector<16xf32>
    %swap3A_435 = arith.constant 144 : index
    %swap3A_436 = tpu.vector_load %arg7[%swap3A_435] {strides = array<i32>} : memref<640xf32, #tpu.memory_space<vmem>>, vector<16xf32>,
    %swap3A_437 = vector.shape_cast %swap3A_436 : vector<16xf32> to vector<16xf32>
    %swap3A_438 = vector.shape_cast %add3A_434 : vector<16xf32> to vector<16xf32>
    tpu.vector_store %arg7[%swap3A_435], %swap3A_438 {strides = array<i32>} : memref<640xf32, #tpu.memory_space<vmem>>, vector<16xf32>,
    %broadcast_in_dim3A_439 = arith.constant 0.000000e+00 : f32
    %broadcast_in_dim3A_440 = vector.broadcast %broadcast_in_dim3A_439 : f32 to vector<16xf32>
    %add3A_441 = vector.broadcast %select_n3A : f32 to vector<16xf32>
    %add3A_442 = arith.addf %broadcast_in_dim3A_440, %add3A_441 : vector<16xf32>
    %swap3A_443 = arith.constant 160 : index
    %swap3A_444 = tpu.vector_load %arg7[%swap3A_443] {strides = array<i32>} : memref<640xf32, #tpu.memory_space<vmem>>, vector<16xf32>,
    %swap3A_445 = vector.shape_cast %swap3A_444 : vector<16xf32> to vector<16xf32>
    %swap3A_446 = vector.shape_cast %add3A_442 : vector<16xf32> to vector<16xf32>
    tpu.vector_store %arg7[%swap3A_443], %swap3A_446 {strides = array<i32>} : memref<640xf32, #tpu.memory_space<vmem>>, vector<16xf32>,
    %broadcast_in_dim3A_447 = arith.constant 0.000000e+00 : f32
    %broadcast_in_dim3A_448 = vector.broadcast %broadcast_in_dim3A_447 : f32 to vector<16xf32>
    %add3A_449 = vector.broadcast %select_n3A : f32 to vector<16xf32>
    %add3A_450 = arith.addf %broadcast_in_dim3A_448, %add3A_449 : vector<16xf32>
    %swap3A_451 = arith.constant 176 : index
    %swap3A_452 = tpu.vector_load %arg7[%swap3A_451] {strides = array<i32>} : memref<640xf32, #tpu.memory_space<vmem>>, vector<16xf32>,
    %swap3A_453 = vector.shape_cast %swap3A_452 : vector<16xf32> to vector<16xf32>
    %swap3A_454 = vector.shape_cast %add3A_450 : vector<16xf32> to vector<16xf32>
    tpu.vector_store %arg7[%swap3A_451], %swap3A_454 {strides = array<i32>} : memref<640xf32, #tpu.memory_space<vmem>>, vector<16xf32>,
    %broadcast_in_dim3A_455 = arith.constant 0.000000e+00 : f32
    %broadcast_in_dim3A_456 = vector.broadcast %broadcast_in_dim3A_455 : f32 to vector<16xf32>
    %add3A_457 = vector.broadcast %select_n3A : f32 to vector<16xf32>
    %add3A_458 = arith.addf %broadcast_in_dim3A_456, %add3A_457 : vector<16xf32>
    %swap3A_459 = arith.constant 192 : index
    %swap3A_460 = tpu.vector_load %arg7[%swap3A_459] {strides = array<i32>} : memref<640xf32, #tpu.memory_space<vmem>>, vector<16xf32>,
    %swap3A_461 = vector.shape_cast %swap3A_460 : vector<16xf32> to vector<16xf32>
    %swap3A_462 = vector.shape_cast %add3A_458 : vector<16xf32> to vector<16xf32>
    tpu.vector_store %arg7[%swap3A_459], %swap3A_462 {strides = array<i32>} : memref<640xf32, #tpu.memory_space<vmem>>, vector<16xf32>,
    %broadcast_in_dim3A_463 = arith.constant 0.000000e+00 : f32
    %broadcast_in_dim3A_464 = vector.broadcast %broadcast_in_dim3A_463 : f32 to vector<16xf32>
    %add3A_465 = vector.broadcast %select_n3A : f32 to vector<16xf32>
    %add3A_466 = arith.addf %broadcast_in_dim3A_464, %add3A_465 : vector<16xf32>
    %swap3A_467 = arith.constant 208 : index
    %swap3A_468 = tpu.vector_load %arg7[%swap3A_467] {strides = array<i32>} : memref<640xf32, #tpu.memory_space<vmem>>, vector<16xf32>,
    %swap3A_469 = vector.shape_cast %swap3A_468 : vector<16xf32> to vector<16xf32>
    %swap3A_470 = vector.shape_cast %add3A_466 : vector<16xf32> to vector<16xf32>
    tpu.vector_store %arg7[%swap3A_467], %swap3A_470 {strides = array<i32>} : memref<640xf32, #tpu.memory_space<vmem>>, vector<16xf32>,
    %broadcast_in_dim3A_471 = arith.constant 0.000000e+00 : f32
    %broadcast_in_dim3A_472 = vector.broadcast %broadcast_in_dim3A_471 : f32 to vector<16xf32>
    %add3A_473 = vector.broadcast %select_n3A : f32 to vector<16xf32>
    %add3A_474 = arith.addf %broadcast_in_dim3A_472, %add3A_473 : vector<16xf32>
    %swap3A_475 = arith.constant 224 : index
    %swap3A_476 = tpu.vector_load %arg7[%swap3A_475] {strides = array<i32>} : memref<640xf32, #tpu.memory_space<vmem>>, vector<16xf32>,
    %swap3A_477 = vector.shape_cast %swap3A_476 : vector<16xf32> to vector<16xf32>
    %swap3A_478 = vector.shape_cast %add3A_474 : vector<16xf32> to vector<16xf32>
    tpu.vector_store %arg7[%swap3A_475], %swap3A_478 {strides = array<i32>} : memref<640xf32, #tpu.memory_space<vmem>>, vector<16xf32>,
    %broadcast_in_dim3A_479 = arith.constant 0.000000e+00 : f32
    %broadcast_in_dim3A_480 = vector.broadcast %broadcast_in_dim3A_479 : f32 to vector<16xf32>
    %add3A_481 = vector.broadcast %select_n3A : f32 to vector<16xf32>
    %add3A_482 = arith.addf %broadcast_in_dim3A_480, %add3A_481 : vector<16xf32>
    %swap3A_483 = arith.constant 240 : index
    %swap3A_484 = tpu.vector_load %arg7[%swap3A_483] {strides = array<i32>} : memref<640xf32, #tpu.memory_space<vmem>>, vector<16xf32>,
    %swap3A_485 = vector.shape_cast %swap3A_484 : vector<16xf32> to vector<16xf32>
    %swap3A_486 = vector.shape_cast %add3A_482 : vector<16xf32> to vector<16xf32>
    tpu.vector_store %arg7[%swap3A_483], %swap3A_486 {strides = array<i32>} : memref<640xf32, #tpu.memory_space<vmem>>, vector<16xf32>,
    %broadcast_in_dim3A_487 = arith.constant 0.000000e+00 : f32
    %broadcast_in_dim3A_488 = vector.broadcast %broadcast_in_dim3A_487 : f32 to vector<16xf32>
    %add3A_489 = vector.broadcast %select_n3A : f32 to vector<16xf32>
    %add3A_490 = arith.addf %broadcast_in_dim3A_488, %add3A_489 : vector<16xf32>
    %swap3A_491 = arith.constant 256 : index
    %swap3A_492 = tpu.vector_load %arg7[%swap3A_491] {strides = array<i32>} : memref<640xf32, #tpu.memory_space<vmem>>, vector<16xf32>,
    %swap3A_493 = vector.shape_cast %swap3A_492 : vector<16xf32> to vector<16xf32>
    %swap3A_494 = vector.shape_cast %add3A_490 : vector<16xf32> to vector<16xf32>
    tpu.vector_store %arg7[%swap3A_491], %swap3A_494 {strides = array<i32>} : memref<640xf32, #tpu.memory_space<vmem>>, vector<16xf32>,
    %broadcast_in_dim3A_495 = arith.constant 0.000000e+00 : f32
    %broadcast_in_dim3A_496 = vector.broadcast %broadcast_in_dim3A_495 : f32 to vector<16xf32>
    %add3A_497 = vector.broadcast %select_n3A : f32 to vector<16xf32>
    %add3A_498 = arith.addf %broadcast_in_dim3A_496, %add3A_497 : vector<16xf32>
    %swap3A_499 = arith.constant 272 : index
    %swap3A_500 = tpu.vector_load %arg7[%swap3A_499] {strides = array<i32>} : memref<640xf32, #tpu.memory_space<vmem>>, vector<16xf32>,
    %swap3A_501 = vector.shape_cast %swap3A_500 : vector<16xf32> to vector<16xf32>
    %swap3A_502 = vector.shape_cast %add3A_498 : vector<16xf32> to vector<16xf32>
    tpu.vector_store %arg7[%swap3A_499], %swap3A_502 {strides = array<i32>} : memref<640xf32, #tpu.memory_space<vmem>>, vector<16xf32>,
    %broadcast_in_dim3A_503 = arith.constant 0.000000e+00 : f32
    %broadcast_in_dim3A_504 = vector.broadcast %broadcast_in_dim3A_503 : f32 to vector<16xf32>
    %add3A_505 = vector.broadcast %select_n3A : f32 to vector<16xf32>
    %add3A_506 = arith.addf %broadcast_in_dim3A_504, %add3A_505 : vector<16xf32>
    %swap3A_507 = arith.constant 288 : index
    %swap3A_508 = tpu.vector_load %arg7[%swap3A_507] {strides = array<i32>} : memref<640xf32, #tpu.memory_space<vmem>>, vector<16xf32>,
    %swap3A_509 = vector.shape_cast %swap3A_508 : vector<16xf32> to vector<16xf32>
    %swap3A_510 = vector.shape_cast %add3A_506 : vector<16xf32> to vector<16xf32>
    tpu.vector_store %arg7[%swap3A_507], %swap3A_510 {strides = array<i32>} : memref<640xf32, #tpu.memory_space<vmem>>, vector<16xf32>,
    %broadcast_in_dim3A_511 = arith.constant 0.000000e+00 : f32
    %broadcast_in_dim3A_512 = vector.broadcast %broadcast_in_dim3A_511 : f32 to vector<16xf32>
    %add3A_513 = vector.broadcast %select_n3A : f32 to vector<16xf32>
    %add3A_514 = arith.addf %broadcast_in_dim3A_512, %add3A_513 : vector<16xf32>
    %swap3A_515 = arith.constant 304 : index
    %swap3A_516 = tpu.vector_load %arg7[%swap3A_515] {strides = array<i32>} : memref<640xf32, #tpu.memory_space<vmem>>, vector<16xf32>,
    %swap3A_517 = vector.shape_cast %swap3A_516 : vector<16xf32> to vector<16xf32>
    %swap3A_518 = vector.shape_cast %add3A_514 : vector<16xf32> to vector<16xf32>
    tpu.vector_store %arg7[%swap3A_515], %swap3A_518 {strides = array<i32>} : memref<640xf32, #tpu.memory_space<vmem>>, vector<16xf32>,
    %broadcast_in_dim3A_519 = arith.constant 0.000000e+00 : f32
    %broadcast_in_dim3A_520 = vector.broadcast %broadcast_in_dim3A_519 : f32 to vector<16xf32>
    %add3A_521 = vector.broadcast %select_n3A : f32 to vector<16xf32>
    %add3A_522 = arith.addf %broadcast_in_dim3A_520, %add3A_521 : vector<16xf32>
    %swap3A_523 = arith.constant 320 : index
    %swap3A_524 = tpu.vector_load %arg7[%swap3A_523] {strides = array<i32>} : memref<640xf32, #tpu.memory_space<vmem>>, vector<16xf32>,
    %swap3A_525 = vector.shape_cast %swap3A_524 : vector<16xf32> to vector<16xf32>
    %swap3A_526 = vector.shape_cast %add3A_522 : vector<16xf32> to vector<16xf32>
    tpu.vector_store %arg7[%swap3A_523], %swap3A_526 {strides = array<i32>} : memref<640xf32, #tpu.memory_space<vmem>>, vector<16xf32>,
    %broadcast_in_dim3A_527 = arith.constant 0.000000e+00 : f32
    %broadcast_in_dim3A_528 = vector.broadcast %broadcast_in_dim3A_527 : f32 to vector<16xf32>
    %add3A_529 = vector.broadcast %select_n3A : f32 to vector<16xf32>
    %add3A_530 = arith.addf %broadcast_in_dim3A_528, %add3A_529 : vector<16xf32>
    %swap3A_531 = arith.constant 336 : index
    %swap3A_532 = tpu.vector_load %arg7[%swap3A_531] {strides = array<i32>} : memref<640xf32, #tpu.memory_space<vmem>>, vector<16xf32>,
    %swap3A_533 = vector.shape_cast %swap3A_532 : vector<16xf32> to vector<16xf32>
    %swap3A_534 = vector.shape_cast %add3A_530 : vector<16xf32> to vector<16xf32>
    tpu.vector_store %arg7[%swap3A_531], %swap3A_534 {strides = array<i32>} : memref<640xf32, #tpu.memory_space<vmem>>, vector<16xf32>,
    %broadcast_in_dim3A_535 = arith.constant 0.000000e+00 : f32
    %broadcast_in_dim3A_536 = vector.broadcast %broadcast_in_dim3A_535 : f32 to vector<16xf32>
    %add3A_537 = vector.broadcast %select_n3A : f32 to vector<16xf32>
    %add3A_538 = arith.addf %broadcast_in_dim3A_536, %add3A_537 : vector<16xf32>
    %swap3A_539 = arith.constant 352 : index
    %swap3A_540 = tpu.vector_load %arg7[%swap3A_539] {strides = array<i32>} : memref<640xf32, #tpu.memory_space<vmem>>, vector<16xf32>,
    %swap3A_541 = vector.shape_cast %swap3A_540 : vector<16xf32> to vector<16xf32>
    %swap3A_542 = vector.shape_cast %add3A_538 : vector<16xf32> to vector<16xf32>
    tpu.vector_store %arg7[%swap3A_539], %swap3A_542 {strides = array<i32>} : memref<640xf32, #tpu.memory_space<vmem>>, vector<16xf32>,
    %broadcast_in_dim3A_543 = arith.constant 0.000000e+00 : f32
    %broadcast_in_dim3A_544 = vector.broadcast %broadcast_in_dim3A_543 : f32 to vector<16xf32>
    %add3A_545 = vector.broadcast %select_n3A : f32 to vector<16xf32>
    %add3A_546 = arith.addf %broadcast_in_dim3A_544, %add3A_545 : vector<16xf32>
    %swap3A_547 = arith.constant 368 : index
    %swap3A_548 = tpu.vector_load %arg7[%swap3A_547] {strides = array<i32>} : memref<640xf32, #tpu.memory_space<vmem>>, vector<16xf32>,
    %swap3A_549 = vector.shape_cast %swap3A_548 : vector<16xf32> to vector<16xf32>
    %swap3A_550 = vector.shape_cast %add3A_546 : vector<16xf32> to vector<16xf32>
    tpu.vector_store %arg7[%swap3A_547], %swap3A_550 {strides = array<i32>} : memref<640xf32, #tpu.memory_space<vmem>>, vector<16xf32>,
    %broadcast_in_dim3A_551 = arith.constant 0.000000e+00 : f32
    %broadcast_in_dim3A_552 = vector.broadcast %broadcast_in_dim3A_551 : f32 to vector<16xf32>
    %add3A_553 = vector.broadcast %select_n3A : f32 to vector<16xf32>
    %add3A_554 = arith.addf %broadcast_in_dim3A_552, %add3A_553 : vector<16xf32>
    %swap3A_555 = arith.constant 384 : index
    %swap3A_556 = tpu.vector_load %arg7[%swap3A_555] {strides = array<i32>} : memref<640xf32, #tpu.memory_space<vmem>>, vector<16xf32>,
    %swap3A_557 = vector.shape_cast %swap3A_556 : vector<16xf32> to vector<16xf32>
    %swap3A_558 = vector.shape_cast %add3A_554 : vector<16xf32> to vector<16xf32>
    tpu.vector_store %arg7[%swap3A_555], %swap3A_558 {strides = array<i32>} : memref<640xf32, #tpu.memory_space<vmem>>, vector<16xf32>,
    %broadcast_in_dim3A_559 = arith.constant 0.000000e+00 : f32
    %broadcast_in_dim3A_560 = vector.broadcast %broadcast_in_dim3A_559 : f32 to vector<16xf32>
    %add3A_561 = vector.broadcast %select_n3A : f32 to vector<16xf32>
    %add3A_562 = arith.addf %broadcast_in_dim3A_560, %add3A_561 : vector<16xf32>
    %swap3A_563 = arith.constant 400 : index
    %swap3A_564 = tpu.vector_load %arg7[%swap3A_563] {strides = array<i32>} : memref<640xf32, #tpu.memory_space<vmem>>, vector<16xf32>,
    %swap3A_565 = vector.shape_cast %swap3A_564 : vector<16xf32> to vector<16xf32>
    %swap3A_566 = vector.shape_cast %add3A_562 : vector<16xf32> to vector<16xf32>
    tpu.vector_store %arg7[%swap3A_563], %swap3A_566 {strides = array<i32>} : memref<640xf32, #tpu.memory_space<vmem>>, vector<16xf32>,
    %broadcast_in_dim3A_567 = arith.constant 0.000000e+00 : f32
    %broadcast_in_dim3A_568 = vector.broadcast %broadcast_in_dim3A_567 : f32 to vector<16xf32>
    %add3A_569 = vector.broadcast %select_n3A : f32 to vector<16xf32>
    %add3A_570 = arith.addf %broadcast_in_dim3A_568, %add3A_569 : vector<16xf32>
    %swap3A_571 = arith.constant 416 : index
    %swap3A_572 = tpu.vector_load %arg7[%swap3A_571] {strides = array<i32>} : memref<640xf32, #tpu.memory_space<vmem>>, vector<16xf32>,
    %swap3A_573 = vector.shape_cast %swap3A_572 : vector<16xf32> to vector<16xf32>
    %swap3A_574 = vector.shape_cast %add3A_570 : vector<16xf32> to vector<16xf32>
    tpu.vector_store %arg7[%swap3A_571], %swap3A_574 {strides = array<i32>} : memref<640xf32, #tpu.memory_space<vmem>>, vector<16xf32>,
    %broadcast_in_dim3A_575 = arith.constant 0.000000e+00 : f32
    %broadcast_in_dim3A_576 = vector.broadcast %broadcast_in_dim3A_575 : f32 to vector<16xf32>
    %add3A_577 = vector.broadcast %select_n3A : f32 to vector<16xf32>
    %add3A_578 = arith.addf %broadcast_in_dim3A_576, %add3A_577 : vector<16xf32>
    %swap3A_579 = arith.constant 432 : index
    %swap3A_580 = tpu.vector_load %arg7[%swap3A_579] {strides = array<i32>} : memref<640xf32, #tpu.memory_space<vmem>>, vector<16xf32>,
    %swap3A_581 = vector.shape_cast %swap3A_580 : vector<16xf32> to vector<16xf32>
    %swap3A_582 = vector.shape_cast %add3A_578 : vector<16xf32> to vector<16xf32>
    tpu.vector_store %arg7[%swap3A_579], %swap3A_582 {strides = array<i32>} : memref<640xf32, #tpu.memory_space<vmem>>, vector<16xf32>,
    %broadcast_in_dim3A_583 = arith.constant 0.000000e+00 : f32
    %broadcast_in_dim3A_584 = vector.broadcast %broadcast_in_dim3A_583 : f32 to vector<16xf32>
    %add3A_585 = vector.broadcast %select_n3A : f32 to vector<16xf32>
    %add3A_586 = arith.addf %broadcast_in_dim3A_584, %add3A_585 : vector<16xf32>
    %swap3A_587 = arith.constant 448 : index
    %swap3A_588 = tpu.vector_load %arg7[%swap3A_587] {strides = array<i32>} : memref<640xf32, #tpu.memory_space<vmem>>, vector<16xf32>,
    %swap3A_589 = vector.shape_cast %swap3A_588 : vector<16xf32> to vector<16xf32>
    %swap3A_590 = vector.shape_cast %add3A_586 : vector<16xf32> to vector<16xf32>
    tpu.vector_store %arg7[%swap3A_587], %swap3A_590 {strides = array<i32>} : memref<640xf32, #tpu.memory_space<vmem>>, vector<16xf32>,
    %broadcast_in_dim3A_591 = arith.constant 0.000000e+00 : f32
    %broadcast_in_dim3A_592 = vector.broadcast %broadcast_in_dim3A_591 : f32 to vector<16xf32>
    %add3A_593 = vector.broadcast %select_n3A : f32 to vector<16xf32>
    %add3A_594 = arith.addf %broadcast_in_dim3A_592, %add3A_593 : vector<16xf32>
    %swap3A_595 = arith.constant 464 : index
    %swap3A_596 = tpu.vector_load %arg7[%swap3A_595] {strides = array<i32>} : memref<640xf32, #tpu.memory_space<vmem>>, vector<16xf32>,
    %swap3A_597 = vector.shape_cast %swap3A_596 : vector<16xf32> to vector<16xf32>
    %swap3A_598 = vector.shape_cast %add3A_594 : vector<16xf32> to vector<16xf32>
    tpu.vector_store %arg7[%swap3A_595], %swap3A_598 {strides = array<i32>} : memref<640xf32, #tpu.memory_space<vmem>>, vector<16xf32>,
    %broadcast_in_dim3A_599 = arith.constant 0.000000e+00 : f32
    %broadcast_in_dim3A_600 = vector.broadcast %broadcast_in_dim3A_599 : f32 to vector<16xf32>
    %add3A_601 = vector.broadcast %select_n3A : f32 to vector<16xf32>
    %add3A_602 = arith.addf %broadcast_in_dim3A_600, %add3A_601 : vector<16xf32>
    %swap3A_603 = arith.constant 480 : index
    %swap3A_604 = tpu.vector_load %arg7[%swap3A_603] {strides = array<i32>} : memref<640xf32, #tpu.memory_space<vmem>>, vector<16xf32>,
    %swap3A_605 = vector.shape_cast %swap3A_604 : vector<16xf32> to vector<16xf32>
    %swap3A_606 = vector.shape_cast %add3A_602 : vector<16xf32> to vector<16xf32>
    tpu.vector_store %arg7[%swap3A_603], %swap3A_606 {strides = array<i32>} : memref<640xf32, #tpu.memory_space<vmem>>, vector<16xf32>,
    %broadcast_in_dim3A_607 = arith.constant 0.000000e+00 : f32
    %broadcast_in_dim3A_608 = vector.broadcast %broadcast_in_dim3A_607 : f32 to vector<16xf32>
    %add3A_609 = vector.broadcast %select_n3A : f32 to vector<16xf32>
    %add3A_610 = arith.addf %broadcast_in_dim3A_608, %add3A_609 : vector<16xf32>
    %swap3A_611 = arith.constant 496 : index
    %swap3A_612 = tpu.vector_load %arg7[%swap3A_611] {strides = array<i32>} : memref<640xf32, #tpu.memory_space<vmem>>, vector<16xf32>,
    %swap3A_613 = vector.shape_cast %swap3A_612 : vector<16xf32> to vector<16xf32>
    %swap3A_614 = vector.shape_cast %add3A_610 : vector<16xf32> to vector<16xf32>
    tpu.vector_store %arg7[%swap3A_611], %swap3A_614 {strides = array<i32>} : memref<640xf32, #tpu.memory_space<vmem>>, vector<16xf32>,
    %broadcast_in_dim3A_615 = arith.constant 0.000000e+00 : f32
    %broadcast_in_dim3A_616 = vector.broadcast %broadcast_in_dim3A_615 : f32 to vector<16xf32>
    %add3A_617 = vector.broadcast %select_n3A : f32 to vector<16xf32>
    %add3A_618 = arith.addf %broadcast_in_dim3A_616, %add3A_617 : vector<16xf32>
    %swap3A_619 = arith.constant 512 : index
    %swap3A_620 = tpu.vector_load %arg7[%swap3A_619] {strides = array<i32>} : memref<640xf32, #tpu.memory_space<vmem>>, vector<16xf32>,
    %swap3A_621 = vector.shape_cast %swap3A_620 : vector<16xf32> to vector<16xf32>
    %swap3A_622 = vector.shape_cast %add3A_618 : vector<16xf32> to vector<16xf32>
    tpu.vector_store %arg7[%swap3A_619], %swap3A_622 {strides = array<i32>} : memref<640xf32, #tpu.memory_space<vmem>>, vector<16xf32>,
    %broadcast_in_dim3A_623 = arith.constant 0.000000e+00 : f32
    %broadcast_in_dim3A_624 = vector.broadcast %broadcast_in_dim3A_623 : f32 to vector<16xf32>
    %add3A_625 = vector.broadcast %select_n3A : f32 to vector<16xf32>
    %add3A_626 = arith.addf %broadcast_in_dim3A_624, %add3A_625 : vector<16xf32>
    %swap3A_627 = arith.constant 528 : index
    %swap3A_628 = tpu.vector_load %arg7[%swap3A_627] {strides = array<i32>} : memref<640xf32, #tpu.memory_space<vmem>>, vector<16xf32>,
    %swap3A_629 = vector.shape_cast %swap3A_628 : vector<16xf32> to vector<16xf32>
    %swap3A_630 = vector.shape_cast %add3A_626 : vector<16xf32> to vector<16xf32>
    tpu.vector_store %arg7[%swap3A_627], %swap3A_630 {strides = array<i32>} : memref<640xf32, #tpu.memory_space<vmem>>, vector<16xf32>,
    %broadcast_in_dim3A_631 = arith.constant 0.000000e+00 : f32
    %broadcast_in_dim3A_632 = vector.broadcast %broadcast_in_dim3A_631 : f32 to vector<16xf32>
    %add3A_633 = vector.broadcast %select_n3A : f32 to vector<16xf32>
    %add3A_634 = arith.addf %broadcast_in_dim3A_632, %add3A_633 : vector<16xf32>
    %swap3A_635 = arith.constant 544 : index
    %swap3A_636 = tpu.vector_load %arg7[%swap3A_635] {strides = array<i32>} : memref<640xf32, #tpu.memory_space<vmem>>, vector<16xf32>,
    %swap3A_637 = vector.shape_cast %swap3A_636 : vector<16xf32> to vector<16xf32>
    %swap3A_638 = vector.shape_cast %add3A_634 : vector<16xf32> to vector<16xf32>
    tpu.vector_store %arg7[%swap3A_635], %swap3A_638 {strides = array<i32>} : memref<640xf32, #tpu.memory_space<vmem>>, vector<16xf32>,
    %broadcast_in_dim3A_639 = arith.constant 0.000000e+00 : f32
    %broadcast_in_dim3A_640 = vector.broadcast %broadcast_in_dim3A_639 : f32 to vector<16xf32>
    %add3A_641 = vector.broadcast %select_n3A : f32 to vector<16xf32>
    %add3A_642 = arith.addf %broadcast_in_dim3A_640, %add3A_641 : vector<16xf32>
    %swap3A_643 = arith.constant 560 : index
    %swap3A_644 = tpu.vector_load %arg7[%swap3A_643] {strides = array<i32>} : memref<640xf32, #tpu.memory_space<vmem>>, vector<16xf32>,
    %swap3A_645 = vector.shape_cast %swap3A_644 : vector<16xf32> to vector<16xf32>
    %swap3A_646 = vector.shape_cast %add3A_642 : vector<16xf32> to vector<16xf32>
    tpu.vector_store %arg7[%swap3A_643], %swap3A_646 {strides = array<i32>} : memref<640xf32, #tpu.memory_space<vmem>>, vector<16xf32>,
    %broadcast_in_dim3A_647 = arith.constant 0.000000e+00 : f32
    %broadcast_in_dim3A_648 = vector.broadcast %broadcast_in_dim3A_647 : f32 to vector<16xf32>
    %add3A_649 = vector.broadcast %select_n3A : f32 to vector<16xf32>
    %add3A_650 = arith.addf %broadcast_in_dim3A_648, %add3A_649 : vector<16xf32>
    %swap3A_651 = arith.constant 576 : index
    %swap3A_652 = tpu.vector_load %arg7[%swap3A_651] {strides = array<i32>} : memref<640xf32, #tpu.memory_space<vmem>>, vector<16xf32>,
    %swap3A_653 = vector.shape_cast %swap3A_652 : vector<16xf32> to vector<16xf32>
    %swap3A_654 = vector.shape_cast %add3A_650 : vector<16xf32> to vector<16xf32>
    tpu.vector_store %arg7[%swap3A_651], %swap3A_654 {strides = array<i32>} : memref<640xf32, #tpu.memory_space<vmem>>, vector<16xf32>,
    %broadcast_in_dim3A_655 = arith.constant 0.000000e+00 : f32
    %broadcast_in_dim3A_656 = vector.broadcast %broadcast_in_dim3A_655 : f32 to vector<16xf32>
    %add3A_657 = vector.broadcast %select_n3A : f32 to vector<16xf32>
    %add3A_658 = arith.addf %broadcast_in_dim3A_656, %add3A_657 : vector<16xf32>
    %swap3A_659 = arith.constant 592 : index
    %swap3A_660 = tpu.vector_load %arg7[%swap3A_659] {strides = array<i32>} : memref<640xf32, #tpu.memory_space<vmem>>, vector<16xf32>,
    %swap3A_661 = vector.shape_cast %swap3A_660 : vector<16xf32> to vector<16xf32>
    %swap3A_662 = vector.shape_cast %add3A_658 : vector<16xf32> to vector<16xf32>
    tpu.vector_store %arg7[%swap3A_659], %swap3A_662 {strides = array<i32>} : memref<640xf32, #tpu.memory_space<vmem>>, vector<16xf32>,
    %broadcast_in_dim3A_663 = arith.constant 0.000000e+00 : f32
    %broadcast_in_dim3A_664 = vector.broadcast %broadcast_in_dim3A_663 : f32 to vector<16xf32>
    %add3A_665 = vector.broadcast %select_n3A : f32 to vector<16xf32>
    %add3A_666 = arith.addf %broadcast_in_dim3A_664, %add3A_665 : vector<16xf32>
    %swap3A_667 = arith.constant 608 : index
    %swap3A_668 = tpu.vector_load %arg7[%swap3A_667] {strides = array<i32>} : memref<640xf32, #tpu.memory_space<vmem>>, vector<16xf32>,
    %swap3A_669 = vector.shape_cast %swap3A_668 : vector<16xf32> to vector<16xf32>
    %swap3A_670 = vector.shape_cast %add3A_666 : vector<16xf32> to vector<16xf32>
    tpu.vector_store %arg7[%swap3A_667], %swap3A_670 {strides = array<i32>} : memref<640xf32, #tpu.memory_space<vmem>>, vector<16xf32>,
    %broadcast_in_dim3A_671 = arith.constant 0.000000e+00 : f32
    %broadcast_in_dim3A_672 = vector.broadcast %broadcast_in_dim3A_671 : f32 to vector<16xf32>
    %add3A_673 = vector.broadcast %select_n3A : f32 to vector<16xf32>
    %add3A_674 = arith.addf %broadcast_in_dim3A_672, %add3A_673 : vector<16xf32>
    %swap3A_675 = arith.constant 624 : index
    %swap3A_676 = tpu.vector_load %arg7[%swap3A_675] {strides = array<i32>} : memref<640xf32, #tpu.memory_space<vmem>>, vector<16xf32>,
    %swap3A_677 = vector.shape_cast %swap3A_676 : vector<16xf32> to vector<16xf32>
    %swap3A_678 = vector.shape_cast %add3A_674 : vector<16xf32> to vector<16xf32>
    tpu.vector_store %arg7[%swap3A_675], %swap3A_678 {strides = array<i32>} : memref<640xf32, #tpu.memory_space<vmem>>, vector<16xf32>,
    %mul3A = arith.constant 16 : i32
    %mul3A_679 = arith.muli %arg0, %mul3A : i32
    %add3A_680 = arith.addi %mul3A_679, %arg1 : i32
    "tpu.region"() ({
      %run_scoped3A = tpu.sem_alloc : memref<!tpu.dma_semaphore, #tpu.memory_space<semaphore_mem>>
      %dma_start3A = arith.constant 0 : i32
      %dma_start3A_697 = arith.constant 0 : i32
      %dma_start3A_698 = tpu.memref_slice %arg2[%add3A_680, %dma_start3A, %dma_start3A_697] : memref<32x80x125xi32, #tpu.memory_space<hbm>> -> memref<1x80x125xi32, #tpu.memory_space<hbm>>
      %dma_start3A_699 = tpu.memref_squeeze %dma_start3A_698 : memref<1x80x125xi32, #tpu.memory_space<hbm>> -> memref<80x125xi32, #tpu.memory_space<hbm>>
      %dma_start3A_700 = arith.constant 0 : i32
      %dma_start3A_701 = arith.constant 0 : i32
      %dma_start3A_702 = tpu.memref_slice %arg2[%add3A_680, %dma_start3A_700, %dma_start3A_701] : memref<32x80x125xi32, #tpu.memory_space<hbm>> -> memref<1x80x125xi32, #tpu.memory_space<hbm>>
      %dma_start3A_703 = tpu.memref_squeeze %dma_start3A_702 : memref<1x80x125xi32, #tpu.memory_space<hbm>> -> memref<80x125xi32, #tpu.memory_space<hbm>>
      tpu.enqueue_dma source(%dma_start3A_703 : memref<80x125xi32, #tpu.memory_space<hbm>>) target(%arg5 : memref<80x125xi32, #tpu.memory_space<vmem>>) target_semaphore(%run_scoped3A : memref<!tpu.dma_semaphore, #tpu.memory_space<semaphore_mem>>)
      %dma_wait3A = arith.constant 0 : i32
      %dma_wait3A_704 = arith.constant 0 : i32
      %dma_wait3A_705 = tpu.memref_slice %arg2[%add3A_680, %dma_wait3A, %dma_wait3A_704] : memref<32x80x125xi32, #tpu.memory_space<hbm>> -> memref<1x80x125xi32, #tpu.memory_space<hbm>>
      %dma_wait3A_706 = tpu.memref_squeeze %dma_wait3A_705 : memref<1x80x125xi32, #tpu.memory_space<hbm>> -> memref<80x125xi32, #tpu.memory_space<hbm>>
      %dma_wait3A_707 = arith.constant 0 : i32
      %dma_wait3A_708 = arith.constant 0 : i32
      %dma_wait3A_709 = tpu.memref_slice %arg2[%add3A_680, %dma_wait3A_707, %dma_wait3A_708] : memref<32x80x125xi32, #tpu.memory_space<hbm>> -> memref<1x80x125xi32, #tpu.memory_space<hbm>>
      %dma_wait3A_710 = tpu.memref_squeeze %dma_wait3A_709 : memref<1x80x125xi32, #tpu.memory_space<hbm>> -> memref<80x125xi32, #tpu.memory_space<hbm>>
      tpu.wait_dma2 semaphore(%run_scoped3A : memref<!tpu.dma_semaphore, #tpu.memory_space<semaphore_mem>>) src(%dma_wait3A_710 : memref<80x125xi32, #tpu.memory_space<hbm>>) dst(%arg5 : memref<80x125xi32, #tpu.memory_space<vmem>>)
      tpu.yield
    }) : () -> ()
    %mul3A_681 = arith.constant 640 : i32
    %mul3A_682 = arith.muli %arg1, %mul3A_681 : i32
    "tpu.region"() ({
      %run_scoped3A = tpu.sem_alloc : memref<!tpu.dma_semaphore, #tpu.memory_space<semaphore_mem>>
      %dma_start3A = tpu.memref_slice %arg8[%mul3A_682] : memref<10240xf32, #tpu.memory_space<vmem_shared>> -> memref<640xf32, #tpu.memory_space<vmem_shared>>
      %dma_start3A_697 = tpu.memref_slice %arg8[%mul3A_682] : memref<10240xf32, #tpu.memory_space<vmem_shared>> -> memref<640xf32, #tpu.memory_space<vmem_shared>>
      tpu.enqueue_dma source(%arg7 : memref<640xf32, #tpu.memory_space<vmem>>) target(%dma_start3A_697 : memref<640xf32, #tpu.memory_space<vmem_shared>>) target_semaphore(%run_scoped3A : memref<!tpu.dma_semaphore, #tpu.memory_space<semaphore_mem>>)
      %dma_wait3A = tpu.memref_slice %arg8[%mul3A_682] : memref<10240xf32, #tpu.memory_space<vmem_shared>> -> memref<640xf32, #tpu.memory_space<vmem_shared>>
      %dma_wait3A_698 = tpu.memref_slice %arg8[%mul3A_682] : memref<10240xf32, #tpu.memory_space<vmem_shared>> -> memref<640xf32, #tpu.memory_space<vmem_shared>>
      tpu.wait_dma2 semaphore(%run_scoped3A : memref<!tpu.dma_semaphore, #tpu.memory_space<semaphore_mem>>) src(%arg7 : memref<640xf32, #tpu.memory_space<vmem>>) dst(%dma_wait3A_698 : memref<640xf32, #tpu.memory_space<vmem_shared>>)
      tpu.yield
    }) : () -> ()
    %barrier3A = arith.constant 0 : index
    tpu.barrier barrier_id(%barrier3A)
    %scan3A = arith.constant 0 : i32
    %scan3A_683 = arith.constant 0 : i32
    %scan3A_684 = arith.constant 80 : i32
    %scan3A_685 = arith.addi %scan3A_683, %scan3A_684 : i32
    %scan3A_686 = arith.constant 1 : i32
    scf.for %scan3A_697 = %scan3A_683 to %scan3A_685 step %scan3A_686  : i32 {
      "tpu.region"() ({
        %run_scoped3A = tpu.sem_alloc : memref<!tpu.dma_semaphore, #tpu.memory_space<semaphore_mem>>
        %dma_start3A = arith.constant 0 : i32
        %dma_start3A_698 = tpu.memref_slice %arg6[%dma_start3A] : memref<640xf32, #tpu.memory_space<vmem>> -> memref<125xf32, #tpu.memory_space<vmem>>
        %dma_start3A_699 = arith.constant 0 : i32
        %dma_start3A_700 = tpu.memref_slice %arg5[%scan3A_697, %dma_start3A_699] : memref<80x125xi32, #tpu.memory_space<vmem>> -> memref<1x125xi32, #tpu.memory_space<vmem>>
        %dma_start3A_701 = tpu.memref_squeeze %dma_start3A_700 : memref<1x125xi32, #tpu.memory_space<vmem>> -> memref<125xi32, #tpu.memory_space<vmem>>
        %dma_start3A_702 = arith.constant 0 : i32
        %dma_start3A_703 = tpu.memref_slice %arg8[%dma_start3A_702] : memref<10240xf32, #tpu.memory_space<vmem_shared>> -> memref<10240xf32, #tpu.memory_space<vmem_shared>>
        tpu.enqueue_indirect_dma source(%dma_start3A_698 : memref<125xf32, #tpu.memory_space<vmem>>) target(%dma_start3A_703 : memref<10240xf32, #tpu.memory_space<vmem_shared>>) offsets(%dma_start3A_701 : memref<125xi32, #tpu.memory_space<vmem>>) semaphore(%run_scoped3A : memref<!tpu.dma_semaphore, #tpu.memory_space<semaphore_mem>>) {add = true}
        %dma_wait3A = arith.constant 0 : i32
        %dma_wait3A_704 = tpu.memref_slice %arg6[%dma_wait3A] : memref<640xf32, #tpu.memory_space<vmem>> -> memref<125xf32, #tpu.memory_space<vmem>>
        %dma_wait3A_705 = arith.constant 0 : i32
        %dma_wait3A_706 = tpu.memref_slice %arg5[%scan3A_697, %dma_wait3A_705] : memref<80x125xi32, #tpu.memory_space<vmem>> -> memref<1x125xi32, #tpu.memory_space<vmem>>
        %dma_wait3A_707 = tpu.memref_squeeze %dma_wait3A_706 : memref<1x125xi32, #tpu.memory_space<vmem>> -> memref<125xi32, #tpu.memory_space<vmem>>
        %dma_wait3A_708 = arith.constant 0 : i32
        %dma_wait3A_709 = tpu.memref_slice %arg8[%dma_wait3A_708] : memref<10240xf32, #tpu.memory_space<vmem_shared>> -> memref<10240xf32, #tpu.memory_space<vmem_shared>>
        tpu.wait_indirect_dma semaphore(%run_scoped3A : memref<!tpu.dma_semaphore, #tpu.memory_space<semaphore_mem>>) src(%dma_wait3A_704 : memref<125xf32, #tpu.memory_space<vmem>>) dst(%dma_wait3A_709 : memref<10240xf32, #tpu.memory_space<vmem_shared>>)
        tpu.yield
      }) : () -> ()
    }
    %scan3A_687 = arith.constant 80 : i32
    %barrier3A_688 = arith.constant 0 : index
    tpu.barrier barrier_id(%barrier3A_688)
    %eq3A_689 = arith.constant 0 : i32
    %eq3A_690 = arith.cmpi eq, %arg0, %eq3A_689 : i32
    %convert_element_type3A = arith.extui %eq3A_690 : i1 to i32
    %cond3A = arith.constant 0 : i32
    %cond3A_691 = arith.cmpi ne, %convert_element_type3A, %cond3A : i32
    scf.if %cond3A_691 {
      %mul3A_697 = arith.constant 640 : i32
      %mul3A_698 = arith.muli %arg1, %mul3A_697 : i32
      %mul3A_699 = arith.constant 640 : i32
      %mul3A_700 = arith.muli %arg1, %mul3A_699 : i32
      "tpu.region"() ({
        %run_scoped3A = tpu.sem_alloc : memref<!tpu.dma_semaphore, #tpu.memory_space<semaphore_mem>>
        %dma_start3A = tpu.memref_slice %arg3[%mul3A_700] : memref<10240xf32, #tpu.memory_space<hbm>> -> memref<640xf32, #tpu.memory_space<hbm>>
        %dma_start3A_701 = tpu.memref_slice %arg8[%mul3A_698] : memref<10240xf32, #tpu.memory_space<vmem_shared>> -> memref<640xf32, #tpu.memory_space<vmem_shared>>
        tpu.enqueue_dma source(%dma_start3A_701 : memref<640xf32, #tpu.memory_space<vmem_shared>>) target(%dma_start3A : memref<640xf32, #tpu.memory_space<hbm>>) target_semaphore(%run_scoped3A : memref<!tpu.dma_semaphore, #tpu.memory_space<semaphore_mem>>)
        %dma_wait3A = tpu.memref_slice %arg3[%mul3A_700] : memref<10240xf32, #tpu.memory_space<hbm>> -> memref<640xf32, #tpu.memory_space<hbm>>
        %dma_wait3A_702 = tpu.memref_slice %arg8[%mul3A_698] : memref<10240xf32, #tpu.memory_space<vmem_shared>> -> memref<640xf32, #tpu.memory_space<vmem_shared>>
        tpu.wait_dma2 semaphore(%run_scoped3A : memref<!tpu.dma_semaphore, #tpu.memory_space<semaphore_mem>>) src(%dma_wait3A_702 : memref<640xf32, #tpu.memory_space<vmem_shared>>) dst(%dma_wait3A : memref<640xf32, #tpu.memory_space<hbm>>)
        tpu.yield
      }) : () -> ()
    } else {
    }
    %eq3A_692 = arith.constant 1 : i32
    %eq3A_693 = arith.cmpi eq, %arg0, %eq3A_692 : i32
    %convert_element_type3A_694 = arith.extui %eq3A_693 : i1 to i32
    %cond3A_695 = arith.constant 0 : i32
    %cond3A_696 = arith.cmpi ne, %convert_element_type3A_694, %cond3A_695 : i32
    scf.if %cond3A_696 {
      %mul3A_697 = arith.constant 640 : i32
      %mul3A_698 = arith.muli %arg1, %mul3A_697 : i32
      %mul3A_699 = arith.constant 640 : i32
      %mul3A_700 = arith.muli %arg1, %mul3A_699 : i32
      "tpu.region"() ({
        %run_scoped3A = tpu.sem_alloc : memref<!tpu.dma_semaphore, #tpu.memory_space<semaphore_mem>>
        %dma_start3A = tpu.memref_slice %arg4[%mul3A_700] : memref<10240xf32, #tpu.memory_space<hbm>> -> memref<640xf32, #tpu.memory_space<hbm>>
        %dma_start3A_701 = tpu.memref_slice %arg8[%mul3A_698] : memref<10240xf32, #tpu.memory_space<vmem_shared>> -> memref<640xf32, #tpu.memory_space<vmem_shared>>
        tpu.enqueue_dma source(%dma_start3A_701 : memref<640xf32, #tpu.memory_space<vmem_shared>>) target(%dma_start3A : memref<640xf32, #tpu.memory_space<hbm>>) target_semaphore(%run_scoped3A : memref<!tpu.dma_semaphore, #tpu.memory_space<semaphore_mem>>)
        %dma_wait3A = tpu.memref_slice %arg4[%mul3A_700] : memref<10240xf32, #tpu.memory_space<hbm>> -> memref<640xf32, #tpu.memory_space<hbm>>
        %dma_wait3A_702 = tpu.memref_slice %arg8[%mul3A_698] : memref<10240xf32, #tpu.memory_space<vmem_shared>> -> memref<640xf32, #tpu.memory_space<vmem_shared>>
        tpu.wait_dma2 semaphore(%run_scoped3A : memref<!tpu.dma_semaphore, #tpu.memory_space<semaphore_mem>>) src(%dma_wait3A_702 : memref<640xf32, #tpu.memory_space<vmem_shared>>) dst(%dma_wait3A : memref<640xf32, #tpu.memory_space<hbm>>)
        tpu.yield
      }) : () -> ()
    } else {
    }
    return
  }
}

#map = affine_map<(d0, d1) -> (0, 0)>
#map1 = affine_map<(d0, d1) -> (0, 0, 0)>
module attributes {stable_mosaic.version = 14 : i64} {
  func.func @_prop_fsplit(%arg0: i32, %arg1: i32, %arg2: memref<10240x128xf32, #tpu.memory_space<hbm>>, %arg3: memref<10240x128xf32, #tpu.memory_space<hbm>>, %arg4: memref<32x80x125xi32, #tpu.memory_space<hbm>>, %arg5: memref<32x80x125xi32, #tpu.memory_space<hbm>>, %arg6: memref<10240x128xf32, #tpu.memory_space<hbm>>, %arg7: memref<10240x128xf32, #tpu.memory_space<hbm>>, %arg8: memref<80x125xi32, #tpu.memory_space<vmem>>, %arg9: memref<40x125xi32, #tpu.memory_space<vmem>>, %arg10: memref<2x125x128xf32, #tpu.memory_space<vmem>>, %arg11: memref<10240x128xf32, #tpu.memory_space<vmem_shared>>, %arg12: memref<2x!tpu.dma_semaphore, #tpu.memory_space<semaphore_mem>>) attributes {dimension_semantics = [#tpu.dimension_semantics<core_parallel>, #tpu.dimension_semantics<subcore_parallel>], iteration_bounds = array<i64: 2, 16>, scalar_prefetch = 0 : i64, scratch_operands = 5 : i64, tpu.core_type = #tpu.core_type<sc_vector_subcore>, window_params = [{transform_indices = #map}, {transform_indices = #map}, {transform_indices = #map1}, {transform_indices = #map1}, {transform_indices = #map}, {transform_indices = #map}]} {
    %eq3A = arith.constant 0 : i32
    %eq3A_0 = arith.cmpi eq, %arg0, %eq3A : i32
    %convert_element_type3A = arith.extui %eq3A_0 : i1 to i32
    %cond3A = arith.constant 0 : i32
    %cond3A_1 = arith.cmpi ne, %convert_element_type3A, %cond3A : i32
    scf.if %cond3A_1 {
      %mul3A = arith.constant 640 : i32
      %mul3A_7 = arith.muli %arg1, %mul3A : i32
      %mul3A_8 = arith.constant 640 : i32
      %mul3A_9 = arith.muli %arg1, %mul3A_8 : i32
      "tpu.region"() ({
        %run_scoped3A = tpu.sem_alloc : memref<!tpu.dma_semaphore, #tpu.memory_space<semaphore_mem>>
        %dma_start3A_94 = arith.constant 0 : i32
        %dma_start3A_95 = tpu.memref_slice %arg11[%mul3A_9, %dma_start3A_94] : memref<10240x128xf32, #tpu.memory_space<vmem_shared>> -> memref<640x128xf32, #tpu.memory_space<vmem_shared>>
        %dma_start3A_96 = arith.constant 0 : i32
        %dma_start3A_97 = tpu.memref_slice %arg2[%mul3A_7, %dma_start3A_96] : memref<10240x128xf32, #tpu.memory_space<hbm>> -> memref<640x128xf32, #tpu.memory_space<hbm>>
        tpu.enqueue_dma source(%dma_start3A_97 : memref<640x128xf32, #tpu.memory_space<hbm>>) target(%dma_start3A_95 : memref<640x128xf32, #tpu.memory_space<vmem_shared>>) target_semaphore(%run_scoped3A : memref<!tpu.dma_semaphore, #tpu.memory_space<semaphore_mem>>)
        %dma_wait3A_98 = arith.constant 0 : i32
        %dma_wait3A_99 = tpu.memref_slice %arg11[%mul3A_9, %dma_wait3A_98] : memref<10240x128xf32, #tpu.memory_space<vmem_shared>> -> memref<640x128xf32, #tpu.memory_space<vmem_shared>>
        %dma_wait3A_100 = arith.constant 0 : i32
        %dma_wait3A_101 = tpu.memref_slice %arg2[%mul3A_7, %dma_wait3A_100] : memref<10240x128xf32, #tpu.memory_space<hbm>> -> memref<640x128xf32, #tpu.memory_space<hbm>>
        tpu.wait_dma2 semaphore(%run_scoped3A : memref<!tpu.dma_semaphore, #tpu.memory_space<semaphore_mem>>) src(%dma_wait3A_101 : memref<640x128xf32, #tpu.memory_space<hbm>>) dst(%dma_wait3A_99 : memref<640x128xf32, #tpu.memory_space<vmem_shared>>)
        tpu.yield
      }) : () -> ()
      %barrier3A = arith.constant 0 : index
      tpu.barrier barrier_id(%barrier3A)
      %add3A = arith.constant 0 : i32
      %add3A_10 = arith.addi %add3A, %arg1 : i32
      "tpu.region"() ({
        %run_scoped3A = tpu.sem_alloc : memref<!tpu.dma_semaphore, #tpu.memory_space<semaphore_mem>>
        %dma_start3A_94 = arith.constant 0 : i32
        %dma_start3A_95 = arith.constant 0 : i32
        %dma_start3A_96 = tpu.memref_slice %arg4[%add3A_10, %dma_start3A_94, %dma_start3A_95] : memref<32x80x125xi32, #tpu.memory_space<hbm>> -> memref<1x80x125xi32, #tpu.memory_space<hbm>>
        %dma_start3A_97 = tpu.memref_squeeze %dma_start3A_96 : memref<1x80x125xi32, #tpu.memory_space<hbm>> -> memref<80x125xi32, #tpu.memory_space<hbm>>
        %dma_start3A_98 = arith.constant 0 : i32
        %dma_start3A_99 = arith.constant 0 : i32
        %dma_start3A_100 = tpu.memref_slice %arg4[%add3A_10, %dma_start3A_98, %dma_start3A_99] : memref<32x80x125xi32, #tpu.memory_space<hbm>> -> memref<1x80x125xi32, #tpu.memory_space<hbm>>
        %dma_start3A_101 = tpu.memref_squeeze %dma_start3A_100 : memref<1x80x125xi32, #tpu.memory_space<hbm>> -> memref<80x125xi32, #tpu.memory_space<hbm>>
        tpu.enqueue_dma source(%dma_start3A_101 : memref<80x125xi32, #tpu.memory_space<hbm>>) target(%arg8 : memref<80x125xi32, #tpu.memory_space<vmem>>) target_semaphore(%run_scoped3A : memref<!tpu.dma_semaphore, #tpu.memory_space<semaphore_mem>>)
        %dma_wait3A_102 = arith.constant 0 : i32
        %dma_wait3A_103 = arith.constant 0 : i32
        %dma_wait3A_104 = tpu.memref_slice %arg4[%add3A_10, %dma_wait3A_102, %dma_wait3A_103] : memref<32x80x125xi32, #tpu.memory_space<hbm>> -> memref<1x80x125xi32, #tpu.memory_space<hbm>>
        %dma_wait3A_105 = tpu.memref_squeeze %dma_wait3A_104 : memref<1x80x125xi32, #tpu.memory_space<hbm>> -> memref<80x125xi32, #tpu.memory_space<hbm>>
        %dma_wait3A_106 = arith.constant 0 : i32
        %dma_wait3A_107 = arith.constant 0 : i32
        %dma_wait3A_108 = tpu.memref_slice %arg4[%add3A_10, %dma_wait3A_106, %dma_wait3A_107] : memref<32x80x125xi32, #tpu.memory_space<hbm>> -> memref<1x80x125xi32, #tpu.memory_space<hbm>>
        %dma_wait3A_109 = tpu.memref_squeeze %dma_wait3A_108 : memref<1x80x125xi32, #tpu.memory_space<hbm>> -> memref<80x125xi32, #tpu.memory_space<hbm>>
        tpu.wait_dma2 semaphore(%run_scoped3A : memref<!tpu.dma_semaphore, #tpu.memory_space<semaphore_mem>>) src(%dma_wait3A_109 : memref<80x125xi32, #tpu.memory_space<hbm>>) dst(%arg8 : memref<80x125xi32, #tpu.memory_space<vmem>>)
        tpu.yield
      }) : () -> ()
      "tpu.region"() ({
        %run_scoped3A = tpu.sem_alloc : memref<!tpu.dma_semaphore, #tpu.memory_space<semaphore_mem>>
        %dma_start3A_94 = arith.constant 0 : i32
        %dma_start3A_95 = arith.constant 0 : i32
        %dma_start3A_96 = tpu.memref_slice %arg5[%add3A_10, %dma_start3A_94, %dma_start3A_95] : memref<32x80x125xi32, #tpu.memory_space<hbm>> -> memref<1x40x125xi32, #tpu.memory_space<hbm>>
        %dma_start3A_97 = tpu.memref_squeeze %dma_start3A_96 : memref<1x40x125xi32, #tpu.memory_space<hbm>> -> memref<40x125xi32, #tpu.memory_space<hbm>>
        %dma_start3A_98 = arith.constant 0 : i32
        %dma_start3A_99 = arith.constant 0 : i32
        %dma_start3A_100 = tpu.memref_slice %arg5[%add3A_10, %dma_start3A_98, %dma_start3A_99] : memref<32x80x125xi32, #tpu.memory_space<hbm>> -> memref<1x40x125xi32, #tpu.memory_space<hbm>>
        %dma_start3A_101 = tpu.memref_squeeze %dma_start3A_100 : memref<1x40x125xi32, #tpu.memory_space<hbm>> -> memref<40x125xi32, #tpu.memory_space<hbm>>
        tpu.enqueue_dma source(%dma_start3A_101 : memref<40x125xi32, #tpu.memory_space<hbm>>) target(%arg9 : memref<40x125xi32, #tpu.memory_space<vmem>>) target_semaphore(%run_scoped3A : memref<!tpu.dma_semaphore, #tpu.memory_space<semaphore_mem>>)
        %dma_wait3A_102 = arith.constant 0 : i32
        %dma_wait3A_103 = arith.constant 0 : i32
        %dma_wait3A_104 = tpu.memref_slice %arg5[%add3A_10, %dma_wait3A_102, %dma_wait3A_103] : memref<32x80x125xi32, #tpu.memory_space<hbm>> -> memref<1x40x125xi32, #tpu.memory_space<hbm>>
        %dma_wait3A_105 = tpu.memref_squeeze %dma_wait3A_104 : memref<1x40x125xi32, #tpu.memory_space<hbm>> -> memref<40x125xi32, #tpu.memory_space<hbm>>
        %dma_wait3A_106 = arith.constant 0 : i32
        %dma_wait3A_107 = arith.constant 0 : i32
        %dma_wait3A_108 = tpu.memref_slice %arg5[%add3A_10, %dma_wait3A_106, %dma_wait3A_107] : memref<32x80x125xi32, #tpu.memory_space<hbm>> -> memref<1x40x125xi32, #tpu.memory_space<hbm>>
        %dma_wait3A_109 = tpu.memref_squeeze %dma_wait3A_108 : memref<1x40x125xi32, #tpu.memory_space<hbm>> -> memref<40x125xi32, #tpu.memory_space<hbm>>
        tpu.wait_dma2 semaphore(%run_scoped3A : memref<!tpu.dma_semaphore, #tpu.memory_space<semaphore_mem>>) src(%dma_wait3A_109 : memref<40x125xi32, #tpu.memory_space<hbm>>) dst(%arg9 : memref<40x125xi32, #tpu.memory_space<vmem>>)
        tpu.yield
      }) : () -> ()
      %dma_start3A = arith.constant 0 : i32
      %dma_start3A_11 = arith.constant 0 : i32
      %dma_start3A_12 = arith.constant 0 : i32
      %dma_start3A_13 = arith.constant 0 : i32
      %dma_start3A_14 = arith.constant 0 : i32
      %dma_start3A_15 = tpu.memref_slice %arg10[%dma_start3A_11, %dma_start3A_13, %dma_start3A_14] : memref<2x125x128xf32, #tpu.memory_space<vmem>> -> memref<1x125x128xf32, #tpu.memory_space<vmem>>
      %dma_start3A_16 = tpu.memref_squeeze %dma_start3A_15 : memref<1x125x128xf32, #tpu.memory_space<vmem>> -> memref<125x128xf32, #tpu.memory_space<vmem>>
      %dma_start3A_17 = arith.constant 0 : i32
      %dma_start3A_18 = tpu.memref_slice %arg8[%dma_start3A, %dma_start3A_17] : memref<80x125xi32, #tpu.memory_space<vmem>> -> memref<1x125xi32, #tpu.memory_space<vmem>>
      %dma_start3A_19 = tpu.memref_squeeze %dma_start3A_18 : memref<1x125xi32, #tpu.memory_space<vmem>> -> memref<125xi32, #tpu.memory_space<vmem>>
      %dma_start3A_20 = arith.constant 0 : i32
      %dma_start3A_21 = arith.constant 0 : i32
      %dma_start3A_22 = tpu.memref_slice %arg2[%dma_start3A_20, %dma_start3A_21] : memref<10240x128xf32, #tpu.memory_space<hbm>> -> memref<10240x128xf32, #tpu.memory_space<hbm>>
      %dma_start3A_23 = tpu.memref_slice %arg12[%dma_start3A_12] : memref<2x!tpu.dma_semaphore, #tpu.memory_space<semaphore_mem>> -> memref<1x!tpu.dma_semaphore, #tpu.memory_space<semaphore_mem>>
      %dma_start3A_24 = tpu.memref_squeeze %dma_start3A_23 : memref<1x!tpu.dma_semaphore, #tpu.memory_space<semaphore_mem>> -> memref<!tpu.dma_semaphore, #tpu.memory_space<semaphore_mem>>
      tpu.enqueue_indirect_dma source(%dma_start3A_22 : memref<10240x128xf32, #tpu.memory_space<hbm>>) target(%dma_start3A_16 : memref<125x128xf32, #tpu.memory_space<vmem>>) offsets(%dma_start3A_19 : memref<125xi32, #tpu.memory_space<vmem>>) semaphore(%dma_start3A_24 : memref<!tpu.dma_semaphore, #tpu.memory_space<semaphore_mem>>)
      %scan3A = arith.constant 0 : i32
      %scan3A_25 = arith.constant 0 : i32
      %scan3A_26 = arith.constant 79 : i32
      %scan3A_27 = arith.addi %scan3A_25, %scan3A_26 : i32
      %scan3A_28 = arith.constant 1 : i32
      scf.for %scan3A_94 = %scan3A_25 to %scan3A_27 step %scan3A_28  : i32 {
        %rem3A_95 = arith.constant 2 : i32
        %rem3A_96 = arith.remsi %scan3A_94, %rem3A_95 : i32
        %add3A_97 = arith.constant 1 : i32
        %add3A_98 = arith.addi %scan3A_94, %add3A_97 : i32
        %sub3A = arith.constant 1 : i32
        %sub3A_99 = arith.subi %sub3A, %rem3A_96 : i32
        %dma_start3A_100 = arith.constant 0 : i32
        %dma_start3A_101 = arith.constant 0 : i32
        %dma_start3A_102 = tpu.memref_slice %arg10[%sub3A_99, %dma_start3A_100, %dma_start3A_101] : memref<2x125x128xf32, #tpu.memory_space<vmem>> -> memref<1x125x128xf32, #tpu.memory_space<vmem>>
        %dma_start3A_103 = tpu.memref_squeeze %dma_start3A_102 : memref<1x125x128xf32, #tpu.memory_space<vmem>> -> memref<125x128xf32, #tpu.memory_space<vmem>>
        %dma_start3A_104 = arith.constant 0 : i32
        %dma_start3A_105 = tpu.memref_slice %arg8[%add3A_98, %dma_start3A_104] : memref<80x125xi32, #tpu.memory_space<vmem>> -> memref<1x125xi32, #tpu.memory_space<vmem>>
        %dma_start3A_106 = tpu.memref_squeeze %dma_start3A_105 : memref<1x125xi32, #tpu.memory_space<vmem>> -> memref<125xi32, #tpu.memory_space<vmem>>
        %dma_start3A_107 = arith.constant 0 : i32
        %dma_start3A_108 = arith.constant 0 : i32
        %dma_start3A_109 = tpu.memref_slice %arg2[%dma_start3A_107, %dma_start3A_108] : memref<10240x128xf32, #tpu.memory_space<hbm>> -> memref<10240x128xf32, #tpu.memory_space<hbm>>
        %dma_start3A_110 = tpu.memref_slice %arg12[%sub3A_99] : memref<2x!tpu.dma_semaphore, #tpu.memory_space<semaphore_mem>> -> memref<1x!tpu.dma_semaphore, #tpu.memory_space<semaphore_mem>>
        %dma_start3A_111 = tpu.memref_squeeze %dma_start3A_110 : memref<1x!tpu.dma_semaphore, #tpu.memory_space<semaphore_mem>> -> memref<!tpu.dma_semaphore, #tpu.memory_space<semaphore_mem>>
        tpu.enqueue_indirect_dma source(%dma_start3A_109 : memref<10240x128xf32, #tpu.memory_space<hbm>>) target(%dma_start3A_103 : memref<125x128xf32, #tpu.memory_space<vmem>>) offsets(%dma_start3A_106 : memref<125xi32, #tpu.memory_space<vmem>>) semaphore(%dma_start3A_111 : memref<!tpu.dma_semaphore, #tpu.memory_space<semaphore_mem>>)
        %rem3A_112 = arith.constant 40 : i32
        %rem3A_113 = arith.remsi %scan3A_94, %rem3A_112 : i32
        %eq3A_114 = arith.constant 0 : i32
        %eq3A_115 = arith.cmpi eq, %rem3A_113, %eq3A_114 : i32
        %gt3A = arith.constant 0 : i32
        %gt3A_116 = arith.cmpi sgt, %scan3A_94, %gt3A : i32
        %and3A = arith.andi %eq3A_115, %gt3A_116 : i1
        %convert_element_type3A_117 = arith.extui %and3A : i1 to i32
        %cond3A_118 = arith.constant 0 : i32
        %cond3A_119 = arith.cmpi ne, %convert_element_type3A_117, %cond3A_118 : i32
        scf.if %cond3A_119 {
          %multiple_of3A = tpu.assume_multiple %scan3A_94, 40 : i32
          "tpu.region"() ({
            %run_scoped3A = tpu.sem_alloc : memref<!tpu.dma_semaphore, #tpu.memory_space<semaphore_mem>>
            %dma_start3A_134 = arith.constant 0 : i32
            %dma_start3A_135 = tpu.memref_slice %arg5[%add3A_10, %multiple_of3A, %dma_start3A_134] : memref<32x80x125xi32, #tpu.memory_space<hbm>> -> memref<1x40x125xi32, #tpu.memory_space<hbm>>
            %dma_start3A_136 = tpu.memref_squeeze %dma_start3A_135 : memref<1x40x125xi32, #tpu.memory_space<hbm>> -> memref<40x125xi32, #tpu.memory_space<hbm>>
            %dma_start3A_137 = arith.constant 0 : i32
            %dma_start3A_138 = tpu.memref_slice %arg5[%add3A_10, %multiple_of3A, %dma_start3A_137] : memref<32x80x125xi32, #tpu.memory_space<hbm>> -> memref<1x40x125xi32, #tpu.memory_space<hbm>>
            %dma_start3A_139 = tpu.memref_squeeze %dma_start3A_138 : memref<1x40x125xi32, #tpu.memory_space<hbm>> -> memref<40x125xi32, #tpu.memory_space<hbm>>
            tpu.enqueue_dma source(%dma_start3A_139 : memref<40x125xi32, #tpu.memory_space<hbm>>) target(%arg9 : memref<40x125xi32, #tpu.memory_space<vmem>>) target_semaphore(%run_scoped3A : memref<!tpu.dma_semaphore, #tpu.memory_space<semaphore_mem>>)
            %dma_wait3A_140 = arith.constant 0 : i32
            %dma_wait3A_141 = tpu.memref_slice %arg5[%add3A_10, %multiple_of3A, %dma_wait3A_140] : memref<32x80x125xi32, #tpu.memory_space<hbm>> -> memref<1x40x125xi32, #tpu.memory_space<hbm>>
            %dma_wait3A_142 = tpu.memref_squeeze %dma_wait3A_141 : memref<1x40x125xi32, #tpu.memory_space<hbm>> -> memref<40x125xi32, #tpu.memory_space<hbm>>
            %dma_wait3A_143 = arith.constant 0 : i32
            %dma_wait3A_144 = tpu.memref_slice %arg5[%add3A_10, %multiple_of3A, %dma_wait3A_143] : memref<32x80x125xi32, #tpu.memory_space<hbm>> -> memref<1x40x125xi32, #tpu.memory_space<hbm>>
            %dma_wait3A_145 = tpu.memref_squeeze %dma_wait3A_144 : memref<1x40x125xi32, #tpu.memory_space<hbm>> -> memref<40x125xi32, #tpu.memory_space<hbm>>
            tpu.wait_dma2 semaphore(%run_scoped3A : memref<!tpu.dma_semaphore, #tpu.memory_space<semaphore_mem>>) src(%dma_wait3A_145 : memref<40x125xi32, #tpu.memory_space<hbm>>) dst(%arg9 : memref<40x125xi32, #tpu.memory_space<vmem>>)
            tpu.yield
          }) : () -> ()
        } else {
        }
        %dma_wait3A_120 = arith.constant 0 : i32
        %dma_wait3A_121 = arith.constant 0 : i32
        %dma_wait3A_122 = tpu.memref_slice %arg10[%rem3A_96, %dma_wait3A_120, %dma_wait3A_121] : memref<2x125x128xf32, #tpu.memory_space<vmem>> -> memref<1x125x128xf32, #tpu.memory_space<vmem>>
        %dma_wait3A_123 = tpu.memref_squeeze %dma_wait3A_122 : memref<1x125x128xf32, #tpu.memory_space<vmem>> -> memref<125x128xf32, #tpu.memory_space<vmem>>
        %dma_wait3A_124 = arith.constant 0 : i32
        %dma_wait3A_125 = tpu.memref_slice %arg8[%scan3A_94, %dma_wait3A_124] : memref<80x125xi32, #tpu.memory_space<vmem>> -> memref<1x125xi32, #tpu.memory_space<vmem>>
        %dma_wait3A_126 = tpu.memref_squeeze %dma_wait3A_125 : memref<1x125xi32, #tpu.memory_space<vmem>> -> memref<125xi32, #tpu.memory_space<vmem>>
        %dma_wait3A_127 = arith.constant 0 : i32
        %dma_wait3A_128 = arith.constant 0 : i32
        %dma_wait3A_129 = tpu.memref_slice %arg2[%dma_wait3A_127, %dma_wait3A_128] : memref<10240x128xf32, #tpu.memory_space<hbm>> -> memref<10240x128xf32, #tpu.memory_space<hbm>>
        %dma_wait3A_130 = tpu.memref_slice %arg12[%rem3A_96] : memref<2x!tpu.dma_semaphore, #tpu.memory_space<semaphore_mem>> -> memref<1x!tpu.dma_semaphore, #tpu.memory_space<semaphore_mem>>
        %dma_wait3A_131 = tpu.memref_squeeze %dma_wait3A_130 : memref<1x!tpu.dma_semaphore, #tpu.memory_space<semaphore_mem>> -> memref<!tpu.dma_semaphore, #tpu.memory_space<semaphore_mem>>
        tpu.wait_indirect_dma semaphore(%dma_wait3A_131 : memref<!tpu.dma_semaphore, #tpu.memory_space<semaphore_mem>>) src(%dma_wait3A_129 : memref<10240x128xf32, #tpu.memory_space<hbm>>) dst(%dma_wait3A_123 : memref<125x128xf32, #tpu.memory_space<vmem>>)
        %rem3A_132 = arith.constant 40 : i32
        %rem3A_133 = arith.remsi %scan3A_94, %rem3A_132 : i32
        "tpu.region"() ({
          %run_scoped3A = tpu.sem_alloc : memref<!tpu.dma_semaphore, #tpu.memory_space<semaphore_mem>>
          %dma_start3A_134 = arith.constant 0 : i32
          %dma_start3A_135 = arith.constant 0 : i32
          %dma_start3A_136 = tpu.memref_slice %arg10[%rem3A_96, %dma_start3A_134, %dma_start3A_135] : memref<2x125x128xf32, #tpu.memory_space<vmem>> -> memref<1x125x128xf32, #tpu.memory_space<vmem>>
          %dma_start3A_137 = tpu.memref_squeeze %dma_start3A_136 : memref<1x125x128xf32, #tpu.memory_space<vmem>> -> memref<125x128xf32, #tpu.memory_space<vmem>>
          %dma_start3A_138 = arith.constant 0 : i32
          %dma_start3A_139 = tpu.memref_slice %arg9[%rem3A_133, %dma_start3A_138] : memref<40x125xi32, #tpu.memory_space<vmem>> -> memref<1x125xi32, #tpu.memory_space<vmem>>
          %dma_start3A_140 = tpu.memref_squeeze %dma_start3A_139 : memref<1x125xi32, #tpu.memory_space<vmem>> -> memref<125xi32, #tpu.memory_space<vmem>>
          %dma_start3A_141 = arith.constant 0 : i32
          %dma_start3A_142 = arith.constant 0 : i32
          %dma_start3A_143 = tpu.memref_slice %arg11[%dma_start3A_141, %dma_start3A_142] : memref<10240x128xf32, #tpu.memory_space<vmem_shared>> -> memref<10240x128xf32, #tpu.memory_space<vmem_shared>>
          tpu.enqueue_indirect_dma source(%dma_start3A_137 : memref<125x128xf32, #tpu.memory_space<vmem>>) target(%dma_start3A_143 : memref<10240x128xf32, #tpu.memory_space<vmem_shared>>) offsets(%dma_start3A_140 : memref<125xi32, #tpu.memory_space<vmem>>) semaphore(%run_scoped3A : memref<!tpu.dma_semaphore, #tpu.memory_space<semaphore_mem>>) {add = true}
          %dma_wait3A_144 = arith.constant 0 : i32
          %dma_wait3A_145 = arith.constant 0 : i32
          %dma_wait3A_146 = tpu.memref_slice %arg10[%rem3A_96, %dma_wait3A_144, %dma_wait3A_145] : memref<2x125x128xf32, #tpu.memory_space<vmem>> -> memref<1x125x128xf32, #tpu.memory_space<vmem>>
          %dma_wait3A_147 = tpu.memref_squeeze %dma_wait3A_146 : memref<1x125x128xf32, #tpu.memory_space<vmem>> -> memref<125x128xf32, #tpu.memory_space<vmem>>
          %dma_wait3A_148 = arith.constant 0 : i32
          %dma_wait3A_149 = tpu.memref_slice %arg9[%rem3A_133, %dma_wait3A_148] : memref<40x125xi32, #tpu.memory_space<vmem>> -> memref<1x125xi32, #tpu.memory_space<vmem>>
          %dma_wait3A_150 = tpu.memref_squeeze %dma_wait3A_149 : memref<1x125xi32, #tpu.memory_space<vmem>> -> memref<125xi32, #tpu.memory_space<vmem>>
          %dma_wait3A_151 = arith.constant 0 : i32
          %dma_wait3A_152 = arith.constant 0 : i32
          %dma_wait3A_153 = tpu.memref_slice %arg11[%dma_wait3A_151, %dma_wait3A_152] : memref<10240x128xf32, #tpu.memory_space<vmem_shared>> -> memref<10240x128xf32, #tpu.memory_space<vmem_shared>>
          tpu.wait_indirect_dma semaphore(%run_scoped3A : memref<!tpu.dma_semaphore, #tpu.memory_space<semaphore_mem>>) src(%dma_wait3A_147 : memref<125x128xf32, #tpu.memory_space<vmem>>) dst(%dma_wait3A_153 : memref<10240x128xf32, #tpu.memory_space<vmem_shared>>)
          tpu.yield
        }) : () -> ()
      }
      %scan3A_29 = arith.constant 79 : i32
      %rem3A = arith.constant 79 : i32
      %rem3A_30 = arith.constant 2 : i32
      %rem3A_31 = arith.remsi %rem3A, %rem3A_30 : i32
      %dma_wait3A = arith.constant 79 : i32
      %dma_wait3A_32 = arith.constant 0 : i32
      %dma_wait3A_33 = arith.constant 0 : i32
      %dma_wait3A_34 = tpu.memref_slice %arg10[%rem3A_31, %dma_wait3A_32, %dma_wait3A_33] : memref<2x125x128xf32, #tpu.memory_space<vmem>> -> memref<1x125x128xf32, #tpu.memory_space<vmem>>
      %dma_wait3A_35 = tpu.memref_squeeze %dma_wait3A_34 : memref<1x125x128xf32, #tpu.memory_space<vmem>> -> memref<125x128xf32, #tpu.memory_space<vmem>>
      %dma_wait3A_36 = arith.constant 0 : i32
      %dma_wait3A_37 = tpu.memref_slice %arg8[%dma_wait3A, %dma_wait3A_36] : memref<80x125xi32, #tpu.memory_space<vmem>> -> memref<1x125xi32, #tpu.memory_space<vmem>>
      %dma_wait3A_38 = tpu.memref_squeeze %dma_wait3A_37 : memref<1x125xi32, #tpu.memory_space<vmem>> -> memref<125xi32, #tpu.memory_space<vmem>>
      %dma_wait3A_39 = arith.constant 0 : i32
      %dma_wait3A_40 = arith.constant 0 : i32
      %dma_wait3A_41 = tpu.memref_slice %arg2[%dma_wait3A_39, %dma_wait3A_40] : memref<10240x128xf32, #tpu.memory_space<hbm>> -> memref<10240x128xf32, #tpu.memory_space<hbm>>
      %dma_wait3A_42 = tpu.memref_slice %arg12[%rem3A_31] : memref<2x!tpu.dma_semaphore, #tpu.memory_space<semaphore_mem>> -> memref<1x!tpu.dma_semaphore, #tpu.memory_space<semaphore_mem>>
      %dma_wait3A_43 = tpu.memref_squeeze %dma_wait3A_42 : memref<1x!tpu.dma_semaphore, #tpu.memory_space<semaphore_mem>> -> memref<!tpu.dma_semaphore, #tpu.memory_space<semaphore_mem>>
      tpu.wait_indirect_dma semaphore(%dma_wait3A_43 : memref<!tpu.dma_semaphore, #tpu.memory_space<semaphore_mem>>) src(%dma_wait3A_41 : memref<10240x128xf32, #tpu.memory_space<hbm>>) dst(%dma_wait3A_35 : memref<125x128xf32, #tpu.memory_space<vmem>>)
      %rem3A_44 = arith.constant 79 : i32
      %rem3A_45 = arith.constant 40 : i32
      %rem3A_46 = arith.remsi %rem3A_44, %rem3A_45 : i32
      "tpu.region"() ({
        %run_scoped3A = tpu.sem_alloc : memref<!tpu.dma_semaphore, #tpu.memory_space<semaphore_mem>>
        %dma_start3A_94 = arith.constant 0 : i32
        %dma_start3A_95 = arith.constant 0 : i32
        %dma_start3A_96 = tpu.memref_slice %arg10[%rem3A_31, %dma_start3A_94, %dma_start3A_95] : memref<2x125x128xf32, #tpu.memory_space<vmem>> -> memref<1x125x128xf32, #tpu.memory_space<vmem>>
        %dma_start3A_97 = tpu.memref_squeeze %dma_start3A_96 : memref<1x125x128xf32, #tpu.memory_space<vmem>> -> memref<125x128xf32, #tpu.memory_space<vmem>>
        %dma_start3A_98 = arith.constant 0 : i32
        %dma_start3A_99 = tpu.memref_slice %arg9[%rem3A_46, %dma_start3A_98] : memref<40x125xi32, #tpu.memory_space<vmem>> -> memref<1x125xi32, #tpu.memory_space<vmem>>
        %dma_start3A_100 = tpu.memref_squeeze %dma_start3A_99 : memref<1x125xi32, #tpu.memory_space<vmem>> -> memref<125xi32, #tpu.memory_space<vmem>>
        %dma_start3A_101 = arith.constant 0 : i32
        %dma_start3A_102 = arith.constant 0 : i32
        %dma_start3A_103 = tpu.memref_slice %arg11[%dma_start3A_101, %dma_start3A_102] : memref<10240x128xf32, #tpu.memory_space<vmem_shared>> -> memref<10240x128xf32, #tpu.memory_space<vmem_shared>>
        tpu.enqueue_indirect_dma source(%dma_start3A_97 : memref<125x128xf32, #tpu.memory_space<vmem>>) target(%dma_start3A_103 : memref<10240x128xf32, #tpu.memory_space<vmem_shared>>) offsets(%dma_start3A_100 : memref<125xi32, #tpu.memory_space<vmem>>) semaphore(%run_scoped3A : memref<!tpu.dma_semaphore, #tpu.memory_space<semaphore_mem>>) {add = true}
        %dma_wait3A_104 = arith.constant 0 : i32
        %dma_wait3A_105 = arith.constant 0 : i32
        %dma_wait3A_106 = tpu.memref_slice %arg10[%rem3A_31, %dma_wait3A_104, %dma_wait3A_105] : memref<2x125x128xf32, #tpu.memory_space<vmem>> -> memref<1x125x128xf32, #tpu.memory_space<vmem>>
        %dma_wait3A_107 = tpu.memref_squeeze %dma_wait3A_106 : memref<1x125x128xf32, #tpu.memory_space<vmem>> -> memref<125x128xf32, #tpu.memory_space<vmem>>
        %dma_wait3A_108 = arith.constant 0 : i32
        %dma_wait3A_109 = tpu.memref_slice %arg9[%rem3A_46, %dma_wait3A_108] : memref<40x125xi32, #tpu.memory_space<vmem>> -> memref<1x125xi32, #tpu.memory_space<vmem>>
        %dma_wait3A_110 = tpu.memref_squeeze %dma_wait3A_109 : memref<1x125xi32, #tpu.memory_space<vmem>> -> memref<125xi32, #tpu.memory_space<vmem>>
        %dma_wait3A_111 = arith.constant 0 : i32
        %dma_wait3A_112 = arith.constant 0 : i32
        %dma_wait3A_113 = tpu.memref_slice %arg11[%dma_wait3A_111, %dma_wait3A_112] : memref<10240x128xf32, #tpu.memory_space<vmem_shared>> -> memref<10240x128xf32, #tpu.memory_space<vmem_shared>>
        tpu.wait_indirect_dma semaphore(%run_scoped3A : memref<!tpu.dma_semaphore, #tpu.memory_space<semaphore_mem>>) src(%dma_wait3A_107 : memref<125x128xf32, #tpu.memory_space<vmem>>) dst(%dma_wait3A_113 : memref<10240x128xf32, #tpu.memory_space<vmem_shared>>)
        tpu.yield
      }) : () -> ()
      %add3A_47 = arith.constant 16 : i32
      %add3A_48 = arith.addi %add3A_47, %arg1 : i32
      "tpu.region"() ({
        %run_scoped3A = tpu.sem_alloc : memref<!tpu.dma_semaphore, #tpu.memory_space<semaphore_mem>>
        %dma_start3A_94 = arith.constant 0 : i32
        %dma_start3A_95 = arith.constant 0 : i32
        %dma_start3A_96 = tpu.memref_slice %arg4[%add3A_48, %dma_start3A_94, %dma_start3A_95] : memref<32x80x125xi32, #tpu.memory_space<hbm>> -> memref<1x80x125xi32, #tpu.memory_space<hbm>>
        %dma_start3A_97 = tpu.memref_squeeze %dma_start3A_96 : memref<1x80x125xi32, #tpu.memory_space<hbm>> -> memref<80x125xi32, #tpu.memory_space<hbm>>
        %dma_start3A_98 = arith.constant 0 : i32
        %dma_start3A_99 = arith.constant 0 : i32
        %dma_start3A_100 = tpu.memref_slice %arg4[%add3A_48, %dma_start3A_98, %dma_start3A_99] : memref<32x80x125xi32, #tpu.memory_space<hbm>> -> memref<1x80x125xi32, #tpu.memory_space<hbm>>
        %dma_start3A_101 = tpu.memref_squeeze %dma_start3A_100 : memref<1x80x125xi32, #tpu.memory_space<hbm>> -> memref<80x125xi32, #tpu.memory_space<hbm>>
        tpu.enqueue_dma source(%dma_start3A_101 : memref<80x125xi32, #tpu.memory_space<hbm>>) target(%arg8 : memref<80x125xi32, #tpu.memory_space<vmem>>) target_semaphore(%run_scoped3A : memref<!tpu.dma_semaphore, #tpu.memory_space<semaphore_mem>>)
        %dma_wait3A_102 = arith.constant 0 : i32
        %dma_wait3A_103 = arith.constant 0 : i32
        %dma_wait3A_104 = tpu.memref_slice %arg4[%add3A_48, %dma_wait3A_102, %dma_wait3A_103] : memref<32x80x125xi32, #tpu.memory_space<hbm>> -> memref<1x80x125xi32, #tpu.memory_space<hbm>>
        %dma_wait3A_105 = tpu.memref_squeeze %dma_wait3A_104 : memref<1x80x125xi32, #tpu.memory_space<hbm>> -> memref<80x125xi32, #tpu.memory_space<hbm>>
        %dma_wait3A_106 = arith.constant 0 : i32
        %dma_wait3A_107 = arith.constant 0 : i32
        %dma_wait3A_108 = tpu.memref_slice %arg4[%add3A_48, %dma_wait3A_106, %dma_wait3A_107] : memref<32x80x125xi32, #tpu.memory_space<hbm>> -> memref<1x80x125xi32, #tpu.memory_space<hbm>>
        %dma_wait3A_109 = tpu.memref_squeeze %dma_wait3A_108 : memref<1x80x125xi32, #tpu.memory_space<hbm>> -> memref<80x125xi32, #tpu.memory_space<hbm>>
        tpu.wait_dma2 semaphore(%run_scoped3A : memref<!tpu.dma_semaphore, #tpu.memory_space<semaphore_mem>>) src(%dma_wait3A_109 : memref<80x125xi32, #tpu.memory_space<hbm>>) dst(%arg8 : memref<80x125xi32, #tpu.memory_space<vmem>>)
        tpu.yield
      }) : () -> ()
      "tpu.region"() ({
        %run_scoped3A = tpu.sem_alloc : memref<!tpu.dma_semaphore, #tpu.memory_space<semaphore_mem>>
        %dma_start3A_94 = arith.constant 0 : i32
        %dma_start3A_95 = arith.constant 0 : i32
        %dma_start3A_96 = tpu.memref_slice %arg5[%add3A_48, %dma_start3A_94, %dma_start3A_95] : memref<32x80x125xi32, #tpu.memory_space<hbm>> -> memref<1x40x125xi32, #tpu.memory_space<hbm>>
        %dma_start3A_97 = tpu.memref_squeeze %dma_start3A_96 : memref<1x40x125xi32, #tpu.memory_space<hbm>> -> memref<40x125xi32, #tpu.memory_space<hbm>>
        %dma_start3A_98 = arith.constant 0 : i32
        %dma_start3A_99 = arith.constant 0 : i32
        %dma_start3A_100 = tpu.memref_slice %arg5[%add3A_48, %dma_start3A_98, %dma_start3A_99] : memref<32x80x125xi32, #tpu.memory_space<hbm>> -> memref<1x40x125xi32, #tpu.memory_space<hbm>>
        %dma_start3A_101 = tpu.memref_squeeze %dma_start3A_100 : memref<1x40x125xi32, #tpu.memory_space<hbm>> -> memref<40x125xi32, #tpu.memory_space<hbm>>
        tpu.enqueue_dma source(%dma_start3A_101 : memref<40x125xi32, #tpu.memory_space<hbm>>) target(%arg9 : memref<40x125xi32, #tpu.memory_space<vmem>>) target_semaphore(%run_scoped3A : memref<!tpu.dma_semaphore, #tpu.memory_space<semaphore_mem>>)
        %dma_wait3A_102 = arith.constant 0 : i32
        %dma_wait3A_103 = arith.constant 0 : i32
        %dma_wait3A_104 = tpu.memref_slice %arg5[%add3A_48, %dma_wait3A_102, %dma_wait3A_103] : memref<32x80x125xi32, #tpu.memory_space<hbm>> -> memref<1x40x125xi32, #tpu.memory_space<hbm>>
        %dma_wait3A_105 = tpu.memref_squeeze %dma_wait3A_104 : memref<1x40x125xi32, #tpu.memory_space<hbm>> -> memref<40x125xi32, #tpu.memory_space<hbm>>
        %dma_wait3A_106 = arith.constant 0 : i32
        %dma_wait3A_107 = arith.constant 0 : i32
        %dma_wait3A_108 = tpu.memref_slice %arg5[%add3A_48, %dma_wait3A_106, %dma_wait3A_107] : memref<32x80x125xi32, #tpu.memory_space<hbm>> -> memref<1x40x125xi32, #tpu.memory_space<hbm>>
        %dma_wait3A_109 = tpu.memref_squeeze %dma_wait3A_108 : memref<1x40x125xi32, #tpu.memory_space<hbm>> -> memref<40x125xi32, #tpu.memory_space<hbm>>
        tpu.wait_dma2 semaphore(%run_scoped3A : memref<!tpu.dma_semaphore, #tpu.memory_space<semaphore_mem>>) src(%dma_wait3A_109 : memref<40x125xi32, #tpu.memory_space<hbm>>) dst(%arg9 : memref<40x125xi32, #tpu.memory_space<vmem>>)
        tpu.yield
      }) : () -> ()
      %dma_start3A_49 = arith.constant 0 : i32
      %dma_start3A_50 = arith.constant 0 : i32
      %dma_start3A_51 = arith.constant 0 : i32
      %dma_start3A_52 = arith.constant 0 : i32
      %dma_start3A_53 = arith.constant 0 : i32
      %dma_start3A_54 = tpu.memref_slice %arg10[%dma_start3A_50, %dma_start3A_52, %dma_start3A_53] : memref<2x125x128xf32, #tpu.memory_space<vmem>> -> memref<1x125x128xf32, #tpu.memory_space<vmem>>
      %dma_start3A_55 = tpu.memref_squeeze %dma_start3A_54 : memref<1x125x128xf32, #tpu.memory_space<vmem>> -> memref<125x128xf32, #tpu.memory_space<vmem>>
      %dma_start3A_56 = arith.constant 0 : i32
      %dma_start3A_57 = tpu.memref_slice %arg8[%dma_start3A_49, %dma_start3A_56] : memref<80x125xi32, #tpu.memory_space<vmem>> -> memref<1x125xi32, #tpu.memory_space<vmem>>
      %dma_start3A_58 = tpu.memref_squeeze %dma_start3A_57 : memref<1x125xi32, #tpu.memory_space<vmem>> -> memref<125xi32, #tpu.memory_space<vmem>>
      %dma_start3A_59 = arith.constant 0 : i32
      %dma_start3A_60 = arith.constant 0 : i32
      %dma_start3A_61 = tpu.memref_slice %arg2[%dma_start3A_59, %dma_start3A_60] : memref<10240x128xf32, #tpu.memory_space<hbm>> -> memref<10240x128xf32, #tpu.memory_space<hbm>>
      %dma_start3A_62 = tpu.memref_slice %arg12[%dma_start3A_51] : memref<2x!tpu.dma_semaphore, #tpu.memory_space<semaphore_mem>> -> memref<1x!tpu.dma_semaphore, #tpu.memory_space<semaphore_mem>>
      %dma_start3A_63 = tpu.memref_squeeze %dma_start3A_62 : memref<1x!tpu.dma_semaphore, #tpu.memory_space<semaphore_mem>> -> memref<!tpu.dma_semaphore, #tpu.memory_space<semaphore_mem>>
      tpu.enqueue_indirect_dma source(%dma_start3A_61 : memref<10240x128xf32, #tpu.memory_space<hbm>>) target(%dma_start3A_55 : memref<125x128xf32, #tpu.memory_space<vmem>>) offsets(%dma_start3A_58 : memref<125xi32, #tpu.memory_space<vmem>>) semaphore(%dma_start3A_63 : memref<!tpu.dma_semaphore, #tpu.memory_space<semaphore_mem>>)
      %scan3A_64 = arith.constant 0 : i32
      %scan3A_65 = arith.constant 0 : i32
      %scan3A_66 = arith.constant 79 : i32
      %scan3A_67 = arith.addi %scan3A_65, %scan3A_66 : i32
      %scan3A_68 = arith.constant 1 : i32
      scf.for %scan3A_94 = %scan3A_65 to %scan3A_67 step %scan3A_68  : i32 {
        %rem3A_95 = arith.constant 2 : i32
        %rem3A_96 = arith.remsi %scan3A_94, %rem3A_95 : i32
        %add3A_97 = arith.constant 1 : i32
        %add3A_98 = arith.addi %scan3A_94, %add3A_97 : i32
        %sub3A = arith.constant 1 : i32
        %sub3A_99 = arith.subi %sub3A, %rem3A_96 : i32
        %dma_start3A_100 = arith.constant 0 : i32
        %dma_start3A_101 = arith.constant 0 : i32
        %dma_start3A_102 = tpu.memref_slice %arg10[%sub3A_99, %dma_start3A_100, %dma_start3A_101] : memref<2x125x128xf32, #tpu.memory_space<vmem>> -> memref<1x125x128xf32, #tpu.memory_space<vmem>>
        %dma_start3A_103 = tpu.memref_squeeze %dma_start3A_102 : memref<1x125x128xf32, #tpu.memory_space<vmem>> -> memref<125x128xf32, #tpu.memory_space<vmem>>
        %dma_start3A_104 = arith.constant 0 : i32
        %dma_start3A_105 = tpu.memref_slice %arg8[%add3A_98, %dma_start3A_104] : memref<80x125xi32, #tpu.memory_space<vmem>> -> memref<1x125xi32, #tpu.memory_space<vmem>>
        %dma_start3A_106 = tpu.memref_squeeze %dma_start3A_105 : memref<1x125xi32, #tpu.memory_space<vmem>> -> memref<125xi32, #tpu.memory_space<vmem>>
        %dma_start3A_107 = arith.constant 0 : i32
        %dma_start3A_108 = arith.constant 0 : i32
        %dma_start3A_109 = tpu.memref_slice %arg2[%dma_start3A_107, %dma_start3A_108] : memref<10240x128xf32, #tpu.memory_space<hbm>> -> memref<10240x128xf32, #tpu.memory_space<hbm>>
        %dma_start3A_110 = tpu.memref_slice %arg12[%sub3A_99] : memref<2x!tpu.dma_semaphore, #tpu.memory_space<semaphore_mem>> -> memref<1x!tpu.dma_semaphore, #tpu.memory_space<semaphore_mem>>
        %dma_start3A_111 = tpu.memref_squeeze %dma_start3A_110 : memref<1x!tpu.dma_semaphore, #tpu.memory_space<semaphore_mem>> -> memref<!tpu.dma_semaphore, #tpu.memory_space<semaphore_mem>>
        tpu.enqueue_indirect_dma source(%dma_start3A_109 : memref<10240x128xf32, #tpu.memory_space<hbm>>) target(%dma_start3A_103 : memref<125x128xf32, #tpu.memory_space<vmem>>) offsets(%dma_start3A_106 : memref<125xi32, #tpu.memory_space<vmem>>) semaphore(%dma_start3A_111 : memref<!tpu.dma_semaphore, #tpu.memory_space<semaphore_mem>>)
        %rem3A_112 = arith.constant 40 : i32
        %rem3A_113 = arith.remsi %scan3A_94, %rem3A_112 : i32
        %eq3A_114 = arith.constant 0 : i32
        %eq3A_115 = arith.cmpi eq, %rem3A_113, %eq3A_114 : i32
        %gt3A = arith.constant 0 : i32
        %gt3A_116 = arith.cmpi sgt, %scan3A_94, %gt3A : i32
        %and3A = arith.andi %eq3A_115, %gt3A_116 : i1
        %convert_element_type3A_117 = arith.extui %and3A : i1 to i32
        %cond3A_118 = arith.constant 0 : i32
        %cond3A_119 = arith.cmpi ne, %convert_element_type3A_117, %cond3A_118 : i32
        scf.if %cond3A_119 {
          %multiple_of3A = tpu.assume_multiple %scan3A_94, 40 : i32
          "tpu.region"() ({
            %run_scoped3A = tpu.sem_alloc : memref<!tpu.dma_semaphore, #tpu.memory_space<semaphore_mem>>
            %dma_start3A_134 = arith.constant 0 : i32
            %dma_start3A_135 = tpu.memref_slice %arg5[%add3A_48, %multiple_of3A, %dma_start3A_134] : memref<32x80x125xi32, #tpu.memory_space<hbm>> -> memref<1x40x125xi32, #tpu.memory_space<hbm>>
            %dma_start3A_136 = tpu.memref_squeeze %dma_start3A_135 : memref<1x40x125xi32, #tpu.memory_space<hbm>> -> memref<40x125xi32, #tpu.memory_space<hbm>>
            %dma_start3A_137 = arith.constant 0 : i32
            %dma_start3A_138 = tpu.memref_slice %arg5[%add3A_48, %multiple_of3A, %dma_start3A_137] : memref<32x80x125xi32, #tpu.memory_space<hbm>> -> memref<1x40x125xi32, #tpu.memory_space<hbm>>
            %dma_start3A_139 = tpu.memref_squeeze %dma_start3A_138 : memref<1x40x125xi32, #tpu.memory_space<hbm>> -> memref<40x125xi32, #tpu.memory_space<hbm>>
            tpu.enqueue_dma source(%dma_start3A_139 : memref<40x125xi32, #tpu.memory_space<hbm>>) target(%arg9 : memref<40x125xi32, #tpu.memory_space<vmem>>) target_semaphore(%run_scoped3A : memref<!tpu.dma_semaphore, #tpu.memory_space<semaphore_mem>>)
            %dma_wait3A_140 = arith.constant 0 : i32
            %dma_wait3A_141 = tpu.memref_slice %arg5[%add3A_48, %multiple_of3A, %dma_wait3A_140] : memref<32x80x125xi32, #tpu.memory_space<hbm>> -> memref<1x40x125xi32, #tpu.memory_space<hbm>>
            %dma_wait3A_142 = tpu.memref_squeeze %dma_wait3A_141 : memref<1x40x125xi32, #tpu.memory_space<hbm>> -> memref<40x125xi32, #tpu.memory_space<hbm>>
            %dma_wait3A_143 = arith.constant 0 : i32
            %dma_wait3A_144 = tpu.memref_slice %arg5[%add3A_48, %multiple_of3A, %dma_wait3A_143] : memref<32x80x125xi32, #tpu.memory_space<hbm>> -> memref<1x40x125xi32, #tpu.memory_space<hbm>>
            %dma_wait3A_145 = tpu.memref_squeeze %dma_wait3A_144 : memref<1x40x125xi32, #tpu.memory_space<hbm>> -> memref<40x125xi32, #tpu.memory_space<hbm>>
            tpu.wait_dma2 semaphore(%run_scoped3A : memref<!tpu.dma_semaphore, #tpu.memory_space<semaphore_mem>>) src(%dma_wait3A_145 : memref<40x125xi32, #tpu.memory_space<hbm>>) dst(%arg9 : memref<40x125xi32, #tpu.memory_space<vmem>>)
            tpu.yield
          }) : () -> ()
        } else {
        }
        %dma_wait3A_120 = arith.constant 0 : i32
        %dma_wait3A_121 = arith.constant 0 : i32
        %dma_wait3A_122 = tpu.memref_slice %arg10[%rem3A_96, %dma_wait3A_120, %dma_wait3A_121] : memref<2x125x128xf32, #tpu.memory_space<vmem>> -> memref<1x125x128xf32, #tpu.memory_space<vmem>>
        %dma_wait3A_123 = tpu.memref_squeeze %dma_wait3A_122 : memref<1x125x128xf32, #tpu.memory_space<vmem>> -> memref<125x128xf32, #tpu.memory_space<vmem>>
        %dma_wait3A_124 = arith.constant 0 : i32
        %dma_wait3A_125 = tpu.memref_slice %arg8[%scan3A_94, %dma_wait3A_124] : memref<80x125xi32, #tpu.memory_space<vmem>> -> memref<1x125xi32, #tpu.memory_space<vmem>>
        %dma_wait3A_126 = tpu.memref_squeeze %dma_wait3A_125 : memref<1x125xi32, #tpu.memory_space<vmem>> -> memref<125xi32, #tpu.memory_space<vmem>>
        %dma_wait3A_127 = arith.constant 0 : i32
        %dma_wait3A_128 = arith.constant 0 : i32
        %dma_wait3A_129 = tpu.memref_slice %arg2[%dma_wait3A_127, %dma_wait3A_128] : memref<10240x128xf32, #tpu.memory_space<hbm>> -> memref<10240x128xf32, #tpu.memory_space<hbm>>
        %dma_wait3A_130 = tpu.memref_slice %arg12[%rem3A_96] : memref<2x!tpu.dma_semaphore, #tpu.memory_space<semaphore_mem>> -> memref<1x!tpu.dma_semaphore, #tpu.memory_space<semaphore_mem>>
        %dma_wait3A_131 = tpu.memref_squeeze %dma_wait3A_130 : memref<1x!tpu.dma_semaphore, #tpu.memory_space<semaphore_mem>> -> memref<!tpu.dma_semaphore, #tpu.memory_space<semaphore_mem>>
        tpu.wait_indirect_dma semaphore(%dma_wait3A_131 : memref<!tpu.dma_semaphore, #tpu.memory_space<semaphore_mem>>) src(%dma_wait3A_129 : memref<10240x128xf32, #tpu.memory_space<hbm>>) dst(%dma_wait3A_123 : memref<125x128xf32, #tpu.memory_space<vmem>>)
        %rem3A_132 = arith.constant 40 : i32
        %rem3A_133 = arith.remsi %scan3A_94, %rem3A_132 : i32
        "tpu.region"() ({
          %run_scoped3A = tpu.sem_alloc : memref<!tpu.dma_semaphore, #tpu.memory_space<semaphore_mem>>
          %dma_start3A_134 = arith.constant 0 : i32
          %dma_start3A_135 = arith.constant 0 : i32
          %dma_start3A_136 = tpu.memref_slice %arg10[%rem3A_96, %dma_start3A_134, %dma_start3A_135] : memref<2x125x128xf32, #tpu.memory_space<vmem>> -> memref<1x125x128xf32, #tpu.memory_space<vmem>>
          %dma_start3A_137 = tpu.memref_squeeze %dma_start3A_136 : memref<1x125x128xf32, #tpu.memory_space<vmem>> -> memref<125x128xf32, #tpu.memory_space<vmem>>
          %dma_start3A_138 = arith.constant 0 : i32
          %dma_start3A_139 = tpu.memref_slice %arg9[%rem3A_133, %dma_start3A_138] : memref<40x125xi32, #tpu.memory_space<vmem>> -> memref<1x125xi32, #tpu.memory_space<vmem>>
          %dma_start3A_140 = tpu.memref_squeeze %dma_start3A_139 : memref<1x125xi32, #tpu.memory_space<vmem>> -> memref<125xi32, #tpu.memory_space<vmem>>
          %dma_start3A_141 = arith.constant 0 : i32
          %dma_start3A_142 = arith.constant 0 : i32
          %dma_start3A_143 = tpu.memref_slice %arg11[%dma_start3A_141, %dma_start3A_142] : memref<10240x128xf32, #tpu.memory_space<vmem_shared>> -> memref<10240x128xf32, #tpu.memory_space<vmem_shared>>
          tpu.enqueue_indirect_dma source(%dma_start3A_137 : memref<125x128xf32, #tpu.memory_space<vmem>>) target(%dma_start3A_143 : memref<10240x128xf32, #tpu.memory_space<vmem_shared>>) offsets(%dma_start3A_140 : memref<125xi32, #tpu.memory_space<vmem>>) semaphore(%run_scoped3A : memref<!tpu.dma_semaphore, #tpu.memory_space<semaphore_mem>>) {add = true}
          %dma_wait3A_144 = arith.constant 0 : i32
          %dma_wait3A_145 = arith.constant 0 : i32
          %dma_wait3A_146 = tpu.memref_slice %arg10[%rem3A_96, %dma_wait3A_144, %dma_wait3A_145] : memref<2x125x128xf32, #tpu.memory_space<vmem>> -> memref<1x125x128xf32, #tpu.memory_space<vmem>>
          %dma_wait3A_147 = tpu.memref_squeeze %dma_wait3A_146 : memref<1x125x128xf32, #tpu.memory_space<vmem>> -> memref<125x128xf32, #tpu.memory_space<vmem>>
          %dma_wait3A_148 = arith.constant 0 : i32
          %dma_wait3A_149 = tpu.memref_slice %arg9[%rem3A_133, %dma_wait3A_148] : memref<40x125xi32, #tpu.memory_space<vmem>> -> memref<1x125xi32, #tpu.memory_space<vmem>>
          %dma_wait3A_150 = tpu.memref_squeeze %dma_wait3A_149 : memref<1x125xi32, #tpu.memory_space<vmem>> -> memref<125xi32, #tpu.memory_space<vmem>>
          %dma_wait3A_151 = arith.constant 0 : i32
          %dma_wait3A_152 = arith.constant 0 : i32
          %dma_wait3A_153 = tpu.memref_slice %arg11[%dma_wait3A_151, %dma_wait3A_152] : memref<10240x128xf32, #tpu.memory_space<vmem_shared>> -> memref<10240x128xf32, #tpu.memory_space<vmem_shared>>
          tpu.wait_indirect_dma semaphore(%run_scoped3A : memref<!tpu.dma_semaphore, #tpu.memory_space<semaphore_mem>>) src(%dma_wait3A_147 : memref<125x128xf32, #tpu.memory_space<vmem>>) dst(%dma_wait3A_153 : memref<10240x128xf32, #tpu.memory_space<vmem_shared>>)
          tpu.yield
        }) : () -> ()
      }
      %scan3A_69 = arith.constant 79 : i32
      %rem3A_70 = arith.constant 79 : i32
      %rem3A_71 = arith.constant 2 : i32
      %rem3A_72 = arith.remsi %rem3A_70, %rem3A_71 : i32
      %dma_wait3A_73 = arith.constant 79 : i32
      %dma_wait3A_74 = arith.constant 0 : i32
      %dma_wait3A_75 = arith.constant 0 : i32
      %dma_wait3A_76 = tpu.memref_slice %arg10[%rem3A_72, %dma_wait3A_74, %dma_wait3A_75] : memref<2x125x128xf32, #tpu.memory_space<vmem>> -> memref<1x125x128xf32, #tpu.memory_space<vmem>>
      %dma_wait3A_77 = tpu.memref_squeeze %dma_wait3A_76 : memref<1x125x128xf32, #tpu.memory_space<vmem>> -> memref<125x128xf32, #tpu.memory_space<vmem>>
      %dma_wait3A_78 = arith.constant 0 : i32
      %dma_wait3A_79 = tpu.memref_slice %arg8[%dma_wait3A_73, %dma_wait3A_78] : memref<80x125xi32, #tpu.memory_space<vmem>> -> memref<1x125xi32, #tpu.memory_space<vmem>>
      %dma_wait3A_80 = tpu.memref_squeeze %dma_wait3A_79 : memref<1x125xi32, #tpu.memory_space<vmem>> -> memref<125xi32, #tpu.memory_space<vmem>>
      %dma_wait3A_81 = arith.constant 0 : i32
      %dma_wait3A_82 = arith.constant 0 : i32
      %dma_wait3A_83 = tpu.memref_slice %arg2[%dma_wait3A_81, %dma_wait3A_82] : memref<10240x128xf32, #tpu.memory_space<hbm>> -> memref<10240x128xf32, #tpu.memory_space<hbm>>
      %dma_wait3A_84 = tpu.memref_slice %arg12[%rem3A_72] : memref<2x!tpu.dma_semaphore, #tpu.memory_space<semaphore_mem>> -> memref<1x!tpu.dma_semaphore, #tpu.memory_space<semaphore_mem>>
      %dma_wait3A_85 = tpu.memref_squeeze %dma_wait3A_84 : memref<1x!tpu.dma_semaphore, #tpu.memory_space<semaphore_mem>> -> memref<!tpu.dma_semaphore, #tpu.memory_space<semaphore_mem>>
      tpu.wait_indirect_dma semaphore(%dma_wait3A_85 : memref<!tpu.dma_semaphore, #tpu.memory_space<semaphore_mem>>) src(%dma_wait3A_83 : memref<10240x128xf32, #tpu.memory_space<hbm>>) dst(%dma_wait3A_77 : memref<125x128xf32, #tpu.memory_space<vmem>>)
      %rem3A_86 = arith.constant 79 : i32
      %rem3A_87 = arith.constant 40 : i32
      %rem3A_88 = arith.remsi %rem3A_86, %rem3A_87 : i32
      "tpu.region"() ({
        %run_scoped3A = tpu.sem_alloc : memref<!tpu.dma_semaphore, #tpu.memory_space<semaphore_mem>>
        %dma_start3A_94 = arith.constant 0 : i32
        %dma_start3A_95 = arith.constant 0 : i32
        %dma_start3A_96 = tpu.memref_slice %arg10[%rem3A_72, %dma_start3A_94, %dma_start3A_95] : memref<2x125x128xf32, #tpu.memory_space<vmem>> -> memref<1x125x128xf32, #tpu.memory_space<vmem>>
        %dma_start3A_97 = tpu.memref_squeeze %dma_start3A_96 : memref<1x125x128xf32, #tpu.memory_space<vmem>> -> memref<125x128xf32, #tpu.memory_space<vmem>>
        %dma_start3A_98 = arith.constant 0 : i32
        %dma_start3A_99 = tpu.memref_slice %arg9[%rem3A_88, %dma_start3A_98] : memref<40x125xi32, #tpu.memory_space<vmem>> -> memref<1x125xi32, #tpu.memory_space<vmem>>
        %dma_start3A_100 = tpu.memref_squeeze %dma_start3A_99 : memref<1x125xi32, #tpu.memory_space<vmem>> -> memref<125xi32, #tpu.memory_space<vmem>>
        %dma_start3A_101 = arith.constant 0 : i32
        %dma_start3A_102 = arith.constant 0 : i32
        %dma_start3A_103 = tpu.memref_slice %arg11[%dma_start3A_101, %dma_start3A_102] : memref<10240x128xf32, #tpu.memory_space<vmem_shared>> -> memref<10240x128xf32, #tpu.memory_space<vmem_shared>>
        tpu.enqueue_indirect_dma source(%dma_start3A_97 : memref<125x128xf32, #tpu.memory_space<vmem>>) target(%dma_start3A_103 : memref<10240x128xf32, #tpu.memory_space<vmem_shared>>) offsets(%dma_start3A_100 : memref<125xi32, #tpu.memory_space<vmem>>) semaphore(%run_scoped3A : memref<!tpu.dma_semaphore, #tpu.memory_space<semaphore_mem>>) {add = true}
        %dma_wait3A_104 = arith.constant 0 : i32
        %dma_wait3A_105 = arith.constant 0 : i32
        %dma_wait3A_106 = tpu.memref_slice %arg10[%rem3A_72, %dma_wait3A_104, %dma_wait3A_105] : memref<2x125x128xf32, #tpu.memory_space<vmem>> -> memref<1x125x128xf32, #tpu.memory_space<vmem>>
        %dma_wait3A_107 = tpu.memref_squeeze %dma_wait3A_106 : memref<1x125x128xf32, #tpu.memory_space<vmem>> -> memref<125x128xf32, #tpu.memory_space<vmem>>
        %dma_wait3A_108 = arith.constant 0 : i32
        %dma_wait3A_109 = tpu.memref_slice %arg9[%rem3A_88, %dma_wait3A_108] : memref<40x125xi32, #tpu.memory_space<vmem>> -> memref<1x125xi32, #tpu.memory_space<vmem>>
        %dma_wait3A_110 = tpu.memref_squeeze %dma_wait3A_109 : memref<1x125xi32, #tpu.memory_space<vmem>> -> memref<125xi32, #tpu.memory_space<vmem>>
        %dma_wait3A_111 = arith.constant 0 : i32
        %dma_wait3A_112 = arith.constant 0 : i32
        %dma_wait3A_113 = tpu.memref_slice %arg11[%dma_wait3A_111, %dma_wait3A_112] : memref<10240x128xf32, #tpu.memory_space<vmem_shared>> -> memref<10240x128xf32, #tpu.memory_space<vmem_shared>>
        tpu.wait_indirect_dma semaphore(%run_scoped3A : memref<!tpu.dma_semaphore, #tpu.memory_space<semaphore_mem>>) src(%dma_wait3A_107 : memref<125x128xf32, #tpu.memory_space<vmem>>) dst(%dma_wait3A_113 : memref<10240x128xf32, #tpu.memory_space<vmem_shared>>)
        tpu.yield
      }) : () -> ()
      %barrier3A_89 = arith.constant 0 : index
      tpu.barrier barrier_id(%barrier3A_89)
      %mul3A_90 = arith.constant 640 : i32
      %mul3A_91 = arith.muli %arg1, %mul3A_90 : i32
      %mul3A_92 = arith.constant 640 : i32
      %mul3A_93 = arith.muli %arg1, %mul3A_92 : i32
      "tpu.region"() ({
        %run_scoped3A = tpu.sem_alloc : memref<!tpu.dma_semaphore, #tpu.memory_space<semaphore_mem>>
        %dma_start3A_94 = arith.constant 0 : i32
        %dma_start3A_95 = tpu.memref_slice %arg6[%mul3A_93, %dma_start3A_94] : memref<10240x128xf32, #tpu.memory_space<hbm>> -> memref<640x128xf32, #tpu.memory_space<hbm>>
        %dma_start3A_96 = arith.constant 0 : i32
        %dma_start3A_97 = tpu.memref_slice %arg11[%mul3A_91, %dma_start3A_96] : memref<10240x128xf32, #tpu.memory_space<vmem_shared>> -> memref<640x128xf32, #tpu.memory_space<vmem_shared>>
        tpu.enqueue_dma source(%dma_start3A_97 : memref<640x128xf32, #tpu.memory_space<vmem_shared>>) target(%dma_start3A_95 : memref<640x128xf32, #tpu.memory_space<hbm>>) target_semaphore(%run_scoped3A : memref<!tpu.dma_semaphore, #tpu.memory_space<semaphore_mem>>)
        %dma_wait3A_98 = arith.constant 0 : i32
        %dma_wait3A_99 = tpu.memref_slice %arg6[%mul3A_93, %dma_wait3A_98] : memref<10240x128xf32, #tpu.memory_space<hbm>> -> memref<640x128xf32, #tpu.memory_space<hbm>>
        %dma_wait3A_100 = arith.constant 0 : i32
        %dma_wait3A_101 = tpu.memref_slice %arg11[%mul3A_91, %dma_wait3A_100] : memref<10240x128xf32, #tpu.memory_space<vmem_shared>> -> memref<640x128xf32, #tpu.memory_space<vmem_shared>>
        tpu.wait_dma2 semaphore(%run_scoped3A : memref<!tpu.dma_semaphore, #tpu.memory_space<semaphore_mem>>) src(%dma_wait3A_101 : memref<640x128xf32, #tpu.memory_space<vmem_shared>>) dst(%dma_wait3A_99 : memref<640x128xf32, #tpu.memory_space<hbm>>)
        tpu.yield
      }) : () -> ()
    } else {
    }
    %eq3A_2 = arith.constant 1 : i32
    %eq3A_3 = arith.cmpi eq, %arg0, %eq3A_2 : i32
    %convert_element_type3A_4 = arith.extui %eq3A_3 : i1 to i32
    %cond3A_5 = arith.constant 0 : i32
    %cond3A_6 = arith.cmpi ne, %convert_element_type3A_4, %cond3A_5 : i32
    scf.if %cond3A_6 {
      %mul3A = arith.constant 640 : i32
      %mul3A_7 = arith.muli %arg1, %mul3A : i32
      %mul3A_8 = arith.constant 640 : i32
      %mul3A_9 = arith.muli %arg1, %mul3A_8 : i32
      "tpu.region"() ({
        %run_scoped3A = tpu.sem_alloc : memref<!tpu.dma_semaphore, #tpu.memory_space<semaphore_mem>>
        %dma_start3A_94 = arith.constant 0 : i32
        %dma_start3A_95 = tpu.memref_slice %arg11[%mul3A_9, %dma_start3A_94] : memref<10240x128xf32, #tpu.memory_space<vmem_shared>> -> memref<640x128xf32, #tpu.memory_space<vmem_shared>>
        %dma_start3A_96 = arith.constant 0 : i32
        %dma_start3A_97 = tpu.memref_slice %arg3[%mul3A_7, %dma_start3A_96] : memref<10240x128xf32, #tpu.memory_space<hbm>> -> memref<640x128xf32, #tpu.memory_space<hbm>>
        tpu.enqueue_dma source(%dma_start3A_97 : memref<640x128xf32, #tpu.memory_space<hbm>>) target(%dma_start3A_95 : memref<640x128xf32, #tpu.memory_space<vmem_shared>>) target_semaphore(%run_scoped3A : memref<!tpu.dma_semaphore, #tpu.memory_space<semaphore_mem>>)
        %dma_wait3A_98 = arith.constant 0 : i32
        %dma_wait3A_99 = tpu.memref_slice %arg11[%mul3A_9, %dma_wait3A_98] : memref<10240x128xf32, #tpu.memory_space<vmem_shared>> -> memref<640x128xf32, #tpu.memory_space<vmem_shared>>
        %dma_wait3A_100 = arith.constant 0 : i32
        %dma_wait3A_101 = tpu.memref_slice %arg3[%mul3A_7, %dma_wait3A_100] : memref<10240x128xf32, #tpu.memory_space<hbm>> -> memref<640x128xf32, #tpu.memory_space<hbm>>
        tpu.wait_dma2 semaphore(%run_scoped3A : memref<!tpu.dma_semaphore, #tpu.memory_space<semaphore_mem>>) src(%dma_wait3A_101 : memref<640x128xf32, #tpu.memory_space<hbm>>) dst(%dma_wait3A_99 : memref<640x128xf32, #tpu.memory_space<vmem_shared>>)
        tpu.yield
      }) : () -> ()
      %barrier3A = arith.constant 0 : index
      tpu.barrier barrier_id(%barrier3A)
      %add3A = arith.constant 0 : i32
      %add3A_10 = arith.addi %add3A, %arg1 : i32
      "tpu.region"() ({
        %run_scoped3A = tpu.sem_alloc : memref<!tpu.dma_semaphore, #tpu.memory_space<semaphore_mem>>
        %dma_start3A_94 = arith.constant 0 : i32
        %dma_start3A_95 = arith.constant 0 : i32
        %dma_start3A_96 = tpu.memref_slice %arg4[%add3A_10, %dma_start3A_94, %dma_start3A_95] : memref<32x80x125xi32, #tpu.memory_space<hbm>> -> memref<1x80x125xi32, #tpu.memory_space<hbm>>
        %dma_start3A_97 = tpu.memref_squeeze %dma_start3A_96 : memref<1x80x125xi32, #tpu.memory_space<hbm>> -> memref<80x125xi32, #tpu.memory_space<hbm>>
        %dma_start3A_98 = arith.constant 0 : i32
        %dma_start3A_99 = arith.constant 0 : i32
        %dma_start3A_100 = tpu.memref_slice %arg4[%add3A_10, %dma_start3A_98, %dma_start3A_99] : memref<32x80x125xi32, #tpu.memory_space<hbm>> -> memref<1x80x125xi32, #tpu.memory_space<hbm>>
        %dma_start3A_101 = tpu.memref_squeeze %dma_start3A_100 : memref<1x80x125xi32, #tpu.memory_space<hbm>> -> memref<80x125xi32, #tpu.memory_space<hbm>>
        tpu.enqueue_dma source(%dma_start3A_101 : memref<80x125xi32, #tpu.memory_space<hbm>>) target(%arg8 : memref<80x125xi32, #tpu.memory_space<vmem>>) target_semaphore(%run_scoped3A : memref<!tpu.dma_semaphore, #tpu.memory_space<semaphore_mem>>)
        %dma_wait3A_102 = arith.constant 0 : i32
        %dma_wait3A_103 = arith.constant 0 : i32
        %dma_wait3A_104 = tpu.memref_slice %arg4[%add3A_10, %dma_wait3A_102, %dma_wait3A_103] : memref<32x80x125xi32, #tpu.memory_space<hbm>> -> memref<1x80x125xi32, #tpu.memory_space<hbm>>
        %dma_wait3A_105 = tpu.memref_squeeze %dma_wait3A_104 : memref<1x80x125xi32, #tpu.memory_space<hbm>> -> memref<80x125xi32, #tpu.memory_space<hbm>>
        %dma_wait3A_106 = arith.constant 0 : i32
        %dma_wait3A_107 = arith.constant 0 : i32
        %dma_wait3A_108 = tpu.memref_slice %arg4[%add3A_10, %dma_wait3A_106, %dma_wait3A_107] : memref<32x80x125xi32, #tpu.memory_space<hbm>> -> memref<1x80x125xi32, #tpu.memory_space<hbm>>
        %dma_wait3A_109 = tpu.memref_squeeze %dma_wait3A_108 : memref<1x80x125xi32, #tpu.memory_space<hbm>> -> memref<80x125xi32, #tpu.memory_space<hbm>>
        tpu.wait_dma2 semaphore(%run_scoped3A : memref<!tpu.dma_semaphore, #tpu.memory_space<semaphore_mem>>) src(%dma_wait3A_109 : memref<80x125xi32, #tpu.memory_space<hbm>>) dst(%arg8 : memref<80x125xi32, #tpu.memory_space<vmem>>)
        tpu.yield
      }) : () -> ()
      "tpu.region"() ({
        %run_scoped3A = tpu.sem_alloc : memref<!tpu.dma_semaphore, #tpu.memory_space<semaphore_mem>>
        %dma_start3A_94 = arith.constant 0 : i32
        %dma_start3A_95 = arith.constant 0 : i32
        %dma_start3A_96 = tpu.memref_slice %arg5[%add3A_10, %dma_start3A_94, %dma_start3A_95] : memref<32x80x125xi32, #tpu.memory_space<hbm>> -> memref<1x40x125xi32, #tpu.memory_space<hbm>>
        %dma_start3A_97 = tpu.memref_squeeze %dma_start3A_96 : memref<1x40x125xi32, #tpu.memory_space<hbm>> -> memref<40x125xi32, #tpu.memory_space<hbm>>
        %dma_start3A_98 = arith.constant 0 : i32
        %dma_start3A_99 = arith.constant 0 : i32
        %dma_start3A_100 = tpu.memref_slice %arg5[%add3A_10, %dma_start3A_98, %dma_start3A_99] : memref<32x80x125xi32, #tpu.memory_space<hbm>> -> memref<1x40x125xi32, #tpu.memory_space<hbm>>
        %dma_start3A_101 = tpu.memref_squeeze %dma_start3A_100 : memref<1x40x125xi32, #tpu.memory_space<hbm>> -> memref<40x125xi32, #tpu.memory_space<hbm>>
        tpu.enqueue_dma source(%dma_start3A_101 : memref<40x125xi32, #tpu.memory_space<hbm>>) target(%arg9 : memref<40x125xi32, #tpu.memory_space<vmem>>) target_semaphore(%run_scoped3A : memref<!tpu.dma_semaphore, #tpu.memory_space<semaphore_mem>>)
        %dma_wait3A_102 = arith.constant 0 : i32
        %dma_wait3A_103 = arith.constant 0 : i32
        %dma_wait3A_104 = tpu.memref_slice %arg5[%add3A_10, %dma_wait3A_102, %dma_wait3A_103] : memref<32x80x125xi32, #tpu.memory_space<hbm>> -> memref<1x40x125xi32, #tpu.memory_space<hbm>>
        %dma_wait3A_105 = tpu.memref_squeeze %dma_wait3A_104 : memref<1x40x125xi32, #tpu.memory_space<hbm>> -> memref<40x125xi32, #tpu.memory_space<hbm>>
        %dma_wait3A_106 = arith.constant 0 : i32
        %dma_wait3A_107 = arith.constant 0 : i32
        %dma_wait3A_108 = tpu.memref_slice %arg5[%add3A_10, %dma_wait3A_106, %dma_wait3A_107] : memref<32x80x125xi32, #tpu.memory_space<hbm>> -> memref<1x40x125xi32, #tpu.memory_space<hbm>>
        %dma_wait3A_109 = tpu.memref_squeeze %dma_wait3A_108 : memref<1x40x125xi32, #tpu.memory_space<hbm>> -> memref<40x125xi32, #tpu.memory_space<hbm>>
        tpu.wait_dma2 semaphore(%run_scoped3A : memref<!tpu.dma_semaphore, #tpu.memory_space<semaphore_mem>>) src(%dma_wait3A_109 : memref<40x125xi32, #tpu.memory_space<hbm>>) dst(%arg9 : memref<40x125xi32, #tpu.memory_space<vmem>>)
        tpu.yield
      }) : () -> ()
      %dma_start3A = arith.constant 0 : i32
      %dma_start3A_11 = arith.constant 0 : i32
      %dma_start3A_12 = arith.constant 0 : i32
      %dma_start3A_13 = arith.constant 0 : i32
      %dma_start3A_14 = arith.constant 0 : i32
      %dma_start3A_15 = tpu.memref_slice %arg10[%dma_start3A_11, %dma_start3A_13, %dma_start3A_14] : memref<2x125x128xf32, #tpu.memory_space<vmem>> -> memref<1x125x128xf32, #tpu.memory_space<vmem>>
      %dma_start3A_16 = tpu.memref_squeeze %dma_start3A_15 : memref<1x125x128xf32, #tpu.memory_space<vmem>> -> memref<125x128xf32, #tpu.memory_space<vmem>>
      %dma_start3A_17 = arith.constant 0 : i32
      %dma_start3A_18 = tpu.memref_slice %arg8[%dma_start3A, %dma_start3A_17] : memref<80x125xi32, #tpu.memory_space<vmem>> -> memref<1x125xi32, #tpu.memory_space<vmem>>
      %dma_start3A_19 = tpu.memref_squeeze %dma_start3A_18 : memref<1x125xi32, #tpu.memory_space<vmem>> -> memref<125xi32, #tpu.memory_space<vmem>>
      %dma_start3A_20 = arith.constant 0 : i32
      %dma_start3A_21 = arith.constant 0 : i32
      %dma_start3A_22 = tpu.memref_slice %arg3[%dma_start3A_20, %dma_start3A_21] : memref<10240x128xf32, #tpu.memory_space<hbm>> -> memref<10240x128xf32, #tpu.memory_space<hbm>>
      %dma_start3A_23 = tpu.memref_slice %arg12[%dma_start3A_12] : memref<2x!tpu.dma_semaphore, #tpu.memory_space<semaphore_mem>> -> memref<1x!tpu.dma_semaphore, #tpu.memory_space<semaphore_mem>>
      %dma_start3A_24 = tpu.memref_squeeze %dma_start3A_23 : memref<1x!tpu.dma_semaphore, #tpu.memory_space<semaphore_mem>> -> memref<!tpu.dma_semaphore, #tpu.memory_space<semaphore_mem>>
      tpu.enqueue_indirect_dma source(%dma_start3A_22 : memref<10240x128xf32, #tpu.memory_space<hbm>>) target(%dma_start3A_16 : memref<125x128xf32, #tpu.memory_space<vmem>>) offsets(%dma_start3A_19 : memref<125xi32, #tpu.memory_space<vmem>>) semaphore(%dma_start3A_24 : memref<!tpu.dma_semaphore, #tpu.memory_space<semaphore_mem>>)
      %scan3A = arith.constant 0 : i32
      %scan3A_25 = arith.constant 0 : i32
      %scan3A_26 = arith.constant 79 : i32
      %scan3A_27 = arith.addi %scan3A_25, %scan3A_26 : i32
      %scan3A_28 = arith.constant 1 : i32
      scf.for %scan3A_94 = %scan3A_25 to %scan3A_27 step %scan3A_28  : i32 {
        %rem3A_95 = arith.constant 2 : i32
        %rem3A_96 = arith.remsi %scan3A_94, %rem3A_95 : i32
        %add3A_97 = arith.constant 1 : i32
        %add3A_98 = arith.addi %scan3A_94, %add3A_97 : i32
        %sub3A = arith.constant 1 : i32
        %sub3A_99 = arith.subi %sub3A, %rem3A_96 : i32
        %dma_start3A_100 = arith.constant 0 : i32
        %dma_start3A_101 = arith.constant 0 : i32
        %dma_start3A_102 = tpu.memref_slice %arg10[%sub3A_99, %dma_start3A_100, %dma_start3A_101] : memref<2x125x128xf32, #tpu.memory_space<vmem>> -> memref<1x125x128xf32, #tpu.memory_space<vmem>>
        %dma_start3A_103 = tpu.memref_squeeze %dma_start3A_102 : memref<1x125x128xf32, #tpu.memory_space<vmem>> -> memref<125x128xf32, #tpu.memory_space<vmem>>
        %dma_start3A_104 = arith.constant 0 : i32
        %dma_start3A_105 = tpu.memref_slice %arg8[%add3A_98, %dma_start3A_104] : memref<80x125xi32, #tpu.memory_space<vmem>> -> memref<1x125xi32, #tpu.memory_space<vmem>>
        %dma_start3A_106 = tpu.memref_squeeze %dma_start3A_105 : memref<1x125xi32, #tpu.memory_space<vmem>> -> memref<125xi32, #tpu.memory_space<vmem>>
        %dma_start3A_107 = arith.constant 0 : i32
        %dma_start3A_108 = arith.constant 0 : i32
        %dma_start3A_109 = tpu.memref_slice %arg3[%dma_start3A_107, %dma_start3A_108] : memref<10240x128xf32, #tpu.memory_space<hbm>> -> memref<10240x128xf32, #tpu.memory_space<hbm>>
        %dma_start3A_110 = tpu.memref_slice %arg12[%sub3A_99] : memref<2x!tpu.dma_semaphore, #tpu.memory_space<semaphore_mem>> -> memref<1x!tpu.dma_semaphore, #tpu.memory_space<semaphore_mem>>
        %dma_start3A_111 = tpu.memref_squeeze %dma_start3A_110 : memref<1x!tpu.dma_semaphore, #tpu.memory_space<semaphore_mem>> -> memref<!tpu.dma_semaphore, #tpu.memory_space<semaphore_mem>>
        tpu.enqueue_indirect_dma source(%dma_start3A_109 : memref<10240x128xf32, #tpu.memory_space<hbm>>) target(%dma_start3A_103 : memref<125x128xf32, #tpu.memory_space<vmem>>) offsets(%dma_start3A_106 : memref<125xi32, #tpu.memory_space<vmem>>) semaphore(%dma_start3A_111 : memref<!tpu.dma_semaphore, #tpu.memory_space<semaphore_mem>>)
        %rem3A_112 = arith.constant 40 : i32
        %rem3A_113 = arith.remsi %scan3A_94, %rem3A_112 : i32
        %eq3A_114 = arith.constant 0 : i32
        %eq3A_115 = arith.cmpi eq, %rem3A_113, %eq3A_114 : i32
        %gt3A = arith.constant 0 : i32
        %gt3A_116 = arith.cmpi sgt, %scan3A_94, %gt3A : i32
        %and3A = arith.andi %eq3A_115, %gt3A_116 : i1
        %convert_element_type3A_117 = arith.extui %and3A : i1 to i32
        %cond3A_118 = arith.constant 0 : i32
        %cond3A_119 = arith.cmpi ne, %convert_element_type3A_117, %cond3A_118 : i32
        scf.if %cond3A_119 {
          %multiple_of3A = tpu.assume_multiple %scan3A_94, 40 : i32
          "tpu.region"() ({
            %run_scoped3A = tpu.sem_alloc : memref<!tpu.dma_semaphore, #tpu.memory_space<semaphore_mem>>
            %dma_start3A_134 = arith.constant 0 : i32
            %dma_start3A_135 = tpu.memref_slice %arg5[%add3A_10, %multiple_of3A, %dma_start3A_134] : memref<32x80x125xi32, #tpu.memory_space<hbm>> -> memref<1x40x125xi32, #tpu.memory_space<hbm>>
            %dma_start3A_136 = tpu.memref_squeeze %dma_start3A_135 : memref<1x40x125xi32, #tpu.memory_space<hbm>> -> memref<40x125xi32, #tpu.memory_space<hbm>>
            %dma_start3A_137 = arith.constant 0 : i32
            %dma_start3A_138 = tpu.memref_slice %arg5[%add3A_10, %multiple_of3A, %dma_start3A_137] : memref<32x80x125xi32, #tpu.memory_space<hbm>> -> memref<1x40x125xi32, #tpu.memory_space<hbm>>
            %dma_start3A_139 = tpu.memref_squeeze %dma_start3A_138 : memref<1x40x125xi32, #tpu.memory_space<hbm>> -> memref<40x125xi32, #tpu.memory_space<hbm>>
            tpu.enqueue_dma source(%dma_start3A_139 : memref<40x125xi32, #tpu.memory_space<hbm>>) target(%arg9 : memref<40x125xi32, #tpu.memory_space<vmem>>) target_semaphore(%run_scoped3A : memref<!tpu.dma_semaphore, #tpu.memory_space<semaphore_mem>>)
            %dma_wait3A_140 = arith.constant 0 : i32
            %dma_wait3A_141 = tpu.memref_slice %arg5[%add3A_10, %multiple_of3A, %dma_wait3A_140] : memref<32x80x125xi32, #tpu.memory_space<hbm>> -> memref<1x40x125xi32, #tpu.memory_space<hbm>>
            %dma_wait3A_142 = tpu.memref_squeeze %dma_wait3A_141 : memref<1x40x125xi32, #tpu.memory_space<hbm>> -> memref<40x125xi32, #tpu.memory_space<hbm>>
            %dma_wait3A_143 = arith.constant 0 : i32
            %dma_wait3A_144 = tpu.memref_slice %arg5[%add3A_10, %multiple_of3A, %dma_wait3A_143] : memref<32x80x125xi32, #tpu.memory_space<hbm>> -> memref<1x40x125xi32, #tpu.memory_space<hbm>>
            %dma_wait3A_145 = tpu.memref_squeeze %dma_wait3A_144 : memref<1x40x125xi32, #tpu.memory_space<hbm>> -> memref<40x125xi32, #tpu.memory_space<hbm>>
            tpu.wait_dma2 semaphore(%run_scoped3A : memref<!tpu.dma_semaphore, #tpu.memory_space<semaphore_mem>>) src(%dma_wait3A_145 : memref<40x125xi32, #tpu.memory_space<hbm>>) dst(%arg9 : memref<40x125xi32, #tpu.memory_space<vmem>>)
            tpu.yield
          }) : () -> ()
        } else {
        }
        %dma_wait3A_120 = arith.constant 0 : i32
        %dma_wait3A_121 = arith.constant 0 : i32
        %dma_wait3A_122 = tpu.memref_slice %arg10[%rem3A_96, %dma_wait3A_120, %dma_wait3A_121] : memref<2x125x128xf32, #tpu.memory_space<vmem>> -> memref<1x125x128xf32, #tpu.memory_space<vmem>>
        %dma_wait3A_123 = tpu.memref_squeeze %dma_wait3A_122 : memref<1x125x128xf32, #tpu.memory_space<vmem>> -> memref<125x128xf32, #tpu.memory_space<vmem>>
        %dma_wait3A_124 = arith.constant 0 : i32
        %dma_wait3A_125 = tpu.memref_slice %arg8[%scan3A_94, %dma_wait3A_124] : memref<80x125xi32, #tpu.memory_space<vmem>> -> memref<1x125xi32, #tpu.memory_space<vmem>>
        %dma_wait3A_126 = tpu.memref_squeeze %dma_wait3A_125 : memref<1x125xi32, #tpu.memory_space<vmem>> -> memref<125xi32, #tpu.memory_space<vmem>>
        %dma_wait3A_127 = arith.constant 0 : i32
        %dma_wait3A_128 = arith.constant 0 : i32
        %dma_wait3A_129 = tpu.memref_slice %arg3[%dma_wait3A_127, %dma_wait3A_128] : memref<10240x128xf32, #tpu.memory_space<hbm>> -> memref<10240x128xf32, #tpu.memory_space<hbm>>
        %dma_wait3A_130 = tpu.memref_slice %arg12[%rem3A_96] : memref<2x!tpu.dma_semaphore, #tpu.memory_space<semaphore_mem>> -> memref<1x!tpu.dma_semaphore, #tpu.memory_space<semaphore_mem>>
        %dma_wait3A_131 = tpu.memref_squeeze %dma_wait3A_130 : memref<1x!tpu.dma_semaphore, #tpu.memory_space<semaphore_mem>> -> memref<!tpu.dma_semaphore, #tpu.memory_space<semaphore_mem>>
        tpu.wait_indirect_dma semaphore(%dma_wait3A_131 : memref<!tpu.dma_semaphore, #tpu.memory_space<semaphore_mem>>) src(%dma_wait3A_129 : memref<10240x128xf32, #tpu.memory_space<hbm>>) dst(%dma_wait3A_123 : memref<125x128xf32, #tpu.memory_space<vmem>>)
        %rem3A_132 = arith.constant 40 : i32
        %rem3A_133 = arith.remsi %scan3A_94, %rem3A_132 : i32
        "tpu.region"() ({
          %run_scoped3A = tpu.sem_alloc : memref<!tpu.dma_semaphore, #tpu.memory_space<semaphore_mem>>
          %dma_start3A_134 = arith.constant 0 : i32
          %dma_start3A_135 = arith.constant 0 : i32
          %dma_start3A_136 = tpu.memref_slice %arg10[%rem3A_96, %dma_start3A_134, %dma_start3A_135] : memref<2x125x128xf32, #tpu.memory_space<vmem>> -> memref<1x125x128xf32, #tpu.memory_space<vmem>>
          %dma_start3A_137 = tpu.memref_squeeze %dma_start3A_136 : memref<1x125x128xf32, #tpu.memory_space<vmem>> -> memref<125x128xf32, #tpu.memory_space<vmem>>
          %dma_start3A_138 = arith.constant 0 : i32
          %dma_start3A_139 = tpu.memref_slice %arg9[%rem3A_133, %dma_start3A_138] : memref<40x125xi32, #tpu.memory_space<vmem>> -> memref<1x125xi32, #tpu.memory_space<vmem>>
          %dma_start3A_140 = tpu.memref_squeeze %dma_start3A_139 : memref<1x125xi32, #tpu.memory_space<vmem>> -> memref<125xi32, #tpu.memory_space<vmem>>
          %dma_start3A_141 = arith.constant 0 : i32
          %dma_start3A_142 = arith.constant 0 : i32
          %dma_start3A_143 = tpu.memref_slice %arg11[%dma_start3A_141, %dma_start3A_142] : memref<10240x128xf32, #tpu.memory_space<vmem_shared>> -> memref<10240x128xf32, #tpu.memory_space<vmem_shared>>
          tpu.enqueue_indirect_dma source(%dma_start3A_137 : memref<125x128xf32, #tpu.memory_space<vmem>>) target(%dma_start3A_143 : memref<10240x128xf32, #tpu.memory_space<vmem_shared>>) offsets(%dma_start3A_140 : memref<125xi32, #tpu.memory_space<vmem>>) semaphore(%run_scoped3A : memref<!tpu.dma_semaphore, #tpu.memory_space<semaphore_mem>>) {add = true}
          %dma_wait3A_144 = arith.constant 0 : i32
          %dma_wait3A_145 = arith.constant 0 : i32
          %dma_wait3A_146 = tpu.memref_slice %arg10[%rem3A_96, %dma_wait3A_144, %dma_wait3A_145] : memref<2x125x128xf32, #tpu.memory_space<vmem>> -> memref<1x125x128xf32, #tpu.memory_space<vmem>>
          %dma_wait3A_147 = tpu.memref_squeeze %dma_wait3A_146 : memref<1x125x128xf32, #tpu.memory_space<vmem>> -> memref<125x128xf32, #tpu.memory_space<vmem>>
          %dma_wait3A_148 = arith.constant 0 : i32
          %dma_wait3A_149 = tpu.memref_slice %arg9[%rem3A_133, %dma_wait3A_148] : memref<40x125xi32, #tpu.memory_space<vmem>> -> memref<1x125xi32, #tpu.memory_space<vmem>>
          %dma_wait3A_150 = tpu.memref_squeeze %dma_wait3A_149 : memref<1x125xi32, #tpu.memory_space<vmem>> -> memref<125xi32, #tpu.memory_space<vmem>>
          %dma_wait3A_151 = arith.constant 0 : i32
          %dma_wait3A_152 = arith.constant 0 : i32
          %dma_wait3A_153 = tpu.memref_slice %arg11[%dma_wait3A_151, %dma_wait3A_152] : memref<10240x128xf32, #tpu.memory_space<vmem_shared>> -> memref<10240x128xf32, #tpu.memory_space<vmem_shared>>
          tpu.wait_indirect_dma semaphore(%run_scoped3A : memref<!tpu.dma_semaphore, #tpu.memory_space<semaphore_mem>>) src(%dma_wait3A_147 : memref<125x128xf32, #tpu.memory_space<vmem>>) dst(%dma_wait3A_153 : memref<10240x128xf32, #tpu.memory_space<vmem_shared>>)
          tpu.yield
        }) : () -> ()
      }
      %scan3A_29 = arith.constant 79 : i32
      %rem3A = arith.constant 79 : i32
      %rem3A_30 = arith.constant 2 : i32
      %rem3A_31 = arith.remsi %rem3A, %rem3A_30 : i32
      %dma_wait3A = arith.constant 79 : i32
      %dma_wait3A_32 = arith.constant 0 : i32
      %dma_wait3A_33 = arith.constant 0 : i32
      %dma_wait3A_34 = tpu.memref_slice %arg10[%rem3A_31, %dma_wait3A_32, %dma_wait3A_33] : memref<2x125x128xf32, #tpu.memory_space<vmem>> -> memref<1x125x128xf32, #tpu.memory_space<vmem>>
      %dma_wait3A_35 = tpu.memref_squeeze %dma_wait3A_34 : memref<1x125x128xf32, #tpu.memory_space<vmem>> -> memref<125x128xf32, #tpu.memory_space<vmem>>
      %dma_wait3A_36 = arith.constant 0 : i32
      %dma_wait3A_37 = tpu.memref_slice %arg8[%dma_wait3A, %dma_wait3A_36] : memref<80x125xi32, #tpu.memory_space<vmem>> -> memref<1x125xi32, #tpu.memory_space<vmem>>
      %dma_wait3A_38 = tpu.memref_squeeze %dma_wait3A_37 : memref<1x125xi32, #tpu.memory_space<vmem>> -> memref<125xi32, #tpu.memory_space<vmem>>
      %dma_wait3A_39 = arith.constant 0 : i32
      %dma_wait3A_40 = arith.constant 0 : i32
      %dma_wait3A_41 = tpu.memref_slice %arg3[%dma_wait3A_39, %dma_wait3A_40] : memref<10240x128xf32, #tpu.memory_space<hbm>> -> memref<10240x128xf32, #tpu.memory_space<hbm>>
      %dma_wait3A_42 = tpu.memref_slice %arg12[%rem3A_31] : memref<2x!tpu.dma_semaphore, #tpu.memory_space<semaphore_mem>> -> memref<1x!tpu.dma_semaphore, #tpu.memory_space<semaphore_mem>>
      %dma_wait3A_43 = tpu.memref_squeeze %dma_wait3A_42 : memref<1x!tpu.dma_semaphore, #tpu.memory_space<semaphore_mem>> -> memref<!tpu.dma_semaphore, #tpu.memory_space<semaphore_mem>>
      tpu.wait_indirect_dma semaphore(%dma_wait3A_43 : memref<!tpu.dma_semaphore, #tpu.memory_space<semaphore_mem>>) src(%dma_wait3A_41 : memref<10240x128xf32, #tpu.memory_space<hbm>>) dst(%dma_wait3A_35 : memref<125x128xf32, #tpu.memory_space<vmem>>)
      %rem3A_44 = arith.constant 79 : i32
      %rem3A_45 = arith.constant 40 : i32
      %rem3A_46 = arith.remsi %rem3A_44, %rem3A_45 : i32
      "tpu.region"() ({
        %run_scoped3A = tpu.sem_alloc : memref<!tpu.dma_semaphore, #tpu.memory_space<semaphore_mem>>
        %dma_start3A_94 = arith.constant 0 : i32
        %dma_start3A_95 = arith.constant 0 : i32
        %dma_start3A_96 = tpu.memref_slice %arg10[%rem3A_31, %dma_start3A_94, %dma_start3A_95] : memref<2x125x128xf32, #tpu.memory_space<vmem>> -> memref<1x125x128xf32, #tpu.memory_space<vmem>>
        %dma_start3A_97 = tpu.memref_squeeze %dma_start3A_96 : memref<1x125x128xf32, #tpu.memory_space<vmem>> -> memref<125x128xf32, #tpu.memory_space<vmem>>
        %dma_start3A_98 = arith.constant 0 : i32
        %dma_start3A_99 = tpu.memref_slice %arg9[%rem3A_46, %dma_start3A_98] : memref<40x125xi32, #tpu.memory_space<vmem>> -> memref<1x125xi32, #tpu.memory_space<vmem>>
        %dma_start3A_100 = tpu.memref_squeeze %dma_start3A_99 : memref<1x125xi32, #tpu.memory_space<vmem>> -> memref<125xi32, #tpu.memory_space<vmem>>
        %dma_start3A_101 = arith.constant 0 : i32
        %dma_start3A_102 = arith.constant 0 : i32
        %dma_start3A_103 = tpu.memref_slice %arg11[%dma_start3A_101, %dma_start3A_102] : memref<10240x128xf32, #tpu.memory_space<vmem_shared>> -> memref<10240x128xf32, #tpu.memory_space<vmem_shared>>
        tpu.enqueue_indirect_dma source(%dma_start3A_97 : memref<125x128xf32, #tpu.memory_space<vmem>>) target(%dma_start3A_103 : memref<10240x128xf32, #tpu.memory_space<vmem_shared>>) offsets(%dma_start3A_100 : memref<125xi32, #tpu.memory_space<vmem>>) semaphore(%run_scoped3A : memref<!tpu.dma_semaphore, #tpu.memory_space<semaphore_mem>>) {add = true}
        %dma_wait3A_104 = arith.constant 0 : i32
        %dma_wait3A_105 = arith.constant 0 : i32
        %dma_wait3A_106 = tpu.memref_slice %arg10[%rem3A_31, %dma_wait3A_104, %dma_wait3A_105] : memref<2x125x128xf32, #tpu.memory_space<vmem>> -> memref<1x125x128xf32, #tpu.memory_space<vmem>>
        %dma_wait3A_107 = tpu.memref_squeeze %dma_wait3A_106 : memref<1x125x128xf32, #tpu.memory_space<vmem>> -> memref<125x128xf32, #tpu.memory_space<vmem>>
        %dma_wait3A_108 = arith.constant 0 : i32
        %dma_wait3A_109 = tpu.memref_slice %arg9[%rem3A_46, %dma_wait3A_108] : memref<40x125xi32, #tpu.memory_space<vmem>> -> memref<1x125xi32, #tpu.memory_space<vmem>>
        %dma_wait3A_110 = tpu.memref_squeeze %dma_wait3A_109 : memref<1x125xi32, #tpu.memory_space<vmem>> -> memref<125xi32, #tpu.memory_space<vmem>>
        %dma_wait3A_111 = arith.constant 0 : i32
        %dma_wait3A_112 = arith.constant 0 : i32
        %dma_wait3A_113 = tpu.memref_slice %arg11[%dma_wait3A_111, %dma_wait3A_112] : memref<10240x128xf32, #tpu.memory_space<vmem_shared>> -> memref<10240x128xf32, #tpu.memory_space<vmem_shared>>
        tpu.wait_indirect_dma semaphore(%run_scoped3A : memref<!tpu.dma_semaphore, #tpu.memory_space<semaphore_mem>>) src(%dma_wait3A_107 : memref<125x128xf32, #tpu.memory_space<vmem>>) dst(%dma_wait3A_113 : memref<10240x128xf32, #tpu.memory_space<vmem_shared>>)
        tpu.yield
      }) : () -> ()
      %add3A_47 = arith.constant 16 : i32
      %add3A_48 = arith.addi %add3A_47, %arg1 : i32
      "tpu.region"() ({
        %run_scoped3A = tpu.sem_alloc : memref<!tpu.dma_semaphore, #tpu.memory_space<semaphore_mem>>
        %dma_start3A_94 = arith.constant 0 : i32
        %dma_start3A_95 = arith.constant 0 : i32
        %dma_start3A_96 = tpu.memref_slice %arg4[%add3A_48, %dma_start3A_94, %dma_start3A_95] : memref<32x80x125xi32, #tpu.memory_space<hbm>> -> memref<1x80x125xi32, #tpu.memory_space<hbm>>
        %dma_start3A_97 = tpu.memref_squeeze %dma_start3A_96 : memref<1x80x125xi32, #tpu.memory_space<hbm>> -> memref<80x125xi32, #tpu.memory_space<hbm>>
        %dma_start3A_98 = arith.constant 0 : i32
        %dma_start3A_99 = arith.constant 0 : i32
        %dma_start3A_100 = tpu.memref_slice %arg4[%add3A_48, %dma_start3A_98, %dma_start3A_99] : memref<32x80x125xi32, #tpu.memory_space<hbm>> -> memref<1x80x125xi32, #tpu.memory_space<hbm>>
        %dma_start3A_101 = tpu.memref_squeeze %dma_start3A_100 : memref<1x80x125xi32, #tpu.memory_space<hbm>> -> memref<80x125xi32, #tpu.memory_space<hbm>>
        tpu.enqueue_dma source(%dma_start3A_101 : memref<80x125xi32, #tpu.memory_space<hbm>>) target(%arg8 : memref<80x125xi32, #tpu.memory_space<vmem>>) target_semaphore(%run_scoped3A : memref<!tpu.dma_semaphore, #tpu.memory_space<semaphore_mem>>)
        %dma_wait3A_102 = arith.constant 0 : i32
        %dma_wait3A_103 = arith.constant 0 : i32
        %dma_wait3A_104 = tpu.memref_slice %arg4[%add3A_48, %dma_wait3A_102, %dma_wait3A_103] : memref<32x80x125xi32, #tpu.memory_space<hbm>> -> memref<1x80x125xi32, #tpu.memory_space<hbm>>
        %dma_wait3A_105 = tpu.memref_squeeze %dma_wait3A_104 : memref<1x80x125xi32, #tpu.memory_space<hbm>> -> memref<80x125xi32, #tpu.memory_space<hbm>>
        %dma_wait3A_106 = arith.constant 0 : i32
        %dma_wait3A_107 = arith.constant 0 : i32
        %dma_wait3A_108 = tpu.memref_slice %arg4[%add3A_48, %dma_wait3A_106, %dma_wait3A_107] : memref<32x80x125xi32, #tpu.memory_space<hbm>> -> memref<1x80x125xi32, #tpu.memory_space<hbm>>
        %dma_wait3A_109 = tpu.memref_squeeze %dma_wait3A_108 : memref<1x80x125xi32, #tpu.memory_space<hbm>> -> memref<80x125xi32, #tpu.memory_space<hbm>>
        tpu.wait_dma2 semaphore(%run_scoped3A : memref<!tpu.dma_semaphore, #tpu.memory_space<semaphore_mem>>) src(%dma_wait3A_109 : memref<80x125xi32, #tpu.memory_space<hbm>>) dst(%arg8 : memref<80x125xi32, #tpu.memory_space<vmem>>)
        tpu.yield
      }) : () -> ()
      "tpu.region"() ({
        %run_scoped3A = tpu.sem_alloc : memref<!tpu.dma_semaphore, #tpu.memory_space<semaphore_mem>>
        %dma_start3A_94 = arith.constant 0 : i32
        %dma_start3A_95 = arith.constant 0 : i32
        %dma_start3A_96 = tpu.memref_slice %arg5[%add3A_48, %dma_start3A_94, %dma_start3A_95] : memref<32x80x125xi32, #tpu.memory_space<hbm>> -> memref<1x40x125xi32, #tpu.memory_space<hbm>>
        %dma_start3A_97 = tpu.memref_squeeze %dma_start3A_96 : memref<1x40x125xi32, #tpu.memory_space<hbm>> -> memref<40x125xi32, #tpu.memory_space<hbm>>
        %dma_start3A_98 = arith.constant 0 : i32
        %dma_start3A_99 = arith.constant 0 : i32
        %dma_start3A_100 = tpu.memref_slice %arg5[%add3A_48, %dma_start3A_98, %dma_start3A_99] : memref<32x80x125xi32, #tpu.memory_space<hbm>> -> memref<1x40x125xi32, #tpu.memory_space<hbm>>
        %dma_start3A_101 = tpu.memref_squeeze %dma_start3A_100 : memref<1x40x125xi32, #tpu.memory_space<hbm>> -> memref<40x125xi32, #tpu.memory_space<hbm>>
        tpu.enqueue_dma source(%dma_start3A_101 : memref<40x125xi32, #tpu.memory_space<hbm>>) target(%arg9 : memref<40x125xi32, #tpu.memory_space<vmem>>) target_semaphore(%run_scoped3A : memref<!tpu.dma_semaphore, #tpu.memory_space<semaphore_mem>>)
        %dma_wait3A_102 = arith.constant 0 : i32
        %dma_wait3A_103 = arith.constant 0 : i32
        %dma_wait3A_104 = tpu.memref_slice %arg5[%add3A_48, %dma_wait3A_102, %dma_wait3A_103] : memref<32x80x125xi32, #tpu.memory_space<hbm>> -> memref<1x40x125xi32, #tpu.memory_space<hbm>>
        %dma_wait3A_105 = tpu.memref_squeeze %dma_wait3A_104 : memref<1x40x125xi32, #tpu.memory_space<hbm>> -> memref<40x125xi32, #tpu.memory_space<hbm>>
        %dma_wait3A_106 = arith.constant 0 : i32
        %dma_wait3A_107 = arith.constant 0 : i32
        %dma_wait3A_108 = tpu.memref_slice %arg5[%add3A_48, %dma_wait3A_106, %dma_wait3A_107] : memref<32x80x125xi32, #tpu.memory_space<hbm>> -> memref<1x40x125xi32, #tpu.memory_space<hbm>>
        %dma_wait3A_109 = tpu.memref_squeeze %dma_wait3A_108 : memref<1x40x125xi32, #tpu.memory_space<hbm>> -> memref<40x125xi32, #tpu.memory_space<hbm>>
        tpu.wait_dma2 semaphore(%run_scoped3A : memref<!tpu.dma_semaphore, #tpu.memory_space<semaphore_mem>>) src(%dma_wait3A_109 : memref<40x125xi32, #tpu.memory_space<hbm>>) dst(%arg9 : memref<40x125xi32, #tpu.memory_space<vmem>>)
        tpu.yield
      }) : () -> ()
      %dma_start3A_49 = arith.constant 0 : i32
      %dma_start3A_50 = arith.constant 0 : i32
      %dma_start3A_51 = arith.constant 0 : i32
      %dma_start3A_52 = arith.constant 0 : i32
      %dma_start3A_53 = arith.constant 0 : i32
      %dma_start3A_54 = tpu.memref_slice %arg10[%dma_start3A_50, %dma_start3A_52, %dma_start3A_53] : memref<2x125x128xf32, #tpu.memory_space<vmem>> -> memref<1x125x128xf32, #tpu.memory_space<vmem>>
      %dma_start3A_55 = tpu.memref_squeeze %dma_start3A_54 : memref<1x125x128xf32, #tpu.memory_space<vmem>> -> memref<125x128xf32, #tpu.memory_space<vmem>>
      %dma_start3A_56 = arith.constant 0 : i32
      %dma_start3A_57 = tpu.memref_slice %arg8[%dma_start3A_49, %dma_start3A_56] : memref<80x125xi32, #tpu.memory_space<vmem>> -> memref<1x125xi32, #tpu.memory_space<vmem>>
      %dma_start3A_58 = tpu.memref_squeeze %dma_start3A_57 : memref<1x125xi32, #tpu.memory_space<vmem>> -> memref<125xi32, #tpu.memory_space<vmem>>
      %dma_start3A_59 = arith.constant 0 : i32
      %dma_start3A_60 = arith.constant 0 : i32
      %dma_start3A_61 = tpu.memref_slice %arg3[%dma_start3A_59, %dma_start3A_60] : memref<10240x128xf32, #tpu.memory_space<hbm>> -> memref<10240x128xf32, #tpu.memory_space<hbm>>
      %dma_start3A_62 = tpu.memref_slice %arg12[%dma_start3A_51] : memref<2x!tpu.dma_semaphore, #tpu.memory_space<semaphore_mem>> -> memref<1x!tpu.dma_semaphore, #tpu.memory_space<semaphore_mem>>
      %dma_start3A_63 = tpu.memref_squeeze %dma_start3A_62 : memref<1x!tpu.dma_semaphore, #tpu.memory_space<semaphore_mem>> -> memref<!tpu.dma_semaphore, #tpu.memory_space<semaphore_mem>>
      tpu.enqueue_indirect_dma source(%dma_start3A_61 : memref<10240x128xf32, #tpu.memory_space<hbm>>) target(%dma_start3A_55 : memref<125x128xf32, #tpu.memory_space<vmem>>) offsets(%dma_start3A_58 : memref<125xi32, #tpu.memory_space<vmem>>) semaphore(%dma_start3A_63 : memref<!tpu.dma_semaphore, #tpu.memory_space<semaphore_mem>>)
      %scan3A_64 = arith.constant 0 : i32
      %scan3A_65 = arith.constant 0 : i32
      %scan3A_66 = arith.constant 79 : i32
      %scan3A_67 = arith.addi %scan3A_65, %scan3A_66 : i32
      %scan3A_68 = arith.constant 1 : i32
      scf.for %scan3A_94 = %scan3A_65 to %scan3A_67 step %scan3A_68  : i32 {
        %rem3A_95 = arith.constant 2 : i32
        %rem3A_96 = arith.remsi %scan3A_94, %rem3A_95 : i32
        %add3A_97 = arith.constant 1 : i32
        %add3A_98 = arith.addi %scan3A_94, %add3A_97 : i32
        %sub3A = arith.constant 1 : i32
        %sub3A_99 = arith.subi %sub3A, %rem3A_96 : i32
        %dma_start3A_100 = arith.constant 0 : i32
        %dma_start3A_101 = arith.constant 0 : i32
        %dma_start3A_102 = tpu.memref_slice %arg10[%sub3A_99, %dma_start3A_100, %dma_start3A_101] : memref<2x125x128xf32, #tpu.memory_space<vmem>> -> memref<1x125x128xf32, #tpu.memory_space<vmem>>
        %dma_start3A_103 = tpu.memref_squeeze %dma_start3A_102 : memref<1x125x128xf32, #tpu.memory_space<vmem>> -> memref<125x128xf32, #tpu.memory_space<vmem>>
        %dma_start3A_104 = arith.constant 0 : i32
        %dma_start3A_105 = tpu.memref_slice %arg8[%add3A_98, %dma_start3A_104] : memref<80x125xi32, #tpu.memory_space<vmem>> -> memref<1x125xi32, #tpu.memory_space<vmem>>
        %dma_start3A_106 = tpu.memref_squeeze %dma_start3A_105 : memref<1x125xi32, #tpu.memory_space<vmem>> -> memref<125xi32, #tpu.memory_space<vmem>>
        %dma_start3A_107 = arith.constant 0 : i32
        %dma_start3A_108 = arith.constant 0 : i32
        %dma_start3A_109 = tpu.memref_slice %arg3[%dma_start3A_107, %dma_start3A_108] : memref<10240x128xf32, #tpu.memory_space<hbm>> -> memref<10240x128xf32, #tpu.memory_space<hbm>>
        %dma_start3A_110 = tpu.memref_slice %arg12[%sub3A_99] : memref<2x!tpu.dma_semaphore, #tpu.memory_space<semaphore_mem>> -> memref<1x!tpu.dma_semaphore, #tpu.memory_space<semaphore_mem>>
        %dma_start3A_111 = tpu.memref_squeeze %dma_start3A_110 : memref<1x!tpu.dma_semaphore, #tpu.memory_space<semaphore_mem>> -> memref<!tpu.dma_semaphore, #tpu.memory_space<semaphore_mem>>
        tpu.enqueue_indirect_dma source(%dma_start3A_109 : memref<10240x128xf32, #tpu.memory_space<hbm>>) target(%dma_start3A_103 : memref<125x128xf32, #tpu.memory_space<vmem>>) offsets(%dma_start3A_106 : memref<125xi32, #tpu.memory_space<vmem>>) semaphore(%dma_start3A_111 : memref<!tpu.dma_semaphore, #tpu.memory_space<semaphore_mem>>)
        %rem3A_112 = arith.constant 40 : i32
        %rem3A_113 = arith.remsi %scan3A_94, %rem3A_112 : i32
        %eq3A_114 = arith.constant 0 : i32
        %eq3A_115 = arith.cmpi eq, %rem3A_113, %eq3A_114 : i32
        %gt3A = arith.constant 0 : i32
        %gt3A_116 = arith.cmpi sgt, %scan3A_94, %gt3A : i32
        %and3A = arith.andi %eq3A_115, %gt3A_116 : i1
        %convert_element_type3A_117 = arith.extui %and3A : i1 to i32
        %cond3A_118 = arith.constant 0 : i32
        %cond3A_119 = arith.cmpi ne, %convert_element_type3A_117, %cond3A_118 : i32
        scf.if %cond3A_119 {
          %multiple_of3A = tpu.assume_multiple %scan3A_94, 40 : i32
          "tpu.region"() ({
            %run_scoped3A = tpu.sem_alloc : memref<!tpu.dma_semaphore, #tpu.memory_space<semaphore_mem>>
            %dma_start3A_134 = arith.constant 0 : i32
            %dma_start3A_135 = tpu.memref_slice %arg5[%add3A_48, %multiple_of3A, %dma_start3A_134] : memref<32x80x125xi32, #tpu.memory_space<hbm>> -> memref<1x40x125xi32, #tpu.memory_space<hbm>>
            %dma_start3A_136 = tpu.memref_squeeze %dma_start3A_135 : memref<1x40x125xi32, #tpu.memory_space<hbm>> -> memref<40x125xi32, #tpu.memory_space<hbm>>
            %dma_start3A_137 = arith.constant 0 : i32
            %dma_start3A_138 = tpu.memref_slice %arg5[%add3A_48, %multiple_of3A, %dma_start3A_137] : memref<32x80x125xi32, #tpu.memory_space<hbm>> -> memref<1x40x125xi32, #tpu.memory_space<hbm>>
            %dma_start3A_139 = tpu.memref_squeeze %dma_start3A_138 : memref<1x40x125xi32, #tpu.memory_space<hbm>> -> memref<40x125xi32, #tpu.memory_space<hbm>>
            tpu.enqueue_dma source(%dma_start3A_139 : memref<40x125xi32, #tpu.memory_space<hbm>>) target(%arg9 : memref<40x125xi32, #tpu.memory_space<vmem>>) target_semaphore(%run_scoped3A : memref<!tpu.dma_semaphore, #tpu.memory_space<semaphore_mem>>)
            %dma_wait3A_140 = arith.constant 0 : i32
            %dma_wait3A_141 = tpu.memref_slice %arg5[%add3A_48, %multiple_of3A, %dma_wait3A_140] : memref<32x80x125xi32, #tpu.memory_space<hbm>> -> memref<1x40x125xi32, #tpu.memory_space<hbm>>
            %dma_wait3A_142 = tpu.memref_squeeze %dma_wait3A_141 : memref<1x40x125xi32, #tpu.memory_space<hbm>> -> memref<40x125xi32, #tpu.memory_space<hbm>>
            %dma_wait3A_143 = arith.constant 0 : i32
            %dma_wait3A_144 = tpu.memref_slice %arg5[%add3A_48, %multiple_of3A, %dma_wait3A_143] : memref<32x80x125xi32, #tpu.memory_space<hbm>> -> memref<1x40x125xi32, #tpu.memory_space<hbm>>
            %dma_wait3A_145 = tpu.memref_squeeze %dma_wait3A_144 : memref<1x40x125xi32, #tpu.memory_space<hbm>> -> memref<40x125xi32, #tpu.memory_space<hbm>>
            tpu.wait_dma2 semaphore(%run_scoped3A : memref<!tpu.dma_semaphore, #tpu.memory_space<semaphore_mem>>) src(%dma_wait3A_145 : memref<40x125xi32, #tpu.memory_space<hbm>>) dst(%arg9 : memref<40x125xi32, #tpu.memory_space<vmem>>)
            tpu.yield
          }) : () -> ()
        } else {
        }
        %dma_wait3A_120 = arith.constant 0 : i32
        %dma_wait3A_121 = arith.constant 0 : i32
        %dma_wait3A_122 = tpu.memref_slice %arg10[%rem3A_96, %dma_wait3A_120, %dma_wait3A_121] : memref<2x125x128xf32, #tpu.memory_space<vmem>> -> memref<1x125x128xf32, #tpu.memory_space<vmem>>
        %dma_wait3A_123 = tpu.memref_squeeze %dma_wait3A_122 : memref<1x125x128xf32, #tpu.memory_space<vmem>> -> memref<125x128xf32, #tpu.memory_space<vmem>>
        %dma_wait3A_124 = arith.constant 0 : i32
        %dma_wait3A_125 = tpu.memref_slice %arg8[%scan3A_94, %dma_wait3A_124] : memref<80x125xi32, #tpu.memory_space<vmem>> -> memref<1x125xi32, #tpu.memory_space<vmem>>
        %dma_wait3A_126 = tpu.memref_squeeze %dma_wait3A_125 : memref<1x125xi32, #tpu.memory_space<vmem>> -> memref<125xi32, #tpu.memory_space<vmem>>
        %dma_wait3A_127 = arith.constant 0 : i32
        %dma_wait3A_128 = arith.constant 0 : i32
        %dma_wait3A_129 = tpu.memref_slice %arg3[%dma_wait3A_127, %dma_wait3A_128] : memref<10240x128xf32, #tpu.memory_space<hbm>> -> memref<10240x128xf32, #tpu.memory_space<hbm>>
        %dma_wait3A_130 = tpu.memref_slice %arg12[%rem3A_96] : memref<2x!tpu.dma_semaphore, #tpu.memory_space<semaphore_mem>> -> memref<1x!tpu.dma_semaphore, #tpu.memory_space<semaphore_mem>>
        %dma_wait3A_131 = tpu.memref_squeeze %dma_wait3A_130 : memref<1x!tpu.dma_semaphore, #tpu.memory_space<semaphore_mem>> -> memref<!tpu.dma_semaphore, #tpu.memory_space<semaphore_mem>>
        tpu.wait_indirect_dma semaphore(%dma_wait3A_131 : memref<!tpu.dma_semaphore, #tpu.memory_space<semaphore_mem>>) src(%dma_wait3A_129 : memref<10240x128xf32, #tpu.memory_space<hbm>>) dst(%dma_wait3A_123 : memref<125x128xf32, #tpu.memory_space<vmem>>)
        %rem3A_132 = arith.constant 40 : i32
        %rem3A_133 = arith.remsi %scan3A_94, %rem3A_132 : i32
        "tpu.region"() ({
          %run_scoped3A = tpu.sem_alloc : memref<!tpu.dma_semaphore, #tpu.memory_space<semaphore_mem>>
          %dma_start3A_134 = arith.constant 0 : i32
          %dma_start3A_135 = arith.constant 0 : i32
          %dma_start3A_136 = tpu.memref_slice %arg10[%rem3A_96, %dma_start3A_134, %dma_start3A_135] : memref<2x125x128xf32, #tpu.memory_space<vmem>> -> memref<1x125x128xf32, #tpu.memory_space<vmem>>
          %dma_start3A_137 = tpu.memref_squeeze %dma_start3A_136 : memref<1x125x128xf32, #tpu.memory_space<vmem>> -> memref<125x128xf32, #tpu.memory_space<vmem>>
          %dma_start3A_138 = arith.constant 0 : i32
          %dma_start3A_139 = tpu.memref_slice %arg9[%rem3A_133, %dma_start3A_138] : memref<40x125xi32, #tpu.memory_space<vmem>> -> memref<1x125xi32, #tpu.memory_space<vmem>>
          %dma_start3A_140 = tpu.memref_squeeze %dma_start3A_139 : memref<1x125xi32, #tpu.memory_space<vmem>> -> memref<125xi32, #tpu.memory_space<vmem>>
          %dma_start3A_141 = arith.constant 0 : i32
          %dma_start3A_142 = arith.constant 0 : i32
          %dma_start3A_143 = tpu.memref_slice %arg11[%dma_start3A_141, %dma_start3A_142] : memref<10240x128xf32, #tpu.memory_space<vmem_shared>> -> memref<10240x128xf32, #tpu.memory_space<vmem_shared>>
          tpu.enqueue_indirect_dma source(%dma_start3A_137 : memref<125x128xf32, #tpu.memory_space<vmem>>) target(%dma_start3A_143 : memref<10240x128xf32, #tpu.memory_space<vmem_shared>>) offsets(%dma_start3A_140 : memref<125xi32, #tpu.memory_space<vmem>>) semaphore(%run_scoped3A : memref<!tpu.dma_semaphore, #tpu.memory_space<semaphore_mem>>) {add = true}
          %dma_wait3A_144 = arith.constant 0 : i32
          %dma_wait3A_145 = arith.constant 0 : i32
          %dma_wait3A_146 = tpu.memref_slice %arg10[%rem3A_96, %dma_wait3A_144, %dma_wait3A_145] : memref<2x125x128xf32, #tpu.memory_space<vmem>> -> memref<1x125x128xf32, #tpu.memory_space<vmem>>
          %dma_wait3A_147 = tpu.memref_squeeze %dma_wait3A_146 : memref<1x125x128xf32, #tpu.memory_space<vmem>> -> memref<125x128xf32, #tpu.memory_space<vmem>>
          %dma_wait3A_148 = arith.constant 0 : i32
          %dma_wait3A_149 = tpu.memref_slice %arg9[%rem3A_133, %dma_wait3A_148] : memref<40x125xi32, #tpu.memory_space<vmem>> -> memref<1x125xi32, #tpu.memory_space<vmem>>
          %dma_wait3A_150 = tpu.memref_squeeze %dma_wait3A_149 : memref<1x125xi32, #tpu.memory_space<vmem>> -> memref<125xi32, #tpu.memory_space<vmem>>
          %dma_wait3A_151 = arith.constant 0 : i32
          %dma_wait3A_152 = arith.constant 0 : i32
          %dma_wait3A_153 = tpu.memref_slice %arg11[%dma_wait3A_151, %dma_wait3A_152] : memref<10240x128xf32, #tpu.memory_space<vmem_shared>> -> memref<10240x128xf32, #tpu.memory_space<vmem_shared>>
          tpu.wait_indirect_dma semaphore(%run_scoped3A : memref<!tpu.dma_semaphore, #tpu.memory_space<semaphore_mem>>) src(%dma_wait3A_147 : memref<125x128xf32, #tpu.memory_space<vmem>>) dst(%dma_wait3A_153 : memref<10240x128xf32, #tpu.memory_space<vmem_shared>>)
          tpu.yield
        }) : () -> ()
      }
      %scan3A_69 = arith.constant 79 : i32
      %rem3A_70 = arith.constant 79 : i32
      %rem3A_71 = arith.constant 2 : i32
      %rem3A_72 = arith.remsi %rem3A_70, %rem3A_71 : i32
      %dma_wait3A_73 = arith.constant 79 : i32
      %dma_wait3A_74 = arith.constant 0 : i32
      %dma_wait3A_75 = arith.constant 0 : i32
      %dma_wait3A_76 = tpu.memref_slice %arg10[%rem3A_72, %dma_wait3A_74, %dma_wait3A_75] : memref<2x125x128xf32, #tpu.memory_space<vmem>> -> memref<1x125x128xf32, #tpu.memory_space<vmem>>
      %dma_wait3A_77 = tpu.memref_squeeze %dma_wait3A_76 : memref<1x125x128xf32, #tpu.memory_space<vmem>> -> memref<125x128xf32, #tpu.memory_space<vmem>>
      %dma_wait3A_78 = arith.constant 0 : i32
      %dma_wait3A_79 = tpu.memref_slice %arg8[%dma_wait3A_73, %dma_wait3A_78] : memref<80x125xi32, #tpu.memory_space<vmem>> -> memref<1x125xi32, #tpu.memory_space<vmem>>
      %dma_wait3A_80 = tpu.memref_squeeze %dma_wait3A_79 : memref<1x125xi32, #tpu.memory_space<vmem>> -> memref<125xi32, #tpu.memory_space<vmem>>
      %dma_wait3A_81 = arith.constant 0 : i32
      %dma_wait3A_82 = arith.constant 0 : i32
      %dma_wait3A_83 = tpu.memref_slice %arg3[%dma_wait3A_81, %dma_wait3A_82] : memref<10240x128xf32, #tpu.memory_space<hbm>> -> memref<10240x128xf32, #tpu.memory_space<hbm>>
      %dma_wait3A_84 = tpu.memref_slice %arg12[%rem3A_72] : memref<2x!tpu.dma_semaphore, #tpu.memory_space<semaphore_mem>> -> memref<1x!tpu.dma_semaphore, #tpu.memory_space<semaphore_mem>>
      %dma_wait3A_85 = tpu.memref_squeeze %dma_wait3A_84 : memref<1x!tpu.dma_semaphore, #tpu.memory_space<semaphore_mem>> -> memref<!tpu.dma_semaphore, #tpu.memory_space<semaphore_mem>>
      tpu.wait_indirect_dma semaphore(%dma_wait3A_85 : memref<!tpu.dma_semaphore, #tpu.memory_space<semaphore_mem>>) src(%dma_wait3A_83 : memref<10240x128xf32, #tpu.memory_space<hbm>>) dst(%dma_wait3A_77 : memref<125x128xf32, #tpu.memory_space<vmem>>)
      %rem3A_86 = arith.constant 79 : i32
      %rem3A_87 = arith.constant 40 : i32
      %rem3A_88 = arith.remsi %rem3A_86, %rem3A_87 : i32
      "tpu.region"() ({
        %run_scoped3A = tpu.sem_alloc : memref<!tpu.dma_semaphore, #tpu.memory_space<semaphore_mem>>
        %dma_start3A_94 = arith.constant 0 : i32
        %dma_start3A_95 = arith.constant 0 : i32
        %dma_start3A_96 = tpu.memref_slice %arg10[%rem3A_72, %dma_start3A_94, %dma_start3A_95] : memref<2x125x128xf32, #tpu.memory_space<vmem>> -> memref<1x125x128xf32, #tpu.memory_space<vmem>>
        %dma_start3A_97 = tpu.memref_squeeze %dma_start3A_96 : memref<1x125x128xf32, #tpu.memory_space<vmem>> -> memref<125x128xf32, #tpu.memory_space<vmem>>
        %dma_start3A_98 = arith.constant 0 : i32
        %dma_start3A_99 = tpu.memref_slice %arg9[%rem3A_88, %dma_start3A_98] : memref<40x125xi32, #tpu.memory_space<vmem>> -> memref<1x125xi32, #tpu.memory_space<vmem>>
        %dma_start3A_100 = tpu.memref_squeeze %dma_start3A_99 : memref<1x125xi32, #tpu.memory_space<vmem>> -> memref<125xi32, #tpu.memory_space<vmem>>
        %dma_start3A_101 = arith.constant 0 : i32
        %dma_start3A_102 = arith.constant 0 : i32
        %dma_start3A_103 = tpu.memref_slice %arg11[%dma_start3A_101, %dma_start3A_102] : memref<10240x128xf32, #tpu.memory_space<vmem_shared>> -> memref<10240x128xf32, #tpu.memory_space<vmem_shared>>
        tpu.enqueue_indirect_dma source(%dma_start3A_97 : memref<125x128xf32, #tpu.memory_space<vmem>>) target(%dma_start3A_103 : memref<10240x128xf32, #tpu.memory_space<vmem_shared>>) offsets(%dma_start3A_100 : memref<125xi32, #tpu.memory_space<vmem>>) semaphore(%run_scoped3A : memref<!tpu.dma_semaphore, #tpu.memory_space<semaphore_mem>>) {add = true}
        %dma_wait3A_104 = arith.constant 0 : i32
        %dma_wait3A_105 = arith.constant 0 : i32
        %dma_wait3A_106 = tpu.memref_slice %arg10[%rem3A_72, %dma_wait3A_104, %dma_wait3A_105] : memref<2x125x128xf32, #tpu.memory_space<vmem>> -> memref<1x125x128xf32, #tpu.memory_space<vmem>>
        %dma_wait3A_107 = tpu.memref_squeeze %dma_wait3A_106 : memref<1x125x128xf32, #tpu.memory_space<vmem>> -> memref<125x128xf32, #tpu.memory_space<vmem>>
        %dma_wait3A_108 = arith.constant 0 : i32
        %dma_wait3A_109 = tpu.memref_slice %arg9[%rem3A_88, %dma_wait3A_108] : memref<40x125xi32, #tpu.memory_space<vmem>> -> memref<1x125xi32, #tpu.memory_space<vmem>>
        %dma_wait3A_110 = tpu.memref_squeeze %dma_wait3A_109 : memref<1x125xi32, #tpu.memory_space<vmem>> -> memref<125xi32, #tpu.memory_space<vmem>>
        %dma_wait3A_111 = arith.constant 0 : i32
        %dma_wait3A_112 = arith.constant 0 : i32
        %dma_wait3A_113 = tpu.memref_slice %arg11[%dma_wait3A_111, %dma_wait3A_112] : memref<10240x128xf32, #tpu.memory_space<vmem_shared>> -> memref<10240x128xf32, #tpu.memory_space<vmem_shared>>
        tpu.wait_indirect_dma semaphore(%run_scoped3A : memref<!tpu.dma_semaphore, #tpu.memory_space<semaphore_mem>>) src(%dma_wait3A_107 : memref<125x128xf32, #tpu.memory_space<vmem>>) dst(%dma_wait3A_113 : memref<10240x128xf32, #tpu.memory_space<vmem_shared>>)
        tpu.yield
      }) : () -> ()
      %barrier3A_89 = arith.constant 0 : index
      tpu.barrier barrier_id(%barrier3A_89)
      %mul3A_90 = arith.constant 640 : i32
      %mul3A_91 = arith.muli %arg1, %mul3A_90 : i32
      %mul3A_92 = arith.constant 640 : i32
      %mul3A_93 = arith.muli %arg1, %mul3A_92 : i32
      "tpu.region"() ({
        %run_scoped3A = tpu.sem_alloc : memref<!tpu.dma_semaphore, #tpu.memory_space<semaphore_mem>>
        %dma_start3A_94 = arith.constant 0 : i32
        %dma_start3A_95 = tpu.memref_slice %arg7[%mul3A_93, %dma_start3A_94] : memref<10240x128xf32, #tpu.memory_space<hbm>> -> memref<640x128xf32, #tpu.memory_space<hbm>>
        %dma_start3A_96 = arith.constant 0 : i32
        %dma_start3A_97 = tpu.memref_slice %arg11[%mul3A_91, %dma_start3A_96] : memref<10240x128xf32, #tpu.memory_space<vmem_shared>> -> memref<640x128xf32, #tpu.memory_space<vmem_shared>>
        tpu.enqueue_dma source(%dma_start3A_97 : memref<640x128xf32, #tpu.memory_space<vmem_shared>>) target(%dma_start3A_95 : memref<640x128xf32, #tpu.memory_space<hbm>>) target_semaphore(%run_scoped3A : memref<!tpu.dma_semaphore, #tpu.memory_space<semaphore_mem>>)
        %dma_wait3A_98 = arith.constant 0 : i32
        %dma_wait3A_99 = tpu.memref_slice %arg7[%mul3A_93, %dma_wait3A_98] : memref<10240x128xf32, #tpu.memory_space<hbm>> -> memref<640x128xf32, #tpu.memory_space<hbm>>
        %dma_wait3A_100 = arith.constant 0 : i32
        %dma_wait3A_101 = tpu.memref_slice %arg11[%mul3A_91, %dma_wait3A_100] : memref<10240x128xf32, #tpu.memory_space<vmem_shared>> -> memref<640x128xf32, #tpu.memory_space<vmem_shared>>
        tpu.wait_dma2 semaphore(%run_scoped3A : memref<!tpu.dma_semaphore, #tpu.memory_space<semaphore_mem>>) src(%dma_wait3A_101 : memref<640x128xf32, #tpu.memory_space<vmem_shared>>) dst(%dma_wait3A_99 : memref<640x128xf32, #tpu.memory_space<hbm>>)
        tpu.yield
      }) : () -> ()
    } else {
    }
    return
  }
}

#map = affine_map<(d0, d1) -> (0, 0)>
#map1 = affine_map<(d0, d1) -> (0, 0, 0)>
module attributes {stable_mosaic.version = 14 : i64} {
  func.func @_prop_esplit(%arg0: i32, %arg1: i32, %arg2: memref<10240x128xf32, #tpu.memory_space<hbm>>, %arg3: memref<32x80x125xi32, #tpu.memory_space<hbm>>, %arg4: memref<32x80x125xi32, #tpu.memory_space<hbm>>, %arg5: memref<10240x128xf32, #tpu.memory_space<hbm>>, %arg6: memref<10240x128xf32, #tpu.memory_space<hbm>>, %arg7: memref<80x125xi32, #tpu.memory_space<vmem>>, %arg8: memref<40x125xi32, #tpu.memory_space<vmem>>, %arg9: memref<2x125x128xf32, #tpu.memory_space<vmem>>, %arg10: memref<10240x128xf32, #tpu.memory_space<vmem_shared>>, %arg11: memref<2x!tpu.dma_semaphore, #tpu.memory_space<semaphore_mem>>) attributes {dimension_semantics = [#tpu.dimension_semantics<core_parallel>, #tpu.dimension_semantics<subcore_parallel>], iteration_bounds = array<i64: 2, 16>, scalar_prefetch = 0 : i64, scratch_operands = 5 : i64, tpu.core_type = #tpu.core_type<sc_vector_subcore>, window_params = [{transform_indices = #map}, {transform_indices = #map1}, {transform_indices = #map1}, {transform_indices = #map}, {transform_indices = #map}]} {
    %mul3A = arith.constant 16 : i32
    %mul3A_0 = arith.muli %arg0, %mul3A : i32
    %add3A = arith.addi %mul3A_0, %arg1 : i32
    "tpu.region"() ({
      %run_scoped3A = tpu.sem_alloc : memref<!tpu.dma_semaphore, #tpu.memory_space<semaphore_mem>>
      %dma_start3A_49 = arith.constant 0 : i32
      %dma_start3A_50 = arith.constant 0 : i32
      %dma_start3A_51 = tpu.memref_slice %arg3[%add3A, %dma_start3A_49, %dma_start3A_50] : memref<32x80x125xi32, #tpu.memory_space<hbm>> -> memref<1x80x125xi32, #tpu.memory_space<hbm>>
      %dma_start3A_52 = tpu.memref_squeeze %dma_start3A_51 : memref<1x80x125xi32, #tpu.memory_space<hbm>> -> memref<80x125xi32, #tpu.memory_space<hbm>>
      %dma_start3A_53 = arith.constant 0 : i32
      %dma_start3A_54 = arith.constant 0 : i32
      %dma_start3A_55 = tpu.memref_slice %arg3[%add3A, %dma_start3A_53, %dma_start3A_54] : memref<32x80x125xi32, #tpu.memory_space<hbm>> -> memref<1x80x125xi32, #tpu.memory_space<hbm>>
      %dma_start3A_56 = tpu.memref_squeeze %dma_start3A_55 : memref<1x80x125xi32, #tpu.memory_space<hbm>> -> memref<80x125xi32, #tpu.memory_space<hbm>>
      tpu.enqueue_dma source(%dma_start3A_56 : memref<80x125xi32, #tpu.memory_space<hbm>>) target(%arg7 : memref<80x125xi32, #tpu.memory_space<vmem>>) target_semaphore(%run_scoped3A : memref<!tpu.dma_semaphore, #tpu.memory_space<semaphore_mem>>)
      %dma_wait3A_57 = arith.constant 0 : i32
      %dma_wait3A_58 = arith.constant 0 : i32
      %dma_wait3A_59 = tpu.memref_slice %arg3[%add3A, %dma_wait3A_57, %dma_wait3A_58] : memref<32x80x125xi32, #tpu.memory_space<hbm>> -> memref<1x80x125xi32, #tpu.memory_space<hbm>>
      %dma_wait3A_60 = tpu.memref_squeeze %dma_wait3A_59 : memref<1x80x125xi32, #tpu.memory_space<hbm>> -> memref<80x125xi32, #tpu.memory_space<hbm>>
      %dma_wait3A_61 = arith.constant 0 : i32
      %dma_wait3A_62 = arith.constant 0 : i32
      %dma_wait3A_63 = tpu.memref_slice %arg3[%add3A, %dma_wait3A_61, %dma_wait3A_62] : memref<32x80x125xi32, #tpu.memory_space<hbm>> -> memref<1x80x125xi32, #tpu.memory_space<hbm>>
      %dma_wait3A_64 = tpu.memref_squeeze %dma_wait3A_63 : memref<1x80x125xi32, #tpu.memory_space<hbm>> -> memref<80x125xi32, #tpu.memory_space<hbm>>
      tpu.wait_dma2 semaphore(%run_scoped3A : memref<!tpu.dma_semaphore, #tpu.memory_space<semaphore_mem>>) src(%dma_wait3A_64 : memref<80x125xi32, #tpu.memory_space<hbm>>) dst(%arg7 : memref<80x125xi32, #tpu.memory_space<vmem>>)
      tpu.yield
    }) : () -> ()
    "tpu.region"() ({
      %run_scoped3A = tpu.sem_alloc : memref<!tpu.dma_semaphore, #tpu.memory_space<semaphore_mem>>
      %dma_start3A_49 = arith.constant 0 : i32
      %dma_start3A_50 = arith.constant 0 : i32
      %dma_start3A_51 = tpu.memref_slice %arg4[%add3A, %dma_start3A_49, %dma_start3A_50] : memref<32x80x125xi32, #tpu.memory_space<hbm>> -> memref<1x40x125xi32, #tpu.memory_space<hbm>>
      %dma_start3A_52 = tpu.memref_squeeze %dma_start3A_51 : memref<1x40x125xi32, #tpu.memory_space<hbm>> -> memref<40x125xi32, #tpu.memory_space<hbm>>
      %dma_start3A_53 = arith.constant 0 : i32
      %dma_start3A_54 = arith.constant 0 : i32
      %dma_start3A_55 = tpu.memref_slice %arg4[%add3A, %dma_start3A_53, %dma_start3A_54] : memref<32x80x125xi32, #tpu.memory_space<hbm>> -> memref<1x40x125xi32, #tpu.memory_space<hbm>>
      %dma_start3A_56 = tpu.memref_squeeze %dma_start3A_55 : memref<1x40x125xi32, #tpu.memory_space<hbm>> -> memref<40x125xi32, #tpu.memory_space<hbm>>
      tpu.enqueue_dma source(%dma_start3A_56 : memref<40x125xi32, #tpu.memory_space<hbm>>) target(%arg8 : memref<40x125xi32, #tpu.memory_space<vmem>>) target_semaphore(%run_scoped3A : memref<!tpu.dma_semaphore, #tpu.memory_space<semaphore_mem>>)
      %dma_wait3A_57 = arith.constant 0 : i32
      %dma_wait3A_58 = arith.constant 0 : i32
      %dma_wait3A_59 = tpu.memref_slice %arg4[%add3A, %dma_wait3A_57, %dma_wait3A_58] : memref<32x80x125xi32, #tpu.memory_space<hbm>> -> memref<1x40x125xi32, #tpu.memory_space<hbm>>
      %dma_wait3A_60 = tpu.memref_squeeze %dma_wait3A_59 : memref<1x40x125xi32, #tpu.memory_space<hbm>> -> memref<40x125xi32, #tpu.memory_space<hbm>>
      %dma_wait3A_61 = arith.constant 0 : i32
      %dma_wait3A_62 = arith.constant 0 : i32
      %dma_wait3A_63 = tpu.memref_slice %arg4[%add3A, %dma_wait3A_61, %dma_wait3A_62] : memref<32x80x125xi32, #tpu.memory_space<hbm>> -> memref<1x40x125xi32, #tpu.memory_space<hbm>>
      %dma_wait3A_64 = tpu.memref_squeeze %dma_wait3A_63 : memref<1x40x125xi32, #tpu.memory_space<hbm>> -> memref<40x125xi32, #tpu.memory_space<hbm>>
      tpu.wait_dma2 semaphore(%run_scoped3A : memref<!tpu.dma_semaphore, #tpu.memory_space<semaphore_mem>>) src(%dma_wait3A_64 : memref<40x125xi32, #tpu.memory_space<hbm>>) dst(%arg8 : memref<40x125xi32, #tpu.memory_space<vmem>>)
      tpu.yield
    }) : () -> ()
    %mul3A_1 = arith.constant 640 : i32
    %mul3A_2 = arith.muli %arg1, %mul3A_1 : i32
    %mul3A_3 = arith.constant 640 : i32
    %mul3A_4 = arith.muli %arg1, %mul3A_3 : i32
    "tpu.region"() ({
      %run_scoped3A = tpu.sem_alloc : memref<!tpu.dma_semaphore, #tpu.memory_space<semaphore_mem>>
      %dma_start3A_49 = arith.constant 0 : i32
      %dma_start3A_50 = tpu.memref_slice %arg10[%mul3A_4, %dma_start3A_49] : memref<10240x128xf32, #tpu.memory_space<vmem_shared>> -> memref<640x128xf32, #tpu.memory_space<vmem_shared>>
      %dma_start3A_51 = arith.constant 0 : i32
      %dma_start3A_52 = tpu.memref_slice %arg2[%mul3A_2, %dma_start3A_51] : memref<10240x128xf32, #tpu.memory_space<hbm>> -> memref<640x128xf32, #tpu.memory_space<hbm>>
      tpu.enqueue_dma source(%dma_start3A_52 : memref<640x128xf32, #tpu.memory_space<hbm>>) target(%dma_start3A_50 : memref<640x128xf32, #tpu.memory_space<vmem_shared>>) target_semaphore(%run_scoped3A : memref<!tpu.dma_semaphore, #tpu.memory_space<semaphore_mem>>)
      %dma_wait3A_53 = arith.constant 0 : i32
      %dma_wait3A_54 = tpu.memref_slice %arg10[%mul3A_4, %dma_wait3A_53] : memref<10240x128xf32, #tpu.memory_space<vmem_shared>> -> memref<640x128xf32, #tpu.memory_space<vmem_shared>>
      %dma_wait3A_55 = arith.constant 0 : i32
      %dma_wait3A_56 = tpu.memref_slice %arg2[%mul3A_2, %dma_wait3A_55] : memref<10240x128xf32, #tpu.memory_space<hbm>> -> memref<640x128xf32, #tpu.memory_space<hbm>>
      tpu.wait_dma2 semaphore(%run_scoped3A : memref<!tpu.dma_semaphore, #tpu.memory_space<semaphore_mem>>) src(%dma_wait3A_56 : memref<640x128xf32, #tpu.memory_space<hbm>>) dst(%dma_wait3A_54 : memref<640x128xf32, #tpu.memory_space<vmem_shared>>)
      tpu.yield
    }) : () -> ()
    %barrier3A = arith.constant 0 : index
    tpu.barrier barrier_id(%barrier3A)
    %dma_start3A = arith.constant 0 : i32
    %dma_start3A_5 = arith.constant 0 : i32
    %dma_start3A_6 = arith.constant 0 : i32
    %dma_start3A_7 = arith.constant 0 : i32
    %dma_start3A_8 = arith.constant 0 : i32
    %dma_start3A_9 = tpu.memref_slice %arg9[%dma_start3A_5, %dma_start3A_7, %dma_start3A_8] : memref<2x125x128xf32, #tpu.memory_space<vmem>> -> memref<1x125x128xf32, #tpu.memory_space<vmem>>
    %dma_start3A_10 = tpu.memref_squeeze %dma_start3A_9 : memref<1x125x128xf32, #tpu.memory_space<vmem>> -> memref<125x128xf32, #tpu.memory_space<vmem>>
    %dma_start3A_11 = arith.constant 0 : i32
    %dma_start3A_12 = tpu.memref_slice %arg7[%dma_start3A, %dma_start3A_11] : memref<80x125xi32, #tpu.memory_space<vmem>> -> memref<1x125xi32, #tpu.memory_space<vmem>>
    %dma_start3A_13 = tpu.memref_squeeze %dma_start3A_12 : memref<1x125xi32, #tpu.memory_space<vmem>> -> memref<125xi32, #tpu.memory_space<vmem>>
    %dma_start3A_14 = arith.constant 0 : i32
    %dma_start3A_15 = arith.constant 0 : i32
    %dma_start3A_16 = tpu.memref_slice %arg2[%dma_start3A_14, %dma_start3A_15] : memref<10240x128xf32, #tpu.memory_space<hbm>> -> memref<10240x128xf32, #tpu.memory_space<hbm>>
    %dma_start3A_17 = tpu.memref_slice %arg11[%dma_start3A_6] : memref<2x!tpu.dma_semaphore, #tpu.memory_space<semaphore_mem>> -> memref<1x!tpu.dma_semaphore, #tpu.memory_space<semaphore_mem>>
    %dma_start3A_18 = tpu.memref_squeeze %dma_start3A_17 : memref<1x!tpu.dma_semaphore, #tpu.memory_space<semaphore_mem>> -> memref<!tpu.dma_semaphore, #tpu.memory_space<semaphore_mem>>
    tpu.enqueue_indirect_dma source(%dma_start3A_16 : memref<10240x128xf32, #tpu.memory_space<hbm>>) target(%dma_start3A_10 : memref<125x128xf32, #tpu.memory_space<vmem>>) offsets(%dma_start3A_13 : memref<125xi32, #tpu.memory_space<vmem>>) semaphore(%dma_start3A_18 : memref<!tpu.dma_semaphore, #tpu.memory_space<semaphore_mem>>)
    %scan3A = arith.constant 0 : i32
    %scan3A_19 = arith.constant 0 : i32
    %scan3A_20 = arith.constant 79 : i32
    %scan3A_21 = arith.addi %scan3A_19, %scan3A_20 : i32
    %scan3A_22 = arith.constant 1 : i32
    scf.for %scan3A_49 = %scan3A_19 to %scan3A_21 step %scan3A_22  : i32 {
      %rem3A_50 = arith.constant 2 : i32
      %rem3A_51 = arith.remsi %scan3A_49, %rem3A_50 : i32
      %add3A_52 = arith.constant 1 : i32
      %add3A_53 = arith.addi %scan3A_49, %add3A_52 : i32
      %sub3A = arith.constant 1 : i32
      %sub3A_54 = arith.subi %sub3A, %rem3A_51 : i32
      %dma_start3A_55 = arith.constant 0 : i32
      %dma_start3A_56 = arith.constant 0 : i32
      %dma_start3A_57 = tpu.memref_slice %arg9[%sub3A_54, %dma_start3A_55, %dma_start3A_56] : memref<2x125x128xf32, #tpu.memory_space<vmem>> -> memref<1x125x128xf32, #tpu.memory_space<vmem>>
      %dma_start3A_58 = tpu.memref_squeeze %dma_start3A_57 : memref<1x125x128xf32, #tpu.memory_space<vmem>> -> memref<125x128xf32, #tpu.memory_space<vmem>>
      %dma_start3A_59 = arith.constant 0 : i32
      %dma_start3A_60 = tpu.memref_slice %arg7[%add3A_53, %dma_start3A_59] : memref<80x125xi32, #tpu.memory_space<vmem>> -> memref<1x125xi32, #tpu.memory_space<vmem>>
      %dma_start3A_61 = tpu.memref_squeeze %dma_start3A_60 : memref<1x125xi32, #tpu.memory_space<vmem>> -> memref<125xi32, #tpu.memory_space<vmem>>
      %dma_start3A_62 = arith.constant 0 : i32
      %dma_start3A_63 = arith.constant 0 : i32
      %dma_start3A_64 = tpu.memref_slice %arg2[%dma_start3A_62, %dma_start3A_63] : memref<10240x128xf32, #tpu.memory_space<hbm>> -> memref<10240x128xf32, #tpu.memory_space<hbm>>
      %dma_start3A_65 = tpu.memref_slice %arg11[%sub3A_54] : memref<2x!tpu.dma_semaphore, #tpu.memory_space<semaphore_mem>> -> memref<1x!tpu.dma_semaphore, #tpu.memory_space<semaphore_mem>>
      %dma_start3A_66 = tpu.memref_squeeze %dma_start3A_65 : memref<1x!tpu.dma_semaphore, #tpu.memory_space<semaphore_mem>> -> memref<!tpu.dma_semaphore, #tpu.memory_space<semaphore_mem>>
      tpu.enqueue_indirect_dma source(%dma_start3A_64 : memref<10240x128xf32, #tpu.memory_space<hbm>>) target(%dma_start3A_58 : memref<125x128xf32, #tpu.memory_space<vmem>>) offsets(%dma_start3A_61 : memref<125xi32, #tpu.memory_space<vmem>>) semaphore(%dma_start3A_66 : memref<!tpu.dma_semaphore, #tpu.memory_space<semaphore_mem>>)
      %rem3A_67 = arith.constant 40 : i32
      %rem3A_68 = arith.remsi %scan3A_49, %rem3A_67 : i32
      %eq3A_69 = arith.constant 0 : i32
      %eq3A_70 = arith.cmpi eq, %rem3A_68, %eq3A_69 : i32
      %gt3A = arith.constant 0 : i32
      %gt3A_71 = arith.cmpi sgt, %scan3A_49, %gt3A : i32
      %and3A = arith.andi %eq3A_70, %gt3A_71 : i1
      %convert_element_type3A_72 = arith.extui %and3A : i1 to i32
      %cond3A_73 = arith.constant 0 : i32
      %cond3A_74 = arith.cmpi ne, %convert_element_type3A_72, %cond3A_73 : i32
      scf.if %cond3A_74 {
        %multiple_of3A = tpu.assume_multiple %scan3A_49, 40 : i32
        "tpu.region"() ({
          %run_scoped3A = tpu.sem_alloc : memref<!tpu.dma_semaphore, #tpu.memory_space<semaphore_mem>>
          %dma_start3A_89 = arith.constant 0 : i32
          %dma_start3A_90 = tpu.memref_slice %arg4[%add3A, %multiple_of3A, %dma_start3A_89] : memref<32x80x125xi32, #tpu.memory_space<hbm>> -> memref<1x40x125xi32, #tpu.memory_space<hbm>>
          %dma_start3A_91 = tpu.memref_squeeze %dma_start3A_90 : memref<1x40x125xi32, #tpu.memory_space<hbm>> -> memref<40x125xi32, #tpu.memory_space<hbm>>
          %dma_start3A_92 = arith.constant 0 : i32
          %dma_start3A_93 = tpu.memref_slice %arg4[%add3A, %multiple_of3A, %dma_start3A_92] : memref<32x80x125xi32, #tpu.memory_space<hbm>> -> memref<1x40x125xi32, #tpu.memory_space<hbm>>
          %dma_start3A_94 = tpu.memref_squeeze %dma_start3A_93 : memref<1x40x125xi32, #tpu.memory_space<hbm>> -> memref<40x125xi32, #tpu.memory_space<hbm>>
          tpu.enqueue_dma source(%dma_start3A_94 : memref<40x125xi32, #tpu.memory_space<hbm>>) target(%arg8 : memref<40x125xi32, #tpu.memory_space<vmem>>) target_semaphore(%run_scoped3A : memref<!tpu.dma_semaphore, #tpu.memory_space<semaphore_mem>>)
          %dma_wait3A_95 = arith.constant 0 : i32
          %dma_wait3A_96 = tpu.memref_slice %arg4[%add3A, %multiple_of3A, %dma_wait3A_95] : memref<32x80x125xi32, #tpu.memory_space<hbm>> -> memref<1x40x125xi32, #tpu.memory_space<hbm>>
          %dma_wait3A_97 = tpu.memref_squeeze %dma_wait3A_96 : memref<1x40x125xi32, #tpu.memory_space<hbm>> -> memref<40x125xi32, #tpu.memory_space<hbm>>
          %dma_wait3A_98 = arith.constant 0 : i32
          %dma_wait3A_99 = tpu.memref_slice %arg4[%add3A, %multiple_of3A, %dma_wait3A_98] : memref<32x80x125xi32, #tpu.memory_space<hbm>> -> memref<1x40x125xi32, #tpu.memory_space<hbm>>
          %dma_wait3A_100 = tpu.memref_squeeze %dma_wait3A_99 : memref<1x40x125xi32, #tpu.memory_space<hbm>> -> memref<40x125xi32, #tpu.memory_space<hbm>>
          tpu.wait_dma2 semaphore(%run_scoped3A : memref<!tpu.dma_semaphore, #tpu.memory_space<semaphore_mem>>) src(%dma_wait3A_100 : memref<40x125xi32, #tpu.memory_space<hbm>>) dst(%arg8 : memref<40x125xi32, #tpu.memory_space<vmem>>)
          tpu.yield
        }) : () -> ()
      } else {
      }
      %dma_wait3A_75 = arith.constant 0 : i32
      %dma_wait3A_76 = arith.constant 0 : i32
      %dma_wait3A_77 = tpu.memref_slice %arg9[%rem3A_51, %dma_wait3A_75, %dma_wait3A_76] : memref<2x125x128xf32, #tpu.memory_space<vmem>> -> memref<1x125x128xf32, #tpu.memory_space<vmem>>
      %dma_wait3A_78 = tpu.memref_squeeze %dma_wait3A_77 : memref<1x125x128xf32, #tpu.memory_space<vmem>> -> memref<125x128xf32, #tpu.memory_space<vmem>>
      %dma_wait3A_79 = arith.constant 0 : i32
      %dma_wait3A_80 = tpu.memref_slice %arg7[%scan3A_49, %dma_wait3A_79] : memref<80x125xi32, #tpu.memory_space<vmem>> -> memref<1x125xi32, #tpu.memory_space<vmem>>
      %dma_wait3A_81 = tpu.memref_squeeze %dma_wait3A_80 : memref<1x125xi32, #tpu.memory_space<vmem>> -> memref<125xi32, #tpu.memory_space<vmem>>
      %dma_wait3A_82 = arith.constant 0 : i32
      %dma_wait3A_83 = arith.constant 0 : i32
      %dma_wait3A_84 = tpu.memref_slice %arg2[%dma_wait3A_82, %dma_wait3A_83] : memref<10240x128xf32, #tpu.memory_space<hbm>> -> memref<10240x128xf32, #tpu.memory_space<hbm>>
      %dma_wait3A_85 = tpu.memref_slice %arg11[%rem3A_51] : memref<2x!tpu.dma_semaphore, #tpu.memory_space<semaphore_mem>> -> memref<1x!tpu.dma_semaphore, #tpu.memory_space<semaphore_mem>>
      %dma_wait3A_86 = tpu.memref_squeeze %dma_wait3A_85 : memref<1x!tpu.dma_semaphore, #tpu.memory_space<semaphore_mem>> -> memref<!tpu.dma_semaphore, #tpu.memory_space<semaphore_mem>>
      tpu.wait_indirect_dma semaphore(%dma_wait3A_86 : memref<!tpu.dma_semaphore, #tpu.memory_space<semaphore_mem>>) src(%dma_wait3A_84 : memref<10240x128xf32, #tpu.memory_space<hbm>>) dst(%dma_wait3A_78 : memref<125x128xf32, #tpu.memory_space<vmem>>)
      %rem3A_87 = arith.constant 40 : i32
      %rem3A_88 = arith.remsi %scan3A_49, %rem3A_87 : i32
      "tpu.region"() ({
        %run_scoped3A = tpu.sem_alloc : memref<!tpu.dma_semaphore, #tpu.memory_space<semaphore_mem>>
        %dma_start3A_89 = arith.constant 0 : i32
        %dma_start3A_90 = arith.constant 0 : i32
        %dma_start3A_91 = tpu.memref_slice %arg9[%rem3A_51, %dma_start3A_89, %dma_start3A_90] : memref<2x125x128xf32, #tpu.memory_space<vmem>> -> memref<1x125x128xf32, #tpu.memory_space<vmem>>
        %dma_start3A_92 = tpu.memref_squeeze %dma_start3A_91 : memref<1x125x128xf32, #tpu.memory_space<vmem>> -> memref<125x128xf32, #tpu.memory_space<vmem>>
        %dma_start3A_93 = arith.constant 0 : i32
        %dma_start3A_94 = tpu.memref_slice %arg8[%rem3A_88, %dma_start3A_93] : memref<40x125xi32, #tpu.memory_space<vmem>> -> memref<1x125xi32, #tpu.memory_space<vmem>>
        %dma_start3A_95 = tpu.memref_squeeze %dma_start3A_94 : memref<1x125xi32, #tpu.memory_space<vmem>> -> memref<125xi32, #tpu.memory_space<vmem>>
        %dma_start3A_96 = arith.constant 0 : i32
        %dma_start3A_97 = arith.constant 0 : i32
        %dma_start3A_98 = tpu.memref_slice %arg10[%dma_start3A_96, %dma_start3A_97] : memref<10240x128xf32, #tpu.memory_space<vmem_shared>> -> memref<10240x128xf32, #tpu.memory_space<vmem_shared>>
        tpu.enqueue_indirect_dma source(%dma_start3A_92 : memref<125x128xf32, #tpu.memory_space<vmem>>) target(%dma_start3A_98 : memref<10240x128xf32, #tpu.memory_space<vmem_shared>>) offsets(%dma_start3A_95 : memref<125xi32, #tpu.memory_space<vmem>>) semaphore(%run_scoped3A : memref<!tpu.dma_semaphore, #tpu.memory_space<semaphore_mem>>) {add = true}
        %dma_wait3A_99 = arith.constant 0 : i32
        %dma_wait3A_100 = arith.constant 0 : i32
        %dma_wait3A_101 = tpu.memref_slice %arg9[%rem3A_51, %dma_wait3A_99, %dma_wait3A_100] : memref<2x125x128xf32, #tpu.memory_space<vmem>> -> memref<1x125x128xf32, #tpu.memory_space<vmem>>
        %dma_wait3A_102 = tpu.memref_squeeze %dma_wait3A_101 : memref<1x125x128xf32, #tpu.memory_space<vmem>> -> memref<125x128xf32, #tpu.memory_space<vmem>>
        %dma_wait3A_103 = arith.constant 0 : i32
        %dma_wait3A_104 = tpu.memref_slice %arg8[%rem3A_88, %dma_wait3A_103] : memref<40x125xi32, #tpu.memory_space<vmem>> -> memref<1x125xi32, #tpu.memory_space<vmem>>
        %dma_wait3A_105 = tpu.memref_squeeze %dma_wait3A_104 : memref<1x125xi32, #tpu.memory_space<vmem>> -> memref<125xi32, #tpu.memory_space<vmem>>
        %dma_wait3A_106 = arith.constant 0 : i32
        %dma_wait3A_107 = arith.constant 0 : i32
        %dma_wait3A_108 = tpu.memref_slice %arg10[%dma_wait3A_106, %dma_wait3A_107] : memref<10240x128xf32, #tpu.memory_space<vmem_shared>> -> memref<10240x128xf32, #tpu.memory_space<vmem_shared>>
        tpu.wait_indirect_dma semaphore(%run_scoped3A : memref<!tpu.dma_semaphore, #tpu.memory_space<semaphore_mem>>) src(%dma_wait3A_102 : memref<125x128xf32, #tpu.memory_space<vmem>>) dst(%dma_wait3A_108 : memref<10240x128xf32, #tpu.memory_space<vmem_shared>>)
        tpu.yield
      }) : () -> ()
    }
    %scan3A_23 = arith.constant 79 : i32
    %rem3A = arith.constant 79 : i32
    %rem3A_24 = arith.constant 2 : i32
    %rem3A_25 = arith.remsi %rem3A, %rem3A_24 : i32
    %dma_wait3A = arith.constant 79 : i32
    %dma_wait3A_26 = arith.constant 0 : i32
    %dma_wait3A_27 = arith.constant 0 : i32
    %dma_wait3A_28 = tpu.memref_slice %arg9[%rem3A_25, %dma_wait3A_26, %dma_wait3A_27] : memref<2x125x128xf32, #tpu.memory_space<vmem>> -> memref<1x125x128xf32, #tpu.memory_space<vmem>>
    %dma_wait3A_29 = tpu.memref_squeeze %dma_wait3A_28 : memref<1x125x128xf32, #tpu.memory_space<vmem>> -> memref<125x128xf32, #tpu.memory_space<vmem>>
    %dma_wait3A_30 = arith.constant 0 : i32
    %dma_wait3A_31 = tpu.memref_slice %arg7[%dma_wait3A, %dma_wait3A_30] : memref<80x125xi32, #tpu.memory_space<vmem>> -> memref<1x125xi32, #tpu.memory_space<vmem>>
    %dma_wait3A_32 = tpu.memref_squeeze %dma_wait3A_31 : memref<1x125xi32, #tpu.memory_space<vmem>> -> memref<125xi32, #tpu.memory_space<vmem>>
    %dma_wait3A_33 = arith.constant 0 : i32
    %dma_wait3A_34 = arith.constant 0 : i32
    %dma_wait3A_35 = tpu.memref_slice %arg2[%dma_wait3A_33, %dma_wait3A_34] : memref<10240x128xf32, #tpu.memory_space<hbm>> -> memref<10240x128xf32, #tpu.memory_space<hbm>>
    %dma_wait3A_36 = tpu.memref_slice %arg11[%rem3A_25] : memref<2x!tpu.dma_semaphore, #tpu.memory_space<semaphore_mem>> -> memref<1x!tpu.dma_semaphore, #tpu.memory_space<semaphore_mem>>
    %dma_wait3A_37 = tpu.memref_squeeze %dma_wait3A_36 : memref<1x!tpu.dma_semaphore, #tpu.memory_space<semaphore_mem>> -> memref<!tpu.dma_semaphore, #tpu.memory_space<semaphore_mem>>
    tpu.wait_indirect_dma semaphore(%dma_wait3A_37 : memref<!tpu.dma_semaphore, #tpu.memory_space<semaphore_mem>>) src(%dma_wait3A_35 : memref<10240x128xf32, #tpu.memory_space<hbm>>) dst(%dma_wait3A_29 : memref<125x128xf32, #tpu.memory_space<vmem>>)
    %rem3A_38 = arith.constant 79 : i32
    %rem3A_39 = arith.constant 40 : i32
    %rem3A_40 = arith.remsi %rem3A_38, %rem3A_39 : i32
    "tpu.region"() ({
      %run_scoped3A = tpu.sem_alloc : memref<!tpu.dma_semaphore, #tpu.memory_space<semaphore_mem>>
      %dma_start3A_49 = arith.constant 0 : i32
      %dma_start3A_50 = arith.constant 0 : i32
      %dma_start3A_51 = tpu.memref_slice %arg9[%rem3A_25, %dma_start3A_49, %dma_start3A_50] : memref<2x125x128xf32, #tpu.memory_space<vmem>> -> memref<1x125x128xf32, #tpu.memory_space<vmem>>
      %dma_start3A_52 = tpu.memref_squeeze %dma_start3A_51 : memref<1x125x128xf32, #tpu.memory_space<vmem>> -> memref<125x128xf32, #tpu.memory_space<vmem>>
      %dma_start3A_53 = arith.constant 0 : i32
      %dma_start3A_54 = tpu.memref_slice %arg8[%rem3A_40, %dma_start3A_53] : memref<40x125xi32, #tpu.memory_space<vmem>> -> memref<1x125xi32, #tpu.memory_space<vmem>>
      %dma_start3A_55 = tpu.memref_squeeze %dma_start3A_54 : memref<1x125xi32, #tpu.memory_space<vmem>> -> memref<125xi32, #tpu.memory_space<vmem>>
      %dma_start3A_56 = arith.constant 0 : i32
      %dma_start3A_57 = arith.constant 0 : i32
      %dma_start3A_58 = tpu.memref_slice %arg10[%dma_start3A_56, %dma_start3A_57] : memref<10240x128xf32, #tpu.memory_space<vmem_shared>> -> memref<10240x128xf32, #tpu.memory_space<vmem_shared>>
      tpu.enqueue_indirect_dma source(%dma_start3A_52 : memref<125x128xf32, #tpu.memory_space<vmem>>) target(%dma_start3A_58 : memref<10240x128xf32, #tpu.memory_space<vmem_shared>>) offsets(%dma_start3A_55 : memref<125xi32, #tpu.memory_space<vmem>>) semaphore(%run_scoped3A : memref<!tpu.dma_semaphore, #tpu.memory_space<semaphore_mem>>) {add = true}
      %dma_wait3A_59 = arith.constant 0 : i32
      %dma_wait3A_60 = arith.constant 0 : i32
      %dma_wait3A_61 = tpu.memref_slice %arg9[%rem3A_25, %dma_wait3A_59, %dma_wait3A_60] : memref<2x125x128xf32, #tpu.memory_space<vmem>> -> memref<1x125x128xf32, #tpu.memory_space<vmem>>
      %dma_wait3A_62 = tpu.memref_squeeze %dma_wait3A_61 : memref<1x125x128xf32, #tpu.memory_space<vmem>> -> memref<125x128xf32, #tpu.memory_space<vmem>>
      %dma_wait3A_63 = arith.constant 0 : i32
      %dma_wait3A_64 = tpu.memref_slice %arg8[%rem3A_40, %dma_wait3A_63] : memref<40x125xi32, #tpu.memory_space<vmem>> -> memref<1x125xi32, #tpu.memory_space<vmem>>
      %dma_wait3A_65 = tpu.memref_squeeze %dma_wait3A_64 : memref<1x125xi32, #tpu.memory_space<vmem>> -> memref<125xi32, #tpu.memory_space<vmem>>
      %dma_wait3A_66 = arith.constant 0 : i32
      %dma_wait3A_67 = arith.constant 0 : i32
      %dma_wait3A_68 = tpu.memref_slice %arg10[%dma_wait3A_66, %dma_wait3A_67] : memref<10240x128xf32, #tpu.memory_space<vmem_shared>> -> memref<10240x128xf32, #tpu.memory_space<vmem_shared>>
      tpu.wait_indirect_dma semaphore(%run_scoped3A : memref<!tpu.dma_semaphore, #tpu.memory_space<semaphore_mem>>) src(%dma_wait3A_62 : memref<125x128xf32, #tpu.memory_space<vmem>>) dst(%dma_wait3A_68 : memref<10240x128xf32, #tpu.memory_space<vmem_shared>>)
      tpu.yield
    }) : () -> ()
    %barrier3A_41 = arith.constant 0 : index
    tpu.barrier barrier_id(%barrier3A_41)
    %eq3A = arith.constant 0 : i32
    %eq3A_42 = arith.cmpi eq, %arg0, %eq3A : i32
    %convert_element_type3A = arith.extui %eq3A_42 : i1 to i32
    %cond3A = arith.constant 0 : i32
    %cond3A_43 = arith.cmpi ne, %convert_element_type3A, %cond3A : i32
    scf.if %cond3A_43 {
      %mul3A_49 = arith.constant 640 : i32
      %mul3A_50 = arith.muli %arg1, %mul3A_49 : i32
      %mul3A_51 = arith.constant 640 : i32
      %mul3A_52 = arith.muli %arg1, %mul3A_51 : i32
      "tpu.region"() ({
        %run_scoped3A = tpu.sem_alloc : memref<!tpu.dma_semaphore, #tpu.memory_space<semaphore_mem>>
        %dma_start3A_53 = arith.constant 0 : i32
        %dma_start3A_54 = tpu.memref_slice %arg5[%mul3A_52, %dma_start3A_53] : memref<10240x128xf32, #tpu.memory_space<hbm>> -> memref<640x128xf32, #tpu.memory_space<hbm>>
        %dma_start3A_55 = arith.constant 0 : i32
        %dma_start3A_56 = tpu.memref_slice %arg10[%mul3A_50, %dma_start3A_55] : memref<10240x128xf32, #tpu.memory_space<vmem_shared>> -> memref<640x128xf32, #tpu.memory_space<vmem_shared>>
        tpu.enqueue_dma source(%dma_start3A_56 : memref<640x128xf32, #tpu.memory_space<vmem_shared>>) target(%dma_start3A_54 : memref<640x128xf32, #tpu.memory_space<hbm>>) target_semaphore(%run_scoped3A : memref<!tpu.dma_semaphore, #tpu.memory_space<semaphore_mem>>)
        %dma_wait3A_57 = arith.constant 0 : i32
        %dma_wait3A_58 = tpu.memref_slice %arg5[%mul3A_52, %dma_wait3A_57] : memref<10240x128xf32, #tpu.memory_space<hbm>> -> memref<640x128xf32, #tpu.memory_space<hbm>>
        %dma_wait3A_59 = arith.constant 0 : i32
        %dma_wait3A_60 = tpu.memref_slice %arg10[%mul3A_50, %dma_wait3A_59] : memref<10240x128xf32, #tpu.memory_space<vmem_shared>> -> memref<640x128xf32, #tpu.memory_space<vmem_shared>>
        tpu.wait_dma2 semaphore(%run_scoped3A : memref<!tpu.dma_semaphore, #tpu.memory_space<semaphore_mem>>) src(%dma_wait3A_60 : memref<640x128xf32, #tpu.memory_space<vmem_shared>>) dst(%dma_wait3A_58 : memref<640x128xf32, #tpu.memory_space<hbm>>)
        tpu.yield
      }) : () -> ()
    } else {
    }
    %eq3A_44 = arith.constant 1 : i32
    %eq3A_45 = arith.cmpi eq, %arg0, %eq3A_44 : i32
    %convert_element_type3A_46 = arith.extui %eq3A_45 : i1 to i32
    %cond3A_47 = arith.constant 0 : i32
    %cond3A_48 = arith.cmpi ne, %convert_element_type3A_46, %cond3A_47 : i32
    scf.if %cond3A_48 {
      %mul3A_49 = arith.constant 640 : i32
      %mul3A_50 = arith.muli %arg1, %mul3A_49 : i32
      %mul3A_51 = arith.constant 640 : i32
      %mul3A_52 = arith.muli %arg1, %mul3A_51 : i32
      "tpu.region"() ({
        %run_scoped3A = tpu.sem_alloc : memref<!tpu.dma_semaphore, #tpu.memory_space<semaphore_mem>>
        %dma_start3A_53 = arith.constant 0 : i32
        %dma_start3A_54 = tpu.memref_slice %arg6[%mul3A_52, %dma_start3A_53] : memref<10240x128xf32, #tpu.memory_space<hbm>> -> memref<640x128xf32, #tpu.memory_space<hbm>>
        %dma_start3A_55 = arith.constant 0 : i32
        %dma_start3A_56 = tpu.memref_slice %arg10[%mul3A_50, %dma_start3A_55] : memref<10240x128xf32, #tpu.memory_space<vmem_shared>> -> memref<640x128xf32, #tpu.memory_space<vmem_shared>>
        tpu.enqueue_dma source(%dma_start3A_56 : memref<640x128xf32, #tpu.memory_space<vmem_shared>>) target(%dma_start3A_54 : memref<640x128xf32, #tpu.memory_space<hbm>>) target_semaphore(%run_scoped3A : memref<!tpu.dma_semaphore, #tpu.memory_space<semaphore_mem>>)
        %dma_wait3A_57 = arith.constant 0 : i32
        %dma_wait3A_58 = tpu.memref_slice %arg6[%mul3A_52, %dma_wait3A_57] : memref<10240x128xf32, #tpu.memory_space<hbm>> -> memref<640x128xf32, #tpu.memory_space<hbm>>
        %dma_wait3A_59 = arith.constant 0 : i32
        %dma_wait3A_60 = tpu.memref_slice %arg10[%mul3A_50, %dma_wait3A_59] : memref<10240x128xf32, #tpu.memory_space<vmem_shared>> -> memref<640x128xf32, #tpu.memory_space<vmem_shared>>
        tpu.wait_dma2 semaphore(%run_scoped3A : memref<!tpu.dma_semaphore, #tpu.memory_space<semaphore_mem>>) src(%dma_wait3A_60 : memref<640x128xf32, #tpu.memory_space<vmem_shared>>) dst(%dma_wait3A_58 : memref<640x128xf32, #tpu.memory_space<hbm>>)
        tpu.yield
      }) : () -> ()
    } else {
    }
    return
  }
}

module attributes {stable_mosaic.version = 14 : i64} {
  func.func @_s1_body(%arg0: i32, %arg1: memref<2048x1xf32, #tpu.memory_space<vmem>>, %arg2: memref<2048x1xf32, #tpu.memory_space<vmem>>, %arg3: memref<2048x128xf32, #tpu.memory_space<vmem>>, %arg4: memref<2048x1xf32, #tpu.memory_space<vmem>>, %arg5: memref<2048x128xf32, #tpu.memory_space<vmem>>) attributes {dimension_semantics = [#tpu.dimension_semantics<arbitrary>], iteration_bounds = array<i64: 5>, scalar_prefetch = 0 : i64, scratch_operands = 0 : i64, tpu.core_type = #tpu.core_type<tc>, window_params = [{transform_indices = @transform_0, window_bounds = array<i64: 2048, 1>}, {transform_indices = @transform_1, window_bounds = array<i64: 2048, 1>}, {transform_indices = @transform_2, window_bounds = array<i64: 2048, 128>}, {transform_indices = @transform_3, window_bounds = array<i64: 2048, 1>}, {transform_indices = @transform_4, window_bounds = array<i64: 2048, 128>}]} {
    %get3A = arith.constant 0 : index
    %get3A_0 = arith.constant 0 : index
    %get3A_1 = vector.load %arg1[%get3A, %get3A_0] : memref<2048x1xf32, #tpu.memory_space<vmem>>, vector<2048x1xf32>
    %get3A_2 = arith.constant 0 : index
    %get3A_3 = arith.constant 0 : index
    %get3A_4 = vector.load %arg2[%get3A_2, %get3A_3] : memref<2048x1xf32, #tpu.memory_space<vmem>>, vector<2048x1xf32>
    %add3A = arith.addf %get3A_1, %get3A_4 : vector<2048x1xf32>
    %rsqrt3A = math.rsqrt %add3A : vector<2048x1xf32>
    %swap3A = arith.constant 0 : index
    %swap3A_5 = arith.constant 0 : index
    %swap3A_6 = vector.load %arg4[%swap3A, %swap3A_5] : memref<2048x1xf32, #tpu.memory_space<vmem>>, vector<2048x1xf32>
    tpu.vector_store %arg4[%swap3A, %swap3A_5], %rsqrt3A {strides = array<i32>} : memref<2048x1xf32, #tpu.memory_space<vmem>>, vector<2048x1xf32>,
    %get3A_7 = arith.constant 0 : index
    %get3A_8 = arith.constant 0 : index
    %get3A_9 = vector.load %arg3[%get3A_7, %get3A_8] : memref<2048x128xf32, #tpu.memory_space<vmem>>, vector<2048x128xf32>
    %mul3A = vector.broadcast %rsqrt3A : vector<2048x1xf32> to vector<2048x128xf32>
    %mul3A_10 = arith.mulf %get3A_9, %mul3A : vector<2048x128xf32>
    %swap3A_11 = arith.constant 0 : index
    %swap3A_12 = arith.constant 0 : index
    %swap3A_13 = vector.load %arg5[%swap3A_11, %swap3A_12] : memref<2048x128xf32, #tpu.memory_space<vmem>>, vector<2048x128xf32>
    tpu.vector_store %arg5[%swap3A_11, %swap3A_12], %mul3A_10 {strides = array<i32>} : memref<2048x128xf32, #tpu.memory_space<vmem>>, vector<2048x128xf32>,
    return
  }
  func.func @transform_0(%arg0: i32) -> (i32, i32) {
    %c0_i32 = arith.constant 0 : i32
    %c0_i32_0 = arith.constant 0 : i32
    return %arg0, %c0_i32 : i32, i32
  }
  func.func @transform_1(%arg0: i32) -> (i32, i32) {
    %c0_i32 = arith.constant 0 : i32
    %c0_i32_0 = arith.constant 0 : i32
    return %arg0, %c0_i32 : i32, i32
  }
  func.func @transform_2(%arg0: i32) -> (i32, i32) {
    %c0_i32 = arith.constant 0 : i32
    %c0_i32_0 = arith.constant 0 : i32
    return %arg0, %c0_i32 : i32, i32
  }
  func.func @transform_3(%arg0: i32) -> (i32, i32) {
    %c0_i32 = arith.constant 0 : i32
    %c0_i32_0 = arith.constant 0 : i32
    return %arg0, %c0_i32 : i32, i32
  }
  func.func @transform_4(%arg0: i32) -> (i32, i32) {
    %c0_i32 = arith.constant 0 : i32
    %c0_i32_0 = arith.constant 0 : i32
    return %arg0, %c0_i32 : i32, i32
  }
}

module attributes {stable_mosaic.version = 14 : i64} {
  func.func @_t1a_body(%arg0: i32, %arg1: memref<2048x128xf32, #tpu.memory_space<vmem>>, %arg2: memref<2048x128xf32, #tpu.memory_space<vmem>>, %arg3: memref<2048x128xf32, #tpu.memory_space<vmem>>, %arg4: memref<2048x1xf32, #tpu.memory_space<vmem>>, %arg5: memref<128x256xf32, #tpu.memory_space<vmem>>, %arg6: memref<1x256xf32, #tpu.memory_space<vmem>>, %arg7: memref<2048x256xf32, #tpu.memory_space<vmem>>, %arg8: memref<2x256xf32, #tpu.memory_space<vmem>>) attributes {dimension_semantics = [#tpu.dimension_semantics<arbitrary>], iteration_bounds = array<i64: 5>, scalar_prefetch = 0 : i64, scratch_operands = 0 : i64, tpu.core_type = #tpu.core_type<tc>, window_params = [{transform_indices = @transform_0, window_bounds = array<i64: 2048, 128>}, {transform_indices = @transform_1, window_bounds = array<i64: 2048, 128>}, {transform_indices = @transform_2, window_bounds = array<i64: 2048, 128>}, {transform_indices = @transform_3, window_bounds = array<i64: 2048, 1>}, {pipeline_mode = #tpu.pipeline_mode<synchronous>, transform_indices = @transform_4, window_bounds = array<i64: 128, 256>}, {pipeline_mode = #tpu.pipeline_mode<synchronous>, transform_indices = @transform_5, window_bounds = array<i64: 1, 256>}, {transform_indices = @transform_6, window_bounds = array<i64: 2048, 256>}, {pipeline_mode = #tpu.pipeline_mode<synchronous>, transform_indices = @transform_7, window_bounds = array<i64: 2, 256>}]} {
    %get3A = arith.constant 0 : index
    %get3A_0 = arith.constant 0 : index
    %get3A_1 = vector.load %arg1[%get3A, %get3A_0] : memref<2048x128xf32, #tpu.memory_space<vmem>>, vector<2048x128xf32>
    %get3A_2 = arith.constant 0 : index
    %get3A_3 = arith.constant 0 : index
    %get3A_4 = vector.load %arg2[%get3A_2, %get3A_3] : memref<2048x128xf32, #tpu.memory_space<vmem>>, vector<2048x128xf32>
    %add3A = arith.addf %get3A_1, %get3A_4 : vector<2048x128xf32>
    %get3A_5 = arith.constant 0 : index
    %get3A_6 = arith.constant 0 : index
    %get3A_7 = vector.load %arg3[%get3A_5, %get3A_6] : memref<2048x128xf32, #tpu.memory_space<vmem>>, vector<2048x128xf32>
    %sub3A = arith.subf %add3A, %get3A_7 : vector<2048x128xf32>
    %get3A_8 = arith.constant 0 : index
    %get3A_9 = arith.constant 0 : index
    %get3A_10 = vector.load %arg4[%get3A_8, %get3A_9] : memref<2048x1xf32, #tpu.memory_space<vmem>>, vector<2048x1xf32>
    %mul3A = vector.broadcast %get3A_10 : vector<2048x1xf32> to vector<2048x128xf32>
    %mul3A_11 = arith.mulf %sub3A, %mul3A : vector<2048x128xf32>
    %get3A_12 = arith.constant 0 : index
    %get3A_13 = arith.constant 0 : index
    %get3A_14 = vector.load %arg5[%get3A_12, %get3A_13] : memref<128x256xf32, #tpu.memory_space<vmem>>, vector<128x256xf32>
    %dot_general3A = arith.constant dense<0.000000e+00> : vector<2048x256xf32>
    %dot_general3A_15 = tpu.matmul %mul3A_11, %get3A_14, %dot_general3A {dimension_numbers = #tpu.dot_dimension_numbers<[1], [0], [0], [1], [0, 0, 1, 1], [], []>, transpose_lhs_hint = false} : vector<2048x128xf32>, vector<128x256xf32>, vector<2048x256xf32> -> vector<2048x256xf32>
    %get3A_16 = arith.constant 0 : index
    %get3A_17 = arith.constant 0 : index
    %get3A_18 = vector.load %arg6[%get3A_16, %get3A_17] : memref<1x256xf32, #tpu.memory_space<vmem>>, vector<1x256xf32>
    %add3A_19 = vector.broadcast %get3A_18 : vector<1x256xf32> to vector<2048x256xf32>
    %add3A_20 = arith.addf %dot_general3A_15, %add3A_19 : vector<2048x256xf32>
    %swap3A = arith.constant 0 : index
    %swap3A_21 = arith.constant 0 : index
    %swap3A_22 = vector.load %arg7[%swap3A, %swap3A_21] : memref<2048x256xf32, #tpu.memory_space<vmem>>, vector<2048x256xf32>
    tpu.vector_store %arg7[%swap3A, %swap3A_21], %add3A_20 {strides = array<i32>} : memref<2048x256xf32, #tpu.memory_space<vmem>>, vector<2048x256xf32>,
    %mul3A_23 = arith.constant 2048 : i32
    %mul3A_24 = arith.muli %arg0, %mul3A_23 : i32
    %iota3A = tpu.iota {dimensions = array<i32: 0>} : vector<2048x256xi32>
    %add3A_25 = vector.broadcast %mul3A_24 : i32 to vector<2048x256xi32>
    %add3A_26 = arith.addi %add3A_25, %iota3A : vector<2048x256xi32>
    %lt3A = arith.constant 10000 : i32
    %lt3A_27 = vector.broadcast %lt3A : i32 to vector<2048x256xi32>
    %lt3A_28 = arith.cmpi slt, %add3A_26, %lt3A_27 : vector<2048x256xi32>
    %jit3A = arith.constant 0.000000e+00 : f32
    %broadcast_in_dim3A = vector.broadcast %jit3A : f32 to vector<2048x256xf32>
    %select_n3A = arith.select %lt3A_28, %add3A_20, %broadcast_in_dim3A : vector<2048x256xi1>, vector<2048x256xf32>
    %reduce_sum3A = arith.constant dense<0.000000e+00> : vector<256xf32>
    %reduce_sum3A_29 = vector.multi_reduction <add>, %select_n3A, %reduce_sum3A [0] : vector<2048x256xf32> to vector<256xf32>
    %broadcast_in_dim3A_30 = vector.shape_cast %reduce_sum3A_29 : vector<256xf32> to vector<1x256xf32>
    %mul3A_31 = arith.mulf %select_n3A, %select_n3A : vector<2048x256xf32>
    %reduce_sum3A_32 = arith.constant dense<0.000000e+00> : vector<256xf32>
    %reduce_sum3A_33 = vector.multi_reduction <add>, %mul3A_31, %reduce_sum3A_32 [0] : vector<2048x256xf32> to vector<256xf32>
    %broadcast_in_dim3A_34 = vector.shape_cast %reduce_sum3A_33 : vector<256xf32> to vector<1x256xf32>
    %concatenate3A = tpu.concatenate %broadcast_in_dim3A_30, %broadcast_in_dim3A_34 in 0 : vector<1x256xf32>, vector<1x256xf32> -> vector<2x256xf32>
    %eq3A = arith.constant 0 : i32
    %eq3A_35 = arith.cmpi eq, %arg0, %eq3A : i32
    %convert_element_type3A = arith.extui %eq3A_35 : i1 to i32
    %cond3A = arith.constant 0 : i32
    %cond3A_36 = arith.cmpi ne, %convert_element_type3A, %cond3A : i32
    scf.if %cond3A_36 {
      %swap3A_41 = arith.constant 0 : index
      %swap3A_42 = arith.constant 0 : index
      %swap3A_43 = vector.load %arg8[%swap3A_41, %swap3A_42] : memref<2x256xf32, #tpu.memory_space<vmem>>, vector<2x256xf32>
      tpu.vector_store %arg8[%swap3A_41, %swap3A_42], %concatenate3A {strides = array<i32>} : memref<2x256xf32, #tpu.memory_space<vmem>>, vector<2x256xf32>,
    } else {
    }
    %gt3A = arith.constant 0 : i32
    %gt3A_37 = arith.cmpi sgt, %arg0, %gt3A : i32
    %convert_element_type3A_38 = arith.extui %gt3A_37 : i1 to i32
    %cond3A_39 = arith.constant 0 : i32
    %cond3A_40 = arith.cmpi ne, %convert_element_type3A_38, %cond3A_39 : i32
    scf.if %cond3A_40 {
      %get3A_41 = arith.constant 0 : index
      %get3A_42 = arith.constant 0 : index
      %get3A_43 = vector.load %arg8[%get3A_41, %get3A_42] : memref<2x256xf32, #tpu.memory_space<vmem>>, vector<2x256xf32>
      %add3A_44 = arith.addf %get3A_43, %concatenate3A : vector<2x256xf32>
      %swap3A_45 = arith.constant 0 : index
      %swap3A_46 = arith.constant 0 : index
      %swap3A_47 = vector.load %arg8[%swap3A_45, %swap3A_46] : memref<2x256xf32, #tpu.memory_space<vmem>>, vector<2x256xf32>
      tpu.vector_store %arg8[%swap3A_45, %swap3A_46], %add3A_44 {strides = array<i32>} : memref<2x256xf32, #tpu.memory_space<vmem>>, vector<2x256xf32>,
    } else {
    }
    return
  }
  func.func @transform_0(%arg0: i32) -> (i32, i32) {
    %c0_i32 = arith.constant 0 : i32
    %c0_i32_0 = arith.constant 0 : i32
    return %arg0, %c0_i32 : i32, i32
  }
  func.func @transform_1(%arg0: i32) -> (i32, i32) {
    %c0_i32 = arith.constant 0 : i32
    %c0_i32_0 = arith.constant 0 : i32
    return %arg0, %c0_i32 : i32, i32
  }
  func.func @transform_2(%arg0: i32) -> (i32, i32) {
    %c0_i32 = arith.constant 0 : i32
    %c0_i32_0 = arith.constant 0 : i32
    return %arg0, %c0_i32 : i32, i32
  }
  func.func @transform_3(%arg0: i32) -> (i32, i32) {
    %c0_i32 = arith.constant 0 : i32
    %c0_i32_0 = arith.constant 0 : i32
    return %arg0, %c0_i32 : i32, i32
  }
  func.func @transform_4(%arg0: i32) -> (i32, i32) {
    %c0_i32 = arith.constant 0 : i32
    %c0_i32_0 = arith.constant 0 : i32
    %c0_i32_1 = arith.constant 0 : i32
    return %c0_i32, %c0_i32_0 : i32, i32
  }
  func.func @transform_5(%arg0: i32) -> (i32, i32) {
    %c0_i32 = arith.constant 0 : i32
    %c0_i32_0 = arith.constant 0 : i32
    %c0_i32_1 = arith.constant 0 : i32
    return %c0_i32, %c0_i32_0 : i32, i32
  }
  func.func @transform_6(%arg0: i32) -> (i32, i32) {
    %c0_i32 = arith.constant 0 : i32
    %c0_i32_0 = arith.constant 0 : i32
    return %arg0, %c0_i32 : i32, i32
  }
  func.func @transform_7(%arg0: i32) -> (i32, i32) {
    %c0_i32 = arith.constant 0 : i32
    %c0_i32_0 = arith.constant 0 : i32
    %c0_i32_1 = arith.constant 0 : i32
    return %c0_i32, %c0_i32_0 : i32, i32
  }
}

module attributes {stable_mosaic.version = 14 : i64} {
  func.func @_t2a_body(%arg0: i32, %arg1: memref<2048x256xf32, #tpu.memory_space<vmem>>, %arg2: memref<2x256xf32, #tpu.memory_space<vmem>>, %arg3: memref<1x256xf32, #tpu.memory_space<vmem>>, %arg4: memref<1x256xf32, #tpu.memory_space<vmem>>, %arg5: memref<2048x1xf32, #tpu.memory_space<vmem>>, %arg6: memref<2048x256xf32, #tpu.memory_space<vmem>>, %arg7: memref<2048x128xf32, #tpu.memory_space<vmem>>, %arg8: memref<2048x128xf32, #tpu.memory_space<vmem>>) attributes {dimension_semantics = [#tpu.dimension_semantics<arbitrary>], iteration_bounds = array<i64: 5>, scalar_prefetch = 0 : i64, scratch_operands = 0 : i64, tpu.core_type = #tpu.core_type<tc>, window_params = [{transform_indices = @transform_0, window_bounds = array<i64: 2048, 256>}, {pipeline_mode = #tpu.pipeline_mode<synchronous>, transform_indices = @transform_1, window_bounds = array<i64: 2, 256>}, {pipeline_mode = #tpu.pipeline_mode<synchronous>, transform_indices = @transform_2, window_bounds = array<i64: 1, 256>}, {pipeline_mode = #tpu.pipeline_mode<synchronous>, transform_indices = @transform_3, window_bounds = array<i64: 1, 256>}, {transform_indices = @transform_4, window_bounds = array<i64: 2048, 1>}, {transform_indices = @transform_5, window_bounds = array<i64: 2048, 256>}, {transform_indices = @transform_6, window_bounds = array<i64: 2048, 128>}, {transform_indices = @transform_7, window_bounds = array<i64: 2048, 128>}]} {
    %get3A = arith.constant 0 : index
    %get3A_0 = arith.constant 0 : index
    %get3A_1 = vector.load %arg1[%get3A, %get3A_0] : memref<2048x256xf32, #tpu.memory_space<vmem>>, vector<2048x256xf32>
    %get3A_2 = arith.constant 0 : index
    %get3A_3 = arith.constant 0 : index
    %get3A_4 = vector.load %arg2[%get3A_2, %get3A_3] : memref<2x256xf32, #tpu.memory_space<vmem>>, vector<1x256xf32>
    %mul3A = arith.constant 9.99999974E-5 : f32
    %mul3A_5 = vector.broadcast %mul3A : f32 to vector<1x256xf32>
    %mul3A_6 = arith.mulf %get3A_4, %mul3A_5 : vector<1x256xf32>
    %get3A_7 = arith.constant 1 : index
    %get3A_8 = arith.constant 0 : index
    %get3A_9 = vector.load %arg2[%get3A_7, %get3A_8] : memref<2x256xf32, #tpu.memory_space<vmem>>, vector<1x256xf32>
    %mul3A_10 = arith.constant 9.99999974E-5 : f32
    %mul3A_11 = vector.broadcast %mul3A_10 : f32 to vector<1x256xf32>
    %mul3A_12 = arith.mulf %get3A_9, %mul3A_11 : vector<1x256xf32>
    %mul3A_13 = arith.mulf %mul3A_6, %mul3A_6 : vector<1x256xf32>
    %sub3A = arith.subf %mul3A_12, %mul3A_13 : vector<1x256xf32>
    %add3A = arith.constant 9.99999974E-6 : f32
    %add3A_14 = vector.broadcast %add3A : f32 to vector<1x256xf32>
    %add3A_15 = arith.addf %sub3A, %add3A_14 : vector<1x256xf32>
    %rsqrt3A = math.rsqrt %add3A_15 : vector<1x256xf32>
    %sub3A_16 = vector.broadcast %mul3A_6 : vector<1x256xf32> to vector<2048x256xf32>
    %sub3A_17 = arith.subf %get3A_1, %sub3A_16 : vector<2048x256xf32>
    %get3A_18 = arith.constant 0 : index
    %get3A_19 = arith.constant 0 : index
    %get3A_20 = vector.load %arg3[%get3A_18, %get3A_19] : memref<1x256xf32, #tpu.memory_space<vmem>>, vector<1x256xf32>
    %mul3A_21 = arith.mulf %rsqrt3A, %get3A_20 : vector<1x256xf32>
    %mul3A_22 = vector.broadcast %mul3A_21 : vector<1x256xf32> to vector<2048x256xf32>
    %mul3A_23 = arith.mulf %sub3A_17, %mul3A_22 : vector<2048x256xf32>
    %get3A_24 = arith.constant 0 : index
    %get3A_25 = arith.constant 0 : index
    %get3A_26 = vector.load %arg4[%get3A_24, %get3A_25] : memref<1x256xf32, #tpu.memory_space<vmem>>, vector<1x256xf32>
    %add3A_27 = vector.broadcast %get3A_26 : vector<1x256xf32> to vector<2048x256xf32>
    %add3A_28 = arith.addf %mul3A_23, %add3A_27 : vector<2048x256xf32>
    %max3A = arith.constant 0.000000e+00 : f32
    %max3A_29 = vector.broadcast %max3A : f32 to vector<2048x256xf32>
    %max3A_30 = arith.maximumf %add3A_28, %max3A_29 : vector<2048x256xf32>
    %swap3A = arith.constant 0 : index
    %swap3A_31 = arith.constant 0 : index
    %swap3A_32 = vector.load %arg6[%swap3A, %swap3A_31] : memref<2048x256xf32, #tpu.memory_space<vmem>>, vector<2048x256xf32>
    tpu.vector_store %arg6[%swap3A, %swap3A_31], %max3A_30 {strides = array<i32>} : memref<2048x256xf32, #tpu.memory_space<vmem>>, vector<2048x256xf32>,
    %get3A_33 = arith.constant 0 : index
    %get3A_34 = arith.constant 0 : index
    %get3A_35 = vector.load %arg5[%get3A_33, %get3A_34] : memref<2048x1xf32, #tpu.memory_space<vmem>>, vector<2048x1xf32>
    %mul3A_36 = vector.broadcast %get3A_35 : vector<2048x1xf32> to vector<2048x256xf32>
    %mul3A_37 = arith.mulf %max3A_30, %mul3A_36 : vector<2048x256xf32>
    %slice3A = vector.extract_strided_slice %mul3A_37 {offsets = [0, 0], sizes = [2048, 128], strides = [1, 1]} : vector<2048x256xf32> to vector<2048x128xf32>
    %swap3A_38 = arith.constant 0 : index
    %swap3A_39 = arith.constant 0 : index
    %swap3A_40 = vector.load %arg7[%swap3A_38, %swap3A_39] : memref<2048x128xf32, #tpu.memory_space<vmem>>, vector<2048x128xf32>
    tpu.vector_store %arg7[%swap3A_38, %swap3A_39], %slice3A {strides = array<i32>} : memref<2048x128xf32, #tpu.memory_space<vmem>>, vector<2048x128xf32>,
    %slice3A_41 = vector.extract_strided_slice %mul3A_37 {offsets = [0, 128], sizes = [2048, 128], strides = [1, 1]} : vector<2048x256xf32> to vector<2048x128xf32>
    %swap3A_42 = arith.constant 0 : index
    %swap3A_43 = arith.constant 0 : index
    %swap3A_44 = vector.load %arg8[%swap3A_42, %swap3A_43] : memref<2048x128xf32, #tpu.memory_space<vmem>>, vector<2048x128xf32>
    tpu.vector_store %arg8[%swap3A_42, %swap3A_43], %slice3A_41 {strides = array<i32>} : memref<2048x128xf32, #tpu.memory_space<vmem>>, vector<2048x128xf32>,
    return
  }
  func.func @transform_0(%arg0: i32) -> (i32, i32) {
    %c0_i32 = arith.constant 0 : i32
    %c0_i32_0 = arith.constant 0 : i32
    return %arg0, %c0_i32 : i32, i32
  }
  func.func @transform_1(%arg0: i32) -> (i32, i32) {
    %c0_i32 = arith.constant 0 : i32
    %c0_i32_0 = arith.constant 0 : i32
    %c0_i32_1 = arith.constant 0 : i32
    return %c0_i32, %c0_i32_0 : i32, i32
  }
  func.func @transform_2(%arg0: i32) -> (i32, i32) {
    %c0_i32 = arith.constant 0 : i32
    %c0_i32_0 = arith.constant 0 : i32
    %c0_i32_1 = arith.constant 0 : i32
    return %c0_i32, %c0_i32_0 : i32, i32
  }
  func.func @transform_3(%arg0: i32) -> (i32, i32) {
    %c0_i32 = arith.constant 0 : i32
    %c0_i32_0 = arith.constant 0 : i32
    %c0_i32_1 = arith.constant 0 : i32
    return %c0_i32, %c0_i32_0 : i32, i32
  }
  func.func @transform_4(%arg0: i32) -> (i32, i32) {
    %c0_i32 = arith.constant 0 : i32
    %c0_i32_0 = arith.constant 0 : i32
    return %arg0, %c0_i32 : i32, i32
  }
  func.func @transform_5(%arg0: i32) -> (i32, i32) {
    %c0_i32 = arith.constant 0 : i32
    %c0_i32_0 = arith.constant 0 : i32
    return %arg0, %c0_i32 : i32, i32
  }
  func.func @transform_6(%arg0: i32) -> (i32, i32) {
    %c0_i32 = arith.constant 0 : i32
    %c0_i32_0 = arith.constant 0 : i32
    return %arg0, %c0_i32 : i32, i32
  }
  func.func @transform_7(%arg0: i32) -> (i32, i32) {
    %c0_i32 = arith.constant 0 : i32
    %c0_i32_0 = arith.constant 0 : i32
    return %arg0, %c0_i32 : i32, i32
  }
}

module attributes {stable_mosaic.version = 14 : i64} {
  func.func @_t1b_body(%arg0: i32, %arg1: memref<2048x128xf32, #tpu.memory_space<vmem>>, %arg2: memref<2048x128xf32, #tpu.memory_space<vmem>>, %arg3: memref<2048x1xf32, #tpu.memory_space<vmem>>, %arg4: memref<256x256xf32, #tpu.memory_space<vmem>>, %arg5: memref<1x256xf32, #tpu.memory_space<vmem>>, %arg6: memref<2048x256xf32, #tpu.memory_space<vmem>>, %arg7: memref<2x256xf32, #tpu.memory_space<vmem>>) attributes {dimension_semantics = [#tpu.dimension_semantics<arbitrary>], iteration_bounds = array<i64: 5>, scalar_prefetch = 0 : i64, scratch_operands = 0 : i64, tpu.core_type = #tpu.core_type<tc>, window_params = [{transform_indices = @transform_0, window_bounds = array<i64: 2048, 128>}, {transform_indices = @transform_1, window_bounds = array<i64: 2048, 128>}, {transform_indices = @transform_2, window_bounds = array<i64: 2048, 1>}, {pipeline_mode = #tpu.pipeline_mode<synchronous>, transform_indices = @transform_3, window_bounds = array<i64: 256, 256>}, {pipeline_mode = #tpu.pipeline_mode<synchronous>, transform_indices = @transform_4, window_bounds = array<i64: 1, 256>}, {transform_indices = @transform_5, window_bounds = array<i64: 2048, 256>}, {pipeline_mode = #tpu.pipeline_mode<synchronous>, transform_indices = @transform_6, window_bounds = array<i64: 2, 256>}]} {
    %get3A = arith.constant 0 : index
    %get3A_0 = arith.constant 0 : index
    %get3A_1 = vector.load %arg1[%get3A, %get3A_0] : memref<2048x128xf32, #tpu.memory_space<vmem>>, vector<2048x128xf32>
    %get3A_2 = arith.constant 0 : index
    %get3A_3 = arith.constant 0 : index
    %get3A_4 = vector.load %arg2[%get3A_2, %get3A_3] : memref<2048x128xf32, #tpu.memory_space<vmem>>, vector<2048x128xf32>
    %concatenate3A = tpu.concatenate %get3A_1, %get3A_4 in 1 : vector<2048x128xf32>, vector<2048x128xf32> -> vector<2048x256xf32>
    %get3A_5 = arith.constant 0 : index
    %get3A_6 = arith.constant 0 : index
    %get3A_7 = vector.load %arg3[%get3A_5, %get3A_6] : memref<2048x1xf32, #tpu.memory_space<vmem>>, vector<2048x1xf32>
    %mul3A = vector.broadcast %get3A_7 : vector<2048x1xf32> to vector<2048x256xf32>
    %mul3A_8 = arith.mulf %concatenate3A, %mul3A : vector<2048x256xf32>
    %get3A_9 = arith.constant 0 : index
    %get3A_10 = arith.constant 0 : index
    %get3A_11 = vector.load %arg4[%get3A_9, %get3A_10] : memref<256x256xf32, #tpu.memory_space<vmem>>, vector<256x256xf32>
    %dot_general3A = arith.constant dense<0.000000e+00> : vector<2048x256xf32>
    %dot_general3A_12 = tpu.matmul %mul3A_8, %get3A_11, %dot_general3A {dimension_numbers = #tpu.dot_dimension_numbers<[1], [0], [0], [1], [0, 0, 1, 1], [], []>, transpose_lhs_hint = false} : vector<2048x256xf32>, vector<256x256xf32>, vector<2048x256xf32> -> vector<2048x256xf32>
    %get3A_13 = arith.constant 0 : index
    %get3A_14 = arith.constant 0 : index
    %get3A_15 = vector.load %arg5[%get3A_13, %get3A_14] : memref<1x256xf32, #tpu.memory_space<vmem>>, vector<1x256xf32>
    %add3A = vector.broadcast %get3A_15 : vector<1x256xf32> to vector<2048x256xf32>
    %add3A_16 = arith.addf %dot_general3A_12, %add3A : vector<2048x256xf32>
    %swap3A = arith.constant 0 : index
    %swap3A_17 = arith.constant 0 : index
    %swap3A_18 = vector.load %arg6[%swap3A, %swap3A_17] : memref<2048x256xf32, #tpu.memory_space<vmem>>, vector<2048x256xf32>
    tpu.vector_store %arg6[%swap3A, %swap3A_17], %add3A_16 {strides = array<i32>} : memref<2048x256xf32, #tpu.memory_space<vmem>>, vector<2048x256xf32>,
    %mul3A_19 = arith.constant 2048 : i32
    %mul3A_20 = arith.muli %arg0, %mul3A_19 : i32
    %iota3A = tpu.iota {dimensions = array<i32: 0>} : vector<2048x256xi32>
    %add3A_21 = vector.broadcast %mul3A_20 : i32 to vector<2048x256xi32>
    %add3A_22 = arith.addi %add3A_21, %iota3A : vector<2048x256xi32>
    %lt3A = arith.constant 10000 : i32
    %lt3A_23 = vector.broadcast %lt3A : i32 to vector<2048x256xi32>
    %lt3A_24 = arith.cmpi slt, %add3A_22, %lt3A_23 : vector<2048x256xi32>
    %jit3A = arith.constant 0.000000e+00 : f32
    %broadcast_in_dim3A = vector.broadcast %jit3A : f32 to vector<2048x256xf32>
    %select_n3A = arith.select %lt3A_24, %add3A_16, %broadcast_in_dim3A : vector<2048x256xi1>, vector<2048x256xf32>
    %reduce_sum3A = arith.constant dense<0.000000e+00> : vector<256xf32>
    %reduce_sum3A_25 = vector.multi_reduction <add>, %select_n3A, %reduce_sum3A [0] : vector<2048x256xf32> to vector<256xf32>
    %broadcast_in_dim3A_26 = vector.shape_cast %reduce_sum3A_25 : vector<256xf32> to vector<1x256xf32>
    %mul3A_27 = arith.mulf %select_n3A, %select_n3A : vector<2048x256xf32>
    %reduce_sum3A_28 = arith.constant dense<0.000000e+00> : vector<256xf32>
    %reduce_sum3A_29 = vector.multi_reduction <add>, %mul3A_27, %reduce_sum3A_28 [0] : vector<2048x256xf32> to vector<256xf32>
    %broadcast_in_dim3A_30 = vector.shape_cast %reduce_sum3A_29 : vector<256xf32> to vector<1x256xf32>
    %concatenate3A_31 = tpu.concatenate %broadcast_in_dim3A_26, %broadcast_in_dim3A_30 in 0 : vector<1x256xf32>, vector<1x256xf32> -> vector<2x256xf32>
    %eq3A = arith.constant 0 : i32
    %eq3A_32 = arith.cmpi eq, %arg0, %eq3A : i32
    %convert_element_type3A = arith.extui %eq3A_32 : i1 to i32
    %cond3A = arith.constant 0 : i32
    %cond3A_33 = arith.cmpi ne, %convert_element_type3A, %cond3A : i32
    scf.if %cond3A_33 {
      %swap3A_38 = arith.constant 0 : index
      %swap3A_39 = arith.constant 0 : index
      %swap3A_40 = vector.load %arg7[%swap3A_38, %swap3A_39] : memref<2x256xf32, #tpu.memory_space<vmem>>, vector<2x256xf32>
      tpu.vector_store %arg7[%swap3A_38, %swap3A_39], %concatenate3A_31 {strides = array<i32>} : memref<2x256xf32, #tpu.memory_space<vmem>>, vector<2x256xf32>,
    } else {
    }
    %gt3A = arith.constant 0 : i32
    %gt3A_34 = arith.cmpi sgt, %arg0, %gt3A : i32
    %convert_element_type3A_35 = arith.extui %gt3A_34 : i1 to i32
    %cond3A_36 = arith.constant 0 : i32
    %cond3A_37 = arith.cmpi ne, %convert_element_type3A_35, %cond3A_36 : i32
    scf.if %cond3A_37 {
      %get3A_38 = arith.constant 0 : index
      %get3A_39 = arith.constant 0 : index
      %get3A_40 = vector.load %arg7[%get3A_38, %get3A_39] : memref<2x256xf32, #tpu.memory_space<vmem>>, vector<2x256xf32>
      %add3A_41 = arith.addf %get3A_40, %concatenate3A_31 : vector<2x256xf32>
      %swap3A_42 = arith.constant 0 : index
      %swap3A_43 = arith.constant 0 : index
      %swap3A_44 = vector.load %arg7[%swap3A_42, %swap3A_43] : memref<2x256xf32, #tpu.memory_space<vmem>>, vector<2x256xf32>
      tpu.vector_store %arg7[%swap3A_42, %swap3A_43], %add3A_41 {strides = array<i32>} : memref<2x256xf32, #tpu.memory_space<vmem>>, vector<2x256xf32>,
    } else {
    }
    return
  }
  func.func @transform_0(%arg0: i32) -> (i32, i32) {
    %c0_i32 = arith.constant 0 : i32
    %c0_i32_0 = arith.constant 0 : i32
    return %arg0, %c0_i32 : i32, i32
  }
  func.func @transform_1(%arg0: i32) -> (i32, i32) {
    %c0_i32 = arith.constant 0 : i32
    %c0_i32_0 = arith.constant 0 : i32
    return %arg0, %c0_i32 : i32, i32
  }
  func.func @transform_2(%arg0: i32) -> (i32, i32) {
    %c0_i32 = arith.constant 0 : i32
    %c0_i32_0 = arith.constant 0 : i32
    return %arg0, %c0_i32 : i32, i32
  }
  func.func @transform_3(%arg0: i32) -> (i32, i32) {
    %c0_i32 = arith.constant 0 : i32
    %c0_i32_0 = arith.constant 0 : i32
    %c0_i32_1 = arith.constant 0 : i32
    return %c0_i32, %c0_i32_0 : i32, i32
  }
  func.func @transform_4(%arg0: i32) -> (i32, i32) {
    %c0_i32 = arith.constant 0 : i32
    %c0_i32_0 = arith.constant 0 : i32
    %c0_i32_1 = arith.constant 0 : i32
    return %c0_i32, %c0_i32_0 : i32, i32
  }
  func.func @transform_5(%arg0: i32) -> (i32, i32) {
    %c0_i32 = arith.constant 0 : i32
    %c0_i32_0 = arith.constant 0 : i32
    return %arg0, %c0_i32 : i32, i32
  }
  func.func @transform_6(%arg0: i32) -> (i32, i32) {
    %c0_i32 = arith.constant 0 : i32
    %c0_i32_0 = arith.constant 0 : i32
    %c0_i32_1 = arith.constant 0 : i32
    return %c0_i32, %c0_i32_0 : i32, i32
  }
}

module attributes {stable_mosaic.version = 14 : i64} {
  func.func @_t2b_body(%arg0: i32, %arg1: memref<2048x256xf32, #tpu.memory_space<vmem>>, %arg2: memref<2x256xf32, #tpu.memory_space<vmem>>, %arg3: memref<1x256xf32, #tpu.memory_space<vmem>>, %arg4: memref<1x256xf32, #tpu.memory_space<vmem>>, %arg5: memref<2048x1xf32, #tpu.memory_space<vmem>>, %arg6: memref<2048x256xf32, #tpu.memory_space<vmem>>, %arg7: memref<256x16xf32, #tpu.memory_space<vmem>>, %arg8: memref<2048x16xf32, #tpu.memory_space<vmem>>) attributes {dimension_semantics = [#tpu.dimension_semantics<arbitrary>], iteration_bounds = array<i64: 5>, scalar_prefetch = 0 : i64, scratch_operands = 0 : i64, tpu.core_type = #tpu.core_type<tc>, window_params = [{transform_indices = @transform_0, window_bounds = array<i64: 2048, 256>}, {pipeline_mode = #tpu.pipeline_mode<synchronous>, transform_indices = @transform_1, window_bounds = array<i64: 2, 256>}, {pipeline_mode = #tpu.pipeline_mode<synchronous>, transform_indices = @transform_2, window_bounds = array<i64: 1, 256>}, {pipeline_mode = #tpu.pipeline_mode<synchronous>, transform_indices = @transform_3, window_bounds = array<i64: 1, 256>}, {transform_indices = @transform_4, window_bounds = array<i64: 2048, 1>}, {transform_indices = @transform_5, window_bounds = array<i64: 2048, 256>}, {pipeline_mode = #tpu.pipeline_mode<synchronous>, transform_indices = @transform_6, window_bounds = array<i64: 256, 16>}, {transform_indices = @transform_7, window_bounds = array<i64: 2048, 16>}]} {
    %get3A = arith.constant 0 : index
    %get3A_0 = arith.constant 0 : index
    %get3A_1 = vector.load %arg1[%get3A, %get3A_0] : memref<2048x256xf32, #tpu.memory_space<vmem>>, vector<2048x256xf32>
    %get3A_2 = arith.constant 0 : index
    %get3A_3 = arith.constant 0 : index
    %get3A_4 = vector.load %arg2[%get3A_2, %get3A_3] : memref<2x256xf32, #tpu.memory_space<vmem>>, vector<1x256xf32>
    %mul3A = arith.constant 9.99999974E-5 : f32
    %mul3A_5 = vector.broadcast %mul3A : f32 to vector<1x256xf32>
    %mul3A_6 = arith.mulf %get3A_4, %mul3A_5 : vector<1x256xf32>
    %get3A_7 = arith.constant 1 : index
    %get3A_8 = arith.constant 0 : index
    %get3A_9 = vector.load %arg2[%get3A_7, %get3A_8] : memref<2x256xf32, #tpu.memory_space<vmem>>, vector<1x256xf32>
    %mul3A_10 = arith.constant 9.99999974E-5 : f32
    %mul3A_11 = vector.broadcast %mul3A_10 : f32 to vector<1x256xf32>
    %mul3A_12 = arith.mulf %get3A_9, %mul3A_11 : vector<1x256xf32>
    %mul3A_13 = arith.mulf %mul3A_6, %mul3A_6 : vector<1x256xf32>
    %sub3A = arith.subf %mul3A_12, %mul3A_13 : vector<1x256xf32>
    %add3A = arith.constant 9.99999974E-6 : f32
    %add3A_14 = vector.broadcast %add3A : f32 to vector<1x256xf32>
    %add3A_15 = arith.addf %sub3A, %add3A_14 : vector<1x256xf32>
    %rsqrt3A = math.rsqrt %add3A_15 : vector<1x256xf32>
    %sub3A_16 = vector.broadcast %mul3A_6 : vector<1x256xf32> to vector<2048x256xf32>
    %sub3A_17 = arith.subf %get3A_1, %sub3A_16 : vector<2048x256xf32>
    %get3A_18 = arith.constant 0 : index
    %get3A_19 = arith.constant 0 : index
    %get3A_20 = vector.load %arg3[%get3A_18, %get3A_19] : memref<1x256xf32, #tpu.memory_space<vmem>>, vector<1x256xf32>
    %mul3A_21 = arith.mulf %rsqrt3A, %get3A_20 : vector<1x256xf32>
    %mul3A_22 = vector.broadcast %mul3A_21 : vector<1x256xf32> to vector<2048x256xf32>
    %mul3A_23 = arith.mulf %sub3A_17, %mul3A_22 : vector<2048x256xf32>
    %get3A_24 = arith.constant 0 : index
    %get3A_25 = arith.constant 0 : index
    %get3A_26 = vector.load %arg4[%get3A_24, %get3A_25] : memref<1x256xf32, #tpu.memory_space<vmem>>, vector<1x256xf32>
    %add3A_27 = vector.broadcast %get3A_26 : vector<1x256xf32> to vector<2048x256xf32>
    %add3A_28 = arith.addf %mul3A_23, %add3A_27 : vector<2048x256xf32>
    %max3A = arith.constant 0.000000e+00 : f32
    %max3A_29 = vector.broadcast %max3A : f32 to vector<2048x256xf32>
    %max3A_30 = arith.maximumf %add3A_28, %max3A_29 : vector<2048x256xf32>
    %get3A_31 = arith.constant 0 : index
    %get3A_32 = arith.constant 0 : index
    %get3A_33 = vector.load %arg6[%get3A_31, %get3A_32] : memref<2048x256xf32, #tpu.memory_space<vmem>>, vector<2048x256xf32>
    %add3A_34 = arith.addf %max3A_30, %get3A_33 : vector<2048x256xf32>
    %get3A_35 = arith.constant 0 : index
    %get3A_36 = arith.constant 0 : index
    %get3A_37 = vector.load %arg5[%get3A_35, %get3A_36] : memref<2048x1xf32, #tpu.memory_space<vmem>>, vector<2048x1xf32>
    %mul3A_38 = vector.broadcast %get3A_37 : vector<2048x1xf32> to vector<2048x256xf32>
    %mul3A_39 = arith.mulf %add3A_34, %mul3A_38 : vector<2048x256xf32>
    %get3A_40 = arith.constant 0 : index
    %get3A_41 = arith.constant 0 : index
    %get3A_42 = vector.load %arg7[%get3A_40, %get3A_41] : memref<256x16xf32, #tpu.memory_space<vmem>>, vector<256x16xf32>
    %dot_general3A = arith.constant dense<0.000000e+00> : vector<2048x16xf32>
    %dot_general3A_43 = tpu.matmul %mul3A_39, %get3A_42, %dot_general3A {dimension_numbers = #tpu.dot_dimension_numbers<[1], [0], [0], [1], [0, 0, 1, 1], [], []>, transpose_lhs_hint = false} : vector<2048x256xf32>, vector<256x16xf32>, vector<2048x16xf32> -> vector<2048x16xf32>
    %swap3A = arith.constant 0 : index
    %swap3A_44 = arith.constant 0 : index
    %swap3A_45 = vector.load %arg8[%swap3A, %swap3A_44] : memref<2048x16xf32, #tpu.memory_space<vmem>>, vector<2048x16xf32>
    tpu.vector_store %arg8[%swap3A, %swap3A_44], %dot_general3A_43 {strides = array<i32>} : memref<2048x16xf32, #tpu.memory_space<vmem>>, vector<2048x16xf32>,
    return
  }
  func.func @transform_0(%arg0: i32) -> (i32, i32) {
    %c0_i32 = arith.constant 0 : i32
    %c0_i32_0 = arith.constant 0 : i32
    return %arg0, %c0_i32 : i32, i32
  }
  func.func @transform_1(%arg0: i32) -> (i32, i32) {
    %c0_i32 = arith.constant 0 : i32
    %c0_i32_0 = arith.constant 0 : i32
    %c0_i32_1 = arith.constant 0 : i32
    return %c0_i32, %c0_i32_0 : i32, i32
  }
  func.func @transform_2(%arg0: i32) -> (i32, i32) {
    %c0_i32 = arith.constant 0 : i32
    %c0_i32_0 = arith.constant 0 : i32
    %c0_i32_1 = arith.constant 0 : i32
    return %c0_i32, %c0_i32_0 : i32, i32
  }
  func.func @transform_3(%arg0: i32) -> (i32, i32) {
    %c0_i32 = arith.constant 0 : i32
    %c0_i32_0 = arith.constant 0 : i32
    %c0_i32_1 = arith.constant 0 : i32
    return %c0_i32, %c0_i32_0 : i32, i32
  }
  func.func @transform_4(%arg0: i32) -> (i32, i32) {
    %c0_i32 = arith.constant 0 : i32
    %c0_i32_0 = arith.constant 0 : i32
    return %arg0, %c0_i32 : i32, i32
  }
  func.func @transform_5(%arg0: i32) -> (i32, i32) {
    %c0_i32 = arith.constant 0 : i32
    %c0_i32_0 = arith.constant 0 : i32
    return %arg0, %c0_i32 : i32, i32
  }
  func.func @transform_6(%arg0: i32) -> (i32, i32) {
    %c0_i32 = arith.constant 0 : i32
    %c0_i32_0 = arith.constant 0 : i32
    %c0_i32_1 = arith.constant 0 : i32
    return %c0_i32, %c0_i32_0 : i32, i32
  }
  func.func @transform_7(%arg0: i32) -> (i32, i32) {
    %c0_i32 = arith.constant 0 : i32
    %c0_i32_0 = arith.constant 0 : i32
    return %arg0, %c0_i32 : i32, i32
  }
}

module attributes {stable_mosaic.version = 14 : i64} {
  func.func @_s7_body(%arg0: i32, %arg1: memref<2048x16xf32, #tpu.memory_space<vmem>>, %arg2: memref<2048x16xf32, #tpu.memory_space<vmem>>, %arg3: memref<2048x16xf32, #tpu.memory_space<vmem>>, %arg4: memref<2048x1xf32, #tpu.memory_space<vmem>>, %arg5: memref<1x16xf32, #tpu.memory_space<vmem>>, %arg6: memref<2048x16xf32, #tpu.memory_space<vmem>>) attributes {dimension_semantics = [#tpu.dimension_semantics<arbitrary>], iteration_bounds = array<i64: 5>, scalar_prefetch = 0 : i64, scratch_operands = 0 : i64, tpu.core_type = #tpu.core_type<tc>, window_params = [{transform_indices = @transform_0, window_bounds = array<i64: 2048, 16>}, {transform_indices = @transform_1, window_bounds = array<i64: 2048, 16>}, {transform_indices = @transform_2, window_bounds = array<i64: 2048, 16>}, {transform_indices = @transform_3, window_bounds = array<i64: 2048, 1>}, {pipeline_mode = #tpu.pipeline_mode<synchronous>, transform_indices = @transform_4, window_bounds = array<i64: 1, 16>}, {transform_indices = @transform_5, window_bounds = array<i64: 2048, 16>}]} {
    %get3A = arith.constant 0 : index
    %get3A_0 = arith.constant 0 : index
    %get3A_1 = vector.load %arg1[%get3A, %get3A_0] : memref<2048x16xf32, #tpu.memory_space<vmem>>, vector<2048x16xf32>
    %get3A_2 = arith.constant 0 : index
    %get3A_3 = arith.constant 0 : index
    %get3A_4 = vector.load %arg2[%get3A_2, %get3A_3] : memref<2048x16xf32, #tpu.memory_space<vmem>>, vector<2048x16xf32>
    %add3A = arith.addf %get3A_1, %get3A_4 : vector<2048x16xf32>
    %get3A_5 = arith.constant 0 : index
    %get3A_6 = arith.constant 0 : index
    %get3A_7 = vector.load %arg3[%get3A_5, %get3A_6] : memref<2048x16xf32, #tpu.memory_space<vmem>>, vector<2048x16xf32>
    %sub3A = arith.subf %add3A, %get3A_7 : vector<2048x16xf32>
    %get3A_8 = arith.constant 0 : index
    %get3A_9 = arith.constant 0 : index
    %get3A_10 = vector.load %arg4[%get3A_8, %get3A_9] : memref<2048x1xf32, #tpu.memory_space<vmem>>, vector<2048x1xf32>
    %mul3A = vector.broadcast %get3A_10 : vector<2048x1xf32> to vector<2048x16xf32>
    %mul3A_11 = arith.mulf %sub3A, %mul3A : vector<2048x16xf32>
    %get3A_12 = arith.constant 0 : index
    %get3A_13 = arith.constant 0 : index
    %get3A_14 = vector.load %arg5[%get3A_12, %get3A_13] : memref<1x16xf32, #tpu.memory_space<vmem>>, vector<1x16xf32>
    %add3A_15 = vector.broadcast %get3A_14 : vector<1x16xf32> to vector<2048x16xf32>
    %add3A_16 = arith.addf %mul3A_11, %add3A_15 : vector<2048x16xf32>
    %swap3A = arith.constant 0 : index
    %swap3A_17 = arith.constant 0 : index
    %swap3A_18 = vector.load %arg6[%swap3A, %swap3A_17] : memref<2048x16xf32, #tpu.memory_space<vmem>>, vector<2048x16xf32>
    tpu.vector_store %arg6[%swap3A, %swap3A_17], %add3A_16 {strides = array<i32>} : memref<2048x16xf32, #tpu.memory_space<vmem>>, vector<2048x16xf32>,
    return
  }
  func.func @transform_0(%arg0: i32) -> (i32, i32) {
    %c0_i32 = arith.constant 0 : i32
    %c0_i32_0 = arith.constant 0 : i32
    return %arg0, %c0_i32 : i32, i32
  }
  func.func @transform_1(%arg0: i32) -> (i32, i32) {
    %c0_i32 = arith.constant 0 : i32
    %c0_i32_0 = arith.constant 0 : i32
    return %arg0, %c0_i32 : i32, i32
  }
  func.func @transform_2(%arg0: i32) -> (i32, i32) {
    %c0_i32 = arith.constant 0 : i32
    %c0_i32_0 = arith.constant 0 : i32
    return %arg0, %c0_i32 : i32, i32
  }
  func.func @transform_3(%arg0: i32) -> (i32, i32) {
    %c0_i32 = arith.constant 0 : i32
    %c0_i32_0 = arith.constant 0 : i32
    return %arg0, %c0_i32 : i32, i32
  }
  func.func @transform_4(%arg0: i32) -> (i32, i32) {
    %c0_i32 = arith.constant 0 : i32
    %c0_i32_0 = arith.constant 0 : i32
    %c0_i32_1 = arith.constant 0 : i32
    return %c0_i32, %c0_i32_0 : i32, i32
  }
  func.func @transform_5(%arg0: i32) -> (i32, i32) {
    %c0_i32 = arith.constant 0 : i32
    %c0_i32_0 = arith.constant 0 : i32
    return %arg0, %c0_i32 : i32, i32
  }
}

</mosaic_0001>

<sc_bundles>
// kernel: kernel.12.cloned.1.call-start
scs
__scs_entry_jumppad:
0x0: {  	(pc) =	sbr.rel $0x88, $3  }
0x1: {  	(tag) =	ssettag $0x0;
	lr =	simm.s32 $0x1  }
0x2: {  	[smem:$0x3F95] =	sst lr;
	_ =	strace $0xD0000000  }
0x3: {  	_ = 	snop  }
0x4: {  	_ = 	snop  }
0x5: {  	_ = 	snop  }
0x6: {  	_ = 	snop  }
0x7: {  	_ = 	snop  }
__scs_overlays_trampoline_lowered:
0x8: {  	[smem:$0x3FA4] =	sst s0  }
0x9: {  	[smem:$0x3FA5] =	sst s1  }
0xa: {  	[smem:$0x3FA6] =	sst s2  }
0xb: {  	[smem:$0x3FA7] =	sst s3  }
0xc: {  	[smem:$0x3FA8] =	sst s4  }
0xd: {  	[smem:$0x3FA9] =	sst s5  }
0xe: {  	[smem:$0x3FAA] =	sst s6  }
0xf: {  	[smem:$0x3FAB] =	sst s7  }
0x10: {  	[smem:$0x3FAC] =	sst s8  }
0x11: {  	[smem:$0x3FAD] =	sst s9;
	s0 =	simm.s32 @!p0 $0x0  }
0x12: {  	s1 =	sld [smem:$0x3F93];
	s0 =	simm.s32 @p0 $0x1  }
0x13: {  	[smem:$0x3FAE] =	sst s0;
	s0 =	simm.s32 @!p1 $0x0  }
0x14: {  	s2 =	sld [smem:$0x3F92];
	s0 =	simm.s32 @p1 $0x1  }
0x15: {  	[smem:$0x3FAF] =	sst s0;
	s0 =	simm.s32 @!p2 $0x0  }
0x16: {  	s3 =	sld [smem:$0x3FDB];
	s0 =	simm.s32 @p2 $0x1  }
0x17: {  	s4 =	simm.s32 $0x1BF5;
	[smem:$0x3FB1] =	sst s0  }
0x18: {  	s0 =	sld [smem:$0x3F94];
	_ =	swait.ge [sflag:s4], $0x0  }
0x19: {  	s7 =	sld [smem:$0x3F95]  }
0x1a: {  	s8 =	sadd.s32 $0xFFFFE003, lr  }
0x1b: {  	s9 =	sadd.s32 $0xFFFFFEF7, lr;
	s5 =	simm.s32 $0xFFFFFFFF;
	p2 =	slt.u32 s8, $0xFFFFF086  }
0x1c: {  	p1 =	slt.u32 s9, $0xF7A;
	s5 =	simm.s32 @!p2 $0x0  }
0x1d: {  	s5 =	simm.s32 @p1 $0x1;
	p0 =	seq.s32 s7, s2  }
0x1e: {  	s7 =	smul.u32 @!p0 $0xF7A, s2;
	p2 =	seq.s32 @!p0 s5, $0x0  }
0x1f: {  	s9 =	smul.u32 $0xF7A, s1;
	s8 =	simm.s32 @!p0 $0x1BF5;
	p2 =	por !p2, p0  }
0x20: {  	[sflag:s8] =	ssyncset.s32 @!p0 $0xFFFFF086;
	s6 =	sadd.s32 @!p0 s3, s7;
	s7 =	simm.s32 @!p0 $0x108  }
0x21: {  	s3 =	sadd.s32 s3, s9;
	s6 =	sadd.s32 @!p0 $0x88, s6;
	s7 =	simm.s32 @p2 $0x1082  }
0x22: {  	[simem:s7], [sflag:s8] =	dma.local @!p0 [hbm:s6], $0xF7A  }
0x23: {  	s9 =	sor.u32 $0xD0000000, s2;
	s6 =	simm.s32 $0x108;
	_ =	swait.ge @!p0 [sflag:s8], $0x0  }
0x24: {  	s3 =	sadd.s32 $0x88, s3;
	s6 =	simm.s32 @!p1 $0x1082;
	[sflag:s4] =	ssyncset.s32 $0xFFFFF086  }
0x25: {  	[simem:s6], [sflag:s4] =	dma.local [hbm:s3], $0xF7A  }
0x26: {  	[smem:$0x3F95] =	sst s1;
	(tag) =	ssettag s2;
	_ =	strace s9  }
0x27: {  	s1 =	sld [smem:$0x3FA5]  }
0x28: {  	s2 =	sld [smem:$0x3FA6]  }
0x29: {  	s4 =	sld [smem:$0x3FA8]  }
0x2a: {  	p0 =	seq.s32 s5, $0x0;
	s5 =	sld [smem:$0x3FA9]  }
0x2b: {  	s6 =	sld [smem:$0x3FAA]  }
0x2c: {  	s7 =	sld [smem:$0x3FAB]  }
0x2d: {  	s3 =	simm.s32 $0x108;
	s8 =	sld [smem:$0x3FAC]  }
0x2e: {  	s3 =	simm.s32 @!p0 $0x1082;
	s9 =	sld [smem:$0x3FAD]  }
0x2f: {  	lr =	sadd.s32 s0, s3;
	s0 =	sld [smem:$0x3FA4]  }
0x30: {  	s3 =	sld [smem:$0x3FA7]  }
0x31: {  	[smem:$0x3FB0] =	sst s10  }
0x32: {  	s10 =	sld [smem:$0x3FAE];
	_ =	sdelay $0x3  }
0x33: {  	p0 =	seq.s32 s10, $0x1;
	s10 =	sld [smem:$0x3FB0];
	_ =	sdelay $0x3  }
0x34: {  	[smem:$0x3FB0] =	sst s10  }
0x35: {  	s10 =	sld [smem:$0x3FAF];
	_ =	sdelay $0x3  }
0x36: {  	p1 =	seq.s32 s10, $0x1;
	s10 =	sld [smem:$0x3FB0];
	_ =	sdelay $0x3  }
0x37: {  	[smem:$0x3FB0] =	sst s10  }
0x38: {  	s10 =	sld [smem:$0x3FB1]  }
0x39: {  	_ = 	snop;
	(pc) =	sbr.ind lr, $3  }
0x3a: {  	_ = 	snop  }
0x3b: {  	_ = 	snop  }
0x3c: {  	p2 =	seq.s32 s10, $0x1;
	s10 =	sld [smem:$0x3FB0]  }
0x3d: {  	_ =	shalt  }
0x3e: {  	_ =	shalt  }
0x3f: {  	_ =	shalt  }
0x40: {  	_ =	shalt  }
0x41: {  	_ =	shalt  }
0x42: {  	_ =	shalt  }
0x43: {  	_ =	shalt  }
0x44: {  	_ =	shalt  }
0x45: {  	_ =	shalt  }
0x46: {  	_ =	shalt  }
0x47: {  	_ =	shalt  }
0x48: {  	_ =	shalt  }
0x49: {  	_ =	shalt  }
0x4a: {  	_ =	shalt  }
0x4b: {  	_ =	shalt  }
0x4c: {  	_ =	shalt  }
0x4d: {  	_ =	shalt  }
0x4e: {  	_ =	shalt  }
0x4f: {  	_ =	shalt  }
0x50: {  	_ =	shalt  }
0x51: {  	_ =	shalt  }
0x52: {  	_ =	shalt  }
0x53: {  	_ =	shalt  }
0x54: {  	_ =	shalt  }
0x55: {  	_ =	shalt  }
0x56: {  	_ =	shalt  }
0x57: {  	_ =	shalt  }
0x58: {  	_ =	shalt  }
0x59: {  	_ =	shalt  }
0x5a: {  	_ =	shalt  }
0x5b: {  	_ =	shalt  }
0x5c: {  	_ =	shalt  }
0x5d: {  	_ =	shalt  }
0x5e: {  	_ =	shalt  }
0x5f: {  	_ =	shalt  }
0x60: {  	_ =	shalt  }
0x61: {  	_ =	shalt  }
0x62: {  	_ =	shalt  }
0x63: {  	_ =	shalt  }
0x64: {  	_ =	shalt  }
0x65: {  	_ =	shalt  }
0x66: {  	_ =	shalt  }
0x67: {  	_ =	shalt  }
0x68: {  	_ =	shalt  }
0x69: {  	_ =	shalt  }
0x6a: {  	_ =	shalt  }
0x6b: {  	_ =	shalt  }
0x6c: {  	_ =	shalt  }
0x6d: {  	_ =	shalt  }
0x6e: {  	_ =	shalt  }
0x6f: {  	_ =	shalt  }
0x70: {  	_ =	shalt  }
0x71: {  	_ =	shalt  }
0x72: {  	_ =	shalt  }
0x73: {  	_ =	shalt  }
0x74: {  	_ =	shalt  }
0x75: {  	_ =	shalt  }
0x76: {  	_ =	shalt  }
0x77: {  	_ =	shalt  }
0x78: {  	_ =	shalt  }
0x79: {  	_ =	shalt  }
0x7a: {  	_ =	shalt  }
0x7b: {  	_ =	shalt  }
0x7c: {  	_ =	shalt  }
0x7d: {  	_ =	shalt  }
0x7e: {  	_ =	shalt  }
0x7f: {  	_ =	shalt  }
0x80: {  	_ =	shalt  }
0x81: {  	_ =	shalt  }
0x82: {  	_ =	shalt  }
0x83: {  	_ =	shalt  }
0x84: {  	_ =	shalt  }
0x85: {  	_ =	shalt  }
0x86: {  	_ =	shalt  }
0x87: {  	_ =	shalt  }
.Lfunc_end0:
.L_simem_size_0:
called_computation_lowered:
.L_overlay_start_0:
0x88: {  	s2 =	sld [smem:$0x3FD9]  }
0x89: {  	s3 =	sld [smem:$0x3FFE];
	_ =	sdelay $0x1  }
0x8a: {  	s1 =	srdreg.scid  }
0x8b: {  	s0 =	sand.u32 $0x1, s1  }
0x8c: {  	s17 =	sshll.u32 s0, $0xA;
	s2 =	sadd.s32 s3, s2  }
0x8d: {  	s2 =	sadd.s32 s2, s17  }
0x8e: {  	[smem:$0x3FBC] =	sst s2  }
0x8f: {  	_ = 	snop  }
0x90: {  	s2 =	sld [smem:$0x3FD0];
	(tm) =	ssettm $0x1  }
0x91: {  	s18 =	sld [smem:$0x3FFB];
	_ =	sdelay $0x3  }
0x92: {  	_ =	strace s18  }
0x93: {  	s3 =	sld [smem:$0x3FFC];
	_ =	sdelay $0x3  }
0x94: {  	_ =	strace s3  }
0x95: {  	s3 =	sld [smem:$0x3FFD];
	_ =	sdelay $0x3  }
0x96: {  	_ =	strace s3  }
0x97: {  	_ =	strace $0x8FFFFFFF  }
0x98: {  	s19 =	sld [smem:$0x3FDB];
	_ =	sdelay $0x1  }
0x99: {  	s4 =	simm.s32 $_scs_section_size  }
0x9a: {  	s5 =	simm.s32 $_size__tile_overlayer_lowered;
	s6 =	simm.s32 $_tile_overlayer_lowered  }
0x9b: {  	s22 =	simm.s32 $0x1BFF;
	s21 =	sshll.u32 s6, $0x1;
	s3 =	sadd.s32 s4, s19  }
0x9c: {  	s7 =	simm.s32 $0x0;
	s20 =	sshll.u32 s5, $0x1;
	s5 =	sadd.s32 s21, s3  }
0x9d: {  	[timem:s7], [sflag:s22] =	dma.local [hbm:s5], s20  }
0x9e: {  	_ =	swait.ge [sflag:s22], s20  }
0x9f: {  	s4 =	ssub.s32 $0x0, s20;
	[sflag:s22] =	ssyncset.done $0x0  }
0xa0: {  	[sflag:s22] =	ssyncadd.s32 s4;
	_ =	sdelay $0x1  }
0xa1: {  	s23 =	simm.s32 $0x1B8B  }
0xa2: {  	_ =	swait.ge [sflag:s23], $0x1  }
0xa3: {  	[sflag:s23] =	ssyncset.done $0x0  }
0xa4: {  	s25 =	simm.s32 $0x1B8E;
	s24 =	sld [smem:$0x3FFE];
	[sflag:s23] =	ssyncadd.s32 $0xFFFFFFFF  }
0xa5: {  	s26 =	simm.s32 $execute0_lowered;
	[smem:$0x3FD2] =	sst s25  }
0xa6: {  	s5 =	sshll.u32 s26, $0x1;
	_ =	strace $0x80000046;
	[dreg:$0x1] =	wrdreg $0xFFFFFFFF  }
0xa7: {  	s28 =	simm.s32 $_size_execute0_lowered;
	s3 =	sadd.s32 s3, s5;
	[dreg:$0x0] =	wrdreg $0x0  }
0xa8: {  	s5 =	sshll.u32 s28, $0x1;
	[dreg:$0x2] =	wrdreg s3  }
0xa9: {  	[dreg:$0x3] =	wrdreg s5  }
0xaa: {  	[dreg:$0x4] =	wrdreg $0xC0  }
0xab: {  	_ =	task [dreg:s7], $0x5FFFF  }
0xac: {  	[dreg:$0x1] =	wrdreg $0xFFFFFFFF  }
0xad: {  	[dreg:$0x0] =	wrdreg $0x60  }
0xae: {  	[dreg:$0x2] =	wrdreg s24  }
0xaf: {  	[dreg:$0x3] =	wrdreg s2  }
0xb0: {  	[dreg:$0x4] =	wrdreg $0x2D000  }
0xb1: {  	[dreg:$0x5] =	wrdreg $0x9  }
0xb2: {  	_ =	task.clear_ibuf [dreg:s7], $0x6FFFF;
	_ =	strace $0x90000046  }
0xb3: {  	s29 =	simm.s32 $0x9;
	_ =	strace $0x80000048  }
0xb4: {  	_ =	swait.ge [sflag:s29], $0x1  }
0xb5: {  	[sflag:s29] =	ssyncadd.s32 $0xFFFFFFFF  }
0xb6: {  	_ =	strace $0x90000048  }
0xb7: {  	_ =	sfence  }
0xb8: {  	s30 =	sld [smem:$0x0];
	_ =	sdelay $0x2  }
0xb9: {  	s31 =	sshll.u32 s1, $0xD;
	s1 =	sshrl.u32 s1, $0x2  }
0xba: {  	s3 =	sand.u32 $0x4000, s31;
	s1 =	sadd.s32 s1, s30  }
0xbb: {  	s0 =	sor.u32 s3, s0;
	s1 =	sshll.u32 s1, $0x11  }
0xbc: {  	s0 =	sor.u32 s1, s0  }
0xbd: {  	s0 =	sadd.s32 $0x8F2B, s0  }
0xbe: {  	[sflag:s0] =	ssyncadd.remote.s32 $0x1  }
0xbf: {  	_ =	sfence.sel $0xFFFF  }
0xc0: {  	[dreg:$0x0] =	wrdreg $0xFFFFFFFF;
	(pc) =	sbr.abs _section_cstart, $3  }
0xc1: {  	[dreg:$0x1] =	wrdreg $0xFFFFFFFF  }
0xc2: {  	_ =	task.clear_ibuf [dreg:s7], $0x2FFFF;
	_ =	strace $0x9FFFFFFF  }
0xc3: {  	(tm) =	ssettm $0x7FFFFFFF  }
tec
execute0_lowered:
.L_overlay_start_1:
0x0: {  	(tag) =	ssettag $0x1  }
0x1: {  	s4 =	rddreg [dreg:$0x0]  }
0x2: {  	s0 =	srdreg.scid;
	s7 =	rddreg [dreg:$0x1]  }
0x3: {  	s2 =	rddreg [dreg:$0x2];
	s3 =	simm.s32 $0x0;
	s12 =	simm.f32 $1.000000000e+00  }
0x4: {  	s11 =	simm.s32 $0x2800;
	s14 =	simm.s32 $0x0;
	s5 =	sand.u32 $0x1, s0  }
0x5: {  	s0 =	stileid.u32;
	[smem:$0x7FF] =	sst s3;
	s9 =	sadd.s32 $0xF800, s4  }
0x6: {  	s1 =	sshll.u32 s5, $0x4;
	s8 =	ssub.s32 $0x2, s5;
	s10 =	smul.u32 $0x280, s0  }
0x7: {  	p0 =	seq.s32 s5, $0x0;
	s13 =	sshll.u32 s0, $0x6;
	s6 =	sor.u32 s0, s1  }
0x8: {  	s1 =	rddreg [dreg:$0x3];
	_ =	strace $0x80000047;
	s31 =	sshrl.u32 s8, $0x1  }
0x9: {  	s12 =	simm.s32 @!p0 $0x0;
	s9 =	smov.u32 @p0 s7;
	s6 =	smul.u32 $0x500, s6  }
0xa: {  	s8 =	ssub.s32 s8, s31;
	s5 =	sadd.s32 s10, s2;
	s10 =	sshrl.u32 s10, $0x3  }
0xb: {  	v0 =	vmov s12;
	s12 =	sor.u32 $0x1C01, s13;
	s7 =	sadd.s32 s9, s10;
	s9 =	simm.s32 $0x2A80  }
0xc: {  	s10 =	simm.s32 $0x7D;
	s13 =	sshrl.u32 s5, $0x3;
	s6 =	sadd.s32 s6, s4  }
0xd: {  	v1 =	vimm.f32 $1.000000000e+00;
	s4 =	sadd.s32 $0x5800, s6;
	s6 =	smax.u32 s8, $0x1;
	s8 =	simm.s32 $0x1  }
.LBB2_1:
0xe: {  	[tilespmem:$0x2800] =	vst v1  }
0xf: {  	[tilespmem:$0x2810] =	vst v1  }
0x10: {  	[tilespmem:$0x2820] =	vst v1  }
0x11: {  	[tilespmem:$0x2830] =	vst v1  }
0x12: {  	[tilespmem:$0x2840] =	vst v1  }
0x13: {  	[tilespmem:$0x2850] =	vst v1  }
0x14: {  	[tilespmem:$0x2860] =	vst v1  }
0x15: {  	[tilespmem:$0x2870] =	vst v1  }
0x16: {  	[tilespmem:$0x2880] =	vst v1  }
0x17: {  	[tilespmem:$0x2890] =	vst v1  }
0x18: {  	[tilespmem:$0x28A0] =	vst v1  }
0x19: {  	[tilespmem:$0x28B0] =	vst v1  }
0x1a: {  	[tilespmem:$0x28C0] =	vst v1  }
0x1b: {  	[tilespmem:$0x28D0] =	vst v1  }
0x1c: {  	[tilespmem:$0x28E0] =	vst v1  }
0x1d: {  	[tilespmem:$0x28F0] =	vst v1  }
0x1e: {  	[tilespmem:$0x2900] =	vst v1  }
0x1f: {  	[tilespmem:$0x2910] =	vst v1  }
0x20: {  	[tilespmem:$0x2920] =	vst v1  }
0x21: {  	[tilespmem:$0x2930] =	vst v1  }
0x22: {  	[tilespmem:$0x2940] =	vst v1  }
0x23: {  	[tilespmem:$0x2950] =	vst v1  }
0x24: {  	[tilespmem:$0x2960] =	vst v1  }
0x25: {  	[tilespmem:$0x2970] =	vst v1  }
0x26: {  	[tilespmem:$0x2980] =	vst v1  }
0x27: {  	[tilespmem:$0x2990] =	vst v1  }
0x28: {  	[tilespmem:$0x29A0] =	vst v1  }
0x29: {  	[tilespmem:$0x29B0] =	vst v1  }
0x2a: {  	[tilespmem:$0x29C0] =	vst v1  }
0x2b: {  	[tilespmem:$0x29D0] =	vst v1  }
0x2c: {  	[tilespmem:$0x29E0] =	vst v1  }
0x2d: {  	[tilespmem:$0x29F0] =	vst v1  }
0x2e: {  	[tilespmem:$0x2A00] =	vst v1  }
0x2f: {  	[tilespmem:$0x2A10] =	vst v1  }
0x30: {  	[tilespmem:$0x2A20] =	vst v1  }
0x31: {  	[tilespmem:$0x2A30] =	vst v1  }
0x32: {  	[tilespmem:$0x2A40] =	vst v1  }
0x33: {  	[tilespmem:$0x2A50] =	vst v1  }
0x34: {  	[tilespmem:$0x2A60] =	vst v1  }
0x35: {  	[tilespmem:$0x2A70] =	vst v1  }
0x36: {  	[tilespmem:$0x2A80] =	vst v0  }
0x37: {  	[tilespmem:$0x2A90] =	vst v0  }
0x38: {  	[tilespmem:$0x2AA0] =	vst v0  }
0x39: {  	[tilespmem:$0x2AB0] =	vst v0  }
0x3a: {  	[tilespmem:$0x2AC0] =	vst v0  }
0x3b: {  	[tilespmem:$0x2AD0] =	vst v0  }
0x3c: {  	[tilespmem:$0x2AE0] =	vst v0  }
0x3d: {  	[tilespmem:$0x2AF0] =	vst v0  }
0x3e: {  	[tilespmem:$0x2B00] =	vst v0  }
0x3f: {  	[tilespmem:$0x2B10] =	vst v0  }
0x40: {  	[tilespmem:$0x2B20] =	vst v0  }
0x41: {  	[tilespmem:$0x2B30] =	vst v0  }
0x42: {  	[tilespmem:$0x2B40] =	vst v0  }
0x43: {  	[tilespmem:$0x2B50] =	vst v0  }
0x44: {  	[tilespmem:$0x2B60] =	vst v0  }
0x45: {  	[tilespmem:$0x2B70] =	vst v0  }
0x46: {  	[tilespmem:$0x2B80] =	vst v0  }
0x47: {  	[tilespmem:$0x2B90] =	vst v0  }
0x48: {  	[tilespmem:$0x2BA0] =	vst v0  }
0x49: {  	[tilespmem:$0x2BB0] =	vst v0  }
0x4a: {  	[tilespmem:$0x2BC0] =	vst v0  }
0x4b: {  	[tilespmem:$0x2BD0] =	vst v0  }
0x4c: {  	[tilespmem:$0x2BE0] =	vst v0  }
0x4d: {  	[tilespmem:$0x2BF0] =	vst v0  }
0x4e: {  	[tilespmem:$0x2C00] =	vst v0  }
0x4f: {  	[tilespmem:$0x2C10] =	vst v0  }
0x50: {  	[tilespmem:$0x2C20] =	vst v0  }
0x51: {  	[tilespmem:$0x2C30] =	vst v0  }
0x52: {  	[tilespmem:$0x2C40] =	vst v0  }
0x53: {  	[tilespmem:$0x2C50] =	vst v0  }
0x54: {  	[tilespmem:$0x2C60] =	vst v0  }
0x55: {  	[tilespmem:$0x2C70] =	vst v0  }
0x56: {  	[tilespmem:$0x2C80] =	vst v0  }
0x57: {  	[tilespmem:$0x2C90] =	vst v0  }
0x58: {  	[tilespmem:$0x2CA0] =	vst v0  }
0x59: {  	[tilespmem:$0x2CB0] =	vst v0  }
0x5a: {  	[tilespmem:$0x2CC0] =	vst v0  }
0x5b: {  	[tilespmem:$0x2CD0] =	vst v0  }
0x5c: {  	[tilespmem:$0x2CE0] =	vst v0  }
0x5d: {  	[tilespmem:$0x2CF0] =	vst v0  }
0x5e: {  	[tilespmem:s3], [sflag:$0x1] =	stream.linear.gather [hbm4b:s4+s3], $0x2800, $0x38;
	[tilespmem:$0x2F80] =	vst v63  }
0x5f: {  	_ =	swait.ge [sflag:s8], $0x2800  }
0x60: {  	[sflag:s8] =	ssyncset.done $0x0  }
0x61: {  	[sflag:s8] =	ssyncadd.s32 $0xFFFFD800  }
0x62: {  	[spmem:s5] =	stream.linear.scatter [tilespmem:s9], [sflag:$0x1], $0x280, $0x38;
	[tilespmem:$0x2F80] =	vst v63  }
0x63: {  	_ =	swait.ge [sflag:s8], $0x280  }
0x64: {  	[sflag:s8] =	ssyncset.done $0x0  }
0x65: {  	[sflag:s8] =	ssyncadd.s32 $0xFFFFFD80  }
0x66: {  	s15 =	simm.s32 $0x0;
	[bflag:$0x0] =	sbarrier.arrive $0xFFFF  }
0x67: {  	[spmem:s2] =	stream.indirect.scatter.add.f32 [tilespmem:s11], [sflag:$0x1], $0x1, s15, s10, $0xb8;
	[tilespmem:$0x2F80] =	vst v63  }
0x68: {  	_ =	swait.ge [sflag:s8], $0x7D  }
0x69: {  	s15 =	simm.s32 $0x200;
	[sflag:s8] =	ssyncset.done $0x0  }
.LBB2_2:
0x6a: {  	s16 =	sshra.s32 s15, $0x2;
	[sflag:s8] =	ssyncadd.s32 $0xFFFFFF83;
	p0 =	sne.s32 s15, $0x9E00  }
0x6b: {  	[spmem:s2] =	stream.indirect.scatter.add.f32 [tilespmem:s11], [sflag:$0x1], $0x1, s16, s10, $0xb8;
	[tilespmem:$0x2F80] =	vst v63  }
.Ltmp0:
0x6c: {  	_ = 	snop;
	(pc) =	sbr.rel @p0 .LBB2_2-.Ltmp0, $4  }
0x6d: {  	_ = 	snop  }
0x6e: {  	s15 =	sadd.s32 $0x200, s15  }
0x6f: {  	_ =	swait.ge [sflag:s8], $0x7D  }
0x70: {  	[sflag:s8] =	ssyncset.done $0x0  }
0x71: {  	s14 =	sadd.s32 $0x1, s14  }
0x72: {  	[sflag:s8] =	ssyncadd.s32 $0xFFFFFF83;
	p0 =	sne.s32 s14, s6  }
.Ltmp1:
0x73: {  	[bflag:$0x0] =	sbarrier.arrive $0xFFFF;
	(pc) =	sbr.rel @p0 .LBB2_1-.Ltmp1, $4  }
0x74: {  	[hbm:s7], [sflag:s12] =	dma.local [spmem:s13], $0x50  }
0x75: {  	_ =	swait.ge [sflag:s8], $0x50  }
0x76: {  	[sflag:s8] =	ssyncset.done $0x0  }
0x77: {  	[sflag:s8] =	ssyncadd.s32 $0xFFFFFFB0  }
0x78: {  	_ =	sfence.sel $0x180000  }
0x79: {  	[bflag:$0x0] =	sbarrier.arrive $0xFFFF  }
0x7a: {  	p0 =	sne.s32 s0, $0x0;
	_ =	strace $0x90000047  }
0x7b: {  	s0 =	sadd.s32 @!p0 $0x100000, s1;
	[bflag:$0x2] =	sbarrier.arrive $0xFFFF  }
0x7c: {  	[sflag:s0] =	ssyncadd.tile.s32 @!p0 $0x1;
	_ =	shalt  }
.Lfunc_end2:
_tile_overlayer_lowered:
.L_overlay_start_2:
0x7d: {  	(tag) =	ssettag $0x2  }
0x7e: {  	s0 =	rddreg [dreg:$0x0];
	s2 =	stileid.u32  }
0x7f: {  	s1 =	rddreg [dreg:$0x1];
	p0 =	sne.s32 s2, $0x0  }
0x80: {  	s3 =	rddreg [dreg:$0x2];
	[bflag:$0x3] =	sbarrier.arrive $0xFFFF;
	s2 =	simm.s32 @!p0 $0x1C01  }
0x81: {  	[timem:s3], [sflag:s2] =	dma.local @!p0 [hbm:s0], s1  }
0x82: {  	s0 =	simm.s32 @!p0 $0x1  }
0x83: {  	_ =	swait.ge @!p0 [sflag:s0], s1  }
0x84: {  	s1 =	ssub.s32 @!p0 $0x0, s1;
	[sflag:s0] =	ssyncset.done @!p0 $0x0  }
0x85: {  	[sflag:s0] =	ssyncadd.s32 @!p0 s1  }
0x86: {  	[bflag:$0x3] =	sbarrier.arrive $0xFFFF  }
0x87: {  	_ =	shalt  }

// kernel: kernel.15.cloned.1.call-start
scs
__scs_entry_jumppad:
0x0: {  	(pc) =	sbr.rel $0x88, $3  }
0x1: {  	(tag) =	ssettag $0x0;
	lr =	simm.s32 $0x1  }
0x2: {  	[smem:$0x3F95] =	sst lr;
	_ =	strace $0xD0000000  }
0x3: {  	_ = 	snop  }
0x4: {  	_ = 	snop  }
0x5: {  	_ = 	snop  }
0x6: {  	_ = 	snop  }
0x7: {  	_ = 	snop  }
__scs_overlays_trampoline_lowered:
0x8: {  	[smem:$0x3FA4] =	sst s0  }
0x9: {  	[smem:$0x3FA5] =	sst s1  }
0xa: {  	[smem:$0x3FA6] =	sst s2  }
0xb: {  	[smem:$0x3FA7] =	sst s3  }
0xc: {  	[smem:$0x3FA8] =	sst s4  }
0xd: {  	[smem:$0x3FA9] =	sst s5  }
0xe: {  	[smem:$0x3FAA] =	sst s6  }
0xf: {  	[smem:$0x3FAB] =	sst s7  }
0x10: {  	[smem:$0x3FAC] =	sst s8  }
0x11: {  	[smem:$0x3FAD] =	sst s9;
	s0 =	simm.s32 @!p0 $0x0  }
0x12: {  	s1 =	sld [smem:$0x3F93];
	s0 =	simm.s32 @p0 $0x1  }
0x13: {  	[smem:$0x3FAE] =	sst s0;
	s0 =	simm.s32 @!p1 $0x0  }
0x14: {  	s2 =	sld [smem:$0x3F92];
	s0 =	simm.s32 @p1 $0x1  }
0x15: {  	[smem:$0x3FAF] =	sst s0;
	s0 =	simm.s32 @!p2 $0x0  }
0x16: {  	s3 =	sld [smem:$0x3FDB];
	s0 =	simm.s32 @p2 $0x1  }
0x17: {  	s4 =	simm.s32 $0x1BF5;
	[smem:$0x3FB1] =	sst s0  }
0x18: {  	s0 =	sld [smem:$0x3F94];
	_ =	swait.ge [sflag:s4], $0x0  }
0x19: {  	s7 =	sld [smem:$0x3F95]  }
0x1a: {  	s8 =	sadd.s32 $0xFFFFE003, lr  }
0x1b: {  	s9 =	sadd.s32 $0xFFFFFEF7, lr;
	s5 =	simm.s32 $0xFFFFFFFF;
	p2 =	slt.u32 s8, $0xFFFFF086  }
0x1c: {  	p1 =	slt.u32 s9, $0xF7A;
	s5 =	simm.s32 @!p2 $0x0  }
0x1d: {  	s5 =	simm.s32 @p1 $0x1;
	p0 =	seq.s32 s7, s2  }
0x1e: {  	s7 =	smul.u32 @!p0 $0xF7A, s2;
	p2 =	seq.s32 @!p0 s5, $0x0  }
0x1f: {  	s9 =	smul.u32 $0xF7A, s1;
	s8 =	simm.s32 @!p0 $0x1BF5;
	p2 =	por !p2, p0  }
0x20: {  	[sflag:s8] =	ssyncset.s32 @!p0 $0xFFFFF086;
	s6 =	sadd.s32 @!p0 s3, s7;
	s7 =	simm.s32 @!p0 $0x108  }
0x21: {  	s3 =	sadd.s32 s3, s9;
	s6 =	sadd.s32 @!p0 $0x88, s6;
	s7 =	simm.s32 @p2 $0x1082  }
0x22: {  	[simem:s7], [sflag:s8] =	dma.local @!p0 [hbm:s6], $0xF7A  }
0x23: {  	s9 =	sor.u32 $0xD0000000, s2;
	s6 =	simm.s32 $0x108;
	_ =	swait.ge @!p0 [sflag:s8], $0x0  }
0x24: {  	s3 =	sadd.s32 $0x88, s3;
	s6 =	simm.s32 @!p1 $0x1082;
	[sflag:s4] =	ssyncset.s32 $0xFFFFF086  }
0x25: {  	[simem:s6], [sflag:s4] =	dma.local [hbm:s3], $0xF7A  }
0x26: {  	[smem:$0x3F95] =	sst s1;
	(tag) =	ssettag s2;
	_ =	strace s9  }
0x27: {  	s1 =	sld [smem:$0x3FA5]  }
0x28: {  	s2 =	sld [smem:$0x3FA6]  }
0x29: {  	s4 =	sld [smem:$0x3FA8]  }
0x2a: {  	p0 =	seq.s32 s5, $0x0;
	s5 =	sld [smem:$0x3FA9]  }
0x2b: {  	s6 =	sld [smem:$0x3FAA]  }
0x2c: {  	s7 =	sld [smem:$0x3FAB]  }
0x2d: {  	s3 =	simm.s32 $0x108;
	s8 =	sld [smem:$0x3FAC]  }
0x2e: {  	s3 =	simm.s32 @!p0 $0x1082;
	s9 =	sld [smem:$0x3FAD]  }
0x2f: {  	lr =	sadd.s32 s0, s3;
	s0 =	sld [smem:$0x3FA4]  }
0x30: {  	s3 =	sld [smem:$0x3FA7]  }
0x31: {  	[smem:$0x3FB0] =	sst s10  }
0x32: {  	s10 =	sld [smem:$0x3FAE];
	_ =	sdelay $0x3  }
0x33: {  	p0 =	seq.s32 s10, $0x1;
	s10 =	sld [smem:$0x3FB0];
	_ =	sdelay $0x3  }
0x34: {  	[smem:$0x3FB0] =	sst s10  }
0x35: {  	s10 =	sld [smem:$0x3FAF];
	_ =	sdelay $0x3  }
0x36: {  	p1 =	seq.s32 s10, $0x1;
	s10 =	sld [smem:$0x3FB0];
	_ =	sdelay $0x3  }
0x37: {  	[smem:$0x3FB0] =	sst s10  }
0x38: {  	s10 =	sld [smem:$0x3FB1]  }
0x39: {  	_ = 	snop;
	(pc) =	sbr.ind lr, $3  }
0x3a: {  	_ = 	snop  }
0x3b: {  	_ = 	snop  }
0x3c: {  	p2 =	seq.s32 s10, $0x1;
	s10 =	sld [smem:$0x3FB0]  }
0x3d: {  	_ =	shalt  }
0x3e: {  	_ =	shalt  }
0x3f: {  	_ =	shalt  }
0x40: {  	_ =	shalt  }
0x41: {  	_ =	shalt  }
0x42: {  	_ =	shalt  }
0x43: {  	_ =	shalt  }
0x44: {  	_ =	shalt  }
0x45: {  	_ =	shalt  }
0x46: {  	_ =	shalt  }
0x47: {  	_ =	shalt  }
0x48: {  	_ =	shalt  }
0x49: {  	_ =	shalt  }
0x4a: {  	_ =	shalt  }
0x4b: {  	_ =	shalt  }
0x4c: {  	_ =	shalt  }
0x4d: {  	_ =	shalt  }
0x4e: {  	_ =	shalt  }
0x4f: {  	_ =	shalt  }
0x50: {  	_ =	shalt  }
0x51: {  	_ =	shalt  }
0x52: {  	_ =	shalt  }
0x53: {  	_ =	shalt  }
0x54: {  	_ =	shalt  }
0x55: {  	_ =	shalt  }
0x56: {  	_ =	shalt  }
0x57: {  	_ =	shalt  }
0x58: {  	_ =	shalt  }
0x59: {  	_ =	shalt  }
0x5a: {  	_ =	shalt  }
0x5b: {  	_ =	shalt  }
0x5c: {  	_ =	shalt  }
0x5d: {  	_ =	shalt  }
0x5e: {  	_ =	shalt  }
0x5f: {  	_ =	shalt  }
0x60: {  	_ =	shalt  }
0x61: {  	_ =	shalt  }
0x62: {  	_ =	shalt  }
0x63: {  	_ =	shalt  }
0x64: {  	_ =	shalt  }
0x65: {  	_ =	shalt  }
0x66: {  	_ =	shalt  }
0x67: {  	_ =	shalt  }
0x68: {  	_ =	shalt  }
0x69: {  	_ =	shalt  }
0x6a: {  	_ =	shalt  }
0x6b: {  	_ =	shalt  }
0x6c: {  	_ =	shalt  }
0x6d: {  	_ =	shalt  }
0x6e: {  	_ =	shalt  }
0x6f: {  	_ =	shalt  }
0x70: {  	_ =	shalt  }
0x71: {  	_ =	shalt  }
0x72: {  	_ =	shalt  }
0x73: {  	_ =	shalt  }
0x74: {  	_ =	shalt  }
0x75: {  	_ =	shalt  }
0x76: {  	_ =	shalt  }
0x77: {  	_ =	shalt  }
0x78: {  	_ =	shalt  }
0x79: {  	_ =	shalt  }
0x7a: {  	_ =	shalt  }
0x7b: {  	_ =	shalt  }
0x7c: {  	_ =	shalt  }
0x7d: {  	_ =	shalt  }
0x7e: {  	_ =	shalt  }
0x7f: {  	_ =	shalt  }
0x80: {  	_ =	shalt  }
0x81: {  	_ =	shalt  }
0x82: {  	_ =	shalt  }
0x83: {  	_ =	shalt  }
0x84: {  	_ =	shalt  }
0x85: {  	_ =	shalt  }
0x86: {  	_ =	shalt  }
0x87: {  	_ =	shalt  }
.Lfunc_end0:
.L_simem_size_0:
called_computation.1_lowered:
.L_overlay_start_0:
0x88: {  	s2 =	sld [smem:$0x3FD9]  }
0x89: {  	s3 =	sld [smem:$0x3FFE];
	_ =	sdelay $0x1  }
0x8a: {  	s1 =	srdreg.scid  }
0x8b: {  	s0 =	sand.u32 $0x1, s1  }
0x8c: {  	s16 =	sshll.u32 s0, $0xA;
	s2 =	sadd.s32 s3, s2  }
0x8d: {  	s2 =	sadd.s32 s2, s16  }
0x8e: {  	[smem:$0x3FBC] =	sst s2  }
0x8f: {  	_ = 	snop  }
0x90: {  	(tm) =	ssettm $0x1  }
0x91: {  	s17 =	sld [smem:$0x3FFB];
	_ =	sdelay $0x3  }
0x92: {  	_ =	strace s17  }
0x93: {  	s2 =	sld [smem:$0x3FFC];
	_ =	sdelay $0x3  }
0x94: {  	_ =	strace s2  }
0x95: {  	s2 =	sld [smem:$0x3FFD];
	_ =	sdelay $0x3  }
0x96: {  	_ =	strace s2  }
0x97: {  	_ =	strace $0x8FFFFFFF  }
0x98: {  	s18 =	sld [smem:$0x3FDB];
	_ =	sdelay $0x1  }
0x99: {  	s19 =	simm.s32 $_scs_section_size  }
0x9a: {  	s4 =	simm.s32 $_size__tile_overlayer_lowered;
	s5 =	simm.s32 $_tile_overlayer_lowered  }
0x9b: {  	s22 =	simm.s32 $0x1BFF;
	s21 =	sshll.u32 s5, $0x1;
	s2 =	sadd.s32 s19, s18  }
0x9c: {  	s6 =	simm.s32 $0x0;
	s20 =	sshll.u32 s4, $0x1;
	s4 =	sadd.s32 s21, s2  }
0x9d: {  	[timem:s6], [sflag:s22] =	dma.local [hbm:s4], s20  }
0x9e: {  	_ =	swait.ge [sflag:s22], s20  }
0x9f: {  	s3 =	ssub.s32 $0x0, s20;
	[sflag:s22] =	ssyncset.done $0x0  }
0xa0: {  	[sflag:s22] =	ssyncadd.s32 s3;
	_ =	sdelay $0x1  }
0xa1: {  	s23 =	simm.s32 $0x1B8B  }
0xa2: {  	_ =	swait.ge [sflag:s23], $0x1  }
0xa3: {  	[sflag:s23] =	ssyncset.done $0x0  }
0xa4: {  	s25 =	simm.s32 $0x1B8E;
	s24 =	sld [smem:$0x3FFE];
	[sflag:s23] =	ssyncadd.s32 $0xFFFFFFFF  }
0xa5: {  	s26 =	simm.s32 $execute0_lowered;
	[smem:$0x3FD2] =	sst s25  }
0xa6: {  	s4 =	sshll.u32 s26, $0x1;
	_ =	strace $0x80000049;
	[dreg:$0x1] =	wrdreg $0xFFFFFFFF  }
0xa7: {  	s28 =	simm.s32 $_size_execute0_lowered;
	s2 =	sadd.s32 s2, s4;
	[dreg:$0x0] =	wrdreg $0x0  }
0xa8: {  	s4 =	sshll.u32 s28, $0x1;
	[dreg:$0x2] =	wrdreg s2  }
0xa9: {  	[dreg:$0x3] =	wrdreg s4  }
0xaa: {  	[dreg:$0x4] =	wrdreg $0xC0  }
0xab: {  	_ =	task [dreg:s6], $0x5FFFF  }
0xac: {  	[dreg:$0x1] =	wrdreg $0xFFFFFFFF  }
0xad: {  	[dreg:$0x0] =	wrdreg $0x60  }
0xae: {  	[dreg:$0x2] =	wrdreg s24  }
0xaf: {  	[dreg:$0x3] =	wrdreg $0xBC000  }
0xb0: {  	[dreg:$0x4] =	wrdreg $0x9  }
0xb1: {  	_ =	task.clear_ibuf [dreg:s6], $0x5FFFF;
	_ =	strace $0x90000049  }
0xb2: {  	s29 =	simm.s32 $0x9;
	_ =	strace $0x8000004B  }
0xb3: {  	_ =	swait.ge [sflag:s29], $0x1  }
0xb4: {  	[sflag:s29] =	ssyncadd.s32 $0xFFFFFFFF  }
0xb5: {  	_ =	strace $0x9000004B  }
0xb6: {  	_ =	sfence  }
0xb7: {  	s30 =	sld [smem:$0x0];
	_ =	sdelay $0x2  }
0xb8: {  	s31 =	sshll.u32 s1, $0xD;
	s1 =	sshrl.u32 s1, $0x2  }
0xb9: {  	s3 =	sand.u32 $0x4000, s31;
	s1 =	sadd.s32 s1, s30  }
0xba: {  	s0 =	sor.u32 s3, s0;
	s1 =	sshll.u32 s1, $0x11  }
0xbb: {  	s0 =	sor.u32 s1, s0  }
0xbc: {  	s0 =	sadd.s32 $0x8F2B, s0  }
0xbd: {  	[sflag:s0] =	ssyncadd.remote.s32 $0x1  }
0xbe: {  	_ =	sfence.sel $0xFFFF  }
0xbf: {  	[dreg:$0x0] =	wrdreg $0xFFFFFFFF;
	(pc) =	sbr.abs _section_cstart, $3  }
0xc0: {  	[dreg:$0x1] =	wrdreg $0xFFFFFFFF  }
0xc1: {  	_ =	task.clear_ibuf [dreg:s6], $0x2FFFF;
	_ =	strace $0x9FFFFFFF  }
0xc2: {  	(tm) =	ssettm $0x7FFFFFFF  }
0xc3: {  	_ =	shalt  }
tec
execute0_lowered:
.L_overlay_start_1:
0x0: {  	(tag) =	ssettag $0x1  }
0x1: {  	s0 =	srdreg.scid;
	s11 =	rddreg [dreg:$0x0]  }
0x2: {  	s2 =	rddreg [dreg:$0x1];
	s29 =	stileid.u32;
	s3 =	simm.s32 $0x0  }
0x3: {  	s14 =	simm.s32 $0x91E00;
	s16 =	simm.s32 $0x7D;
	s17 =	simm.s32 $0x3C00  }
0x4: {  	s18 =	simm.s32 $0x7C00;
	s19 =	simm.s32 $0x2;
	s21 =	simm.s32 $0x0  }
0x5: {  	s8 =	sand.u32 $0x1, s0;
	[smem:$0x7FF] =	sst s3;
	s10 =	smul.u32 $0x50000, s29  }
0x6: {  	s5 =	sadd.s32 $0x19E00, s11;
	s6 =	sadd.s32 $0x5800, s11;
	s30 =	smul.u32 $0x2800, s29  }
0x7: {  	s31 =	sshll.u32 s29, $0x6;
	s4 =	sshll.u32 s8, $0x4;
	_ =	strace $0x8000004A  }
0x8: {  	s7 =	ssub.s32 $0x2, s8;
	p0 =	seq.s32 s8, $0x1;
	s4 =	sor.u32 s29, s4  }
0x9: {  	s13 =	sshrl.u32 s7, $0x1;
	s10 =	sshrl.u32 s10, $0x2;
	s4 =	smul.u32 $0x2800, s4  }
0xa: {  	s14 =	simm.s32 @!p0 $0x69E00;
	s13 =	ssub.s32 s7, s13;
	s15 =	sadd.s32 s10, s2  }
0xb: {  	s10 =	smax.u32 s13, $0x1;
	s13 =	simm.s32 $0x2800;
	s9 =	sshrl.u32 s4, $0x3  }
0xc: {  	s15 =	sshrl.u32 s15, $0x3;
	s12 =	sadd.s32 s9, s11;
	s8 =	sadd.s32 s6, s9  }
0xd: {  	s9 =	sadd.s32 s5, s30;
	s11 =	sadd.s32 s14, s11;
	s14 =	sor.u32 $0x1C03, s31  }
0xe: {  	s7 =	sadd.s32 $0xFE00, s12;
	s11 =	sadd.s32 s11, s30;
	s12 =	simm.s32 $0x3  }
.LBB2_1:
0xf: {  	[tilespmem:s3], [sflag:$0x3] =	stream.linear.gather [hbm4b:s7+s3], $0x2800, $0x38;
	[tilespmem:$0x1FC00] =	vst v63  }
0x10: {  	_ =	swait.ge [sflag:s12], $0x2800  }
0x11: {  	[sflag:s12] =	ssyncset.done $0x0  }
0x12: {  	[sflag:s12] =	ssyncadd.s32 $0xFFFFD800  }
0x13: {  	[tilespmem:s13], [sflag:$0x3] =	stream.linear.gather [hbm4b:s8+s3], $0x1400, $0x38;
	[tilespmem:$0x1FC00] =	vst v63  }
0x14: {  	_ =	swait.ge [sflag:s12], $0x1400  }
0x15: {  	[sflag:s12] =	ssyncset.done $0x0  }
0x16: {  	[sflag:s12] =	ssyncadd.s32 $0xFFFFEC00  }
0x17: {  	[spmem:s15], [sflag:s14] =	dma.local [hbm:s9], $0x2800  }
0x18: {  	_ =	swait.ge [sflag:s12], $0x2800  }
0x19: {  	[sflag:s12] =	ssyncset.done $0x0  }
0x1a: {  	[sflag:s12] =	ssyncadd.s32 $0xFFFFD800  }
0x1b: {  	s23 =	simm.s32 $0x1;
	s24 =	simm.s32 $0xFFFFFFD9;
	[bflag:$0x0] =	sbarrier.arrive $0xFFFF  }
0x1c: {  	[tilespmem:s17], [sflag:$0x1] =	stream.indirect.gather [hbm4b:s5+s16], $0x80, s3, s16, $0xb8;
	[tilespmem:$0x1FC00] =	vst v63  }
0x1d: {  	s22 =	simm.s32 $0x80;
	s24 =	smin.u32 s23, s24  }
0x1e: {  	[tilespmem:s18], [sflag:$0x2] =	stream.indirect.gather [hbm4b:s5+s16], $0x80, s22, s16, $0xb8;
	[tilespmem:$0x1FC00] =	vst v63  }
0x1f: {  	s25 =	sand.u32 $0x1, s23;
	p0 =	sne.s32 s24, $0x0;
	_ =	swait.ge [sflag:s23], $0x3E80  }
0x20: {  	s26 =	sxor.u32 $0x1, s25;
	s29 =	sand.u32 @!p0 $0x380, s22;
	[sflag:s23] =	ssyncset.done $0x0  }
0x21: {  	s30 =	sshll.u32 s26, $0xE;
	[sflag:s23] =	ssyncadd.s32 $0xFFFFC180;
	s23 =	sand.u32 @!p0 $0x3C00, s22  }
0x22: {  	[spmem:s2] =	stream.indirect.scatter.add.f32 [tilespmem:s17], [sflag:$0x3], $0x80, s13, s16, $0xb8;
	[tilespmem:$0x1FC00] =	vst v63  }
0x23: {  	s26 =	sadd.s32 $0x1, s26;
	s28 =	sadd.s32 @!p0 s4, s23;
	_ =	swait.ge [sflag:s12], $0x3E80  }
0x24: {  	s23 =	simm.s32 $0x100;
	s28 =	sor.u32 @!p0 s29, s28;
	[sflag:s12] =	ssyncset.done $0x0  }
0x25: {  	s29 =	sor.u32 $0x3C00, s30;
	s28 =	sshrl.u32 @!p0 s28, $0x3;
	[sflag:s12] =	ssyncadd.s32 $0xFFFFC180  }
0x26: {  	[tilespmem:s29], [sflag:s26] =	stream.indirect.gather [hbm4b:s5+s16], $0x80, s23, s16, $0xb8;
	[tilespmem:$0x1FC00] =	vst v63  }
0x27: {  	s26 =	sadd.s32 @!p0 s6, s28;
	s28 =	simm.s32 @!p0 $0x0;
	s29 =	simm.s32 @!p0 $0x2800  }
0x28: {  	[tilespmem:s29], [sflag:$0x3] =	stream.linear.gather @!p0 [hbm4b:s26+s28], $0x1400, $0x38;
	[tilespmem:$0x1FC00] =	vst v63  }
0x29: {  	s26 =	simm.s32 @!p0 $0x3  }
0x2a: {  	_ =	swait.ge @!p0 [sflag:s26], $0x1400  }
0x2b: {  	[sflag:s26] =	ssyncset.done @!p0 $0x0  }
0x2c: {  	s31 =	sadd.s32 $0x1, s25;
	[sflag:s26] =	ssyncadd.s32 @!p0 $0xFFFFEC00;
	p0 =	por $0x1, $0x1  }
.Ltmp0:
0x2d: {  	s24 =	sshll.u32 s24, $0x7;
	_ =	swait.ge [sflag:s31], $0x3E80;
	(pc) =	sbr.rel @!p0 .LBB2_3-.Ltmp0, $4  }
0x2e: {  	s25 =	sshll.u32 s25, $0xE;
	s24 =	sand.u32 $0x3FFFFF80, s24;
	[sflag:s31] =	ssyncset.done $0x0  }
0x2f: {  	s25 =	sor.u32 $0x3C00, s25;
	s24 =	sadd.s32 $0x2800, s24;
	[sflag:s31] =	ssyncadd.s32 $0xFFFFC180  }
0x30: {  	[spmem:s2] =	stream.indirect.scatter.add.f32 [tilespmem:s25], [sflag:$0x3], $0x80, s24, s16, $0xb8;
	[tilespmem:$0x1FC00] =	vst v63  }
0x31: {  	s24 =	simm.s32 $0x2  }
.LBB2_2:
0x32: {  	_ =	swait.ge [sflag:s12], $0x3E80;
	s23 =	sadd.s32 $0x80, s23;
	s22 =	sadd.s32 $0x80, s22  }
0x33: {  	s25 =	sadd.s32 $0xFFFFFFD8, s24;
	s26 =	smov.u32 s24;
	[sflag:s12] =	ssyncset.done $0x0  }
0x34: {  	s28 =	smin.u32 s26, s25;
	s24 =	sadd.s32 $0x29, s25;
	[sflag:s12] =	ssyncadd.s32 $0xFFFFC180  }
0x35: {  	s25 =	sand.u32 $0x1, s26;
	p0 =	sne.s32 s28, $0x0;
	s26 =	sshll.u32 s28, $0x7  }
0x36: {  	s28 =	sxor.u32 $0x1, s25;
	s30 =	sshll.u32 s25, $0xE;
	s29 =	sand.u32 @!p0 $0x3C00, s22  }
0x37: {  	s31 =	sshll.u32 s28, $0xE;
	s0 =	sand.u32 @!p0 $0x380, s22;
	s29 =	sadd.s32 @!p0 s4, s29  }
0x38: {  	s26 =	sand.u32 $0x3FFFFF80, s26;
	s31 =	sor.u32 $0x3C00, s31;
	s0 =	sor.u32 @!p0 s0, s29  }
0x39: {  	s28 =	sadd.s32 $0x1, s28;
	s29 =	simm.s32 @!p0 $0x3;
	s0 =	sshrl.u32 @!p0 s0, $0x3  }
0x3a: {  	s1 =	simm.s32 @!p0 $0x0;
	s20 =	simm.s32 @!p0 $0x2800;
	s0 =	sadd.s32 @!p0 s6, s0  }
0x3b: {  	[tilespmem:s31], [sflag:s28] =	stream.indirect.gather [hbm4b:s5+s16], $0x80, s23, s16, $0xb8;
	[tilespmem:$0x1FC00] =	vst v63  }
0x3c: {  	p1 =	sne.s32 s24, $0x4F  }
0x3d: {  	[tilespmem:s20], [sflag:$0x3] =	stream.linear.gather @!p0 [hbm4b:s0+s1], $0x1400, $0x38;
	[tilespmem:$0x1FC00] =	vst v63  }
0x3e: {  	s0 =	sadd.s32 $0x1, s25;
	_ =	swait.ge @!p0 [sflag:s29], $0x1400  }
0x3f: {  	[sflag:s29] =	ssyncset.done @!p0 $0x0  }
.Ltmp1:
0x40: {  	[sflag:s29] =	ssyncadd.s32 @!p0 $0xFFFFEC00;
	(pc) =	sbr.rel @p1 .LBB2_2-.Ltmp1, $4  }
0x41: {  	s1 =	sor.u32 $0x3C00, s30;
	s20 =	sadd.s32 $0x2800, s26;
	_ =	swait.ge [sflag:s0], $0x3E80  }
0x42: {  	[sflag:s0] =	ssyncset.done $0x0  }
0x43: {  	[sflag:s0] =	ssyncadd.s32 $0xFFFFC180  }
0x44: {  	[spmem:s2] =	stream.indirect.scatter.add.f32 [tilespmem:s1], [sflag:$0x3], $0x80, s20, s16, $0xb8;
	[tilespmem:$0x1FC00] =	vst v63  }
.LBB2_3:
0x45: {  	_ =	swait.ge [sflag:s12], $0x3E80  }
0x46: {  	[sflag:s12] =	ssyncset.done $0x0  }
0x47: {  	[sflag:s12] =	ssyncadd.s32 $0xFFFFC180  }
0x48: {  	_ =	swait.ge [sflag:s19], $0x3E80  }
0x49: {  	[sflag:s19] =	ssyncset.done $0x0  }
0x4a: {  	s0 =	simm.s32 $0x3B80;
	[sflag:s19] =	ssyncadd.s32 $0xFFFFC180  }
0x4b: {  	[spmem:s2] =	stream.indirect.scatter.add.f32 [tilespmem:s18], [sflag:$0x3], $0x80, s0, s16, $0xb8;
	[tilespmem:$0x1FC00] =	vst v63  }
0x4c: {  	_ =	swait.ge [sflag:s12], $0x3E80  }
0x4d: {  	s21 =	sadd.s32 $0x1, s21;
	[sflag:s12] =	ssyncset.done $0x0  }
0x4e: {  	p0 =	sne.s32 s21, s10;
	[sflag:s12] =	ssyncadd.s32 $0xFFFFC180  }
.Ltmp2:
0x4f: {  	[bflag:$0x0] =	sbarrier.arrive $0xFFFF;
	(pc) =	sbr.rel @p0 .LBB2_1-.Ltmp2, $4  }
0x50: {  	[hbm:s11], [sflag:s14] =	dma.local [spmem:s15], $0x2800  }
0x51: {  	_ =	swait.ge [sflag:s12], $0x2800  }
0x52: {  	[sflag:s12] =	ssyncset.done $0x0  }
0x53: {  	[sflag:s12] =	ssyncadd.s32 $0xFFFFD800  }
0x54: {  	_ =	sfence.sel $0x180000  }
0x55: {  	[bflag:$0x0] =	sbarrier.arrive $0xFFFF  }
0x56: {  	_ =	strace $0x9000004A  }
0x57: {  	s0 =	stileid.u32;
	[bflag:$0x2] =	sbarrier.arrive $0xFFFF  }
0x58: {  	p0 =	sne.s32 s0, $0x0;
	s0 =	rddreg [dreg:$0x2]  }
0x59: {  	s0 =	sadd.s32 @!p0 $0x100000, s0  }
0x5a: {  	[sflag:s0] =	ssyncadd.tile.s32 @!p0 $0x1;
	_ =	shalt  }
.Lfunc_end2:
_tile_overlayer_lowered:
.L_overlay_start_2:
0x5b: {  	(tag) =	ssettag $0x2  }
0x5c: {  	s0 =	rddreg [dreg:$0x0];
	s2 =	stileid.u32  }
0x5d: {  	s1 =	rddreg [dreg:$0x1];
	p0 =	sne.s32 s2, $0x0  }
0x5e: {  	s3 =	rddreg [dreg:$0x2];
	[bflag:$0x3] =	sbarrier.arrive $0xFFFF;
	s2 =	simm.s32 @!p0 $0x1C03  }
0x5f: {  	[timem:s3], [sflag:s2] =	dma.local @!p0 [hbm:s0], s1  }
0x60: {  	s0 =	simm.s32 @!p0 $0x3  }
0x61: {  	_ =	swait.ge @!p0 [sflag:s0], s1  }
0x62: {  	s1 =	ssub.s32 @!p0 $0x0, s1;
	[sflag:s0] =	ssyncset.done @!p0 $0x0  }
0x63: {  	[sflag:s0] =	ssyncadd.s32 @!p0 s1  }
0x64: {  	[bflag:$0x3] =	sbarrier.arrive $0xFFFF  }
0x65: {  	_ =	shalt  }

// kernel: kernel.18.cloned.1.call-start
scs
__scs_entry_jumppad:
0x0: {  	(pc) =	sbr.rel $0x88, $3  }
0x1: {  	(tag) =	ssettag $0x0;
	lr =	simm.s32 $0x1  }
0x2: {  	[smem:$0x3F95] =	sst lr;
	_ =	strace $0xD0000000  }
0x3: {  	_ = 	snop  }
0x4: {  	_ = 	snop  }
0x5: {  	_ = 	snop  }
0x6: {  	_ = 	snop  }
0x7: {  	_ = 	snop  }
__scs_overlays_trampoline_lowered:
0x8: {  	[smem:$0x3FA4] =	sst s0  }
0x9: {  	[smem:$0x3FA5] =	sst s1  }
0xa: {  	[smem:$0x3FA6] =	sst s2  }
0xb: {  	[smem:$0x3FA7] =	sst s3  }
0xc: {  	[smem:$0x3FA8] =	sst s4  }
0xd: {  	[smem:$0x3FA9] =	sst s5  }
0xe: {  	[smem:$0x3FAA] =	sst s6  }
0xf: {  	[smem:$0x3FAB] =	sst s7  }
0x10: {  	[smem:$0x3FAC] =	sst s8  }
0x11: {  	[smem:$0x3FAD] =	sst s9;
	s0 =	simm.s32 @!p0 $0x0  }
0x12: {  	s1 =	sld [smem:$0x3F93];
	s0 =	simm.s32 @p0 $0x1  }
0x13: {  	[smem:$0x3FAE] =	sst s0;
	s0 =	simm.s32 @!p1 $0x0  }
0x14: {  	s2 =	sld [smem:$0x3F92];
	s0 =	simm.s32 @p1 $0x1  }
0x15: {  	[smem:$0x3FAF] =	sst s0;
	s0 =	simm.s32 @!p2 $0x0  }
0x16: {  	s3 =	sld [smem:$0x3FDB];
	s0 =	simm.s32 @p2 $0x1  }
0x17: {  	s4 =	simm.s32 $0x1BF5;
	[smem:$0x3FB1] =	sst s0  }
0x18: {  	s0 =	sld [smem:$0x3F94];
	_ =	swait.ge [sflag:s4], $0x0  }
0x19: {  	s7 =	sld [smem:$0x3F95]  }
0x1a: {  	s8 =	sadd.s32 $0xFFFFE003, lr  }
0x1b: {  	s9 =	sadd.s32 $0xFFFFFEF7, lr;
	s5 =	simm.s32 $0xFFFFFFFF;
	p2 =	slt.u32 s8, $0xFFFFF086  }
0x1c: {  	p1 =	slt.u32 s9, $0xF7A;
	s5 =	simm.s32 @!p2 $0x0  }
0x1d: {  	s5 =	simm.s32 @p1 $0x1;
	p0 =	seq.s32 s7, s2  }
0x1e: {  	s7 =	smul.u32 @!p0 $0xF7A, s2;
	p2 =	seq.s32 @!p0 s5, $0x0  }
0x1f: {  	s9 =	smul.u32 $0xF7A, s1;
	s8 =	simm.s32 @!p0 $0x1BF5;
	p2 =	por !p2, p0  }
0x20: {  	[sflag:s8] =	ssyncset.s32 @!p0 $0xFFFFF086;
	s6 =	sadd.s32 @!p0 s3, s7;
	s7 =	simm.s32 @!p0 $0x108  }
0x21: {  	s3 =	sadd.s32 s3, s9;
	s6 =	sadd.s32 @!p0 $0x88, s6;
	s7 =	simm.s32 @p2 $0x1082  }
0x22: {  	[simem:s7], [sflag:s8] =	dma.local @!p0 [hbm:s6], $0xF7A  }
0x23: {  	s9 =	sor.u32 $0xD0000000, s2;
	s6 =	simm.s32 $0x108;
	_ =	swait.ge @!p0 [sflag:s8], $0x0  }
0x24: {  	s3 =	sadd.s32 $0x88, s3;
	s6 =	simm.s32 @!p1 $0x1082;
	[sflag:s4] =	ssyncset.s32 $0xFFFFF086  }
0x25: {  	[simem:s6], [sflag:s4] =	dma.local [hbm:s3], $0xF7A  }
0x26: {  	[smem:$0x3F95] =	sst s1;
	(tag) =	ssettag s2;
	_ =	strace s9  }
0x27: {  	s1 =	sld [smem:$0x3FA5]  }
0x28: {  	s2 =	sld [smem:$0x3FA6]  }
0x29: {  	s4 =	sld [smem:$0x3FA8]  }
0x2a: {  	p0 =	seq.s32 s5, $0x0;
	s5 =	sld [smem:$0x3FA9]  }
0x2b: {  	s6 =	sld [smem:$0x3FAA]  }
0x2c: {  	s7 =	sld [smem:$0x3FAB]  }
0x2d: {  	s3 =	simm.s32 $0x108;
	s8 =	sld [smem:$0x3FAC]  }
0x2e: {  	s3 =	simm.s32 @!p0 $0x1082;
	s9 =	sld [smem:$0x3FAD]  }
0x2f: {  	lr =	sadd.s32 s0, s3;
	s0 =	sld [smem:$0x3FA4]  }
0x30: {  	s3 =	sld [smem:$0x3FA7]  }
0x31: {  	[smem:$0x3FB0] =	sst s10  }
0x32: {  	s10 =	sld [smem:$0x3FAE];
	_ =	sdelay $0x3  }
0x33: {  	p0 =	seq.s32 s10, $0x1;
	s10 =	sld [smem:$0x3FB0];
	_ =	sdelay $0x3  }
0x34: {  	[smem:$0x3FB0] =	sst s10  }
0x35: {  	s10 =	sld [smem:$0x3FAF];
	_ =	sdelay $0x3  }
0x36: {  	p1 =	seq.s32 s10, $0x1;
	s10 =	sld [smem:$0x3FB0];
	_ =	sdelay $0x3  }
0x37: {  	[smem:$0x3FB0] =	sst s10  }
0x38: {  	s10 =	sld [smem:$0x3FB1]  }
0x39: {  	_ = 	snop;
	(pc) =	sbr.ind lr, $3  }
0x3a: {  	_ = 	snop  }
0x3b: {  	_ = 	snop  }
0x3c: {  	p2 =	seq.s32 s10, $0x1;
	s10 =	sld [smem:$0x3FB0]  }
0x3d: {  	_ =	shalt  }
0x3e: {  	_ =	shalt  }
0x3f: {  	_ =	shalt  }
0x40: {  	_ =	shalt  }
0x41: {  	_ =	shalt  }
0x42: {  	_ =	shalt  }
0x43: {  	_ =	shalt  }
0x44: {  	_ =	shalt  }
0x45: {  	_ =	shalt  }
0x46: {  	_ =	shalt  }
0x47: {  	_ =	shalt  }
0x48: {  	_ =	shalt  }
0x49: {  	_ =	shalt  }
0x4a: {  	_ =	shalt  }
0x4b: {  	_ =	shalt  }
0x4c: {  	_ =	shalt  }
0x4d: {  	_ =	shalt  }
0x4e: {  	_ =	shalt  }
0x4f: {  	_ =	shalt  }
0x50: {  	_ =	shalt  }
0x51: {  	_ =	shalt  }
0x52: {  	_ =	shalt  }
0x53: {  	_ =	shalt  }
0x54: {  	_ =	shalt  }
0x55: {  	_ =	shalt  }
0x56: {  	_ =	shalt  }
0x57: {  	_ =	shalt  }
0x58: {  	_ =	shalt  }
0x59: {  	_ =	shalt  }
0x5a: {  	_ =	shalt  }
0x5b: {  	_ =	shalt  }
0x5c: {  	_ =	shalt  }
0x5d: {  	_ =	shalt  }
0x5e: {  	_ =	shalt  }
0x5f: {  	_ =	shalt  }
0x60: {  	_ =	shalt  }
0x61: {  	_ =	shalt  }
0x62: {  	_ =	shalt  }
0x63: {  	_ =	shalt  }
0x64: {  	_ =	shalt  }
0x65: {  	_ =	shalt  }
0x66: {  	_ =	shalt  }
0x67: {  	_ =	shalt  }
0x68: {  	_ =	shalt  }
0x69: {  	_ =	shalt  }
0x6a: {  	_ =	shalt  }
0x6b: {  	_ =	shalt  }
0x6c: {  	_ =	shalt  }
0x6d: {  	_ =	shalt  }
0x6e: {  	_ =	shalt  }
0x6f: {  	_ =	shalt  }
0x70: {  	_ =	shalt  }
0x71: {  	_ =	shalt  }
0x72: {  	_ =	shalt  }
0x73: {  	_ =	shalt  }
0x74: {  	_ =	shalt  }
0x75: {  	_ =	shalt  }
0x76: {  	_ =	shalt  }
0x77: {  	_ =	shalt  }
0x78: {  	_ =	shalt  }
0x79: {  	_ =	shalt  }
0x7a: {  	_ =	shalt  }
0x7b: {  	_ =	shalt  }
0x7c: {  	_ =	shalt  }
0x7d: {  	_ =	shalt  }
0x7e: {  	_ =	shalt  }
0x7f: {  	_ =	shalt  }
0x80: {  	_ =	shalt  }
0x81: {  	_ =	shalt  }
0x82: {  	_ =	shalt  }
0x83: {  	_ =	shalt  }
0x84: {  	_ =	shalt  }
0x85: {  	_ =	shalt  }
0x86: {  	_ =	shalt  }
0x87: {  	_ =	shalt  }
.Lfunc_end0:
.L_simem_size_0:
called_computation.2_lowered:
.L_overlay_start_0:
0x88: {  	s2 =	sld [smem:$0x3FD9]  }
0x89: {  	s3 =	sld [smem:$0x3FFE];
	_ =	sdelay $0x1  }
0x8a: {  	s1 =	srdreg.scid  }
0x8b: {  	s0 =	sand.u32 $0x1, s1  }
0x8c: {  	s16 =	sshll.u32 s0, $0xA;
	s2 =	sadd.s32 s3, s2  }
0x8d: {  	s2 =	sadd.s32 s2, s16  }
0x8e: {  	[smem:$0x3FBC] =	sst s2  }
0x8f: {  	_ = 	snop  }
0x90: {  	(tm) =	ssettm $0x1  }
0x91: {  	s17 =	sld [smem:$0x3FFB];
	_ =	sdelay $0x3  }
0x92: {  	_ =	strace s17  }
0x93: {  	s2 =	sld [smem:$0x3FFC];
	_ =	sdelay $0x3  }
0x94: {  	_ =	strace s2  }
0x95: {  	s2 =	sld [smem:$0x3FFD];
	_ =	sdelay $0x3  }
0x96: {  	_ =	strace s2  }
0x97: {  	_ =	strace $0x8FFFFFFF  }
0x98: {  	s18 =	sld [smem:$0x3FDB];
	_ =	sdelay $0x1  }
0x99: {  	s19 =	simm.s32 $_scs_section_size  }
0x9a: {  	s4 =	simm.s32 $_size__tile_overlayer_lowered;
	s5 =	simm.s32 $_tile_overlayer_lowered  }
0x9b: {  	s22 =	simm.s32 $0x1BFF;
	s21 =	sshll.u32 s5, $0x1;
	s2 =	sadd.s32 s19, s18  }
0x9c: {  	s6 =	simm.s32 $0x0;
	s20 =	sshll.u32 s4, $0x1;
	s4 =	sadd.s32 s21, s2  }
0x9d: {  	[timem:s6], [sflag:s22] =	dma.local [hbm:s4], s20  }
0x9e: {  	_ =	swait.ge [sflag:s22], s20  }
0x9f: {  	s3 =	ssub.s32 $0x0, s20;
	[sflag:s22] =	ssyncset.done $0x0  }
0xa0: {  	[sflag:s22] =	ssyncadd.s32 s3;
	_ =	sdelay $0x1  }
0xa1: {  	s23 =	simm.s32 $0x1B8B  }
0xa2: {  	_ =	swait.ge [sflag:s23], $0x1  }
0xa3: {  	[sflag:s23] =	ssyncset.done $0x0  }
0xa4: {  	s25 =	simm.s32 $0x1B8E;
	s24 =	sld [smem:$0x3FFE];
	[sflag:s23] =	ssyncadd.s32 $0xFFFFFFFF  }
0xa5: {  	s26 =	simm.s32 $execute0_lowered;
	[smem:$0x3FD2] =	sst s25  }
0xa6: {  	s4 =	sshll.u32 s26, $0x1;
	_ =	strace $0x8000004C;
	[dreg:$0x1] =	wrdreg $0xFFFFFFFF  }
0xa7: {  	s28 =	simm.s32 $_size_execute0_lowered;
	s2 =	sadd.s32 s2, s4;
	[dreg:$0x0] =	wrdreg $0x0  }
0xa8: {  	s4 =	sshll.u32 s28, $0x1;
	[dreg:$0x2] =	wrdreg s2  }
0xa9: {  	[dreg:$0x3] =	wrdreg s4  }
0xaa: {  	[dreg:$0x4] =	wrdreg $0xC0  }
0xab: {  	_ =	task [dreg:s6], $0x5FFFF  }
0xac: {  	[dreg:$0x1] =	wrdreg $0xFFFFFFFF  }
0xad: {  	[dreg:$0x0] =	wrdreg $0x60  }
0xae: {  	[dreg:$0x2] =	wrdreg s24  }
0xaf: {  	[dreg:$0x3] =	wrdreg $0xBC000  }
0xb0: {  	[dreg:$0x4] =	wrdreg $0x9  }
0xb1: {  	_ =	task.clear_ibuf [dreg:s6], $0x5FFFF;
	_ =	strace $0x9000004C  }
0xb2: {  	s29 =	simm.s32 $0x9;
	_ =	strace $0x8000004E  }
0xb3: {  	_ =	swait.ge [sflag:s29], $0x1  }
0xb4: {  	[sflag:s29] =	ssyncadd.s32 $0xFFFFFFFF  }
0xb5: {  	_ =	strace $0x9000004E  }
0xb6: {  	_ =	sfence  }
0xb7: {  	s30 =	sld [smem:$0x0];
	_ =	sdelay $0x2  }
0xb8: {  	s31 =	sshll.u32 s1, $0xD;
	s1 =	sshrl.u32 s1, $0x2  }
0xb9: {  	s3 =	sand.u32 $0x4000, s31;
	s1 =	sadd.s32 s1, s30  }
0xba: {  	s0 =	sor.u32 s3, s0;
	s1 =	sshll.u32 s1, $0x11  }
0xbb: {  	s0 =	sor.u32 s1, s0  }
0xbc: {  	s0 =	sadd.s32 $0x8F2B, s0  }
0xbd: {  	[sflag:s0] =	ssyncadd.remote.s32 $0x1  }
0xbe: {  	_ =	sfence.sel $0xFFFF  }
0xbf: {  	[dreg:$0x0] =	wrdreg $0xFFFFFFFF;
	(pc) =	sbr.abs _section_cstart, $3  }
0xc0: {  	[dreg:$0x1] =	wrdreg $0xFFFFFFFF  }
0xc1: {  	_ =	task.clear_ibuf [dreg:s6], $0x2FFFF;
	_ =	strace $0x9FFFFFFF  }
0xc2: {  	(tm) =	ssettm $0x7FFFFFFF  }
0xc3: {  	_ =	shalt  }
tec
execute0_lowered:
.L_overlay_start_1:
0x0: {  	(tag) =	ssettag $0x1  }
0x1: {  	s0 =	rddreg [dreg:$0x0]  }
0x2: {  	s1 =	rddreg [dreg:$0x1];
	s19 =	simm.s32 $0x0  }
0x3: {  	s7 =	srdreg.scid;
	s2 =	stileid.u32;
	s20 =	simm.s32 $0x2800  }
0x4: {  	s29 =	simm.s32 $0x0;
	[smem:$0x7FF] =	sst s19;
	s4 =	sadd.s32 $0x19E00, s0  }
0x5: {  	s5 =	sadd.s32 $0x69E00, s0;
	s3 =	sadd.s32 $0xFE00, s0;
	s6 =	sadd.s32 $0x5800, s0  }
0x6: {  	s7 =	sand.u32 $0x1, s7;
	s8 =	smul.u32 $0x50000, s2;
	s9 =	sadd.s32 $0x91E00, s0  }
0x7: {  	s0 =	sadd.s32 $0x109E00, s0;
	_ =	strace $0x8000004D;
	[dreg:$0x3] =	wrdreg s9  }
0x8: {  	[dreg:$0x4] =	wrdreg s0;
	s21 =	ssub.s32 $0x2, s7;
	s9 =	smul.u32 $0x2800, s2  }
0x9: {  	s2 =	sshll.u32 s2, $0x6;
	s10 =	sshrl.u32 s21, $0x1;
	s8 =	sshrl.u32 s8, $0x2  }
0xa: {  	[dreg:$0xa] =	wrdreg s2;
	s31 =	sor.u32 $0x1C03, s2;
	s0 =	ssub.s32 s21, s10  }
0xb: {  	s22 =	sadd.s32 s8, s1;
	s23 =	sadd.s32 s4, s9;
	[dreg:$0xd] =	wrdreg s31  }
0xc: {  	s24 =	sshrl.u32 s9, $0x3;
	s30 =	sadd.s32 s5, s9;
	[dreg:$0x5] =	wrdreg s23  }
0xd: {  	s11 =	sadd.s32 $0x28000, s9;
	s25 =	sadd.s32 s3, s24;
	[dreg:$0xb] =	wrdreg s30  }
0xe: {  	s8 =	sadd.s32 s6, s24;
	s26 =	sshrl.u32 s11, $0x3;
	[dreg:$0x6] =	wrdreg s25  }
.Ltmp0:
0xf: {  	s0 =	smax.u32 s0, $0x1;
	[dreg:$0x7] =	wrdreg s8;
	(pc) =	sbr.rel .LBB2_1-.Ltmp0, $4  }
0x10: {  	p0 =	seq.s32 s7, $0x1;
	s3 =	sadd.s32 s3, s26;
	[dreg:$0xc] =	wrdreg s0  }
0x11: {  	s21 =	simm.s32 $0x3;
	s28 =	sadd.s32 s6, s26;
	[dreg:$0x8] =	wrdreg s3  }
0x12: {  	s23 =	simm.s32 $0x7D;
	[dreg:$0x9] =	wrdreg s28;
	s3 =	sshrl.u32 s22, $0x3  }
0x13: {  	s24 =	simm.s32 $0x7C00;
	s22 =	simm.s32 $0x3C00;
	[dreg:$0xe] =	wrdreg s3  }
.LBB2_6:
0x14: {  	_ =	swait.ge [sflag:s21], $0x3E80  }
0x15: {  	s0 =	rddreg [dreg:$0x3]  }
0x16: {  	[sflag:s21] =	ssyncset.done $0x0;
	s3 =	rddreg [dreg:$0xe]  }
0x17: {  	s2 =	rddreg [dreg:$0xf];
	[sflag:s21] =	ssyncadd.s32 $0xFFFFC180  }
.LBB2_12:
0x18: {  	_ =	swait.ge [sflag:s25], $0x3E80  }
0x19: {  	[sflag:s25] =	ssyncset.done $0x0  }
0x1a: {  	[sflag:s25] =	ssyncadd.s32 $0xFFFFC180  }
0x1b: {  	[spmem:s1] =	stream.indirect.scatter.add.f32 [tilespmem:s24], [sflag:$0x3], $0x80, s26, s23, $0xb8;
	[tilespmem:$0x1FC00] =	vst v63  }
0x1c: {  	_ =	swait.ge [sflag:s21], $0x3E80  }
0x1d: {  	[sflag:s21] =	ssyncset.done $0x0  }
0x1e: {  	[sflag:s21] =	ssyncadd.s32 $0xFFFFC180  }
0x1f: {  	s0 =	sadd.s32 s0, s9;
	[bflag:$0x0] =	sbarrier.arrive $0xFFFF  }
0x20: {  	[hbm:s0], [sflag:s2] =	dma.local [spmem:s3], $0x2800  }
0x21: {  	_ =	swait.ge [sflag:s21], $0x2800  }
0x22: {  	s29 =	sadd.s32 $0x1, s29;
	s31 =	rddreg [dreg:$0xc]  }
0x23: {  	p1 =	sne.s32 s29, s31  }
.Ltmp1:
0x24: {  	_ = 	snop;
	(pc) =	sbr.rel @!p1 .LBB2_13-.Ltmp1, $3  }
0x25: {  	_ =	sdelay $0x1  }
0x26: {  	[sflag:s21] =	ssyncset.done $0x0  }
0x27: {  	[sflag:s21] =	ssyncadd.s32 $0xFFFFD800  }
.LBB2_1:
.Ltmp2:
0x28: {  	(pc) =	sbr.rel @!p0 .LBB2_2-.Ltmp2, $1  }
0x29: {  	_ =	sdelay $0x3  }
0x2a: {  	s0 =	rddreg [dreg:$0xb]  }
0x2b: {  	s2 =	rddreg [dreg:$0xd]  }
0x2c: {  	[spmem:s3], [sflag:s2] =	dma.local [hbm:s0], $0x2800  }
0x2d: {  	_ =	swait.ge [sflag:s21], $0x2800  }
0x2e: {  	[sflag:s21] =	ssyncset.done $0x0  }
0x2f: {  	[sflag:s21] =	ssyncadd.s32 $0xFFFFD800  }
0x30: {  	[bflag:$0x0] =	sbarrier.arrive $0xFFFF  }
0x31: {  	s18 =	rddreg [dreg:$0x6]  }
0x32: {  	[tilespmem:s19], [sflag:$0x3] =	stream.linear.gather [hbm4b:s18+s19], $0x2800, $0x38;
	[tilespmem:$0x1FC00] =	vst v63  }
0x33: {  	_ =	swait.ge [sflag:s21], $0x2800  }
0x34: {  	[sflag:s21] =	ssyncset.done $0x0  }
0x35: {  	s25 =	rddreg [dreg:$0x7];
	[sflag:s21] =	ssyncadd.s32 $0xFFFFD800  }
0x36: {  	[tilespmem:s20], [sflag:$0x3] =	stream.linear.gather [hbm4b:s25+s19], $0x1400, $0x38;
	[tilespmem:$0x1FC00] =	vst v63  }
0x37: {  	_ =	swait.ge [sflag:s21], $0x1400  }
0x38: {  	s26 =	simm.s32 $0xFFFFFFD9;
	s3 =	simm.s32 $0x1;
	[sflag:s21] =	ssyncset.done $0x0  }
0x39: {  	s31 =	smin.u32 s3, s26;
	[sflag:s21] =	ssyncadd.s32 $0xFFFFEC00  }
0x3a: {  	[tilespmem:s22], [sflag:$0x1] =	stream.indirect.gather [hbm4b:s5+s23], $0x80, s19, s23, $0xb8;
	[tilespmem:$0x1FC00] =	vst v63  }
0x3b: {  	s30 =	simm.s32 $0x80;
	s15 =	sand.u32 $0x1, s3;
	p1 =	sne.s32 s31, $0x0  }
0x3c: {  	[tilespmem:s24], [sflag:$0x2] =	stream.indirect.gather [hbm4b:s5+s23], $0x80, s30, s23, $0xb8;
	[tilespmem:$0x1FC00] =	vst v63  }
0x3d: {  	s10 =	sxor.u32 $0x1, s15;
	s0 =	sand.u32 @!p1 $0x3C00, s30;
	_ =	swait.ge [sflag:s3], $0x3E80  }
0x3e: {  	s12 =	sshll.u32 s10, $0xE;
	s8 =	sand.u32 @!p1 $0x380, s30;
	[sflag:s3] =	ssyncset.done $0x0  }
0x3f: {  	s7 =	simm.s32 @!p1 $0x0;
	s13 =	sadd.s32 @!p1 s9, s0;
	[sflag:s3] =	ssyncadd.s32 $0xFFFFC180  }
0x40: {  	[spmem:s1] =	stream.indirect.scatter.add.f32 [tilespmem:s22], [sflag:$0x3], $0x80, s20, s23, $0xb8;
	[tilespmem:$0x1FC00] =	vst v63  }
0x41: {  	s17 =	sor.u32 $0x3C00, s12;
	s13 =	sor.u32 @!p1 s8, s13;
	_ =	swait.ge [sflag:s21], $0x3E80  }
0x42: {  	s12 =	sadd.s32 $0x1, s10;
	s13 =	sshrl.u32 @!p1 s13, $0x3;
	[sflag:s21] =	ssyncset.done $0x0  }
0x43: {  	[dreg:$0x11] =	wrdreg s0;
	s0 =	simm.s32 $0x100;
	[sflag:s21] =	ssyncadd.s32 $0xFFFFC180  }
0x44: {  	[tilespmem:s17], [sflag:s12] =	stream.indirect.gather [hbm4b:s5+s23], $0x80, s0, s23, $0xb8;
	[tilespmem:$0x1FC00] =	vst v63  }
0x45: {  	s10 =	simm.s32 @!p1 $0x3;
	s16 =	sadd.s32 @!p1 s6, s13;
	s13 =	simm.s32 @!p1 $0x2800  }
0x46: {  	[tilespmem:s13], [sflag:$0x3] =	stream.linear.gather @!p1 [hbm4b:s16+s7], $0x1400, $0x38;
	[tilespmem:$0x1FC00] =	vst v63  }
0x47: {  	s2 =	sshll.u32 s31, $0x7;
	_ =	swait.ge @!p1 [sflag:s10], $0x1400  }
0x48: {  	p2 =	por $0x1, $0x1;
	s2 =	sand.u32 $0x3FFFFF80, s2;
	[sflag:s10] =	ssyncset.done @!p1 $0x0  }
.Ltmp3:
0x49: {  	s16 =	sadd.s32 $0x1, s15;
	[sflag:s10] =	ssyncadd.s32 @!p1 $0xFFFFEC00;
	(pc) =	sbr.rel @!p2 .LBB2_9-.Ltmp3, $4  }
0x4a: {  	s28 =	simm.s32 $0x100;
	s18 =	sadd.s32 $0x2800, s2;
	_ =	swait.ge [sflag:s16], $0x3E80  }
0x4b: {  	s19 =	simm.s32 $0x80;
	s15 =	sshll.u32 s15, $0xE;
	[sflag:s16] =	ssyncset.done $0x0  }
0x4c: {  	s22 =	simm.s32 $0x2;
	s15 =	sor.u32 $0x3C00, s15;
	[sflag:s16] =	ssyncadd.s32 $0xFFFFC180  }
0x4d: {  	[spmem:s1] =	stream.indirect.scatter.add.f32 [tilespmem:s15], [sflag:$0x3], $0x80, s18, s23, $0xb8;
	[tilespmem:$0x1FC00] =	vst v63  }
.LBB2_8:
0x4e: {  	_ =	swait.ge [sflag:s21], $0x3E80;
	s28 =	sadd.s32 $0x80, s28;
	s19 =	sadd.s32 $0x80, s19  }
0x4f: {  	s2 =	sadd.s32 $0xFFFFFFD8, s22;
	s20 =	smov.u32 s22;
	[sflag:s21] =	ssyncset.done $0x0  }
0x50: {  	s24 =	smin.u32 s20, s2;
	s22 =	sadd.s32 $0x29, s2;
	[sflag:s21] =	ssyncadd.s32 $0xFFFFC180  }
0x51: {  	s2 =	sand.u32 $0x1, s20;
	p2 =	sne.s32 s24, $0x0;
	s20 =	sshll.u32 s24, $0x7  }
0x52: {  	s24 =	sxor.u32 $0x1, s2;
	s26 =	sshll.u32 s2, $0xE;
	s25 =	sand.u32 @!p2 $0x3C00, s19  }
0x53: {  	s31 =	sshll.u32 s24, $0xE;
	s13 =	sand.u32 @!p2 $0x380, s19;
	s25 =	sadd.s32 @!p2 s9, s25  }
0x54: {  	s20 =	sand.u32 $0x3FFFFF80, s20;
	s31 =	sor.u32 $0x3C00, s31;
	s13 =	sor.u32 @!p2 s13, s25  }
0x55: {  	s24 =	sadd.s32 $0x1, s24;
	s25 =	simm.s32 @!p2 $0x3;
	s13 =	sshrl.u32 @!p2 s13, $0x3  }
0x56: {  	s14 =	simm.s32 @!p2 $0x0;
	s7 =	simm.s32 @!p2 $0x2800;
	s13 =	sadd.s32 @!p2 s6, s13  }
0x57: {  	[tilespmem:s31], [sflag:s24] =	stream.indirect.gather [hbm4b:s5+s23], $0x80, s28, s23, $0xb8;
	[tilespmem:$0x1FC00] =	vst v63  }
0x58: {  	p3 =	sne.s32 s22, $0x4F  }
0x59: {  	[tilespmem:s7], [sflag:$0x3] =	stream.linear.gather @!p2 [hbm4b:s13+s14], $0x1400, $0x38;
	[tilespmem:$0x1FC00] =	vst v63  }
0x5a: {  	s2 =	sadd.s32 $0x1, s2;
	_ =	swait.ge @!p2 [sflag:s25], $0x1400  }
0x5b: {  	[sflag:s25] =	ssyncset.done @!p2 $0x0  }
.Ltmp4:
0x5c: {  	[sflag:s25] =	ssyncadd.s32 @!p2 $0xFFFFEC00;
	(pc) =	sbr.rel @p3 .LBB2_8-.Ltmp4, $4  }
0x5d: {  	s7 =	sor.u32 $0x3C00, s26;
	s13 =	sadd.s32 $0x2800, s20;
	_ =	swait.ge [sflag:s2], $0x3E80  }
0x5e: {  	[sflag:s2] =	ssyncset.done $0x0  }
0x5f: {  	[sflag:s2] =	ssyncadd.s32 $0xFFFFC180  }
0x60: {  	[spmem:s1] =	stream.indirect.scatter.add.f32 [tilespmem:s7], [sflag:$0x3], $0x80, s13, s23, $0xb8;
	[tilespmem:$0x1FC00] =	vst v63  }
.LBB2_9:
0x61: {  	_ =	swait.ge [sflag:s21], $0x3E80  }
0x62: {  	[sflag:s21] =	ssyncset.done $0x0  }
0x63: {  	s25 =	simm.s32 $0x2;
	[sflag:s21] =	ssyncadd.s32 $0xFFFFC180  }
0x64: {  	_ =	swait.ge [sflag:s25], $0x3E80  }
0x65: {  	[sflag:s25] =	ssyncset.done $0x0  }
0x66: {  	s24 =	simm.s32 $0x7C00;
	s26 =	simm.s32 $0x3B80;
	[sflag:s25] =	ssyncadd.s32 $0xFFFFC180  }
0x67: {  	[spmem:s1] =	stream.indirect.scatter.add.f32 [tilespmem:s24], [sflag:$0x3], $0x80, s26, s23, $0xb8;
	[tilespmem:$0x1FC00] =	vst v63  }
0x68: {  	_ =	swait.ge [sflag:s21], $0x3E80  }
0x69: {  	[sflag:s21] =	ssyncset.done $0x0  }
0x6a: {  	s19 =	simm.s32 $0x0;
	s2 =	rddreg [dreg:$0x8];
	[sflag:s21] =	ssyncadd.s32 $0xFFFFC180  }
0x6b: {  	[tilespmem:s19], [sflag:$0x3] =	stream.linear.gather [hbm4b:s2+s19], $0x2800, $0x38;
	[tilespmem:$0x1FC00] =	vst v63  }
0x6c: {  	_ =	swait.ge [sflag:s21], $0x2800  }
0x6d: {  	[sflag:s21] =	ssyncset.done $0x0  }
0x6e: {  	s20 =	simm.s32 $0x2800;
	s31 =	rddreg [dreg:$0x9];
	[sflag:s21] =	ssyncadd.s32 $0xFFFFD800  }
0x6f: {  	[tilespmem:s20], [sflag:$0x3] =	stream.linear.gather [hbm4b:s31+s19], $0x1400, $0x38;
	[tilespmem:$0x1FC00] =	vst v63  }
0x70: {  	_ =	swait.ge [sflag:s21], $0x1400  }
0x71: {  	[sflag:s21] =	ssyncset.done $0x0  }
0x72: {  	s22 =	simm.s32 $0x3C00;
	[sflag:s21] =	ssyncadd.s32 $0xFFFFEC00  }
0x73: {  	[tilespmem:s22], [sflag:$0x1] =	stream.indirect.gather [hbm4b:s5+s23], $0x80, s19, s23, $0xb8;
	[tilespmem:$0x1FC00] =	vst v63  }
0x74: {  	_ = 	snop  }
0x75: {  	[tilespmem:s24], [sflag:$0x2] =	stream.indirect.gather [hbm4b:s5+s23], $0x80, s30, s23, $0xb8;
	[tilespmem:$0x1FC00] =	vst v63  }
0x76: {  	_ =	swait.ge [sflag:s3], $0x3E80  }
0x77: {  	[sflag:s3] =	ssyncset.done $0x0  }
0x78: {  	[sflag:s3] =	ssyncadd.s32 $0xFFFFC180  }
0x79: {  	[spmem:s1] =	stream.indirect.scatter.add.f32 [tilespmem:s22], [sflag:$0x3], $0x80, s20, s23, $0xb8;
	[tilespmem:$0x1FC00] =	vst v63  }
0x7a: {  	_ =	swait.ge [sflag:s21], $0x3E80  }
0x7b: {  	[sflag:s21] =	ssyncset.done $0x0;
	s2 =	rddreg [dreg:$0x11]  }
0x7c: {  	[sflag:s21] =	ssyncadd.s32 $0xFFFFC180;
	s2 =	sadd.s32 @!p1 s11, s2  }
0x7d: {  	[tilespmem:s17], [sflag:s12] =	stream.indirect.gather [hbm4b:s5+s23], $0x80, s0, s23, $0xb8;
	[tilespmem:$0x1FC00] =	vst v63  }
0x7e: {  	s2 =	sor.u32 @!p1 s8, s2  }
0x7f: {  	s2 =	sshrl.u32 @!p1 s2, $0x3  }
0x80: {  	s7 =	simm.s32 @!p1 $0x2800;
	s3 =	simm.s32 @!p1 $0x0;
	s2 =	sadd.s32 @!p1 s6, s2  }
0x81: {  	[tilespmem:s7], [sflag:$0x3] =	stream.linear.gather @!p1 [hbm4b:s2+s3], $0x1400, $0x38;
	[tilespmem:$0x1FC00] =	vst v63  }
0x82: {  	_ =	swait.ge @!p1 [sflag:s10], $0x1400  }
0x83: {  	[sflag:s10] =	ssyncset.done @!p1 $0x0  }
0x84: {  	[sflag:s10] =	ssyncadd.s32 @!p1 $0xFFFFEC00;
	p1 =	por $0x1, $0x1  }
.Ltmp5:
0x85: {  	_ = 	snop;
	(pc) =	sbr.rel @!p1 .LBB2_11-.Ltmp5, $4  }
0x86: {  	_ =	swait.ge [sflag:s16], $0x3E80  }
0x87: {  	[sflag:s16] =	ssyncset.done $0x0  }
0x88: {  	s3 =	simm.s32 $0x2;
	[sflag:s16] =	ssyncadd.s32 $0xFFFFC180  }
0x89: {  	[spmem:s1] =	stream.indirect.scatter.add.f32 [tilespmem:s15], [sflag:$0x3], $0x80, s18, s23, $0xb8;
	[tilespmem:$0x1FC00] =	vst v63  }
.LBB2_10:
0x8a: {  	_ =	swait.ge [sflag:s21], $0x3E80;
	s0 =	sadd.s32 $0x80, s0;
	s30 =	sadd.s32 $0x80, s30  }
0x8b: {  	s2 =	sadd.s32 $0xFFFFFFD8, s3;
	s7 =	smov.u32 s3;
	[sflag:s21] =	ssyncset.done $0x0  }
0x8c: {  	s8 =	smin.u32 s7, s2;
	s3 =	sadd.s32 $0x29, s2;
	[sflag:s21] =	ssyncadd.s32 $0xFFFFC180  }
0x8d: {  	s2 =	sand.u32 $0x1, s7;
	p1 =	sne.s32 s8, $0x0;
	s7 =	sshll.u32 s8, $0x7  }
0x8e: {  	s8 =	sxor.u32 $0x1, s2;
	s12 =	sshll.u32 s2, $0xE;
	s10 =	sand.u32 @!p1 $0x3C00, s30  }
0x8f: {  	s13 =	sshll.u32 s8, $0xE;
	s14 =	sand.u32 @!p1 $0x380, s30;
	s10 =	sadd.s32 @!p1 s11, s10  }
0x90: {  	s7 =	sand.u32 $0x3FFFFF80, s7;
	s13 =	sor.u32 $0x3C00, s13;
	s10 =	sor.u32 @!p1 s14, s10  }
0x91: {  	s8 =	sadd.s32 $0x1, s8;
	s14 =	simm.s32 @!p1 $0x3;
	s10 =	sshrl.u32 @!p1 s10, $0x3  }
0x92: {  	s15 =	simm.s32 @!p1 $0x0;
	s16 =	simm.s32 @!p1 $0x2800;
	s10 =	sadd.s32 @!p1 s6, s10  }
0x93: {  	[tilespmem:s13], [sflag:s8] =	stream.indirect.gather [hbm4b:s5+s23], $0x80, s0, s23, $0xb8;
	[tilespmem:$0x1FC00] =	vst v63  }
0x94: {  	p2 =	sne.s32 s3, $0x4F  }
0x95: {  	[tilespmem:s16], [sflag:$0x3] =	stream.linear.gather @!p1 [hbm4b:s10+s15], $0x1400, $0x38;
	[tilespmem:$0x1FC00] =	vst v63  }
0x96: {  	s2 =	sadd.s32 $0x1, s2;
	_ =	swait.ge @!p1 [sflag:s14], $0x1400  }
0x97: {  	[sflag:s14] =	ssyncset.done @!p1 $0x0  }
.Ltmp6:
0x98: {  	[sflag:s14] =	ssyncadd.s32 @!p1 $0xFFFFEC00;
	(pc) =	sbr.rel @p2 .LBB2_10-.Ltmp6, $4  }
0x99: {  	s7 =	sadd.s32 $0x2800, s7;
	s8 =	sor.u32 $0x3C00, s12;
	_ =	swait.ge [sflag:s2], $0x3E80  }
0x9a: {  	[sflag:s2] =	ssyncset.done $0x0  }
0x9b: {  	[sflag:s2] =	ssyncadd.s32 $0xFFFFC180  }
0x9c: {  	[spmem:s1] =	stream.indirect.scatter.add.f32 [tilespmem:s8], [sflag:$0x3], $0x80, s7, s23, $0xb8;
	[tilespmem:$0x1FC00] =	vst v63  }
.LBB2_11:
.Ltmp7:
0x9d: {  	(pc) =	sbr.rel .LBB2_12-.Ltmp7, $4  }
0x9e: {  	_ =	swait.ge [sflag:s21], $0x3E80  }
0x9f: {  	s0 =	rddreg [dreg:$0x4]  }
0xa0: {  	[sflag:s21] =	ssyncset.done $0x0;
	s2 =	rddreg [dreg:$0xd]  }
0xa1: {  	s3 =	rddreg [dreg:$0xe];
	[sflag:s21] =	ssyncadd.s32 $0xFFFFC180  }
.LBB2_2:
0xa2: {  	s0 =	rddreg [dreg:$0xa]  }
0xa3: {  	s17 =	rddreg [dreg:$0x5];
	s2 =	sor.u32 $0x1C03, s0  }
0xa4: {  	[dreg:$0xf] =	wrdreg s2  }
0xa5: {  	[spmem:s3], [sflag:s2] =	dma.local [hbm:s17], $0x2800  }
0xa6: {  	_ =	swait.ge [sflag:s21], $0x2800  }
0xa7: {  	[sflag:s21] =	ssyncset.done $0x0  }
0xa8: {  	[sflag:s21] =	ssyncadd.s32 $0xFFFFD800  }
0xa9: {  	[bflag:$0x0] =	sbarrier.arrive $0xFFFF  }
0xaa: {  	s18 =	rddreg [dreg:$0x6]  }
0xab: {  	[tilespmem:s19], [sflag:$0x3] =	stream.linear.gather [hbm4b:s18+s19], $0x2800, $0x38;
	[tilespmem:$0x1FC00] =	vst v63  }
0xac: {  	_ =	swait.ge [sflag:s21], $0x2800  }
0xad: {  	[sflag:s21] =	ssyncset.done $0x0  }
0xae: {  	s25 =	rddreg [dreg:$0x7];
	[sflag:s21] =	ssyncadd.s32 $0xFFFFD800  }
0xaf: {  	[tilespmem:s20], [sflag:$0x3] =	stream.linear.gather [hbm4b:s25+s19], $0x1400, $0x38;
	[tilespmem:$0x1FC00] =	vst v63  }
0xb0: {  	s26 =	simm.s32 $0xFFFFFFD9;
	s3 =	simm.s32 $0x1;
	_ =	swait.ge [sflag:s21], $0x1400  }
0xb1: {  	s15 =	smin.u32 s3, s26;
	[sflag:s21] =	ssyncset.done $0x0  }
0xb2: {  	s31 =	simm.s32 $0x80;
	p1 =	sne.s32 s15, $0x0;
	[sflag:s21] =	ssyncadd.s32 $0xFFFFEC00  }
0xb3: {  	[tilespmem:s22], [sflag:$0x1] =	stream.indirect.gather [hbm4b:s4+s23], $0x80, s19, s23, $0xb8;
	[tilespmem:$0x1FC00] =	vst v63  }
0xb4: {  	s0 =	sand.u32 @!p1 $0x3C00, s31  }
0xb5: {  	[tilespmem:s24], [sflag:$0x2] =	stream.indirect.gather [hbm4b:s4+s23], $0x80, s31, s23, $0xb8;
	[tilespmem:$0x1FC00] =	vst v63  }
0xb6: {  	s8 =	sand.u32 @!p1 $0x380, s31;
	s2 =	simm.s32 @!p1 $0x0;
	_ =	swait.ge [sflag:s3], $0x3E80  }
0xb7: {  	s13 =	sadd.s32 @!p1 s9, s0;
	s18 =	sand.u32 $0x1, s3;
	[sflag:s3] =	ssyncset.done $0x0  }
0xb8: {  	s13 =	sor.u32 @!p1 s8, s13;
	s10 =	sxor.u32 $0x1, s18;
	[sflag:s3] =	ssyncadd.s32 $0xFFFFC180  }
0xb9: {  	[spmem:s1] =	stream.indirect.scatter.add.f32 [tilespmem:s22], [sflag:$0x3], $0x80, s20, s23, $0xb8;
	[tilespmem:$0x1FC00] =	vst v63  }
0xba: {  	s13 =	sshrl.u32 @!p1 s13, $0x3;
	s12 =	sshll.u32 s10, $0xE;
	_ =	swait.ge [sflag:s21], $0x3E80  }
0xbb: {  	s17 =	sor.u32 $0x3C00, s12;
	s12 =	sadd.s32 $0x1, s10;
	[sflag:s21] =	ssyncset.done $0x0  }
0xbc: {  	[dreg:$0x10] =	wrdreg s0;
	s0 =	simm.s32 $0x100;
	[sflag:s21] =	ssyncadd.s32 $0xFFFFC180  }
0xbd: {  	[tilespmem:s17], [sflag:s12] =	stream.indirect.gather [hbm4b:s4+s23], $0x80, s0, s23, $0xb8;
	[tilespmem:$0x1FC00] =	vst v63  }
0xbe: {  	s7 =	simm.s32 @!p1 $0x2800;
	s16 =	sadd.s32 @!p1 s6, s13;
	s10 =	simm.s32 @!p1 $0x3  }
0xbf: {  	[tilespmem:s7], [sflag:$0x3] =	stream.linear.gather @!p1 [hbm4b:s16+s2], $0x1400, $0x38;
	[tilespmem:$0x1FC00] =	vst v63  }
0xc0: {  	p2 =	por $0x1, $0x1;
	_ =	swait.ge @!p1 [sflag:s10], $0x1400  }
0xc1: {  	s28 =	simm.s32 $0x100;
	s15 =	sshll.u32 s15, $0x7;
	[sflag:s10] =	ssyncset.done @!p1 $0x0  }
.Ltmp8:
0xc2: {  	s16 =	sadd.s32 $0x1, s18;
	[sflag:s10] =	ssyncadd.s32 @!p1 $0xFFFFEC00;
	(pc) =	sbr.rel @!p2 .LBB2_4-.Ltmp8, $4  }
0xc3: {  	s30 =	sand.u32 $0x3FFFFF80, s15;
	s19 =	simm.s32 $0x80;
	_ =	swait.ge [sflag:s16], $0x3E80  }
0xc4: {  	s22 =	simm.s32 $0x2;
	s18 =	sshll.u32 s18, $0xE;
	[sflag:s16] =	ssyncset.done $0x0  }
0xc5: {  	s15 =	sor.u32 $0x3C00, s18;
	s18 =	sadd.s32 $0x2800, s30;
	[sflag:s16] =	ssyncadd.s32 $0xFFFFC180  }
0xc6: {  	[spmem:s1] =	stream.indirect.scatter.add.f32 [tilespmem:s15], [sflag:$0x3], $0x80, s18, s23, $0xb8;
	[tilespmem:$0x1FC00] =	vst v63  }
.LBB2_3:
0xc7: {  	_ =	swait.ge [sflag:s21], $0x3E80;
	s28 =	sadd.s32 $0x80, s28;
	s19 =	sadd.s32 $0x80, s19  }
0xc8: {  	s24 =	sadd.s32 $0xFFFFFFD8, s22;
	s20 =	smov.u32 s22;
	[sflag:s21] =	ssyncset.done $0x0  }
0xc9: {  	s25 =	smin.u32 s20, s24;
	s22 =	sadd.s32 $0x29, s24;
	[sflag:s21] =	ssyncadd.s32 $0xFFFFC180  }
0xca: {  	s20 =	sand.u32 $0x1, s20;
	p2 =	sne.s32 s25, $0x0;
	s24 =	sshll.u32 s25, $0x7  }
0xcb: {  	s25 =	sxor.u32 $0x1, s20;
	s14 =	sshll.u32 s20, $0xE;
	s13 =	sand.u32 @!p2 $0x3C00, s19  }
0xcc: {  	s2 =	sshll.u32 s25, $0xE;
	s26 =	sand.u32 @!p2 $0x380, s19;
	s13 =	sadd.s32 @!p2 s9, s13  }
0xcd: {  	s24 =	sand.u32 $0x3FFFFF80, s24;
	s2 =	sor.u32 $0x3C00, s2;
	s13 =	sor.u32 @!p2 s26, s13  }
0xce: {  	s25 =	sadd.s32 $0x1, s25;
	s26 =	simm.s32 @!p2 $0x3;
	s13 =	sshrl.u32 @!p2 s13, $0x3  }
0xcf: {  	s30 =	simm.s32 @!p2 $0x0;
	s7 =	simm.s32 @!p2 $0x2800;
	s13 =	sadd.s32 @!p2 s6, s13  }
0xd0: {  	[tilespmem:s2], [sflag:s25] =	stream.indirect.gather [hbm4b:s4+s23], $0x80, s28, s23, $0xb8;
	[tilespmem:$0x1FC00] =	vst v63  }
0xd1: {  	p3 =	sne.s32 s22, $0x4F  }
0xd2: {  	[tilespmem:s7], [sflag:$0x3] =	stream.linear.gather @!p2 [hbm4b:s13+s30], $0x1400, $0x38;
	[tilespmem:$0x1FC00] =	vst v63  }
0xd3: {  	s2 =	sadd.s32 $0x1, s20;
	_ =	swait.ge @!p2 [sflag:s26], $0x1400  }
0xd4: {  	[sflag:s26] =	ssyncset.done @!p2 $0x0  }
.Ltmp9:
0xd5: {  	[sflag:s26] =	ssyncadd.s32 @!p2 $0xFFFFEC00;
	(pc) =	sbr.rel @p3 .LBB2_3-.Ltmp9, $4  }
0xd6: {  	s7 =	sor.u32 $0x3C00, s14;
	s13 =	sadd.s32 $0x2800, s24;
	_ =	swait.ge [sflag:s2], $0x3E80  }
0xd7: {  	[sflag:s2] =	ssyncset.done $0x0  }
0xd8: {  	[sflag:s2] =	ssyncadd.s32 $0xFFFFC180  }
0xd9: {  	[spmem:s1] =	stream.indirect.scatter.add.f32 [tilespmem:s7], [sflag:$0x3], $0x80, s13, s23, $0xb8;
	[tilespmem:$0x1FC00] =	vst v63  }
.LBB2_4:
0xda: {  	_ =	swait.ge [sflag:s21], $0x3E80  }
0xdb: {  	[sflag:s21] =	ssyncset.done $0x0  }
0xdc: {  	s25 =	simm.s32 $0x2;
	[sflag:s21] =	ssyncadd.s32 $0xFFFFC180  }
0xdd: {  	_ =	swait.ge [sflag:s25], $0x3E80  }
0xde: {  	[sflag:s25] =	ssyncset.done $0x0  }
0xdf: {  	s24 =	simm.s32 $0x7C00;
	s26 =	simm.s32 $0x3B80;
	[sflag:s25] =	ssyncadd.s32 $0xFFFFC180  }
0xe0: {  	[spmem:s1] =	stream.indirect.scatter.add.f32 [tilespmem:s24], [sflag:$0x3], $0x80, s26, s23, $0xb8;
	[tilespmem:$0x1FC00] =	vst v63  }
0xe1: {  	_ =	swait.ge [sflag:s21], $0x3E80  }
0xe2: {  	[sflag:s21] =	ssyncset.done $0x0  }
0xe3: {  	s19 =	simm.s32 $0x0;
	s2 =	rddreg [dreg:$0x8];
	[sflag:s21] =	ssyncadd.s32 $0xFFFFC180  }
0xe4: {  	[tilespmem:s19], [sflag:$0x3] =	stream.linear.gather [hbm4b:s2+s19], $0x2800, $0x38;
	[tilespmem:$0x1FC00] =	vst v63  }
0xe5: {  	_ =	swait.ge [sflag:s21], $0x2800  }
0xe6: {  	[sflag:s21] =	ssyncset.done $0x0  }
0xe7: {  	s20 =	simm.s32 $0x2800;
	s30 =	rddreg [dreg:$0x9];
	[sflag:s21] =	ssyncadd.s32 $0xFFFFD800  }
0xe8: {  	[tilespmem:s20], [sflag:$0x3] =	stream.linear.gather [hbm4b:s30+s19], $0x1400, $0x38;
	[tilespmem:$0x1FC00] =	vst v63  }
0xe9: {  	_ =	swait.ge [sflag:s21], $0x1400  }
0xea: {  	[sflag:s21] =	ssyncset.done $0x0  }
0xeb: {  	s22 =	simm.s32 $0x3C00;
	[sflag:s21] =	ssyncadd.s32 $0xFFFFEC00  }
0xec: {  	[tilespmem:s22], [sflag:$0x1] =	stream.indirect.gather [hbm4b:s4+s23], $0x80, s19, s23, $0xb8;
	[tilespmem:$0x1FC00] =	vst v63  }
0xed: {  	_ = 	snop  }
0xee: {  	[tilespmem:s24], [sflag:$0x2] =	stream.indirect.gather [hbm4b:s4+s23], $0x80, s31, s23, $0xb8;
	[tilespmem:$0x1FC00] =	vst v63  }
0xef: {  	_ =	swait.ge [sflag:s3], $0x3E80  }
0xf0: {  	[sflag:s3] =	ssyncset.done $0x0  }
0xf1: {  	[sflag:s3] =	ssyncadd.s32 $0xFFFFC180  }
0xf2: {  	[spmem:s1] =	stream.indirect.scatter.add.f32 [tilespmem:s22], [sflag:$0x3], $0x80, s20, s23, $0xb8;
	[tilespmem:$0x1FC00] =	vst v63  }
0xf3: {  	_ =	swait.ge [sflag:s21], $0x3E80  }
0xf4: {  	[sflag:s21] =	ssyncset.done $0x0;
	s2 =	rddreg [dreg:$0x10]  }
0xf5: {  	[sflag:s21] =	ssyncadd.s32 $0xFFFFC180;
	s2 =	sadd.s32 @!p1 s11, s2  }
0xf6: {  	[tilespmem:s17], [sflag:s12] =	stream.indirect.gather [hbm4b:s4+s23], $0x80, s0, s23, $0xb8;
	[tilespmem:$0x1FC00] =	vst v63  }
0xf7: {  	s2 =	sor.u32 @!p1 s8, s2  }
0xf8: {  	s2 =	sshrl.u32 @!p1 s2, $0x3  }
0xf9: {  	s7 =	simm.s32 @!p1 $0x2800;
	s3 =	simm.s32 @!p1 $0x0;
	s2 =	sadd.s32 @!p1 s6, s2  }
0xfa: {  	[tilespmem:s7], [sflag:$0x3] =	stream.linear.gather @!p1 [hbm4b:s2+s3], $0x1400, $0x38;
	[tilespmem:$0x1FC00] =	vst v63  }
0xfb: {  	_ =	swait.ge @!p1 [sflag:s10], $0x1400  }
0xfc: {  	[sflag:s10] =	ssyncset.done @!p1 $0x0  }
0xfd: {  	[sflag:s10] =	ssyncadd.s32 @!p1 $0xFFFFEC00;
	p1 =	por $0x0, $0x0  }
.Ltmp10:
0xfe: {  	_ = 	snop;
	(pc) =	sbr.rel @p1 .LBB2_6-.Ltmp10, $4  }
0xff: {  	_ =	swait.ge [sflag:s16], $0x3E80  }
0x100: {  	[sflag:s16] =	ssyncset.done $0x0  }
0x101: {  	s3 =	simm.s32 $0x2;
	[sflag:s16] =	ssyncadd.s32 $0xFFFFC180  }
0x102: {  	[spmem:s1] =	stream.indirect.scatter.add.f32 [tilespmem:s15], [sflag:$0x3], $0x80, s18, s23, $0xb8;
	[tilespmem:$0x1FC00] =	vst v63  }
.LBB2_5:
0x103: {  	_ =	swait.ge [sflag:s21], $0x3E80;
	s0 =	sadd.s32 $0x80, s0;
	s31 =	sadd.s32 $0x80, s31  }
0x104: {  	s2 =	sadd.s32 $0xFFFFFFD8, s3;
	s7 =	smov.u32 s3;
	[sflag:s21] =	ssyncset.done $0x0  }
0x105: {  	s8 =	smin.u32 s7, s2;
	s3 =	sadd.s32 $0x29, s2;
	[sflag:s21] =	ssyncadd.s32 $0xFFFFC180  }
0x106: {  	s2 =	sand.u32 $0x1, s7;
	p1 =	sne.s32 s8, $0x0;
	s7 =	sshll.u32 s8, $0x7  }
0x107: {  	s8 =	sxor.u32 $0x1, s2;
	s12 =	sshll.u32 s2, $0xE;
	s10 =	sand.u32 @!p1 $0x3C00, s31  }
0x108: {  	s13 =	sshll.u32 s8, $0xE;
	s14 =	sand.u32 @!p1 $0x380, s31;
	s10 =	sadd.s32 @!p1 s11, s10  }
0x109: {  	s7 =	sand.u32 $0x3FFFFF80, s7;
	s13 =	sor.u32 $0x3C00, s13;
	s10 =	sor.u32 @!p1 s14, s10  }
0x10a: {  	s8 =	sadd.s32 $0x1, s8;
	s14 =	simm.s32 @!p1 $0x3;
	s10 =	sshrl.u32 @!p1 s10, $0x3  }
0x10b: {  	s15 =	simm.s32 @!p1 $0x0;
	s16 =	simm.s32 @!p1 $0x2800;
	s10 =	sadd.s32 @!p1 s6, s10  }
0x10c: {  	[tilespmem:s13], [sflag:s8] =	stream.indirect.gather [hbm4b:s4+s23], $0x80, s0, s23, $0xb8;
	[tilespmem:$0x1FC00] =	vst v63  }
0x10d: {  	p2 =	seq.s32 s3, $0x4F  }
0x10e: {  	[tilespmem:s16], [sflag:$0x3] =	stream.linear.gather @!p1 [hbm4b:s10+s15], $0x1400, $0x38;
	[tilespmem:$0x1FC00] =	vst v63  }
0x10f: {  	s2 =	sadd.s32 $0x1, s2;
	_ =	swait.ge @!p1 [sflag:s14], $0x1400  }
0x110: {  	[sflag:s14] =	ssyncset.done @!p1 $0x0  }
.Ltmp11:
0x111: {  	[sflag:s14] =	ssyncadd.s32 @!p1 $0xFFFFEC00;
	(pc) =	sbr.rel @!p2 .LBB2_5-.Ltmp11, $4  }
0x112: {  	s7 =	sadd.s32 $0x2800, s7;
	s8 =	sor.u32 $0x3C00, s12;
	_ =	swait.ge [sflag:s2], $0x3E80  }
0x113: {  	[sflag:s2] =	ssyncset.done $0x0  }
0x114: {  	[sflag:s2] =	ssyncadd.s32 $0xFFFFC180  }
0x115: {  	[spmem:s1] =	stream.indirect.scatter.add.f32 [tilespmem:s8], [sflag:$0x3], $0x80, s7, s23, $0xb8;
	[tilespmem:$0x1FC00] =	vst v63  }
.Ltmp12:
0x116: {  	_ = 	snop;
	(pc) =	sbr.rel .LBB2_6-.Ltmp12, $1  }
0x117: {  	_ =	sdelay $0x3  }
.LBB2_13:
0x118: {  	_ =	sfence.sel $0x180000  }
0x119: {  	[bflag:$0x0] =	sbarrier.arrive $0xFFFF  }
0x11a: {  	_ =	strace $0x9000004D  }
0x11b: {  	s0 =	stileid.u32;
	[bflag:$0x2] =	sbarrier.arrive $0xFFFF  }
0x11c: {  	p0 =	sne.s32 s0, $0x0;
	s0 =	rddreg [dreg:$0x2]  }
0x11d: {  	s0 =	sadd.s32 @!p0 $0x100000, s0  }
0x11e: {  	[sflag:s0] =	ssyncadd.tile.s32 @!p0 $0x1;
	_ =	shalt  }
.Lfunc_end2:
_tile_overlayer_lowered:
.L_overlay_start_2:
0x11f: {  	(tag) =	ssettag $0x2  }
0x120: {  	s0 =	rddreg [dreg:$0x0];
	s2 =	stileid.u32  }
0x121: {  	s1 =	rddreg [dreg:$0x1];
	p0 =	sne.s32 s2, $0x0  }
0x122: {  	s3 =	rddreg [dreg:$0x2];
	[bflag:$0x3] =	sbarrier.arrive $0xFFFF;
	s2 =	simm.s32 @!p0 $0x1C03  }
0x123: {  	[timem:s3], [sflag:s2] =	dma.local @!p0 [hbm:s0], s1  }
0x124: {  	s0 =	simm.s32 @!p0 $0x3  }
0x125: {  	_ =	swait.ge @!p0 [sflag:s0], s1  }
0x126: {  	s1 =	ssub.s32 @!p0 $0x0, s1;
	[sflag:s0] =	ssyncset.done @!p0 $0x0  }
0x127: {  	[sflag:s0] =	ssyncadd.s32 @!p0 s1  }
0x128: {  	[bflag:$0x3] =	sbarrier.arrive $0xFFFF  }
0x129: {  	_ =	shalt  }

// kernel: kernel.21.cloned.1.call-start
scs
__scs_entry_jumppad:
0x0: {  	(pc) =	sbr.rel $0x88, $3  }
0x1: {  	(tag) =	ssettag $0x0;
	lr =	simm.s32 $0x1  }
0x2: {  	[smem:$0x3F95] =	sst lr;
	_ =	strace $0xD0000000  }
0x3: {  	_ = 	snop  }
0x4: {  	_ = 	snop  }
0x5: {  	_ = 	snop  }
0x6: {  	_ = 	snop  }
0x7: {  	_ = 	snop  }
__scs_overlays_trampoline_lowered:
0x8: {  	[smem:$0x3FA4] =	sst s0  }
0x9: {  	[smem:$0x3FA5] =	sst s1  }
0xa: {  	[smem:$0x3FA6] =	sst s2  }
0xb: {  	[smem:$0x3FA7] =	sst s3  }
0xc: {  	[smem:$0x3FA8] =	sst s4  }
0xd: {  	[smem:$0x3FA9] =	sst s5  }
0xe: {  	[smem:$0x3FAA] =	sst s6  }
0xf: {  	[smem:$0x3FAB] =	sst s7  }
0x10: {  	[smem:$0x3FAC] =	sst s8  }
0x11: {  	[smem:$0x3FAD] =	sst s9;
	s0 =	simm.s32 @!p0 $0x0  }
0x12: {  	s1 =	sld [smem:$0x3F93];
	s0 =	simm.s32 @p0 $0x1  }
0x13: {  	[smem:$0x3FAE] =	sst s0;
	s0 =	simm.s32 @!p1 $0x0  }
0x14: {  	s2 =	sld [smem:$0x3F92];
	s0 =	simm.s32 @p1 $0x1  }
0x15: {  	[smem:$0x3FAF] =	sst s0;
	s0 =	simm.s32 @!p2 $0x0  }
0x16: {  	s3 =	sld [smem:$0x3FDB];
	s0 =	simm.s32 @p2 $0x1  }
0x17: {  	s4 =	simm.s32 $0x1BF5;
	[smem:$0x3FB1] =	sst s0  }
0x18: {  	s0 =	sld [smem:$0x3F94];
	_ =	swait.ge [sflag:s4], $0x0  }
0x19: {  	s7 =	sld [smem:$0x3F95]  }
0x1a: {  	s8 =	sadd.s32 $0xFFFFE003, lr  }
0x1b: {  	s9 =	sadd.s32 $0xFFFFFEF7, lr;
	s5 =	simm.s32 $0xFFFFFFFF;
	p2 =	slt.u32 s8, $0xFFFFF086  }
0x1c: {  	p1 =	slt.u32 s9, $0xF7A;
	s5 =	simm.s32 @!p2 $0x0  }
0x1d: {  	s5 =	simm.s32 @p1 $0x1;
	p0 =	seq.s32 s7, s2  }
0x1e: {  	s7 =	smul.u32 @!p0 $0xF7A, s2;
	p2 =	seq.s32 @!p0 s5, $0x0  }
0x1f: {  	s9 =	smul.u32 $0xF7A, s1;
	s8 =	simm.s32 @!p0 $0x1BF5;
	p2 =	por !p2, p0  }
0x20: {  	[sflag:s8] =	ssyncset.s32 @!p0 $0xFFFFF086;
	s6 =	sadd.s32 @!p0 s3, s7;
	s7 =	simm.s32 @!p0 $0x108  }
0x21: {  	s3 =	sadd.s32 s3, s9;
	s6 =	sadd.s32 @!p0 $0x88, s6;
	s7 =	simm.s32 @p2 $0x1082  }
0x22: {  	[simem:s7], [sflag:s8] =	dma.local @!p0 [hbm:s6], $0xF7A  }
0x23: {  	s9 =	sor.u32 $0xD0000000, s2;
	s6 =	simm.s32 $0x108;
	_ =	swait.ge @!p0 [sflag:s8], $0x0  }
0x24: {  	s3 =	sadd.s32 $0x88, s3;
	s6 =	simm.s32 @!p1 $0x1082;
	[sflag:s4] =	ssyncset.s32 $0xFFFFF086  }
0x25: {  	[simem:s6], [sflag:s4] =	dma.local [hbm:s3], $0xF7A  }
0x26: {  	[smem:$0x3F95] =	sst s1;
	(tag) =	ssettag s2;
	_ =	strace s9  }
0x27: {  	s1 =	sld [smem:$0x3FA5]  }
0x28: {  	s2 =	sld [smem:$0x3FA6]  }
0x29: {  	s4 =	sld [smem:$0x3FA8]  }
0x2a: {  	p0 =	seq.s32 s5, $0x0;
	s5 =	sld [smem:$0x3FA9]  }
0x2b: {  	s6 =	sld [smem:$0x3FAA]  }
0x2c: {  	s7 =	sld [smem:$0x3FAB]  }
0x2d: {  	s3 =	simm.s32 $0x108;
	s8 =	sld [smem:$0x3FAC]  }
0x2e: {  	s3 =	simm.s32 @!p0 $0x1082;
	s9 =	sld [smem:$0x3FAD]  }
0x2f: {  	lr =	sadd.s32 s0, s3;
	s0 =	sld [smem:$0x3FA4]  }
0x30: {  	s3 =	sld [smem:$0x3FA7]  }
0x31: {  	[smem:$0x3FB0] =	sst s10  }
0x32: {  	s10 =	sld [smem:$0x3FAE];
	_ =	sdelay $0x3  }
0x33: {  	p0 =	seq.s32 s10, $0x1;
	s10 =	sld [smem:$0x3FB0];
	_ =	sdelay $0x3  }
0x34: {  	[smem:$0x3FB0] =	sst s10  }
0x35: {  	s10 =	sld [smem:$0x3FAF];
	_ =	sdelay $0x3  }
0x36: {  	p1 =	seq.s32 s10, $0x1;
	s10 =	sld [smem:$0x3FB0];
	_ =	sdelay $0x3  }
0x37: {  	[smem:$0x3FB0] =	sst s10  }
0x38: {  	s10 =	sld [smem:$0x3FB1]  }
0x39: {  	_ = 	snop;
	(pc) =	sbr.ind lr, $3  }
0x3a: {  	_ = 	snop  }
0x3b: {  	_ = 	snop  }
0x3c: {  	p2 =	seq.s32 s10, $0x1;
	s10 =	sld [smem:$0x3FB0]  }
0x3d: {  	_ =	shalt  }
0x3e: {  	_ =	shalt  }
0x3f: {  	_ =	shalt  }
0x40: {  	_ =	shalt  }
0x41: {  	_ =	shalt  }
0x42: {  	_ =	shalt  }
0x43: {  	_ =	shalt  }
0x44: {  	_ =	shalt  }
0x45: {  	_ =	shalt  }
0x46: {  	_ =	shalt  }
0x47: {  	_ =	shalt  }
0x48: {  	_ =	shalt  }
0x49: {  	_ =	shalt  }
0x4a: {  	_ =	shalt  }
0x4b: {  	_ =	shalt  }
0x4c: {  	_ =	shalt  }
0x4d: {  	_ =	shalt  }
0x4e: {  	_ =	shalt  }
0x4f: {  	_ =	shalt  }
0x50: {  	_ =	shalt  }
0x51: {  	_ =	shalt  }
0x52: {  	_ =	shalt  }
0x53: {  	_ =	shalt  }
0x54: {  	_ =	shalt  }
0x55: {  	_ =	shalt  }
0x56: {  	_ =	shalt  }
0x57: {  	_ =	shalt  }
0x58: {  	_ =	shalt  }
0x59: {  	_ =	shalt  }
0x5a: {  	_ =	shalt  }
0x5b: {  	_ =	shalt  }
0x5c: {  	_ =	shalt  }
0x5d: {  	_ =	shalt  }
0x5e: {  	_ =	shalt  }
0x5f: {  	_ =	shalt  }
0x60: {  	_ =	shalt  }
0x61: {  	_ =	shalt  }
0x62: {  	_ =	shalt  }
0x63: {  	_ =	shalt  }
0x64: {  	_ =	shalt  }
0x65: {  	_ =	shalt  }
0x66: {  	_ =	shalt  }
0x67: {  	_ =	shalt  }
0x68: {  	_ =	shalt  }
0x69: {  	_ =	shalt  }
0x6a: {  	_ =	shalt  }
0x6b: {  	_ =	shalt  }
0x6c: {  	_ =	shalt  }
0x6d: {  	_ =	shalt  }
0x6e: {  	_ =	shalt  }
0x6f: {  	_ =	shalt  }
0x70: {  	_ =	shalt  }
0x71: {  	_ =	shalt  }
0x72: {  	_ =	shalt  }
0x73: {  	_ =	shalt  }
0x74: {  	_ =	shalt  }
0x75: {  	_ =	shalt  }
0x76: {  	_ =	shalt  }
0x77: {  	_ =	shalt  }
0x78: {  	_ =	shalt  }
0x79: {  	_ =	shalt  }
0x7a: {  	_ =	shalt  }
0x7b: {  	_ =	shalt  }
0x7c: {  	_ =	shalt  }
0x7d: {  	_ =	shalt  }
0x7e: {  	_ =	shalt  }
0x7f: {  	_ =	shalt  }
0x80: {  	_ =	shalt  }
0x81: {  	_ =	shalt  }
0x82: {  	_ =	shalt  }
0x83: {  	_ =	shalt  }
0x84: {  	_ =	shalt  }
0x85: {  	_ =	shalt  }
0x86: {  	_ =	shalt  }
0x87: {  	_ =	shalt  }
.Lfunc_end0:
.L_simem_size_0:
called_computation.3_lowered:
.L_overlay_start_0:
0x88: {  	s2 =	sld [smem:$0x3FD9]  }
0x89: {  	s3 =	sld [smem:$0x3FFE];
	_ =	sdelay $0x1  }
0x8a: {  	s1 =	srdreg.scid  }
0x8b: {  	s0 =	sand.u32 $0x1, s1  }
0x8c: {  	s16 =	sshll.u32 s0, $0xA;
	s2 =	sadd.s32 s3, s2  }
0x8d: {  	s2 =	sadd.s32 s2, s16  }
0x8e: {  	[smem:$0x3FBC] =	sst s2  }
0x8f: {  	_ = 	snop  }
0x90: {  	(tm) =	ssettm $0x1  }
0x91: {  	s17 =	sld [smem:$0x3FFB];
	_ =	sdelay $0x3  }
0x92: {  	_ =	strace s17  }
0x93: {  	s2 =	sld [smem:$0x3FFC];
	_ =	sdelay $0x3  }
0x94: {  	_ =	strace s2  }
0x95: {  	s2 =	sld [smem:$0x3FFD];
	_ =	sdelay $0x3  }
0x96: {  	_ =	strace s2  }
0x97: {  	_ =	strace $0x8FFFFFFF  }
0x98: {  	s18 =	sld [smem:$0x3FDB];
	_ =	sdelay $0x1  }
0x99: {  	s19 =	simm.s32 $_scs_section_size  }
0x9a: {  	s4 =	simm.s32 $_size__tile_overlayer_lowered;
	s5 =	simm.s32 $_tile_overlayer_lowered  }
0x9b: {  	s22 =	simm.s32 $0x1BFF;
	s21 =	sshll.u32 s5, $0x1;
	s2 =	sadd.s32 s19, s18  }
0x9c: {  	s6 =	simm.s32 $0x0;
	s20 =	sshll.u32 s4, $0x1;
	s4 =	sadd.s32 s21, s2  }
0x9d: {  	[timem:s6], [sflag:s22] =	dma.local [hbm:s4], s20  }
0x9e: {  	_ =	swait.ge [sflag:s22], s20  }
0x9f: {  	s3 =	ssub.s32 $0x0, s20;
	[sflag:s22] =	ssyncset.done $0x0  }
0xa0: {  	[sflag:s22] =	ssyncadd.s32 s3;
	_ =	sdelay $0x1  }
0xa1: {  	s23 =	simm.s32 $0x1B8B  }
0xa2: {  	_ =	swait.ge [sflag:s23], $0x1  }
0xa3: {  	[sflag:s23] =	ssyncset.done $0x0  }
0xa4: {  	s25 =	simm.s32 $0x1B8E;
	s24 =	sld [smem:$0x3FFE];
	[sflag:s23] =	ssyncadd.s32 $0xFFFFFFFF  }
0xa5: {  	s26 =	simm.s32 $execute0_lowered;
	[smem:$0x3FD2] =	sst s25  }
0xa6: {  	s4 =	sshll.u32 s26, $0x1;
	_ =	strace $0x8000004F;
	[dreg:$0x1] =	wrdreg $0xFFFFFFFF  }
0xa7: {  	s28 =	simm.s32 $_size_execute0_lowered;
	s2 =	sadd.s32 s2, s4;
	[dreg:$0x0] =	wrdreg $0x0  }
0xa8: {  	s4 =	sshll.u32 s28, $0x1;
	[dreg:$0x2] =	wrdreg s2  }
0xa9: {  	[dreg:$0x3] =	wrdreg s4  }
0xaa: {  	[dreg:$0x4] =	wrdreg $0xC0  }
0xab: {  	_ =	task [dreg:s6], $0x5FFFF  }
0xac: {  	[dreg:$0x1] =	wrdreg $0xFFFFFFFF  }
0xad: {  	[dreg:$0x0] =	wrdreg $0x60  }
0xae: {  	[dreg:$0x2] =	wrdreg s24  }
0xaf: {  	[dreg:$0x3] =	wrdreg $0x67700  }
0xb0: {  	[dreg:$0x4] =	wrdreg $0x9  }
0xb1: {  	_ =	task.clear_ibuf [dreg:s6], $0x5FFFF;
	_ =	strace $0x9000004F  }
0xb2: {  	s29 =	simm.s32 $0x9;
	_ =	strace $0x80000051  }
0xb3: {  	_ =	swait.ge [sflag:s29], $0x1  }
0xb4: {  	[sflag:s29] =	ssyncadd.s32 $0xFFFFFFFF  }
0xb5: {  	_ =	strace $0x90000051  }
0xb6: {  	_ =	sfence  }
0xb7: {  	s30 =	sld [smem:$0x0];
	_ =	sdelay $0x2  }
0xb8: {  	s31 =	sshll.u32 s1, $0xD;
	s1 =	sshrl.u32 s1, $0x2  }
0xb9: {  	s3 =	sand.u32 $0x4000, s31;
	s1 =	sadd.s32 s1, s30  }
0xba: {  	s0 =	sor.u32 s3, s0;
	s1 =	sshll.u32 s1, $0x11  }
0xbb: {  	s0 =	sor.u32 s1, s0  }
0xbc: {  	s0 =	sadd.s32 $0x8F2B, s0  }
0xbd: {  	[sflag:s0] =	ssyncadd.remote.s32 $0x1  }
0xbe: {  	_ =	sfence.sel $0xFFFF  }
0xbf: {  	[dreg:$0x0] =	wrdreg $0xFFFFFFFF;
	(pc) =	sbr.abs _section_cstart, $3  }
0xc0: {  	[dreg:$0x1] =	wrdreg $0xFFFFFFFF  }
0xc1: {  	_ =	task.clear_ibuf [dreg:s6], $0x2FFFF;
	_ =	strace $0x9FFFFFFF  }
0xc2: {  	(tm) =	ssettm $0x7FFFFFFF  }
0xc3: {  	_ =	shalt  }
tec
execute0_lowered:
.L_overlay_start_1:
0x0: {  	(tag) =	ssettag $0x1  }
0x1: {  	s0 =	srdreg.scid;
	s1 =	rddreg [dreg:$0x0]  }
0x2: {  	s2 =	rddreg [dreg:$0x1];
	s11 =	stileid.u32  }
0x3: {  	s3 =	simm.s32 $0x0;
	s14 =	simm.s32 $0x7D;
	s15 =	simm.s32 $0x5000  }
0x4: {  	s17 =	simm.s32 $0x57D0;
	s18 =	simm.s32 $0x1;
	s19 =	simm.s32 $0x2  }
0x5: {  	s21 =	simm.s32 $0x6;
	s22 =	simm.s32 $0x4;
	s23 =	simm.s32 $0x5  }
0x6: {  	s24 =	simm.s32 $0x0;
	s0 =	sand.u32 $0x1, s0;
	[smem:$0x7FF] =	sst s3  }
0x7: {  	s30 =	smul.u32 $0x2800, s11;
	s31 =	sshll.u32 s11, $0x6;
	s4 =	sshll.u32 s0, $0x4  }
0x8: {  	s6 =	ssub.s32 $0x2, s0;
	_ =	strace $0x80000050;
	p0 =	seq.s32 s0, $0x1  }
0x9: {  	s0 =	simm.s32 $0xA800;
	s12 =	sor.u32 $0x1C07, s31;
	s4 =	sor.u32 s11, s4  }
0xa: {  	s7 =	sshrl.u32 s6, $0x1;
	s10 =	sshrl.u32 s30, $0x3;
	s0 =	simm.s32 @!p0 $0xF800  }
0xb: {  	s13 =	sadd.s32 s30, s2;
	s11 =	simm.s32 $0x2800;
	s5 =	smul.u32 $0x500, s4  }
0xc: {  	s4 =	sadd.s32 $0x5800, s1;
	s9 =	ssub.s32 s6, s7;
	s0 =	sadd.s32 s0, s1  }
0xd: {  	s13 =	sshrl.u32 s13, $0x3;
	s7 =	sadd.s32 s4, s10;
	s8 =	sadd.s32 s5, s1  }
0xe: {  	s5 =	sadd.s32 $0x13BE00, s8;
	s6 =	sadd.s32 $0x131E00, s8;
	s8 =	smax.u32 s9, $0x1  }
0xf: {  	s9 =	sadd.s32 s0, s10;
	s10 =	simm.s32 $0x7;
	[dreg:$0x3] =	wrdreg s5  }
.LBB2_1:
0x10: {  	s0 =	rddreg [dreg:$0x3]  }
0x11: {  	[tilespmem:s3], [sflag:$0x7] =	stream.linear.gather [hbm4b:s0+s3], $0x2800, $0x38;
	[tilespmem:$0x8F70] =	vst v63  }
0x12: {  	_ =	swait.ge [sflag:s10], $0x2800  }
0x13: {  	[sflag:s10] =	ssyncset.done $0x0  }
0x14: {  	[sflag:s10] =	ssyncadd.s32 $0xFFFFD800  }
0x15: {  	[tilespmem:s11], [sflag:$0x7] =	stream.linear.gather [hbm4b:s6+s3], $0x2800, $0x38;
	[tilespmem:$0x8F70] =	vst v63  }
0x16: {  	_ =	swait.ge [sflag:s10], $0x2800  }
0x17: {  	[sflag:s10] =	ssyncset.done $0x0  }
0x18: {  	s25 =	simm.s32 $0x80;
	s26 =	smul.u32 $0xAB, s19;
	[sflag:s10] =	ssyncadd.s32 $0xFFFFD800  }
0x19: {  	[spmem:s13], [sflag:s12] =	dma.local [hbm:s7], $0x500  }
0x1a: {  	s29 =	simm.s32 $0x2880;
	p0 =	por $0x1, $0x1;
	_ =	swait.ge [sflag:s10], $0x500  }
0x1b: {  	s1 =	sadd.s32 $0xFFFFFF55, s26;
	s0 =	sshrl.u32 s26, $0x9;
	[sflag:s10] =	ssyncset.done $0x0  }
0x1c: {  	s1 =	sshrl.u32 s1, $0x9;
	s0 =	sand.u32 $0x7F, s0;
	[sflag:s10] =	ssyncadd.s32 $0xFFFFFB00  }
0x1d: {  	s1 =	sand.u32 $0x7F, s1;
	s0 =	smul.u32 $0x3, s0;
	[bflag:$0x0] =	sbarrier.arrive $0xFFFF  }
0x1e: {  	[tilespmem:s15], [sflag:$0x1] =	stream.indirect.gather [hbm4b:s4+s14], $0x10, s3, s14, $0xb8;
	[tilespmem:$0x8F70] =	vst v63  }
0x1f: {  	s30 =	simm.s32 $0x4;
	s26 =	simm.s32 $0x100;
	s1 =	smul.u32 $0x3, s1  }
0x20: {  	[tilespmem:s17], [sflag:$0x2] =	stream.indirect.gather [hbm4b:s4+s14], $0x10, s25, s14, $0xb8;
	[tilespmem:$0x8F70] =	vst v63  }
0x21: {  	s0 =	ssub.s32 $0x2, s0;
	s1 =	ssub.s32 $0x1, s1;
	_ =	swait.ge [sflag:s18], $0x7D0  }
0x22: {  	s0 =	sand.u32 $0xFF, s0;
	s1 =	sand.u32 $0xFF, s1;
	[sflag:s18] =	ssyncset.done $0x0  }
0x23: {  	s28 =	sadd.s32 @!p0 $0x4, s0;
	s31 =	smul.u32 $0x1F40, s0;
	[sflag:s18] =	ssyncadd.s32 $0xFFFFF830  }
0x24: {  	[spmem:s2] =	stream.indirect.scatter.add.f32 [tilespmem:s15], [sflag:$0x4], $0x10, s11, s14, $0xb8;
	[tilespmem:$0x8F70] =	vst v63  }
0x25: {  	s0 =	sadd.s32 $0x1, s0;
	s16 =	smul.u32 $0x1F40, s1;
	_ =	swait.ge @!p0 [sflag:s28], $0x7D0  }
0x26: {  	s20 =	sadd.s32 $0x1, s1;
	s31 =	sshrl.u32 s31, $0x2;
	[sflag:s28] =	ssyncset.done @!p0 $0x0  }
0x27: {  	s25 =	simm.s32 $0x3;
	[sflag:s28] =	ssyncadd.s32 @!p0 $0xFFFFF830;
	s28 =	sadd.s32 $0x5000, s31  }
0x28: {  	[tilespmem:s28], [sflag:s0] =	stream.indirect.gather [hbm4b:s4+s14], $0x10, s26, s14, $0xb8;
	[tilespmem:$0x8F70] =	vst v63  }
0x29: {  	s16 =	sshrl.u32 s16, $0x2;
	s31 =	smul.u32 $0xAB, s25;
	_ =	swait.ge [sflag:s20], $0x7D0  }
0x2a: {  	s28 =	simm.s32 $0x180;
	s0 =	sadd.s32 $0x4, s1;
	[sflag:s20] =	ssyncset.done $0x0  }
0x2b: {  	s26 =	simm.s32 $0x2900;
	s1 =	sadd.s32 $0x5000, s16;
	[sflag:s20] =	ssyncadd.s32 $0xFFFFF830  }
.LBB2_2:
0x2c: {  	[spmem:s2] =	stream.indirect.scatter.add.f32 [tilespmem:s1], [sflag:s0], $0x10, s29, s14, $0xb8;
	[tilespmem:$0x8F70] =	vst v63  }
0x2d: {  	s0 =	smov.u32 s30;
	s29 =	smov.u32 s26  }
0x2e: {  	s30 =	sadd.s32 $0x1, s30;
	s1 =	sadd.s32 $0xFFFFFF55, s31;
	s16 =	sshrl.u32 s31, $0x9  }
0x2f: {  	p0 =	sne.s32 s30, $0x50;
	s1 =	sshrl.u32 s1, $0x9;
	s16 =	sand.u32 $0x7F, s16  }
0x30: {  	s1 =	sand.u32 $0x7F, s1;
	s16 =	smul.u32 $0x3, s16  }
0x31: {  	s1 =	smul.u32 $0x3, s1  }
0x32: {  	s20 =	sadd.s32 $0xFFFFFFFF, s25;
	s16 =	ssub.s32 s25, s16;
	s25 =	smov.u32 s0  }
0x33: {  	p1 =	slt.u32 s20, $0x2;
	s0 =	ssub.s32 s20, s1;
	s1 =	sand.u32 $0xFF, s16  }
0x34: {  	s0 =	sand.u32 $0xFF, s0;
	s16 =	sadd.s32 @!p1 $0x4, s1;
	s20 =	smul.u32 $0x1F40, s1  }
0x35: {  	s1 =	sadd.s32 $0x1, s1;
	_ =	swait.ge @!p1 [sflag:s16], $0x7D0;
	s31 =	smul.u32 $0x1F40, s0  }
0x36: {  	s5 =	sadd.s32 $0x1, s0;
	[sflag:s16] =	ssyncset.done @!p1 $0x0;
	s20 =	sshrl.u32 s20, $0x2  }
.Ltmp0:
0x37: {  	[sflag:s16] =	ssyncadd.s32 @!p1 $0xFFFFF830;
	s16 =	sadd.s32 $0x5000, s20;
	(pc) =	sbr.rel @p0 .LBB2_2-.Ltmp0, $4  }
0x38: {  	[tilespmem:s16], [sflag:s1] =	stream.indirect.gather [hbm4b:s4+s14], $0x10, s28, s14, $0xb8;
	[tilespmem:$0x8F70] =	vst v63  }
0x39: {  	s1 =	sshrl.u32 s31, $0x2;
	s28 =	sadd.s32 $0x80, s28;
	_ =	swait.ge [sflag:s5], $0x7D0  }
0x3a: {  	s26 =	sadd.s32 $0x80, s26;
	s0 =	sadd.s32 $0x4, s0;
	[sflag:s5] =	ssyncset.done $0x0  }
0x3b: {  	s31 =	smul.u32 $0xAB, s25;
	s1 =	sadd.s32 $0x5000, s1;
	[sflag:s5] =	ssyncadd.s32 $0xFFFFF830  }
0x3c: {  	[spmem:s2] =	stream.indirect.scatter.add.f32 [tilespmem:s1], [sflag:s0], $0x10, s29, s14, $0xb8;
	[tilespmem:$0x8F70] =	vst v63  }
0x3d: {  	s30 =	sshrl.u32 s31, $0x9  }
0x3e: {  	s29 =	sadd.s32 $0xFFFFFF55, s31;
	s1 =	sand.u32 $0x7F, s30  }
0x3f: {  	s0 =	sshrl.u32 s29, $0x9;
	s1 =	smul.u32 $0x3, s1  }
0x40: {  	s0 =	sand.u32 $0x7F, s0  }
0x41: {  	s5 =	sadd.s32 $0xFFFFFFFF, s25;
	s0 =	smul.u32 $0x3, s0;
	s1 =	ssub.s32 s25, s1  }
0x42: {  	p0 =	slt.u32 s5, $0x2;
	s1 =	sand.u32 $0xFF, s1  }
0x43: {  	s0 =	ssub.s32 s5, s0;
	s5 =	sadd.s32 @!p0 $0x4, s1;
	s16 =	smul.u32 $0x1F40, s1  }
0x44: {  	s0 =	sand.u32 $0xFF, s0;
	s1 =	sadd.s32 $0x1, s1;
	_ =	swait.ge @!p0 [sflag:s5], $0x7D0  }
0x45: {  	s20 =	smul.u32 $0x1F40, s0;
	[sflag:s5] =	ssyncset.done @!p0 $0x0;
	s16 =	sshrl.u32 s16, $0x2  }
0x46: {  	s31 =	sadd.s32 $0x1, s0;
	[sflag:s5] =	ssyncadd.s32 @!p0 $0xFFFFF830;
	s29 =	sadd.s32 $0x5000, s16  }
0x47: {  	[tilespmem:s29], [sflag:s1] =	stream.indirect.gather [hbm4b:s4+s14], $0x10, s28, s14, $0xb8;
	[tilespmem:$0x8F70] =	vst v63  }
0x48: {  	_ =	swait.ge [sflag:s31], $0x7D0  }
0x49: {  	s30 =	sshrl.u32 s20, $0x2;
	[sflag:s31] =	ssyncset.done $0x0  }
0x4a: {  	s0 =	sadd.s32 $0x4, s0;
	s1 =	sadd.s32 $0x5000, s30;
	[sflag:s31] =	ssyncadd.s32 $0xFFFFF830  }
0x4b: {  	[spmem:s2] =	stream.indirect.scatter.add.f32 [tilespmem:s1], [sflag:s0], $0x10, s26, s14, $0xb8;
	[tilespmem:$0x8F70] =	vst v63  }
0x4c: {  	_ =	swait.ge [sflag:s19], $0x7D0  }
0x4d: {  	[sflag:s19] =	ssyncset.done $0x0  }
0x4e: {  	s31 =	simm.s32 $0x4F80;
	[sflag:s19] =	ssyncadd.s32 $0xFFFFF830  }
0x4f: {  	[spmem:s2] =	stream.indirect.scatter.add.f32 [tilespmem:s17], [sflag:$0x5], $0x10, s31, s14, $0xb8;
	[tilespmem:$0x8F70] =	vst v63  }
0x50: {  	_ =	swait.ge [sflag:s21], $0x7D0  }
0x51: {  	[sflag:s21] =	ssyncset.done $0x0  }
0x52: {  	[sflag:s21] =	ssyncadd.s32 $0xFFFFF830  }
0x53: {  	_ =	swait.ge [sflag:s22], $0x7D0  }
0x54: {  	[sflag:s22] =	ssyncset.done $0x0  }
0x55: {  	[sflag:s22] =	ssyncadd.s32 $0xFFFFF830  }
0x56: {  	_ =	swait.ge [sflag:s23], $0x7D0  }
0x57: {  	s24 =	sadd.s32 $0x1, s24;
	[sflag:s23] =	ssyncset.done $0x0  }
0x58: {  	p0 =	sne.s32 s24, s8;
	[sflag:s23] =	ssyncadd.s32 $0xFFFFF830  }
.Ltmp1:
0x59: {  	[bflag:$0x0] =	sbarrier.arrive $0xFFFF;
	(pc) =	sbr.rel @p0 .LBB2_1-.Ltmp1, $4  }
0x5a: {  	[hbm:s9], [sflag:s12] =	dma.local [spmem:s13], $0x500  }
0x5b: {  	_ =	swait.ge [sflag:s10], $0x500  }
0x5c: {  	[sflag:s10] =	ssyncset.done $0x0  }
0x5d: {  	[sflag:s10] =	ssyncadd.s32 $0xFFFFFB00  }
0x5e: {  	_ =	sfence.sel $0x180000  }
0x5f: {  	[bflag:$0x0] =	sbarrier.arrive $0xFFFF  }
0x60: {  	_ =	strace $0x90000050  }
0x61: {  	s0 =	stileid.u32;
	[bflag:$0x2] =	sbarrier.arrive $0xFFFF  }
0x62: {  	p0 =	sne.s32 s0, $0x0;
	s0 =	rddreg [dreg:$0x2]  }
0x63: {  	s0 =	sadd.s32 @!p0 $0x100000, s0  }
0x64: {  	[sflag:s0] =	ssyncadd.tile.s32 @!p0 $0x1;
	_ =	shalt  }
.Lfunc_end2:
_tile_overlayer_lowered:
.L_overlay_start_2:
0x65: {  	(tag) =	ssettag $0x2  }
0x66: {  	s0 =	rddreg [dreg:$0x0];
	s2 =	stileid.u32  }
0x67: {  	s1 =	rddreg [dreg:$0x1];
	p0 =	sne.s32 s2, $0x0  }
0x68: {  	s3 =	rddreg [dreg:$0x2];
	[bflag:$0x3] =	sbarrier.arrive $0xFFFF;
	s2 =	simm.s32 @!p0 $0x1C07  }
0x69: {  	[timem:s3], [sflag:s2] =	dma.local @!p0 [hbm:s0], s1  }
0x6a: {  	s0 =	simm.s32 @!p0 $0x7  }
0x6b: {  	_ =	swait.ge @!p0 [sflag:s0], s1  }
0x6c: {  	s1 =	ssub.s32 @!p0 $0x0, s1;
	[sflag:s0] =	ssyncset.done @!p0 $0x0  }
0x6d: {  	[sflag:s0] =	ssyncadd.s32 @!p0 s1  }
0x6e: {  	[bflag:$0x3] =	sbarrier.arrive $0xFFFF  }
0x6f: {  	_ =	shalt  }

</sc_bundles>
